<compile_context>
chip_gen: v7x
topology: tpu7x:2x2x1
jax: 0.10.2.dev20260603
libtpu: 0.0.44.dev20260713+nightly
codegen_flags: <defaults>
</compile_context>

<pallas_src>
import jax
import jax.numpy as jnp
from jax import lax
from jax.experimental import pallas as pl
from jax.experimental.pallas import tpu as pltpu
from jax.experimental.pallas import tpu_sc as plsc

E = 64
K = 2
DIM = 768
DFF = 192
T = 2048
TK = T * K
TM = 256
NT = TK // TM
GP = 80
BLK = 128
NB = TK // BLK
NW = 32

_HI = jax.lax.Precision.HIGHEST


def _router_kernel(x_ref, rw_ref, pos_ref, s_ref, tile_ref, eg_ref,
                   lo_ref, hi_ref, cs_ref, sb_ref):
    x = x_ref[...]
    logits = jnp.dot(x, rw_ref[...].T, preferred_element_type=jnp.float32)
    iota_e = lax.broadcasted_iota(jnp.int32, (1, E), 1)
    m0 = jnp.max(logits, axis=1, keepdims=True)
    a0 = jnp.min(jnp.where(logits == m0, iota_e, E), axis=1, keepdims=True)
    masked = jnp.where(iota_e == a0, -jnp.inf, logits)
    m1 = jnp.max(masked, axis=1, keepdims=True)
    a1 = jnp.min(jnp.where(masked == m1, iota_e, E), axis=1, keepdims=True)
    z = jnp.sum(jnp.exp(logits - m0), axis=1, keepdims=True)
    s0 = 1.0 / z
    s1 = jnp.exp(m1 - m0) / z

    f = jnp.concatenate([a0, a1], axis=0)
    s_ref[...] = jnp.concatenate([s0, s1], axis=0)
    onehot = (f == iota_e).astype(jnp.float32)

    bi = lax.broadcasted_iota(jnp.int32, (BLK, BLK), 0)
    bj = lax.broadcasted_iota(jnp.int32, (BLK, BLK), 1)
    l_inc = (bi >= bj).astype(jnp.float32)
    for b in range(NB):
        blk = onehot[b * BLK:(b + 1) * BLK, :]
        cs_ref[b * BLK:(b + 1) * BLK, :] = jnp.dot(l_inc, blk, precision=_HI)
        sb_ref[b:b + 1, :] = jnp.sum(blk, axis=0, keepdims=True)
    ni = lax.broadcasted_iota(jnp.int32, (NB, NB), 0)
    nj = lax.broadcasted_iota(jnp.int32, (NB, NB), 1)
    l_exc = (ni > nj).astype(jnp.float32)
    pref = jnp.dot(l_exc, sb_ref[...], precision=_HI)
    for b in range(NB):
        cs_ref[b * BLK:(b + 1) * BLK, :] += pref[b:b + 1, :]
    csum = cs_ref[...]
    rank = jnp.sum(onehot * (csum - 1.0), axis=1, keepdims=True)
    hist = csum[TK - 1:TK, :]
    ei = lax.broadcasted_iota(jnp.int32, (E, E), 0)
    ej = lax.broadcasted_iota(jnp.int32, (E, E), 1)
    u_exc = (ei < ej).astype(jnp.float32)
    offs = jnp.dot(hist, u_exc, precision=_HI)
    offs_row = jnp.sum(onehot * offs, axis=1, keepdims=True)
    pos_ref[...] = (offs_row + rank).astype(jnp.int32)

    offs_i = offs.astype(jnp.int32)
    hist_i = hist.astype(jnp.int32)
    offs_end = offs_i + hist_i
    fe = offs_i // TM
    le = jnp.maximum(offs_end - 1, 0) // TM
    ne = jnp.where(hist_i > 0, le - fe + 1, 0)
    sg = jnp.dot(ne.astype(jnp.float32), u_exc, precision=_HI).astype(jnp.int32)
    u_tot = jnp.sum(ne, axis=1, keepdims=True)
    gs = lax.broadcasted_iota(jnp.int32, (GP, 1), 0)
    eg = jnp.sum((sg <= gs).astype(jnp.int32), axis=1, keepdims=True) - 1
    oh_g = (eg == iota_e).astype(jnp.int32)
    pick = lambda v: jnp.sum(oh_g * v, axis=1, keepdims=True)
    s_g, f_g = pick(sg), pick(fe)
    o_g, oe_g = pick(offs_i), pick(offs_end)
    tile = f_g + (gs - s_g)
    lo = jnp.maximum(o_g, tile * TM) - tile * TM
    hi = jnp.minimum(oe_g, (tile + 1) * TM) - tile * TM
    e_last = jnp.max(jnp.where(ne > 0, iota_e, -1), axis=1, keepdims=True)
    valid = gs < u_tot
    eg_ref[...] = jnp.where(valid, eg, e_last)
    tile_ref[...] = jnp.where(valid, tile, NT - 1)
    lo_ref[...] = jnp.where(valid, lo, 0)
    hi_ref[...] = jnp.where(valid, hi, 0)


def _router(x, router_w):
    return pl.pallas_call(
        _router_kernel,
        out_shape=(
            jax.ShapeDtypeStruct((TK, 1), jnp.int32),
            jax.ShapeDtypeStruct((TK, 1), jnp.float32),
            jax.ShapeDtypeStruct((GP, 1), jnp.int32),
            jax.ShapeDtypeStruct((GP, 1), jnp.int32),
            jax.ShapeDtypeStruct((GP, 1), jnp.int32),
            jax.ShapeDtypeStruct((GP, 1), jnp.int32),
        ),
        scratch_shapes=[
            pltpu.VMEM((TK, E), jnp.float32),
            pltpu.VMEM((NB, E), jnp.float32),
        ],
    )(x, router_w)


def _dispatch_body(x_hbm, pos_hbm, xs_hbm, pos_v, tok_v, rows_v, sem):
    info = plsc.get_sparse_core_info()
    wid = lax.axis_index("s") * info.num_cores + lax.axis_index("c")
    n = TK // NW
    base = wid * n
    pltpu.sync_copy(pos_hbm.at[pl.ds(base, n)], pos_v)
    for j in range(n // 16):
        idx = base + j * 16 + lax.iota(jnp.int32, 16)
        tok_v[pl.ds(j * 16, 16)] = lax.bitwise_and(idx, T - 1)
    pltpu.async_copy(x_hbm.at[tok_v], rows_v, sem).wait()
    pltpu.async_copy(rows_v, xs_hbm.at[pos_v], sem).wait()


def _dispatch(x, position):
    n = TK // NW
    mesh = plsc.VectorSubcoreMesh(core_axis_name="c", subcore_axis_name="s")
    fn = pl.kernel(
        _dispatch_body,
        out_type=jax.ShapeDtypeStruct((TK, DIM), jnp.float32),
        mesh=mesh,
        scratch_types=[
            pltpu.VMEM((n,), jnp.int32),
            pltpu.VMEM((n,), jnp.int32),
            pltpu.VMEM((n, DIM), jnp.float32),
            pltpu.SemaphoreType.DMA,
        ],
    )
    return fn(x, position)


NBUF = 5


def _gmm_kernel(tile_r, eg_r, lo_r, hi_r, x_ref, w1_hbm, w2_hbm, w3_hbm,
                out_ref, b1, b2, b3, s1, s2, s3):
    def issue(u):
        slot = lax.rem(u, NBUF)
        e = eg_r[u]
        pltpu.async_copy(w1_hbm.at[e], b1.at[slot], s1.at[slot])
        pltpu.async_copy(w2_hbm.at[e], b2.at[slot], s2.at[slot])
        pltpu.async_copy(w3_hbm.at[e], b3.at[slot], s3.at[slot])

    for u in range(NBUF - 1):
        issue(u)

    out_ref[...] = jnp.zeros((TK, DIM), jnp.float32)

    def step(g, carry):
        slot = lax.rem(g, NBUF)
        pltpu.make_async_copy(w1_hbm.at[0], b1.at[slot], s1.at[slot]).wait()
        pltpu.make_async_copy(w2_hbm.at[0], b2.at[slot], s2.at[slot]).wait()
        pltpu.make_async_copy(w3_hbm.at[0], b3.at[slot], s3.at[slot]).wait()
        t = tile_r[g]
        rows = pl.ds(t * TM, TM)
        xt = x_ref[rows, :].astype(jnp.bfloat16)
        h1 = jnp.dot(xt, b1[slot].astype(jnp.bfloat16),
                     preferred_element_type=jnp.float32)
        h3 = jnp.dot(xt, b3[slot].astype(jnp.bfloat16),
                     preferred_element_type=jnp.float32)
        h = (jax.nn.silu(h1) * h3).astype(jnp.bfloat16)
        o = jnp.dot(h, b2[slot].astype(jnp.bfloat16),
                    preferred_element_type=jnp.float32)
        ri = lax.broadcasted_iota(jnp.int32, (TM, 1), 0)
        m = jnp.logical_and(ri >= lo_r[g], ri < hi_r[g])
        out_ref[rows, :] += jnp.where(m, o, 0.0)

        nxt = g + NBUF - 1

        @pl.when(nxt < GP)
        def _():
            issue(nxt)
        return carry

    lax.fori_loop(0, GP, step, 0)


def _gmm(x_sorted, w1, w2, w3, tile_g, eg_g, lo_g, hi_g):
    return pl.pallas_call(
        _gmm_kernel,
        in_specs=[
            pl.BlockSpec(memory_space=pltpu.SMEM),
            pl.BlockSpec(memory_space=pltpu.SMEM),
            pl.BlockSpec(memory_space=pltpu.SMEM),
            pl.BlockSpec(memory_space=pltpu.SMEM),
            pl.BlockSpec(memory_space=pltpu.VMEM),
            pl.BlockSpec(memory_space=pl.ANY),
            pl.BlockSpec(memory_space=pl.ANY),
            pl.BlockSpec(memory_space=pl.ANY),
        ],
        out_specs=pl.BlockSpec(memory_space=pltpu.VMEM),
        out_shape=jax.ShapeDtypeStruct((TK, DIM), jnp.float32),
        scratch_shapes=[
            pltpu.VMEM((NBUF, DIM, DFF), jnp.float32),
            pltpu.VMEM((NBUF, DFF, DIM), jnp.float32),
            pltpu.VMEM((NBUF, DIM, DFF), jnp.float32),
            pltpu.SemaphoreType.DMA((NBUF,)),
            pltpu.SemaphoreType.DMA((NBUF,)),
            pltpu.SemaphoreType.DMA((NBUF,)),
        ],
        compiler_params=pltpu.CompilerParams(
            vmem_limit_bytes=100 * 1024 * 1024,
        ),
    )(tile_g, eg_g, lo_g, hi_g, x_sorted, w1, w2, w3)


def _combine_body(os_hbm, pos_hbm, s_hbm, out_hbm,
                  p0_v, p1_v, s0_v, s1_v, r0_v, r1_v, sem):
    info = plsc.get_sparse_core_info()
    wid = lax.axis_index("s") * info.num_cores + lax.axis_index("c")
    nt = T // NW
    base = wid * nt
    pltpu.sync_copy(pos_hbm.at[pl.ds(base, nt)], p0_v)
    pltpu.sync_copy(pos_hbm.at[pl.ds(T + base, nt)], p1_v)
    pltpu.sync_copy(s_hbm.at[pl.ds(base, nt)], s0_v)
    pltpu.sync_copy(s_hbm.at[pl.ds(T + base, nt)], s1_v)
    pltpu.async_copy(os_hbm.at[p0_v], r0_v, sem).wait()
    pltpu.async_copy(os_hbm.at[p1_v], r1_v, sem).wait()

    def grp(j16, carry):
        sv0 = s0_v[pl.ds(j16 * 16, 16)]
        sv1 = s1_v[pl.ds(j16 * 16, 16)]
        for l in range(16):
            a = sv0[l]
            b = sv1[l]
            row = j16 * 16 + l

            def col(c, cc):
                for k in range(4):
                    sl = pl.ds(c * 64 + k * 16, 16)
                    r0_v[row, sl] = a * r0_v[row, sl] + b * r1_v[row, sl]
                return cc
            lax.fori_loop(0, DIM // 64, col, 0)
        return carry
    lax.fori_loop(0, nt // 16, grp, 0)
    pltpu.sync_copy(r0_v, out_hbm.at[pl.ds(base, nt)])


def _combine(out_sorted, position, s_flat):
    nt = T // NW
    mesh = plsc.VectorSubcoreMesh(core_axis_name="c", subcore_axis_name="s")
    fn = pl.kernel(
        _combine_body,
        out_type=jax.ShapeDtypeStruct((T, DIM), jnp.float32),
        mesh=mesh,
        scratch_types=[
            pltpu.VMEM((nt,), jnp.int32),
            pltpu.VMEM((nt,), jnp.int32),
            pltpu.VMEM((nt,), jnp.float32),
            pltpu.VMEM((nt,), jnp.float32),
            pltpu.VMEM((nt, DIM), jnp.float32),
            pltpu.VMEM((nt, DIM), jnp.float32),
            pltpu.SemaphoreType.DMA,
        ],
    )
    return fn(out_sorted, position, s_flat)


def kernel(x, router_w, w1, w2, w3):
    position, s_flat, tile_g, eg_g, lo_g, hi_g = _router(x, router_w)
    pos1d = position.reshape(TK)
    x_sorted = _dispatch(x, pos1d)
    out_sorted = _gmm(x_sorted, w1, w2, w3,
                      tile_g.reshape(GP), eg_g.reshape(GP),
                      lo_g.reshape(GP), hi_g.reshape(GP))
    return _combine(out_sorted, pos1d, s_flat.reshape(TK))

# --- scband reference (transcript-rebuilt; emitter-appended) ---
"""Pipeline reference for scband-mo-e-6768868459219 (READ-ONLY COPY).

The authoritative reference and input builder live on the scoring server;
editing this copy changes nothing except your own understanding.
"""

import jax, jax.numpy as jnp
import numpy as np

NUM_EXPERTS = 64
TOP_K = 2
DIM = 768
DFF = DIM // 4
T_TOKENS = 2048

def setup_inputs(seed: int = 0) -> dict:
    key = jax.random.key(seed)
    k1, k2, k3, k4, k5 = jax.random.split(key, 5)
    x = jax.random.normal(k1, (T_TOKENS, DIM), dtype=jnp.float32)
    router_w = jax.random.normal(k2, (NUM_EXPERTS, DIM), dtype=jnp.float32) * 0.02
    w1 = jax.random.normal(k3, (NUM_EXPERTS, DIM, DFF), dtype=jnp.float32) * 0.02
    w2 = jax.random.normal(k4, (NUM_EXPERTS, DFF, DIM), dtype=jnp.float32) * 0.02
    w3 = jax.random.normal(k5, (NUM_EXPERTS, DIM, DFF), dtype=jnp.float32) * 0.02
    return {"x": x, "router_w": router_w, "w1": w1, "w2": w2, "w3": w3}

def reference(x, router_w, w1, w2, w3):
    T = x.shape[0]
    # Router: linear (no bias) + softmax scoring (expert_bias buffer is zeros, noise_scale=0)
    logits = x @ router_w.T
    scores = jax.nn.softmax(logits.astype(jnp.float32), axis=1)
    top_scores, selected = jax.lax.top_k(scores, TOP_K)
    flat_experts = selected.reshape(-1)
    flat_scores = top_scores.reshape(-1)
    token_ids = jnp.repeat(jnp.arange(T), TOP_K)
    # expert-centric reorder (stable sort by expert id)
    order = jnp.argsort(flat_experts, stable=True)
    tokens_sorted = token_ids[order]
    scores_sorted = flat_scores[order]
    experts_sorted = flat_experts[order]
    x_gathered = x[tokens_sorted]
    # Grouped GEMM (SwiGLU experts) as a fixed-shape masked sweep over experts
    def step(out_g, ew):
        w1e, w2e, w3e, e = ew
        h = jax.nn.silu(x_gathered @ w1e) * (x_gathered @ w3e)
        oe = h @ w2e
        out_g = jnp.where((experts_sorted == e)[:, None], oe, out_g)
        return out_g, None
    init = jnp.zeros((T * TOP_K, DIM), dtype=jnp.float32)
    out_g, _ = jax.lax.scan(step, init, (w1, w2, w3, jnp.arange(NUM_EXPERTS)))
    # weighted scatter-add back to original token positions
    weighted = out_g * scores_sorted[:, None]
    out = jnp.zeros((T, DIM), dtype=jnp.float32).at[tokens_sorted].add(weighted)
    return out

if __name__ == "__main__":
    import jax
    _d = setup_inputs()
    print(jax.jit(kernel)(*tuple(_d.values())))

</pallas_src>

<mosaic_0001>
#map = affine_map<(d0, d1) -> (0, 0)>
#map1 = affine_map<(d0, d1) -> (0)>
module attributes {stable_mosaic.version = 14 : i64} {
  func.func @_combine_body(%arg0: i32, %arg1: i32, %arg2: memref<4096x768xf32, #tpu.memory_space<hbm>>, %arg3: memref<4096xi32, #tpu.memory_space<hbm>>, %arg4: memref<4096xf32, #tpu.memory_space<hbm>>, %arg5: memref<2048x768xf32, #tpu.memory_space<hbm>>, %arg6: memref<64xi32, #tpu.memory_space<vmem>>, %arg7: memref<64xi32, #tpu.memory_space<vmem>>, %arg8: memref<64xf32, #tpu.memory_space<vmem>>, %arg9: memref<64xf32, #tpu.memory_space<vmem>>, %arg10: memref<64x768xf32, #tpu.memory_space<vmem>>, %arg11: memref<64x768xf32, #tpu.memory_space<vmem>>, %arg12: memref<!tpu.dma_semaphore, #tpu.memory_space<semaphore_mem>>) attributes {dimension_semantics = [#tpu.dimension_semantics<core_parallel>, #tpu.dimension_semantics<subcore_parallel>], iteration_bounds = array<i64: 2, 16>, scalar_prefetch = 0 : i64, scratch_operands = 7 : i64, tpu.core_type = #tpu.core_type<sc_vector_subcore>, window_params = [{transform_indices = #map}, {transform_indices = #map1}, {transform_indices = #map1}, {transform_indices = #map}]} {
    %mul3A = arith.constant 2 : i32
    %mul3A_0 = arith.muli %arg1, %mul3A : i32
    %add3A = arith.addi %mul3A_0, %arg0 : i32
    %mul3A_1 = arith.constant 64 : i32
    %mul3A_2 = arith.muli %add3A, %mul3A_1 : i32
    "tpu.region"() ({
      %run_scoped3A = tpu.sem_alloc : memref<!tpu.dma_semaphore, #tpu.memory_space<semaphore_mem>>
      %dma_start3A_22 = tpu.memref_slice %arg3[%mul3A_2] : memref<4096xi32, #tpu.memory_space<hbm>> -> memref<64xi32, #tpu.memory_space<hbm>>
      %dma_start3A_23 = tpu.memref_slice %arg3[%mul3A_2] : memref<4096xi32, #tpu.memory_space<hbm>> -> memref<64xi32, #tpu.memory_space<hbm>>
      tpu.enqueue_dma source(%dma_start3A_23 : memref<64xi32, #tpu.memory_space<hbm>>) target(%arg6 : memref<64xi32, #tpu.memory_space<vmem>>) target_semaphore(%run_scoped3A : memref<!tpu.dma_semaphore, #tpu.memory_space<semaphore_mem>>)
      %dma_wait3A_24 = tpu.memref_slice %arg3[%mul3A_2] : memref<4096xi32, #tpu.memory_space<hbm>> -> memref<64xi32, #tpu.memory_space<hbm>>
      %dma_wait3A_25 = tpu.memref_slice %arg3[%mul3A_2] : memref<4096xi32, #tpu.memory_space<hbm>> -> memref<64xi32, #tpu.memory_space<hbm>>
      tpu.wait_dma2 semaphore(%run_scoped3A : memref<!tpu.dma_semaphore, #tpu.memory_space<semaphore_mem>>) src(%dma_wait3A_25 : memref<64xi32, #tpu.memory_space<hbm>>) dst(%arg6 : memref<64xi32, #tpu.memory_space<vmem>>)
      tpu.yield
    }) : () -> ()
    %add3A_3 = arith.constant 2048 : i32
    %add3A_4 = arith.addi %add3A_3, %mul3A_2 : i32
    "tpu.region"() ({
      %run_scoped3A = tpu.sem_alloc : memref<!tpu.dma_semaphore, #tpu.memory_space<semaphore_mem>>
      %dma_start3A_22 = tpu.memref_slice %arg3[%add3A_4] : memref<4096xi32, #tpu.memory_space<hbm>> -> memref<64xi32, #tpu.memory_space<hbm>>
      %dma_start3A_23 = tpu.memref_slice %arg3[%add3A_4] : memref<4096xi32, #tpu.memory_space<hbm>> -> memref<64xi32, #tpu.memory_space<hbm>>
      tpu.enqueue_dma source(%dma_start3A_23 : memref<64xi32, #tpu.memory_space<hbm>>) target(%arg7 : memref<64xi32, #tpu.memory_space<vmem>>) target_semaphore(%run_scoped3A : memref<!tpu.dma_semaphore, #tpu.memory_space<semaphore_mem>>)
      %dma_wait3A_24 = tpu.memref_slice %arg3[%add3A_4] : memref<4096xi32, #tpu.memory_space<hbm>> -> memref<64xi32, #tpu.memory_space<hbm>>
      %dma_wait3A_25 = tpu.memref_slice %arg3[%add3A_4] : memref<4096xi32, #tpu.memory_space<hbm>> -> memref<64xi32, #tpu.memory_space<hbm>>
      tpu.wait_dma2 semaphore(%run_scoped3A : memref<!tpu.dma_semaphore, #tpu.memory_space<semaphore_mem>>) src(%dma_wait3A_25 : memref<64xi32, #tpu.memory_space<hbm>>) dst(%arg7 : memref<64xi32, #tpu.memory_space<vmem>>)
      tpu.yield
    }) : () -> ()
    "tpu.region"() ({
      %run_scoped3A = tpu.sem_alloc : memref<!tpu.dma_semaphore, #tpu.memory_space<semaphore_mem>>
      %dma_start3A_22 = tpu.memref_slice %arg4[%mul3A_2] : memref<4096xf32, #tpu.memory_space<hbm>> -> memref<64xf32, #tpu.memory_space<hbm>>
      %dma_start3A_23 = tpu.memref_slice %arg4[%mul3A_2] : memref<4096xf32, #tpu.memory_space<hbm>> -> memref<64xf32, #tpu.memory_space<hbm>>
      tpu.enqueue_dma source(%dma_start3A_23 : memref<64xf32, #tpu.memory_space<hbm>>) target(%arg8 : memref<64xf32, #tpu.memory_space<vmem>>) target_semaphore(%run_scoped3A : memref<!tpu.dma_semaphore, #tpu.memory_space<semaphore_mem>>)
      %dma_wait3A_24 = tpu.memref_slice %arg4[%mul3A_2] : memref<4096xf32, #tpu.memory_space<hbm>> -> memref<64xf32, #tpu.memory_space<hbm>>
      %dma_wait3A_25 = tpu.memref_slice %arg4[%mul3A_2] : memref<4096xf32, #tpu.memory_space<hbm>> -> memref<64xf32, #tpu.memory_space<hbm>>
      tpu.wait_dma2 semaphore(%run_scoped3A : memref<!tpu.dma_semaphore, #tpu.memory_space<semaphore_mem>>) src(%dma_wait3A_25 : memref<64xf32, #tpu.memory_space<hbm>>) dst(%arg8 : memref<64xf32, #tpu.memory_space<vmem>>)
      tpu.yield
    }) : () -> ()
    %add3A_5 = arith.constant 2048 : i32
    %add3A_6 = arith.addi %add3A_5, %mul3A_2 : i32
    "tpu.region"() ({
      %run_scoped3A = tpu.sem_alloc : memref<!tpu.dma_semaphore, #tpu.memory_space<semaphore_mem>>
      %dma_start3A_22 = tpu.memref_slice %arg4[%add3A_6] : memref<4096xf32, #tpu.memory_space<hbm>> -> memref<64xf32, #tpu.memory_space<hbm>>
      %dma_start3A_23 = tpu.memref_slice %arg4[%add3A_6] : memref<4096xf32, #tpu.memory_space<hbm>> -> memref<64xf32, #tpu.memory_space<hbm>>
      tpu.enqueue_dma source(%dma_start3A_23 : memref<64xf32, #tpu.memory_space<hbm>>) target(%arg9 : memref<64xf32, #tpu.memory_space<vmem>>) target_semaphore(%run_scoped3A : memref<!tpu.dma_semaphore, #tpu.memory_space<semaphore_mem>>)
      %dma_wait3A_24 = tpu.memref_slice %arg4[%add3A_6] : memref<4096xf32, #tpu.memory_space<hbm>> -> memref<64xf32, #tpu.memory_space<hbm>>
      %dma_wait3A_25 = tpu.memref_slice %arg4[%add3A_6] : memref<4096xf32, #tpu.memory_space<hbm>> -> memref<64xf32, #tpu.memory_space<hbm>>
      tpu.wait_dma2 semaphore(%run_scoped3A : memref<!tpu.dma_semaphore, #tpu.memory_space<semaphore_mem>>) src(%dma_wait3A_25 : memref<64xf32, #tpu.memory_space<hbm>>) dst(%arg9 : memref<64xf32, #tpu.memory_space<vmem>>)
      tpu.yield
    }) : () -> ()
    %dma_start3A = arith.constant 0 : i32
    %dma_start3A_7 = arith.constant 0 : i32
    %dma_start3A_8 = tpu.memref_slice %arg2[%dma_start3A, %dma_start3A_7] : memref<4096x768xf32, #tpu.memory_space<hbm>> -> memref<4096x768xf32, #tpu.memory_space<hbm>>
    tpu.enqueue_indirect_dma source(%dma_start3A_8 : memref<4096x768xf32, #tpu.memory_space<hbm>>) target(%arg10 : memref<64x768xf32, #tpu.memory_space<vmem>>) offsets(%arg6 : memref<64xi32, #tpu.memory_space<vmem>>) semaphore(%arg12 : memref<!tpu.dma_semaphore, #tpu.memory_space<semaphore_mem>>)
    %dma_wait3A = arith.constant 0 : i32
    %dma_wait3A_9 = arith.constant 0 : i32
    %dma_wait3A_10 = tpu.memref_slice %arg2[%dma_wait3A, %dma_wait3A_9] : memref<4096x768xf32, #tpu.memory_space<hbm>> -> memref<4096x768xf32, #tpu.memory_space<hbm>>
    tpu.wait_indirect_dma semaphore(%arg12 : memref<!tpu.dma_semaphore, #tpu.memory_space<semaphore_mem>>) src(%dma_wait3A_10 : memref<4096x768xf32, #tpu.memory_space<hbm>>) dst(%arg10 : memref<64x768xf32, #tpu.memory_space<vmem>>)
    %dma_start3A_11 = arith.constant 0 : i32
    %dma_start3A_12 = arith.constant 0 : i32
    %dma_start3A_13 = tpu.memref_slice %arg2[%dma_start3A_11, %dma_start3A_12] : memref<4096x768xf32, #tpu.memory_space<hbm>> -> memref<4096x768xf32, #tpu.memory_space<hbm>>
    tpu.enqueue_indirect_dma source(%dma_start3A_13 : memref<4096x768xf32, #tpu.memory_space<hbm>>) target(%arg11 : memref<64x768xf32, #tpu.memory_space<vmem>>) offsets(%arg7 : memref<64xi32, #tpu.memory_space<vmem>>) semaphore(%arg12 : memref<!tpu.dma_semaphore, #tpu.memory_space<semaphore_mem>>)
    %dma_wait3A_14 = arith.constant 0 : i32
    %dma_wait3A_15 = arith.constant 0 : i32
    %dma_wait3A_16 = tpu.memref_slice %arg2[%dma_wait3A_14, %dma_wait3A_15] : memref<4096x768xf32, #tpu.memory_space<hbm>> -> memref<4096x768xf32, #tpu.memory_space<hbm>>
    tpu.wait_indirect_dma semaphore(%arg12 : memref<!tpu.dma_semaphore, #tpu.memory_space<semaphore_mem>>) src(%dma_wait3A_16 : memref<4096x768xf32, #tpu.memory_space<hbm>>) dst(%arg11 : memref<64x768xf32, #tpu.memory_space<vmem>>)
    %scan3A = arith.constant 0 : i32
    %scan3A_17 = arith.constant 0 : i32
    %scan3A_18 = arith.constant 4 : i32
    %scan3A_19 = arith.addi %scan3A_17, %scan3A_18 : i32
    %scan3A_20 = arith.constant 1 : i32
    scf.for %scan3A_22 = %scan3A_17 to %scan3A_19 step %scan3A_20  : i32 {
      %mul3A_23 = arith.constant 16 : i32
      %mul3A_24 = arith.muli %scan3A_22, %mul3A_23 : i32
      %get3A = arith.index_cast %mul3A_24 : i32 to index
      %get3A_25 = tpu.vector_load %arg8[%get3A] {strides = array<i32>} : memref<64xf32, #tpu.memory_space<vmem>>, vector<16xf32>,
      %get3A_26 = vector.shape_cast %get3A_25 : vector<16xf32> to vector<16xf32>
      %mul3A_27 = arith.constant 16 : i32
      %mul3A_28 = arith.muli %scan3A_22, %mul3A_27 : i32
      %get3A_29 = arith.index_cast %mul3A_28 : i32 to index
      %get3A_30 = tpu.vector_load %arg9[%get3A_29] {strides = array<i32>} : memref<64xf32, #tpu.memory_space<vmem>>, vector<16xf32>,
      %get3A_31 = vector.shape_cast %get3A_30 : vector<16xf32> to vector<16xf32>
      %slice3A = vector.extract_strided_slice %get3A_26 {offsets = [0], sizes = [1], strides = [1]} : vector<16xf32> to vector<1xf32>
      %squeeze3A = vector.extract %slice3A[0] : f32 from vector<1xf32>
      %slice3A_32 = vector.extract_strided_slice %get3A_31 {offsets = [0], sizes = [1], strides = [1]} : vector<16xf32> to vector<1xf32>
      %squeeze3A_33 = vector.extract %slice3A_32[0] : f32 from vector<1xf32>
      %mul3A_34 = arith.constant 16 : i32
      %mul3A_35 = arith.muli %scan3A_22, %mul3A_34 : i32
      %add3A_36 = arith.constant 0 : i32
      %add3A_37 = arith.addi %mul3A_35, %add3A_36 : i32
      %scan3A_38 = arith.constant 0 : i32
      %scan3A_39 = arith.constant 0 : i32
      %scan3A_40 = arith.constant 12 : i32
      %scan3A_41 = arith.addi %scan3A_39, %scan3A_40 : i32
      %scan3A_42 = arith.constant 1 : i32
      scf.for %scan3A_254 = %scan3A_39 to %scan3A_41 step %scan3A_42  : i32 {
        %mul3A_255 = arith.constant 64 : i32
        %mul3A_256 = arith.muli %scan3A_254, %mul3A_255 : i32
        %add3A_257 = arith.constant 0 : i32
        %add3A_258 = arith.addi %mul3A_256, %add3A_257 : i32
        %get3A_259 = arith.index_cast %add3A_37 : i32 to index
        %get3A_260 = arith.index_cast %add3A_258 : i32 to index
        %get3A_261 = tpu.vector_load %arg10[%get3A_259, %get3A_260] {strides = array<i32>} : memref<64x768xf32, #tpu.memory_space<vmem>>, vector<1x16xf32>,
        %get3A_262 = vector.shape_cast %get3A_261 : vector<1x16xf32> to vector<16xf32>
        %mul3A_263 = vector.broadcast %squeeze3A : f32 to vector<16xf32>
        %mul3A_264 = arith.mulf %mul3A_263, %get3A_262 : vector<16xf32>
        %get3A_265 = arith.index_cast %add3A_37 : i32 to index
        %get3A_266 = arith.index_cast %add3A_258 : i32 to index
        %get3A_267 = tpu.vector_load %arg11[%get3A_265, %get3A_266] {strides = array<i32>} : memref<64x768xf32, #tpu.memory_space<vmem>>, vector<1x16xf32>,
        %get3A_268 = vector.shape_cast %get3A_267 : vector<1x16xf32> to vector<16xf32>
        %mul3A_269 = vector.broadcast %squeeze3A_33 : f32 to vector<16xf32>
        %mul3A_270 = arith.mulf %mul3A_269, %get3A_268 : vector<16xf32>
        %add3A_271 = arith.addf %mul3A_264, %mul3A_270 : vector<16xf32>
        %swap3A = arith.index_cast %add3A_37 : i32 to index
        %swap3A_272 = arith.index_cast %add3A_258 : i32 to index
        %swap3A_273 = tpu.vector_load %arg10[%swap3A, %swap3A_272] {strides = array<i32>} : memref<64x768xf32, #tpu.memory_space<vmem>>, vector<1x16xf32>,
        %swap3A_274 = vector.shape_cast %swap3A_273 : vector<1x16xf32> to vector<16xf32>
        %swap3A_275 = vector.shape_cast %add3A_271 : vector<16xf32> to vector<1x16xf32>
        tpu.vector_store %arg10[%swap3A, %swap3A_272], %swap3A_275 {strides = array<i32>} : memref<64x768xf32, #tpu.memory_space<vmem>>, vector<1x16xf32>,
        %mul3A_276 = arith.constant 64 : i32
        %mul3A_277 = arith.muli %scan3A_254, %mul3A_276 : i32
        %add3A_278 = arith.constant 16 : i32
        %add3A_279 = arith.addi %mul3A_277, %add3A_278 : i32
        %get3A_280 = arith.index_cast %add3A_37 : i32 to index
        %get3A_281 = arith.index_cast %add3A_279 : i32 to index
        %get3A_282 = tpu.vector_load %arg10[%get3A_280, %get3A_281] {strides = array<i32>} : memref<64x768xf32, #tpu.memory_space<vmem>>, vector<1x16xf32>,
        %get3A_283 = vector.shape_cast %get3A_282 : vector<1x16xf32> to vector<16xf32>
        %mul3A_284 = vector.broadcast %squeeze3A : f32 to vector<16xf32>
        %mul3A_285 = arith.mulf %mul3A_284, %get3A_283 : vector<16xf32>
        %get3A_286 = arith.index_cast %add3A_37 : i32 to index
        %get3A_287 = arith.index_cast %add3A_279 : i32 to index
        %get3A_288 = tpu.vector_load %arg11[%get3A_286, %get3A_287] {strides = array<i32>} : memref<64x768xf32, #tpu.memory_space<vmem>>, vector<1x16xf32>,
        %get3A_289 = vector.shape_cast %get3A_288 : vector<1x16xf32> to vector<16xf32>
        %mul3A_290 = vector.broadcast %squeeze3A_33 : f32 to vector<16xf32>
        %mul3A_291 = arith.mulf %mul3A_290, %get3A_289 : vector<16xf32>
        %add3A_292 = arith.addf %mul3A_285, %mul3A_291 : vector<16xf32>
        %swap3A_293 = arith.index_cast %add3A_37 : i32 to index
        %swap3A_294 = arith.index_cast %add3A_279 : i32 to index
        %swap3A_295 = tpu.vector_load %arg10[%swap3A_293, %swap3A_294] {strides = array<i32>} : memref<64x768xf32, #tpu.memory_space<vmem>>, vector<1x16xf32>,
        %swap3A_296 = vector.shape_cast %swap3A_295 : vector<1x16xf32> to vector<16xf32>
        %swap3A_297 = vector.shape_cast %add3A_292 : vector<16xf32> to vector<1x16xf32>
        tpu.vector_store %arg10[%swap3A_293, %swap3A_294], %swap3A_297 {strides = array<i32>} : memref<64x768xf32, #tpu.memory_space<vmem>>, vector<1x16xf32>,
        %mul3A_298 = arith.constant 64 : i32
        %mul3A_299 = arith.muli %scan3A_254, %mul3A_298 : i32
        %add3A_300 = arith.constant 32 : i32
        %add3A_301 = arith.addi %mul3A_299, %add3A_300 : i32
        %get3A_302 = arith.index_cast %add3A_37 : i32 to index
        %get3A_303 = arith.index_cast %add3A_301 : i32 to index
        %get3A_304 = tpu.vector_load %arg10[%get3A_302, %get3A_303] {strides = array<i32>} : memref<64x768xf32, #tpu.memory_space<vmem>>, vector<1x16xf32>,
        %get3A_305 = vector.shape_cast %get3A_304 : vector<1x16xf32> to vector<16xf32>
        %mul3A_306 = vector.broadcast %squeeze3A : f32 to vector<16xf32>
        %mul3A_307 = arith.mulf %mul3A_306, %get3A_305 : vector<16xf32>
        %get3A_308 = arith.index_cast %add3A_37 : i32 to index
        %get3A_309 = arith.index_cast %add3A_301 : i32 to index
        %get3A_310 = tpu.vector_load %arg11[%get3A_308, %get3A_309] {strides = array<i32>} : memref<64x768xf32, #tpu.memory_space<vmem>>, vector<1x16xf32>,
        %get3A_311 = vector.shape_cast %get3A_310 : vector<1x16xf32> to vector<16xf32>
        %mul3A_312 = vector.broadcast %squeeze3A_33 : f32 to vector<16xf32>
        %mul3A_313 = arith.mulf %mul3A_312, %get3A_311 : vector<16xf32>
        %add3A_314 = arith.addf %mul3A_307, %mul3A_313 : vector<16xf32>
        %swap3A_315 = arith.index_cast %add3A_37 : i32 to index
        %swap3A_316 = arith.index_cast %add3A_301 : i32 to index
        %swap3A_317 = tpu.vector_load %arg10[%swap3A_315, %swap3A_316] {strides = array<i32>} : memref<64x768xf32, #tpu.memory_space<vmem>>, vector<1x16xf32>,
        %swap3A_318 = vector.shape_cast %swap3A_317 : vector<1x16xf32> to vector<16xf32>
        %swap3A_319 = vector.shape_cast %add3A_314 : vector<16xf32> to vector<1x16xf32>
        tpu.vector_store %arg10[%swap3A_315, %swap3A_316], %swap3A_319 {strides = array<i32>} : memref<64x768xf32, #tpu.memory_space<vmem>>, vector<1x16xf32>,
        %mul3A_320 = arith.constant 64 : i32
        %mul3A_321 = arith.muli %scan3A_254, %mul3A_320 : i32
        %add3A_322 = arith.constant 48 : i32
        %add3A_323 = arith.addi %mul3A_321, %add3A_322 : i32
        %get3A_324 = arith.index_cast %add3A_37 : i32 to index
        %get3A_325 = arith.index_cast %add3A_323 : i32 to index
        %get3A_326 = tpu.vector_load %arg10[%get3A_324, %get3A_325] {strides = array<i32>} : memref<64x768xf32, #tpu.memory_space<vmem>>, vector<1x16xf32>,
        %get3A_327 = vector.shape_cast %get3A_326 : vector<1x16xf32> to vector<16xf32>
        %mul3A_328 = vector.broadcast %squeeze3A : f32 to vector<16xf32>
        %mul3A_329 = arith.mulf %mul3A_328, %get3A_327 : vector<16xf32>
        %get3A_330 = arith.index_cast %add3A_37 : i32 to index
        %get3A_331 = arith.index_cast %add3A_323 : i32 to index
        %get3A_332 = tpu.vector_load %arg11[%get3A_330, %get3A_331] {strides = array<i32>} : memref<64x768xf32, #tpu.memory_space<vmem>>, vector<1x16xf32>,
        %get3A_333 = vector.shape_cast %get3A_332 : vector<1x16xf32> to vector<16xf32>
        %mul3A_334 = vector.broadcast %squeeze3A_33 : f32 to vector<16xf32>
        %mul3A_335 = arith.mulf %mul3A_334, %get3A_333 : vector<16xf32>
        %add3A_336 = arith.addf %mul3A_329, %mul3A_335 : vector<16xf32>
        %swap3A_337 = arith.index_cast %add3A_37 : i32 to index
        %swap3A_338 = arith.index_cast %add3A_323 : i32 to index
        %swap3A_339 = tpu.vector_load %arg10[%swap3A_337, %swap3A_338] {strides = array<i32>} : memref<64x768xf32, #tpu.memory_space<vmem>>, vector<1x16xf32>,
        %swap3A_340 = vector.shape_cast %swap3A_339 : vector<1x16xf32> to vector<16xf32>
        %swap3A_341 = vector.shape_cast %add3A_336 : vector<16xf32> to vector<1x16xf32>
        tpu.vector_store %arg10[%swap3A_337, %swap3A_338], %swap3A_341 {strides = array<i32>} : memref<64x768xf32, #tpu.memory_space<vmem>>, vector<1x16xf32>,
      }
      %scan3A_43 = arith.constant 12 : i32
      %slice3A_44 = vector.extract_strided_slice %get3A_26 {offsets = [1], sizes = [1], strides = [1]} : vector<16xf32> to vector<1xf32>
      %squeeze3A_45 = vector.extract %slice3A_44[0] : f32 from vector<1xf32>
      %slice3A_46 = vector.extract_strided_slice %get3A_31 {offsets = [1], sizes = [1], strides = [1]} : vector<16xf32> to vector<1xf32>
      %squeeze3A_47 = vector.extract %slice3A_46[0] : f32 from vector<1xf32>
      %mul3A_48 = arith.constant 16 : i32
      %mul3A_49 = arith.muli %scan3A_22, %mul3A_48 : i32
      %add3A_50 = arith.constant 1 : i32
      %add3A_51 = arith.addi %mul3A_49, %add3A_50 : i32
      %scan3A_52 = arith.constant 0 : i32
      %scan3A_53 = arith.constant 0 : i32
      %scan3A_54 = arith.constant 12 : i32
      %scan3A_55 = arith.addi %scan3A_53, %scan3A_54 : i32
      %scan3A_56 = arith.constant 1 : i32
      scf.for %scan3A_254 = %scan3A_53 to %scan3A_55 step %scan3A_56  : i32 {
        %mul3A_255 = arith.constant 64 : i32
        %mul3A_256 = arith.muli %scan3A_254, %mul3A_255 : i32
        %add3A_257 = arith.constant 0 : i32
        %add3A_258 = arith.addi %mul3A_256, %add3A_257 : i32
        %get3A_259 = arith.index_cast %add3A_51 : i32 to index
        %get3A_260 = arith.index_cast %add3A_258 : i32 to index
        %get3A_261 = tpu.vector_load %arg10[%get3A_259, %get3A_260] {strides = array<i32>} : memref<64x768xf32, #tpu.memory_space<vmem>>, vector<1x16xf32>,
        %get3A_262 = vector.shape_cast %get3A_261 : vector<1x16xf32> to vector<16xf32>
        %mul3A_263 = vector.broadcast %squeeze3A_45 : f32 to vector<16xf32>
        %mul3A_264 = arith.mulf %mul3A_263, %get3A_262 : vector<16xf32>
        %get3A_265 = arith.index_cast %add3A_51 : i32 to index
        %get3A_266 = arith.index_cast %add3A_258 : i32 to index
        %get3A_267 = tpu.vector_load %arg11[%get3A_265, %get3A_266] {strides = array<i32>} : memref<64x768xf32, #tpu.memory_space<vmem>>, vector<1x16xf32>,
        %get3A_268 = vector.shape_cast %get3A_267 : vector<1x16xf32> to vector<16xf32>
        %mul3A_269 = vector.broadcast %squeeze3A_47 : f32 to vector<16xf32>
        %mul3A_270 = arith.mulf %mul3A_269, %get3A_268 : vector<16xf32>
        %add3A_271 = arith.addf %mul3A_264, %mul3A_270 : vector<16xf32>
        %swap3A = arith.index_cast %add3A_51 : i32 to index
        %swap3A_272 = arith.index_cast %add3A_258 : i32 to index
        %swap3A_273 = tpu.vector_load %arg10[%swap3A, %swap3A_272] {strides = array<i32>} : memref<64x768xf32, #tpu.memory_space<vmem>>, vector<1x16xf32>,
        %swap3A_274 = vector.shape_cast %swap3A_273 : vector<1x16xf32> to vector<16xf32>
        %swap3A_275 = vector.shape_cast %add3A_271 : vector<16xf32> to vector<1x16xf32>
        tpu.vector_store %arg10[%swap3A, %swap3A_272], %swap3A_275 {strides = array<i32>} : memref<64x768xf32, #tpu.memory_space<vmem>>, vector<1x16xf32>,
        %mul3A_276 = arith.constant 64 : i32
        %mul3A_277 = arith.muli %scan3A_254, %mul3A_276 : i32
        %add3A_278 = arith.constant 16 : i32
        %add3A_279 = arith.addi %mul3A_277, %add3A_278 : i32
        %get3A_280 = arith.index_cast %add3A_51 : i32 to index
        %get3A_281 = arith.index_cast %add3A_279 : i32 to index
        %get3A_282 = tpu.vector_load %arg10[%get3A_280, %get3A_281] {strides = array<i32>} : memref<64x768xf32, #tpu.memory_space<vmem>>, vector<1x16xf32>,
        %get3A_283 = vector.shape_cast %get3A_282 : vector<1x16xf32> to vector<16xf32>
        %mul3A_284 = vector.broadcast %squeeze3A_45 : f32 to vector<16xf32>
        %mul3A_285 = arith.mulf %mul3A_284, %get3A_283 : vector<16xf32>
        %get3A_286 = arith.index_cast %add3A_51 : i32 to index
        %get3A_287 = arith.index_cast %add3A_279 : i32 to index
        %get3A_288 = tpu.vector_load %arg11[%get3A_286, %get3A_287] {strides = array<i32>} : memref<64x768xf32, #tpu.memory_space<vmem>>, vector<1x16xf32>,
        %get3A_289 = vector.shape_cast %get3A_288 : vector<1x16xf32> to vector<16xf32>
        %mul3A_290 = vector.broadcast %squeeze3A_47 : f32 to vector<16xf32>
        %mul3A_291 = arith.mulf %mul3A_290, %get3A_289 : vector<16xf32>
        %add3A_292 = arith.addf %mul3A_285, %mul3A_291 : vector<16xf32>
        %swap3A_293 = arith.index_cast %add3A_51 : i32 to index
        %swap3A_294 = arith.index_cast %add3A_279 : i32 to index
        %swap3A_295 = tpu.vector_load %arg10[%swap3A_293, %swap3A_294] {strides = array<i32>} : memref<64x768xf32, #tpu.memory_space<vmem>>, vector<1x16xf32>,
        %swap3A_296 = vector.shape_cast %swap3A_295 : vector<1x16xf32> to vector<16xf32>
        %swap3A_297 = vector.shape_cast %add3A_292 : vector<16xf32> to vector<1x16xf32>
        tpu.vector_store %arg10[%swap3A_293, %swap3A_294], %swap3A_297 {strides = array<i32>} : memref<64x768xf32, #tpu.memory_space<vmem>>, vector<1x16xf32>,
        %mul3A_298 = arith.constant 64 : i32
        %mul3A_299 = arith.muli %scan3A_254, %mul3A_298 : i32
        %add3A_300 = arith.constant 32 : i32
        %add3A_301 = arith.addi %mul3A_299, %add3A_300 : i32
        %get3A_302 = arith.index_cast %add3A_51 : i32 to index
        %get3A_303 = arith.index_cast %add3A_301 : i32 to index
        %get3A_304 = tpu.vector_load %arg10[%get3A_302, %get3A_303] {strides = array<i32>} : memref<64x768xf32, #tpu.memory_space<vmem>>, vector<1x16xf32>,
        %get3A_305 = vector.shape_cast %get3A_304 : vector<1x16xf32> to vector<16xf32>
        %mul3A_306 = vector.broadcast %squeeze3A_45 : f32 to vector<16xf32>
        %mul3A_307 = arith.mulf %mul3A_306, %get3A_305 : vector<16xf32>
        %get3A_308 = arith.index_cast %add3A_51 : i32 to index
        %get3A_309 = arith.index_cast %add3A_301 : i32 to index
        %get3A_310 = tpu.vector_load %arg11[%get3A_308, %get3A_309] {strides = array<i32>} : memref<64x768xf32, #tpu.memory_space<vmem>>, vector<1x16xf32>,
        %get3A_311 = vector.shape_cast %get3A_310 : vector<1x16xf32> to vector<16xf32>
        %mul3A_312 = vector.broadcast %squeeze3A_47 : f32 to vector<16xf32>
        %mul3A_313 = arith.mulf %mul3A_312, %get3A_311 : vector<16xf32>
        %add3A_314 = arith.addf %mul3A_307, %mul3A_313 : vector<16xf32>
        %swap3A_315 = arith.index_cast %add3A_51 : i32 to index
        %swap3A_316 = arith.index_cast %add3A_301 : i32 to index
        %swap3A_317 = tpu.vector_load %arg10[%swap3A_315, %swap3A_316] {strides = array<i32>} : memref<64x768xf32, #tpu.memory_space<vmem>>, vector<1x16xf32>,
        %swap3A_318 = vector.shape_cast %swap3A_317 : vector<1x16xf32> to vector<16xf32>
        %swap3A_319 = vector.shape_cast %add3A_314 : vector<16xf32> to vector<1x16xf32>
        tpu.vector_store %arg10[%swap3A_315, %swap3A_316], %swap3A_319 {strides = array<i32>} : memref<64x768xf32, #tpu.memory_space<vmem>>, vector<1x16xf32>,
        %mul3A_320 = arith.constant 64 : i32
        %mul3A_321 = arith.muli %scan3A_254, %mul3A_320 : i32
        %add3A_322 = arith.constant 48 : i32
        %add3A_323 = arith.addi %mul3A_321, %add3A_322 : i32
        %get3A_324 = arith.index_cast %add3A_51 : i32 to index
        %get3A_325 = arith.index_cast %add3A_323 : i32 to index
        %get3A_326 = tpu.vector_load %arg10[%get3A_324, %get3A_325] {strides = array<i32>} : memref<64x768xf32, #tpu.memory_space<vmem>>, vector<1x16xf32>,
        %get3A_327 = vector.shape_cast %get3A_326 : vector<1x16xf32> to vector<16xf32>
        %mul3A_328 = vector.broadcast %squeeze3A_45 : f32 to vector<16xf32>
        %mul3A_329 = arith.mulf %mul3A_328, %get3A_327 : vector<16xf32>
        %get3A_330 = arith.index_cast %add3A_51 : i32 to index
        %get3A_331 = arith.index_cast %add3A_323 : i32 to index
        %get3A_332 = tpu.vector_load %arg11[%get3A_330, %get3A_331] {strides = array<i32>} : memref<64x768xf32, #tpu.memory_space<vmem>>, vector<1x16xf32>,
        %get3A_333 = vector.shape_cast %get3A_332 : vector<1x16xf32> to vector<16xf32>
        %mul3A_334 = vector.broadcast %squeeze3A_47 : f32 to vector<16xf32>
        %mul3A_335 = arith.mulf %mul3A_334, %get3A_333 : vector<16xf32>
        %add3A_336 = arith.addf %mul3A_329, %mul3A_335 : vector<16xf32>
        %swap3A_337 = arith.index_cast %add3A_51 : i32 to index
        %swap3A_338 = arith.index_cast %add3A_323 : i32 to index
        %swap3A_339 = tpu.vector_load %arg10[%swap3A_337, %swap3A_338] {strides = array<i32>} : memref<64x768xf32, #tpu.memory_space<vmem>>, vector<1x16xf32>,
        %swap3A_340 = vector.shape_cast %swap3A_339 : vector<1x16xf32> to vector<16xf32>
        %swap3A_341 = vector.shape_cast %add3A_336 : vector<16xf32> to vector<1x16xf32>
        tpu.vector_store %arg10[%swap3A_337, %swap3A_338], %swap3A_341 {strides = array<i32>} : memref<64x768xf32, #tpu.memory_space<vmem>>, vector<1x16xf32>,
      }
      %scan3A_57 = arith.constant 12 : i32
      %slice3A_58 = vector.extract_strided_slice %get3A_26 {offsets = [2], sizes = [1], strides = [1]} : vector<16xf32> to vector<1xf32>
      %squeeze3A_59 = vector.extract %slice3A_58[0] : f32 from vector<1xf32>
      %slice3A_60 = vector.extract_strided_slice %get3A_31 {offsets = [2], sizes = [1], strides = [1]} : vector<16xf32> to vector<1xf32>
      %squeeze3A_61 = vector.extract %slice3A_60[0] : f32 from vector<1xf32>
      %mul3A_62 = arith.constant 16 : i32
      %mul3A_63 = arith.muli %scan3A_22, %mul3A_62 : i32
      %add3A_64 = arith.constant 2 : i32
      %add3A_65 = arith.addi %mul3A_63, %add3A_64 : i32
      %scan3A_66 = arith.constant 0 : i32
      %scan3A_67 = arith.constant 0 : i32
      %scan3A_68 = arith.constant 12 : i32
      %scan3A_69 = arith.addi %scan3A_67, %scan3A_68 : i32
      %scan3A_70 = arith.constant 1 : i32
      scf.for %scan3A_254 = %scan3A_67 to %scan3A_69 step %scan3A_70  : i32 {
        %mul3A_255 = arith.constant 64 : i32
        %mul3A_256 = arith.muli %scan3A_254, %mul3A_255 : i32
        %add3A_257 = arith.constant 0 : i32
        %add3A_258 = arith.addi %mul3A_256, %add3A_257 : i32
        %get3A_259 = arith.index_cast %add3A_65 : i32 to index
        %get3A_260 = arith.index_cast %add3A_258 : i32 to index
        %get3A_261 = tpu.vector_load %arg10[%get3A_259, %get3A_260] {strides = array<i32>} : memref<64x768xf32, #tpu.memory_space<vmem>>, vector<1x16xf32>,
        %get3A_262 = vector.shape_cast %get3A_261 : vector<1x16xf32> to vector<16xf32>
        %mul3A_263 = vector.broadcast %squeeze3A_59 : f32 to vector<16xf32>
        %mul3A_264 = arith.mulf %mul3A_263, %get3A_262 : vector<16xf32>
        %get3A_265 = arith.index_cast %add3A_65 : i32 to index
        %get3A_266 = arith.index_cast %add3A_258 : i32 to index
        %get3A_267 = tpu.vector_load %arg11[%get3A_265, %get3A_266] {strides = array<i32>} : memref<64x768xf32, #tpu.memory_space<vmem>>, vector<1x16xf32>,
        %get3A_268 = vector.shape_cast %get3A_267 : vector<1x16xf32> to vector<16xf32>
        %mul3A_269 = vector.broadcast %squeeze3A_61 : f32 to vector<16xf32>
        %mul3A_270 = arith.mulf %mul3A_269, %get3A_268 : vector<16xf32>
        %add3A_271 = arith.addf %mul3A_264, %mul3A_270 : vector<16xf32>
        %swap3A = arith.index_cast %add3A_65 : i32 to index
        %swap3A_272 = arith.index_cast %add3A_258 : i32 to index
        %swap3A_273 = tpu.vector_load %arg10[%swap3A, %swap3A_272] {strides = array<i32>} : memref<64x768xf32, #tpu.memory_space<vmem>>, vector<1x16xf32>,
        %swap3A_274 = vector.shape_cast %swap3A_273 : vector<1x16xf32> to vector<16xf32>
        %swap3A_275 = vector.shape_cast %add3A_271 : vector<16xf32> to vector<1x16xf32>
        tpu.vector_store %arg10[%swap3A, %swap3A_272], %swap3A_275 {strides = array<i32>} : memref<64x768xf32, #tpu.memory_space<vmem>>, vector<1x16xf32>,
        %mul3A_276 = arith.constant 64 : i32
        %mul3A_277 = arith.muli %scan3A_254, %mul3A_276 : i32
        %add3A_278 = arith.constant 16 : i32
        %add3A_279 = arith.addi %mul3A_277, %add3A_278 : i32
        %get3A_280 = arith.index_cast %add3A_65 : i32 to index
        %get3A_281 = arith.index_cast %add3A_279 : i32 to index
        %get3A_282 = tpu.vector_load %arg10[%get3A_280, %get3A_281] {strides = array<i32>} : memref<64x768xf32, #tpu.memory_space<vmem>>, vector<1x16xf32>,
        %get3A_283 = vector.shape_cast %get3A_282 : vector<1x16xf32> to vector<16xf32>
        %mul3A_284 = vector.broadcast %squeeze3A_59 : f32 to vector<16xf32>
        %mul3A_285 = arith.mulf %mul3A_284, %get3A_283 : vector<16xf32>
        %get3A_286 = arith.index_cast %add3A_65 : i32 to index
        %get3A_287 = arith.index_cast %add3A_279 : i32 to index
        %get3A_288 = tpu.vector_load %arg11[%get3A_286, %get3A_287] {strides = array<i32>} : memref<64x768xf32, #tpu.memory_space<vmem>>, vector<1x16xf32>,
        %get3A_289 = vector.shape_cast %get3A_288 : vector<1x16xf32> to vector<16xf32>
        %mul3A_290 = vector.broadcast %squeeze3A_61 : f32 to vector<16xf32>
        %mul3A_291 = arith.mulf %mul3A_290, %get3A_289 : vector<16xf32>
        %add3A_292 = arith.addf %mul3A_285, %mul3A_291 : vector<16xf32>
        %swap3A_293 = arith.index_cast %add3A_65 : i32 to index
        %swap3A_294 = arith.index_cast %add3A_279 : i32 to index
        %swap3A_295 = tpu.vector_load %arg10[%swap3A_293, %swap3A_294] {strides = array<i32>} : memref<64x768xf32, #tpu.memory_space<vmem>>, vector<1x16xf32>,
        %swap3A_296 = vector.shape_cast %swap3A_295 : vector<1x16xf32> to vector<16xf32>
        %swap3A_297 = vector.shape_cast %add3A_292 : vector<16xf32> to vector<1x16xf32>
        tpu.vector_store %arg10[%swap3A_293, %swap3A_294], %swap3A_297 {strides = array<i32>} : memref<64x768xf32, #tpu.memory_space<vmem>>, vector<1x16xf32>,
        %mul3A_298 = arith.constant 64 : i32
        %mul3A_299 = arith.muli %scan3A_254, %mul3A_298 : i32
        %add3A_300 = arith.constant 32 : i32
        %add3A_301 = arith.addi %mul3A_299, %add3A_300 : i32
        %get3A_302 = arith.index_cast %add3A_65 : i32 to index
        %get3A_303 = arith.index_cast %add3A_301 : i32 to index
        %get3A_304 = tpu.vector_load %arg10[%get3A_302, %get3A_303] {strides = array<i32>} : memref<64x768xf32, #tpu.memory_space<vmem>>, vector<1x16xf32>,
        %get3A_305 = vector.shape_cast %get3A_304 : vector<1x16xf32> to vector<16xf32>
        %mul3A_306 = vector.broadcast %squeeze3A_59 : f32 to vector<16xf32>
        %mul3A_307 = arith.mulf %mul3A_306, %get3A_305 : vector<16xf32>
        %get3A_308 = arith.index_cast %add3A_65 : i32 to index
        %get3A_309 = arith.index_cast %add3A_301 : i32 to index
        %get3A_310 = tpu.vector_load %arg11[%get3A_308, %get3A_309] {strides = array<i32>} : memref<64x768xf32, #tpu.memory_space<vmem>>, vector<1x16xf32>,
        %get3A_311 = vector.shape_cast %get3A_310 : vector<1x16xf32> to vector<16xf32>
        %mul3A_312 = vector.broadcast %squeeze3A_61 : f32 to vector<16xf32>
        %mul3A_313 = arith.mulf %mul3A_312, %get3A_311 : vector<16xf32>
        %add3A_314 = arith.addf %mul3A_307, %mul3A_313 : vector<16xf32>
        %swap3A_315 = arith.index_cast %add3A_65 : i32 to index
        %swap3A_316 = arith.index_cast %add3A_301 : i32 to index
        %swap3A_317 = tpu.vector_load %arg10[%swap3A_315, %swap3A_316] {strides = array<i32>} : memref<64x768xf32, #tpu.memory_space<vmem>>, vector<1x16xf32>,
        %swap3A_318 = vector.shape_cast %swap3A_317 : vector<1x16xf32> to vector<16xf32>
        %swap3A_319 = vector.shape_cast %add3A_314 : vector<16xf32> to vector<1x16xf32>
        tpu.vector_store %arg10[%swap3A_315, %swap3A_316], %swap3A_319 {strides = array<i32>} : memref<64x768xf32, #tpu.memory_space<vmem>>, vector<1x16xf32>,
        %mul3A_320 = arith.constant 64 : i32
        %mul3A_321 = arith.muli %scan3A_254, %mul3A_320 : i32
        %add3A_322 = arith.constant 48 : i32
        %add3A_323 = arith.addi %mul3A_321, %add3A_322 : i32
        %get3A_324 = arith.index_cast %add3A_65 : i32 to index
        %get3A_325 = arith.index_cast %add3A_323 : i32 to index
        %get3A_326 = tpu.vector_load %arg10[%get3A_324, %get3A_325] {strides = array<i32>} : memref<64x768xf32, #tpu.memory_space<vmem>>, vector<1x16xf32>,
        %get3A_327 = vector.shape_cast %get3A_326 : vector<1x16xf32> to vector<16xf32>
        %mul3A_328 = vector.broadcast %squeeze3A_59 : f32 to vector<16xf32>
        %mul3A_329 = arith.mulf %mul3A_328, %get3A_327 : vector<16xf32>
        %get3A_330 = arith.index_cast %add3A_65 : i32 to index
        %get3A_331 = arith.index_cast %add3A_323 : i32 to index
        %get3A_332 = tpu.vector_load %arg11[%get3A_330, %get3A_331] {strides = array<i32>} : memref<64x768xf32, #tpu.memory_space<vmem>>, vector<1x16xf32>,
        %get3A_333 = vector.shape_cast %get3A_332 : vector<1x16xf32> to vector<16xf32>
        %mul3A_334 = vector.broadcast %squeeze3A_61 : f32 to vector<16xf32>
        %mul3A_335 = arith.mulf %mul3A_334, %get3A_333 : vector<16xf32>
        %add3A_336 = arith.addf %mul3A_329, %mul3A_335 : vector<16xf32>
        %swap3A_337 = arith.index_cast %add3A_65 : i32 to index
        %swap3A_338 = arith.index_cast %add3A_323 : i32 to index
        %swap3A_339 = tpu.vector_load %arg10[%swap3A_337, %swap3A_338] {strides = array<i32>} : memref<64x768xf32, #tpu.memory_space<vmem>>, vector<1x16xf32>,
        %swap3A_340 = vector.shape_cast %swap3A_339 : vector<1x16xf32> to vector<16xf32>
        %swap3A_341 = vector.shape_cast %add3A_336 : vector<16xf32> to vector<1x16xf32>
        tpu.vector_store %arg10[%swap3A_337, %swap3A_338], %swap3A_341 {strides = array<i32>} : memref<64x768xf32, #tpu.memory_space<vmem>>, vector<1x16xf32>,
      }
      %scan3A_71 = arith.constant 12 : i32
      %slice3A_72 = vector.extract_strided_slice %get3A_26 {offsets = [3], sizes = [1], strides = [1]} : vector<16xf32> to vector<1xf32>
      %squeeze3A_73 = vector.extract %slice3A_72[0] : f32 from vector<1xf32>
      %slice3A_74 = vector.extract_strided_slice %get3A_31 {offsets = [3], sizes = [1], strides = [1]} : vector<16xf32> to vector<1xf32>
      %squeeze3A_75 = vector.extract %slice3A_74[0] : f32 from vector<1xf32>
      %mul3A_76 = arith.constant 16 : i32
      %mul3A_77 = arith.muli %scan3A_22, %mul3A_76 : i32
      %add3A_78 = arith.constant 3 : i32
      %add3A_79 = arith.addi %mul3A_77, %add3A_78 : i32
      %scan3A_80 = arith.constant 0 : i32
      %scan3A_81 = arith.constant 0 : i32
      %scan3A_82 = arith.constant 12 : i32
      %scan3A_83 = arith.addi %scan3A_81, %scan3A_82 : i32
      %scan3A_84 = arith.constant 1 : i32
      scf.for %scan3A_254 = %scan3A_81 to %scan3A_83 step %scan3A_84  : i32 {
        %mul3A_255 = arith.constant 64 : i32
        %mul3A_256 = arith.muli %scan3A_254, %mul3A_255 : i32
        %add3A_257 = arith.constant 0 : i32
        %add3A_258 = arith.addi %mul3A_256, %add3A_257 : i32
        %get3A_259 = arith.index_cast %add3A_79 : i32 to index
        %get3A_260 = arith.index_cast %add3A_258 : i32 to index
        %get3A_261 = tpu.vector_load %arg10[%get3A_259, %get3A_260] {strides = array<i32>} : memref<64x768xf32, #tpu.memory_space<vmem>>, vector<1x16xf32>,
        %get3A_262 = vector.shape_cast %get3A_261 : vector<1x16xf32> to vector<16xf32>
        %mul3A_263 = vector.broadcast %squeeze3A_73 : f32 to vector<16xf32>
        %mul3A_264 = arith.mulf %mul3A_263, %get3A_262 : vector<16xf32>
        %get3A_265 = arith.index_cast %add3A_79 : i32 to index
        %get3A_266 = arith.index_cast %add3A_258 : i32 to index
        %get3A_267 = tpu.vector_load %arg11[%get3A_265, %get3A_266] {strides = array<i32>} : memref<64x768xf32, #tpu.memory_space<vmem>>, vector<1x16xf32>,
        %get3A_268 = vector.shape_cast %get3A_267 : vector<1x16xf32> to vector<16xf32>
        %mul3A_269 = vector.broadcast %squeeze3A_75 : f32 to vector<16xf32>
        %mul3A_270 = arith.mulf %mul3A_269, %get3A_268 : vector<16xf32>
        %add3A_271 = arith.addf %mul3A_264, %mul3A_270 : vector<16xf32>
        %swap3A = arith.index_cast %add3A_79 : i32 to index
        %swap3A_272 = arith.index_cast %add3A_258 : i32 to index
        %swap3A_273 = tpu.vector_load %arg10[%swap3A, %swap3A_272] {strides = array<i32>} : memref<64x768xf32, #tpu.memory_space<vmem>>, vector<1x16xf32>,
        %swap3A_274 = vector.shape_cast %swap3A_273 : vector<1x16xf32> to vector<16xf32>
        %swap3A_275 = vector.shape_cast %add3A_271 : vector<16xf32> to vector<1x16xf32>
        tpu.vector_store %arg10[%swap3A, %swap3A_272], %swap3A_275 {strides = array<i32>} : memref<64x768xf32, #tpu.memory_space<vmem>>, vector<1x16xf32>,
        %mul3A_276 = arith.constant 64 : i32
        %mul3A_277 = arith.muli %scan3A_254, %mul3A_276 : i32
        %add3A_278 = arith.constant 16 : i32
        %add3A_279 = arith.addi %mul3A_277, %add3A_278 : i32
        %get3A_280 = arith.index_cast %add3A_79 : i32 to index
        %get3A_281 = arith.index_cast %add3A_279 : i32 to index
        %get3A_282 = tpu.vector_load %arg10[%get3A_280, %get3A_281] {strides = array<i32>} : memref<64x768xf32, #tpu.memory_space<vmem>>, vector<1x16xf32>,
        %get3A_283 = vector.shape_cast %get3A_282 : vector<1x16xf32> to vector<16xf32>
        %mul3A_284 = vector.broadcast %squeeze3A_73 : f32 to vector<16xf32>
        %mul3A_285 = arith.mulf %mul3A_284, %get3A_283 : vector<16xf32>
        %get3A_286 = arith.index_cast %add3A_79 : i32 to index
        %get3A_287 = arith.index_cast %add3A_279 : i32 to index
        %get3A_288 = tpu.vector_load %arg11[%get3A_286, %get3A_287] {strides = array<i32>} : memref<64x768xf32, #tpu.memory_space<vmem>>, vector<1x16xf32>,
        %get3A_289 = vector.shape_cast %get3A_288 : vector<1x16xf32> to vector<16xf32>
        %mul3A_290 = vector.broadcast %squeeze3A_75 : f32 to vector<16xf32>
        %mul3A_291 = arith.mulf %mul3A_290, %get3A_289 : vector<16xf32>
        %add3A_292 = arith.addf %mul3A_285, %mul3A_291 : vector<16xf32>
        %swap3A_293 = arith.index_cast %add3A_79 : i32 to index
        %swap3A_294 = arith.index_cast %add3A_279 : i32 to index
        %swap3A_295 = tpu.vector_load %arg10[%swap3A_293, %swap3A_294] {strides = array<i32>} : memref<64x768xf32, #tpu.memory_space<vmem>>, vector<1x16xf32>,
        %swap3A_296 = vector.shape_cast %swap3A_295 : vector<1x16xf32> to vector<16xf32>
        %swap3A_297 = vector.shape_cast %add3A_292 : vector<16xf32> to vector<1x16xf32>
        tpu.vector_store %arg10[%swap3A_293, %swap3A_294], %swap3A_297 {strides = array<i32>} : memref<64x768xf32, #tpu.memory_space<vmem>>, vector<1x16xf32>,
        %mul3A_298 = arith.constant 64 : i32
        %mul3A_299 = arith.muli %scan3A_254, %mul3A_298 : i32
        %add3A_300 = arith.constant 32 : i32
        %add3A_301 = arith.addi %mul3A_299, %add3A_300 : i32
        %get3A_302 = arith.index_cast %add3A_79 : i32 to index
        %get3A_303 = arith.index_cast %add3A_301 : i32 to index
        %get3A_304 = tpu.vector_load %arg10[%get3A_302, %get3A_303] {strides = array<i32>} : memref<64x768xf32, #tpu.memory_space<vmem>>, vector<1x16xf32>,
        %get3A_305 = vector.shape_cast %get3A_304 : vector<1x16xf32> to vector<16xf32>
        %mul3A_306 = vector.broadcast %squeeze3A_73 : f32 to vector<16xf32>
        %mul3A_307 = arith.mulf %mul3A_306, %get3A_305 : vector<16xf32>
        %get3A_308 = arith.index_cast %add3A_79 : i32 to index
        %get3A_309 = arith.index_cast %add3A_301 : i32 to index
        %get3A_310 = tpu.vector_load %arg11[%get3A_308, %get3A_309] {strides = array<i32>} : memref<64x768xf32, #tpu.memory_space<vmem>>, vector<1x16xf32>,
        %get3A_311 = vector.shape_cast %get3A_310 : vector<1x16xf32> to vector<16xf32>
        %mul3A_312 = vector.broadcast %squeeze3A_75 : f32 to vector<16xf32>
        %mul3A_313 = arith.mulf %mul3A_312, %get3A_311 : vector<16xf32>
        %add3A_314 = arith.addf %mul3A_307, %mul3A_313 : vector<16xf32>
        %swap3A_315 = arith.index_cast %add3A_79 : i32 to index
        %swap3A_316 = arith.index_cast %add3A_301 : i32 to index
        %swap3A_317 = tpu.vector_load %arg10[%swap3A_315, %swap3A_316] {strides = array<i32>} : memref<64x768xf32, #tpu.memory_space<vmem>>, vector<1x16xf32>,
        %swap3A_318 = vector.shape_cast %swap3A_317 : vector<1x16xf32> to vector<16xf32>
        %swap3A_319 = vector.shape_cast %add3A_314 : vector<16xf32> to vector<1x16xf32>
        tpu.vector_store %arg10[%swap3A_315, %swap3A_316], %swap3A_319 {strides = array<i32>} : memref<64x768xf32, #tpu.memory_space<vmem>>, vector<1x16xf32>,
        %mul3A_320 = arith.constant 64 : i32
        %mul3A_321 = arith.muli %scan3A_254, %mul3A_320 : i32
        %add3A_322 = arith.constant 48 : i32
        %add3A_323 = arith.addi %mul3A_321, %add3A_322 : i32
        %get3A_324 = arith.index_cast %add3A_79 : i32 to index
        %get3A_325 = arith.index_cast %add3A_323 : i32 to index
        %get3A_326 = tpu.vector_load %arg10[%get3A_324, %get3A_325] {strides = array<i32>} : memref<64x768xf32, #tpu.memory_space<vmem>>, vector<1x16xf32>,
        %get3A_327 = vector.shape_cast %get3A_326 : vector<1x16xf32> to vector<16xf32>
        %mul3A_328 = vector.broadcast %squeeze3A_73 : f32 to vector<16xf32>
        %mul3A_329 = arith.mulf %mul3A_328, %get3A_327 : vector<16xf32>
        %get3A_330 = arith.index_cast %add3A_79 : i32 to index
        %get3A_331 = arith.index_cast %add3A_323 : i32 to index
        %get3A_332 = tpu.vector_load %arg11[%get3A_330, %get3A_331] {strides = array<i32>} : memref<64x768xf32, #tpu.memory_space<vmem>>, vector<1x16xf32>,
        %get3A_333 = vector.shape_cast %get3A_332 : vector<1x16xf32> to vector<16xf32>
        %mul3A_334 = vector.broadcast %squeeze3A_75 : f32 to vector<16xf32>
        %mul3A_335 = arith.mulf %mul3A_334, %get3A_333 : vector<16xf32>
        %add3A_336 = arith.addf %mul3A_329, %mul3A_335 : vector<16xf32>
        %swap3A_337 = arith.index_cast %add3A_79 : i32 to index
        %swap3A_338 = arith.index_cast %add3A_323 : i32 to index
        %swap3A_339 = tpu.vector_load %arg10[%swap3A_337, %swap3A_338] {strides = array<i32>} : memref<64x768xf32, #tpu.memory_space<vmem>>, vector<1x16xf32>,
        %swap3A_340 = vector.shape_cast %swap3A_339 : vector<1x16xf32> to vector<16xf32>
        %swap3A_341 = vector.shape_cast %add3A_336 : vector<16xf32> to vector<1x16xf32>
        tpu.vector_store %arg10[%swap3A_337, %swap3A_338], %swap3A_341 {strides = array<i32>} : memref<64x768xf32, #tpu.memory_space<vmem>>, vector<1x16xf32>,
      }
      %scan3A_85 = arith.constant 12 : i32
      %slice3A_86 = vector.extract_strided_slice %get3A_26 {offsets = [4], sizes = [1], strides = [1]} : vector<16xf32> to vector<1xf32>
      %squeeze3A_87 = vector.extract %slice3A_86[0] : f32 from vector<1xf32>
      %slice3A_88 = vector.extract_strided_slice %get3A_31 {offsets = [4], sizes = [1], strides = [1]} : vector<16xf32> to vector<1xf32>
      %squeeze3A_89 = vector.extract %slice3A_88[0] : f32 from vector<1xf32>
      %mul3A_90 = arith.constant 16 : i32
      %mul3A_91 = arith.muli %scan3A_22, %mul3A_90 : i32
      %add3A_92 = arith.constant 4 : i32
      %add3A_93 = arith.addi %mul3A_91, %add3A_92 : i32
      %scan3A_94 = arith.constant 0 : i32
      %scan3A_95 = arith.constant 0 : i32
      %scan3A_96 = arith.constant 12 : i32
      %scan3A_97 = arith.addi %scan3A_95, %scan3A_96 : i32
      %scan3A_98 = arith.constant 1 : i32
      scf.for %scan3A_254 = %scan3A_95 to %scan3A_97 step %scan3A_98  : i32 {
        %mul3A_255 = arith.constant 64 : i32
        %mul3A_256 = arith.muli %scan3A_254, %mul3A_255 : i32
        %add3A_257 = arith.constant 0 : i32
        %add3A_258 = arith.addi %mul3A_256, %add3A_257 : i32
        %get3A_259 = arith.index_cast %add3A_93 : i32 to index
        %get3A_260 = arith.index_cast %add3A_258 : i32 to index
        %get3A_261 = tpu.vector_load %arg10[%get3A_259, %get3A_260] {strides = array<i32>} : memref<64x768xf32, #tpu.memory_space<vmem>>, vector<1x16xf32>,
        %get3A_262 = vector.shape_cast %get3A_261 : vector<1x16xf32> to vector<16xf32>
        %mul3A_263 = vector.broadcast %squeeze3A_87 : f32 to vector<16xf32>
        %mul3A_264 = arith.mulf %mul3A_263, %get3A_262 : vector<16xf32>
        %get3A_265 = arith.index_cast %add3A_93 : i32 to index
        %get3A_266 = arith.index_cast %add3A_258 : i32 to index
        %get3A_267 = tpu.vector_load %arg11[%get3A_265, %get3A_266] {strides = array<i32>} : memref<64x768xf32, #tpu.memory_space<vmem>>, vector<1x16xf32>,
        %get3A_268 = vector.shape_cast %get3A_267 : vector<1x16xf32> to vector<16xf32>
        %mul3A_269 = vector.broadcast %squeeze3A_89 : f32 to vector<16xf32>
        %mul3A_270 = arith.mulf %mul3A_269, %get3A_268 : vector<16xf32>
        %add3A_271 = arith.addf %mul3A_264, %mul3A_270 : vector<16xf32>
        %swap3A = arith.index_cast %add3A_93 : i32 to index
        %swap3A_272 = arith.index_cast %add3A_258 : i32 to index
        %swap3A_273 = tpu.vector_load %arg10[%swap3A, %swap3A_272] {strides = array<i32>} : memref<64x768xf32, #tpu.memory_space<vmem>>, vector<1x16xf32>,
        %swap3A_274 = vector.shape_cast %swap3A_273 : vector<1x16xf32> to vector<16xf32>
        %swap3A_275 = vector.shape_cast %add3A_271 : vector<16xf32> to vector<1x16xf32>
        tpu.vector_store %arg10[%swap3A, %swap3A_272], %swap3A_275 {strides = array<i32>} : memref<64x768xf32, #tpu.memory_space<vmem>>, vector<1x16xf32>,
        %mul3A_276 = arith.constant 64 : i32
        %mul3A_277 = arith.muli %scan3A_254, %mul3A_276 : i32
        %add3A_278 = arith.constant 16 : i32
        %add3A_279 = arith.addi %mul3A_277, %add3A_278 : i32
        %get3A_280 = arith.index_cast %add3A_93 : i32 to index
        %get3A_281 = arith.index_cast %add3A_279 : i32 to index
        %get3A_282 = tpu.vector_load %arg10[%get3A_280, %get3A_281] {strides = array<i32>} : memref<64x768xf32, #tpu.memory_space<vmem>>, vector<1x16xf32>,
        %get3A_283 = vector.shape_cast %get3A_282 : vector<1x16xf32> to vector<16xf32>
        %mul3A_284 = vector.broadcast %squeeze3A_87 : f32 to vector<16xf32>
        %mul3A_285 = arith.mulf %mul3A_284, %get3A_283 : vector<16xf32>
        %get3A_286 = arith.index_cast %add3A_93 : i32 to index
        %get3A_287 = arith.index_cast %add3A_279 : i32 to index
        %get3A_288 = tpu.vector_load %arg11[%get3A_286, %get3A_287] {strides = array<i32>} : memref<64x768xf32, #tpu.memory_space<vmem>>, vector<1x16xf32>,
        %get3A_289 = vector.shape_cast %get3A_288 : vector<1x16xf32> to vector<16xf32>
        %mul3A_290 = vector.broadcast %squeeze3A_89 : f32 to vector<16xf32>
        %mul3A_291 = arith.mulf %mul3A_290, %get3A_289 : vector<16xf32>
        %add3A_292 = arith.addf %mul3A_285, %mul3A_291 : vector<16xf32>
        %swap3A_293 = arith.index_cast %add3A_93 : i32 to index
        %swap3A_294 = arith.index_cast %add3A_279 : i32 to index
        %swap3A_295 = tpu.vector_load %arg10[%swap3A_293, %swap3A_294] {strides = array<i32>} : memref<64x768xf32, #tpu.memory_space<vmem>>, vector<1x16xf32>,
        %swap3A_296 = vector.shape_cast %swap3A_295 : vector<1x16xf32> to vector<16xf32>
        %swap3A_297 = vector.shape_cast %add3A_292 : vector<16xf32> to vector<1x16xf32>
        tpu.vector_store %arg10[%swap3A_293, %swap3A_294], %swap3A_297 {strides = array<i32>} : memref<64x768xf32, #tpu.memory_space<vmem>>, vector<1x16xf32>,
        %mul3A_298 = arith.constant 64 : i32
        %mul3A_299 = arith.muli %scan3A_254, %mul3A_298 : i32
        %add3A_300 = arith.constant 32 : i32
        %add3A_301 = arith.addi %mul3A_299, %add3A_300 : i32
        %get3A_302 = arith.index_cast %add3A_93 : i32 to index
        %get3A_303 = arith.index_cast %add3A_301 : i32 to index
        %get3A_304 = tpu.vector_load %arg10[%get3A_302, %get3A_303] {strides = array<i32>} : memref<64x768xf32, #tpu.memory_space<vmem>>, vector<1x16xf32>,
        %get3A_305 = vector.shape_cast %get3A_304 : vector<1x16xf32> to vector<16xf32>
        %mul3A_306 = vector.broadcast %squeeze3A_87 : f32 to vector<16xf32>
        %mul3A_307 = arith.mulf %mul3A_306, %get3A_305 : vector<16xf32>
        %get3A_308 = arith.index_cast %add3A_93 : i32 to index
        %get3A_309 = arith.index_cast %add3A_301 : i32 to index
        %get3A_310 = tpu.vector_load %arg11[%get3A_308, %get3A_309] {strides = array<i32>} : memref<64x768xf32, #tpu.memory_space<vmem>>, vector<1x16xf32>,
        %get3A_311 = vector.shape_cast %get3A_310 : vector<1x16xf32> to vector<16xf32>
        %mul3A_312 = vector.broadcast %squeeze3A_89 : f32 to vector<16xf32>
        %mul3A_313 = arith.mulf %mul3A_312, %get3A_311 : vector<16xf32>
        %add3A_314 = arith.addf %mul3A_307, %mul3A_313 : vector<16xf32>
        %swap3A_315 = arith.index_cast %add3A_93 : i32 to index
        %swap3A_316 = arith.index_cast %add3A_301 : i32 to index
        %swap3A_317 = tpu.vector_load %arg10[%swap3A_315, %swap3A_316] {strides = array<i32>} : memref<64x768xf32, #tpu.memory_space<vmem>>, vector<1x16xf32>,
        %swap3A_318 = vector.shape_cast %swap3A_317 : vector<1x16xf32> to vector<16xf32>
        %swap3A_319 = vector.shape_cast %add3A_314 : vector<16xf32> to vector<1x16xf32>
        tpu.vector_store %arg10[%swap3A_315, %swap3A_316], %swap3A_319 {strides = array<i32>} : memref<64x768xf32, #tpu.memory_space<vmem>>, vector<1x16xf32>,
        %mul3A_320 = arith.constant 64 : i32
        %mul3A_321 = arith.muli %scan3A_254, %mul3A_320 : i32
        %add3A_322 = arith.constant 48 : i32
        %add3A_323 = arith.addi %mul3A_321, %add3A_322 : i32
        %get3A_324 = arith.index_cast %add3A_93 : i32 to index
        %get3A_325 = arith.index_cast %add3A_323 : i32 to index
        %get3A_326 = tpu.vector_load %arg10[%get3A_324, %get3A_325] {strides = array<i32>} : memref<64x768xf32, #tpu.memory_space<vmem>>, vector<1x16xf32>,
        %get3A_327 = vector.shape_cast %get3A_326 : vector<1x16xf32> to vector<16xf32>
        %mul3A_328 = vector.broadcast %squeeze3A_87 : f32 to vector<16xf32>
        %mul3A_329 = arith.mulf %mul3A_328, %get3A_327 : vector<16xf32>
        %get3A_330 = arith.index_cast %add3A_93 : i32 to index
        %get3A_331 = arith.index_cast %add3A_323 : i32 to index
        %get3A_332 = tpu.vector_load %arg11[%get3A_330, %get3A_331] {strides = array<i32>} : memref<64x768xf32, #tpu.memory_space<vmem>>, vector<1x16xf32>,
        %get3A_333 = vector.shape_cast %get3A_332 : vector<1x16xf32> to vector<16xf32>
        %mul3A_334 = vector.broadcast %squeeze3A_89 : f32 to vector<16xf32>
        %mul3A_335 = arith.mulf %mul3A_334, %get3A_333 : vector<16xf32>
        %add3A_336 = arith.addf %mul3A_329, %mul3A_335 : vector<16xf32>
        %swap3A_337 = arith.index_cast %add3A_93 : i32 to index
        %swap3A_338 = arith.index_cast %add3A_323 : i32 to index
        %swap3A_339 = tpu.vector_load %arg10[%swap3A_337, %swap3A_338] {strides = array<i32>} : memref<64x768xf32, #tpu.memory_space<vmem>>, vector<1x16xf32>,
        %swap3A_340 = vector.shape_cast %swap3A_339 : vector<1x16xf32> to vector<16xf32>
        %swap3A_341 = vector.shape_cast %add3A_336 : vector<16xf32> to vector<1x16xf32>
        tpu.vector_store %arg10[%swap3A_337, %swap3A_338], %swap3A_341 {strides = array<i32>} : memref<64x768xf32, #tpu.memory_space<vmem>>, vector<1x16xf32>,
      }
      %scan3A_99 = arith.constant 12 : i32
      %slice3A_100 = vector.extract_strided_slice %get3A_26 {offsets = [5], sizes = [1], strides = [1]} : vector<16xf32> to vector<1xf32>
      %squeeze3A_101 = vector.extract %slice3A_100[0] : f32 from vector<1xf32>
      %slice3A_102 = vector.extract_strided_slice %get3A_31 {offsets = [5], sizes = [1], strides = [1]} : vector<16xf32> to vector<1xf32>
      %squeeze3A_103 = vector.extract %slice3A_102[0] : f32 from vector<1xf32>
      %mul3A_104 = arith.constant 16 : i32
      %mul3A_105 = arith.muli %scan3A_22, %mul3A_104 : i32
      %add3A_106 = arith.constant 5 : i32
      %add3A_107 = arith.addi %mul3A_105, %add3A_106 : i32
      %scan3A_108 = arith.constant 0 : i32
      %scan3A_109 = arith.constant 0 : i32
      %scan3A_110 = arith.constant 12 : i32
      %scan3A_111 = arith.addi %scan3A_109, %scan3A_110 : i32
      %scan3A_112 = arith.constant 1 : i32
      scf.for %scan3A_254 = %scan3A_109 to %scan3A_111 step %scan3A_112  : i32 {
        %mul3A_255 = arith.constant 64 : i32
        %mul3A_256 = arith.muli %scan3A_254, %mul3A_255 : i32
        %add3A_257 = arith.constant 0 : i32
        %add3A_258 = arith.addi %mul3A_256, %add3A_257 : i32
        %get3A_259 = arith.index_cast %add3A_107 : i32 to index
        %get3A_260 = arith.index_cast %add3A_258 : i32 to index
        %get3A_261 = tpu.vector_load %arg10[%get3A_259, %get3A_260] {strides = array<i32>} : memref<64x768xf32, #tpu.memory_space<vmem>>, vector<1x16xf32>,
        %get3A_262 = vector.shape_cast %get3A_261 : vector<1x16xf32> to vector<16xf32>
        %mul3A_263 = vector.broadcast %squeeze3A_101 : f32 to vector<16xf32>
        %mul3A_264 = arith.mulf %mul3A_263, %get3A_262 : vector<16xf32>
        %get3A_265 = arith.index_cast %add3A_107 : i32 to index
        %get3A_266 = arith.index_cast %add3A_258 : i32 to index
        %get3A_267 = tpu.vector_load %arg11[%get3A_265, %get3A_266] {strides = array<i32>} : memref<64x768xf32, #tpu.memory_space<vmem>>, vector<1x16xf32>,
        %get3A_268 = vector.shape_cast %get3A_267 : vector<1x16xf32> to vector<16xf32>
        %mul3A_269 = vector.broadcast %squeeze3A_103 : f32 to vector<16xf32>
        %mul3A_270 = arith.mulf %mul3A_269, %get3A_268 : vector<16xf32>
        %add3A_271 = arith.addf %mul3A_264, %mul3A_270 : vector<16xf32>
        %swap3A = arith.index_cast %add3A_107 : i32 to index
        %swap3A_272 = arith.index_cast %add3A_258 : i32 to index
        %swap3A_273 = tpu.vector_load %arg10[%swap3A, %swap3A_272] {strides = array<i32>} : memref<64x768xf32, #tpu.memory_space<vmem>>, vector<1x16xf32>,
        %swap3A_274 = vector.shape_cast %swap3A_273 : vector<1x16xf32> to vector<16xf32>
        %swap3A_275 = vector.shape_cast %add3A_271 : vector<16xf32> to vector<1x16xf32>
        tpu.vector_store %arg10[%swap3A, %swap3A_272], %swap3A_275 {strides = array<i32>} : memref<64x768xf32, #tpu.memory_space<vmem>>, vector<1x16xf32>,
        %mul3A_276 = arith.constant 64 : i32
        %mul3A_277 = arith.muli %scan3A_254, %mul3A_276 : i32
        %add3A_278 = arith.constant 16 : i32
        %add3A_279 = arith.addi %mul3A_277, %add3A_278 : i32
        %get3A_280 = arith.index_cast %add3A_107 : i32 to index
        %get3A_281 = arith.index_cast %add3A_279 : i32 to index
        %get3A_282 = tpu.vector_load %arg10[%get3A_280, %get3A_281] {strides = array<i32>} : memref<64x768xf32, #tpu.memory_space<vmem>>, vector<1x16xf32>,
        %get3A_283 = vector.shape_cast %get3A_282 : vector<1x16xf32> to vector<16xf32>
        %mul3A_284 = vector.broadcast %squeeze3A_101 : f32 to vector<16xf32>
        %mul3A_285 = arith.mulf %mul3A_284, %get3A_283 : vector<16xf32>
        %get3A_286 = arith.index_cast %add3A_107 : i32 to index
        %get3A_287 = arith.index_cast %add3A_279 : i32 to index
        %get3A_288 = tpu.vector_load %arg11[%get3A_286, %get3A_287] {strides = array<i32>} : memref<64x768xf32, #tpu.memory_space<vmem>>, vector<1x16xf32>,
        %get3A_289 = vector.shape_cast %get3A_288 : vector<1x16xf32> to vector<16xf32>
        %mul3A_290 = vector.broadcast %squeeze3A_103 : f32 to vector<16xf32>
        %mul3A_291 = arith.mulf %mul3A_290, %get3A_289 : vector<16xf32>
        %add3A_292 = arith.addf %mul3A_285, %mul3A_291 : vector<16xf32>
        %swap3A_293 = arith.index_cast %add3A_107 : i32 to index
        %swap3A_294 = arith.index_cast %add3A_279 : i32 to index
        %swap3A_295 = tpu.vector_load %arg10[%swap3A_293, %swap3A_294] {strides = array<i32>} : memref<64x768xf32, #tpu.memory_space<vmem>>, vector<1x16xf32>,
        %swap3A_296 = vector.shape_cast %swap3A_295 : vector<1x16xf32> to vector<16xf32>
        %swap3A_297 = vector.shape_cast %add3A_292 : vector<16xf32> to vector<1x16xf32>
        tpu.vector_store %arg10[%swap3A_293, %swap3A_294], %swap3A_297 {strides = array<i32>} : memref<64x768xf32, #tpu.memory_space<vmem>>, vector<1x16xf32>,
        %mul3A_298 = arith.constant 64 : i32
        %mul3A_299 = arith.muli %scan3A_254, %mul3A_298 : i32
        %add3A_300 = arith.constant 32 : i32
        %add3A_301 = arith.addi %mul3A_299, %add3A_300 : i32
        %get3A_302 = arith.index_cast %add3A_107 : i32 to index
        %get3A_303 = arith.index_cast %add3A_301 : i32 to index
        %get3A_304 = tpu.vector_load %arg10[%get3A_302, %get3A_303] {strides = array<i32>} : memref<64x768xf32, #tpu.memory_space<vmem>>, vector<1x16xf32>,
        %get3A_305 = vector.shape_cast %get3A_304 : vector<1x16xf32> to vector<16xf32>
        %mul3A_306 = vector.broadcast %squeeze3A_101 : f32 to vector<16xf32>
        %mul3A_307 = arith.mulf %mul3A_306, %get3A_305 : vector<16xf32>
        %get3A_308 = arith.index_cast %add3A_107 : i32 to index
        %get3A_309 = arith.index_cast %add3A_301 : i32 to index
        %get3A_310 = tpu.vector_load %arg11[%get3A_308, %get3A_309] {strides = array<i32>} : memref<64x768xf32, #tpu.memory_space<vmem>>, vector<1x16xf32>,
        %get3A_311 = vector.shape_cast %get3A_310 : vector<1x16xf32> to vector<16xf32>
        %mul3A_312 = vector.broadcast %squeeze3A_103 : f32 to vector<16xf32>
        %mul3A_313 = arith.mulf %mul3A_312, %get3A_311 : vector<16xf32>
        %add3A_314 = arith.addf %mul3A_307, %mul3A_313 : vector<16xf32>
        %swap3A_315 = arith.index_cast %add3A_107 : i32 to index
        %swap3A_316 = arith.index_cast %add3A_301 : i32 to index
        %swap3A_317 = tpu.vector_load %arg10[%swap3A_315, %swap3A_316] {strides = array<i32>} : memref<64x768xf32, #tpu.memory_space<vmem>>, vector<1x16xf32>,
        %swap3A_318 = vector.shape_cast %swap3A_317 : vector<1x16xf32> to vector<16xf32>
        %swap3A_319 = vector.shape_cast %add3A_314 : vector<16xf32> to vector<1x16xf32>
        tpu.vector_store %arg10[%swap3A_315, %swap3A_316], %swap3A_319 {strides = array<i32>} : memref<64x768xf32, #tpu.memory_space<vmem>>, vector<1x16xf32>,
        %mul3A_320 = arith.constant 64 : i32
        %mul3A_321 = arith.muli %scan3A_254, %mul3A_320 : i32
        %add3A_322 = arith.constant 48 : i32
        %add3A_323 = arith.addi %mul3A_321, %add3A_322 : i32
        %get3A_324 = arith.index_cast %add3A_107 : i32 to index
        %get3A_325 = arith.index_cast %add3A_323 : i32 to index
        %get3A_326 = tpu.vector_load %arg10[%get3A_324, %get3A_325] {strides = array<i32>} : memref<64x768xf32, #tpu.memory_space<vmem>>, vector<1x16xf32>,
        %get3A_327 = vector.shape_cast %get3A_326 : vector<1x16xf32> to vector<16xf32>
        %mul3A_328 = vector.broadcast %squeeze3A_101 : f32 to vector<16xf32>
        %mul3A_329 = arith.mulf %mul3A_328, %get3A_327 : vector<16xf32>
        %get3A_330 = arith.index_cast %add3A_107 : i32 to index
        %get3A_331 = arith.index_cast %add3A_323 : i32 to index
        %get3A_332 = tpu.vector_load %arg11[%get3A_330, %get3A_331] {strides = array<i32>} : memref<64x768xf32, #tpu.memory_space<vmem>>, vector<1x16xf32>,
        %get3A_333 = vector.shape_cast %get3A_332 : vector<1x16xf32> to vector<16xf32>
        %mul3A_334 = vector.broadcast %squeeze3A_103 : f32 to vector<16xf32>
        %mul3A_335 = arith.mulf %mul3A_334, %get3A_333 : vector<16xf32>
        %add3A_336 = arith.addf %mul3A_329, %mul3A_335 : vector<16xf32>
        %swap3A_337 = arith.index_cast %add3A_107 : i32 to index
        %swap3A_338 = arith.index_cast %add3A_323 : i32 to index
        %swap3A_339 = tpu.vector_load %arg10[%swap3A_337, %swap3A_338] {strides = array<i32>} : memref<64x768xf32, #tpu.memory_space<vmem>>, vector<1x16xf32>,
        %swap3A_340 = vector.shape_cast %swap3A_339 : vector<1x16xf32> to vector<16xf32>
        %swap3A_341 = vector.shape_cast %add3A_336 : vector<16xf32> to vector<1x16xf32>
        tpu.vector_store %arg10[%swap3A_337, %swap3A_338], %swap3A_341 {strides = array<i32>} : memref<64x768xf32, #tpu.memory_space<vmem>>, vector<1x16xf32>,
      }
      %scan3A_113 = arith.constant 12 : i32
      %slice3A_114 = vector.extract_strided_slice %get3A_26 {offsets = [6], sizes = [1], strides = [1]} : vector<16xf32> to vector<1xf32>
      %squeeze3A_115 = vector.extract %slice3A_114[0] : f32 from vector<1xf32>
      %slice3A_116 = vector.extract_strided_slice %get3A_31 {offsets = [6], sizes = [1], strides = [1]} : vector<16xf32> to vector<1xf32>
      %squeeze3A_117 = vector.extract %slice3A_116[0] : f32 from vector<1xf32>
      %mul3A_118 = arith.constant 16 : i32
      %mul3A_119 = arith.muli %scan3A_22, %mul3A_118 : i32
      %add3A_120 = arith.constant 6 : i32
      %add3A_121 = arith.addi %mul3A_119, %add3A_120 : i32
      %scan3A_122 = arith.constant 0 : i32
      %scan3A_123 = arith.constant 0 : i32
      %scan3A_124 = arith.constant 12 : i32
      %scan3A_125 = arith.addi %scan3A_123, %scan3A_124 : i32
      %scan3A_126 = arith.constant 1 : i32
      scf.for %scan3A_254 = %scan3A_123 to %scan3A_125 step %scan3A_126  : i32 {
        %mul3A_255 = arith.constant 64 : i32
        %mul3A_256 = arith.muli %scan3A_254, %mul3A_255 : i32
        %add3A_257 = arith.constant 0 : i32
        %add3A_258 = arith.addi %mul3A_256, %add3A_257 : i32
        %get3A_259 = arith.index_cast %add3A_121 : i32 to index
        %get3A_260 = arith.index_cast %add3A_258 : i32 to index
        %get3A_261 = tpu.vector_load %arg10[%get3A_259, %get3A_260] {strides = array<i32>} : memref<64x768xf32, #tpu.memory_space<vmem>>, vector<1x16xf32>,
        %get3A_262 = vector.shape_cast %get3A_261 : vector<1x16xf32> to vector<16xf32>
        %mul3A_263 = vector.broadcast %squeeze3A_115 : f32 to vector<16xf32>
        %mul3A_264 = arith.mulf %mul3A_263, %get3A_262 : vector<16xf32>
        %get3A_265 = arith.index_cast %add3A_121 : i32 to index
        %get3A_266 = arith.index_cast %add3A_258 : i32 to index
        %get3A_267 = tpu.vector_load %arg11[%get3A_265, %get3A_266] {strides = array<i32>} : memref<64x768xf32, #tpu.memory_space<vmem>>, vector<1x16xf32>,
        %get3A_268 = vector.shape_cast %get3A_267 : vector<1x16xf32> to vector<16xf32>
        %mul3A_269 = vector.broadcast %squeeze3A_117 : f32 to vector<16xf32>
        %mul3A_270 = arith.mulf %mul3A_269, %get3A_268 : vector<16xf32>
        %add3A_271 = arith.addf %mul3A_264, %mul3A_270 : vector<16xf32>
        %swap3A = arith.index_cast %add3A_121 : i32 to index
        %swap3A_272 = arith.index_cast %add3A_258 : i32 to index
        %swap3A_273 = tpu.vector_load %arg10[%swap3A, %swap3A_272] {strides = array<i32>} : memref<64x768xf32, #tpu.memory_space<vmem>>, vector<1x16xf32>,
        %swap3A_274 = vector.shape_cast %swap3A_273 : vector<1x16xf32> to vector<16xf32>
        %swap3A_275 = vector.shape_cast %add3A_271 : vector<16xf32> to vector<1x16xf32>
        tpu.vector_store %arg10[%swap3A, %swap3A_272], %swap3A_275 {strides = array<i32>} : memref<64x768xf32, #tpu.memory_space<vmem>>, vector<1x16xf32>,
        %mul3A_276 = arith.constant 64 : i32
        %mul3A_277 = arith.muli %scan3A_254, %mul3A_276 : i32
        %add3A_278 = arith.constant 16 : i32
        %add3A_279 = arith.addi %mul3A_277, %add3A_278 : i32
        %get3A_280 = arith.index_cast %add3A_121 : i32 to index
        %get3A_281 = arith.index_cast %add3A_279 : i32 to index
        %get3A_282 = tpu.vector_load %arg10[%get3A_280, %get3A_281] {strides = array<i32>} : memref<64x768xf32, #tpu.memory_space<vmem>>, vector<1x16xf32>,
        %get3A_283 = vector.shape_cast %get3A_282 : vector<1x16xf32> to vector<16xf32>
        %mul3A_284 = vector.broadcast %squeeze3A_115 : f32 to vector<16xf32>
        %mul3A_285 = arith.mulf %mul3A_284, %get3A_283 : vector<16xf32>
        %get3A_286 = arith.index_cast %add3A_121 : i32 to index
        %get3A_287 = arith.index_cast %add3A_279 : i32 to index
        %get3A_288 = tpu.vector_load %arg11[%get3A_286, %get3A_287] {strides = array<i32>} : memref<64x768xf32, #tpu.memory_space<vmem>>, vector<1x16xf32>,
        %get3A_289 = vector.shape_cast %get3A_288 : vector<1x16xf32> to vector<16xf32>
        %mul3A_290 = vector.broadcast %squeeze3A_117 : f32 to vector<16xf32>
        %mul3A_291 = arith.mulf %mul3A_290, %get3A_289 : vector<16xf32>
        %add3A_292 = arith.addf %mul3A_285, %mul3A_291 : vector<16xf32>
        %swap3A_293 = arith.index_cast %add3A_121 : i32 to index
        %swap3A_294 = arith.index_cast %add3A_279 : i32 to index
        %swap3A_295 = tpu.vector_load %arg10[%swap3A_293, %swap3A_294] {strides = array<i32>} : memref<64x768xf32, #tpu.memory_space<vmem>>, vector<1x16xf32>,
        %swap3A_296 = vector.shape_cast %swap3A_295 : vector<1x16xf32> to vector<16xf32>
        %swap3A_297 = vector.shape_cast %add3A_292 : vector<16xf32> to vector<1x16xf32>
        tpu.vector_store %arg10[%swap3A_293, %swap3A_294], %swap3A_297 {strides = array<i32>} : memref<64x768xf32, #tpu.memory_space<vmem>>, vector<1x16xf32>,
        %mul3A_298 = arith.constant 64 : i32
        %mul3A_299 = arith.muli %scan3A_254, %mul3A_298 : i32
        %add3A_300 = arith.constant 32 : i32
        %add3A_301 = arith.addi %mul3A_299, %add3A_300 : i32
        %get3A_302 = arith.index_cast %add3A_121 : i32 to index
        %get3A_303 = arith.index_cast %add3A_301 : i32 to index
        %get3A_304 = tpu.vector_load %arg10[%get3A_302, %get3A_303] {strides = array<i32>} : memref<64x768xf32, #tpu.memory_space<vmem>>, vector<1x16xf32>,
        %get3A_305 = vector.shape_cast %get3A_304 : vector<1x16xf32> to vector<16xf32>
        %mul3A_306 = vector.broadcast %squeeze3A_115 : f32 to vector<16xf32>
        %mul3A_307 = arith.mulf %mul3A_306, %get3A_305 : vector<16xf32>
        %get3A_308 = arith.index_cast %add3A_121 : i32 to index
        %get3A_309 = arith.index_cast %add3A_301 : i32 to index
        %get3A_310 = tpu.vector_load %arg11[%get3A_308, %get3A_309] {strides = array<i32>} : memref<64x768xf32, #tpu.memory_space<vmem>>, vector<1x16xf32>,
        %get3A_311 = vector.shape_cast %get3A_310 : vector<1x16xf32> to vector<16xf32>
        %mul3A_312 = vector.broadcast %squeeze3A_117 : f32 to vector<16xf32>
        %mul3A_313 = arith.mulf %mul3A_312, %get3A_311 : vector<16xf32>
        %add3A_314 = arith.addf %mul3A_307, %mul3A_313 : vector<16xf32>
        %swap3A_315 = arith.index_cast %add3A_121 : i32 to index
        %swap3A_316 = arith.index_cast %add3A_301 : i32 to index
        %swap3A_317 = tpu.vector_load %arg10[%swap3A_315, %swap3A_316] {strides = array<i32>} : memref<64x768xf32, #tpu.memory_space<vmem>>, vector<1x16xf32>,
        %swap3A_318 = vector.shape_cast %swap3A_317 : vector<1x16xf32> to vector<16xf32>
        %swap3A_319 = vector.shape_cast %add3A_314 : vector<16xf32> to vector<1x16xf32>
        tpu.vector_store %arg10[%swap3A_315, %swap3A_316], %swap3A_319 {strides = array<i32>} : memref<64x768xf32, #tpu.memory_space<vmem>>, vector<1x16xf32>,
        %mul3A_320 = arith.constant 64 : i32
        %mul3A_321 = arith.muli %scan3A_254, %mul3A_320 : i32
        %add3A_322 = arith.constant 48 : i32
        %add3A_323 = arith.addi %mul3A_321, %add3A_322 : i32
        %get3A_324 = arith.index_cast %add3A_121 : i32 to index
        %get3A_325 = arith.index_cast %add3A_323 : i32 to index
        %get3A_326 = tpu.vector_load %arg10[%get3A_324, %get3A_325] {strides = array<i32>} : memref<64x768xf32, #tpu.memory_space<vmem>>, vector<1x16xf32>,
        %get3A_327 = vector.shape_cast %get3A_326 : vector<1x16xf32> to vector<16xf32>
        %mul3A_328 = vector.broadcast %squeeze3A_115 : f32 to vector<16xf32>
        %mul3A_329 = arith.mulf %mul3A_328, %get3A_327 : vector<16xf32>
        %get3A_330 = arith.index_cast %add3A_121 : i32 to index
        %get3A_331 = arith.index_cast %add3A_323 : i32 to index
        %get3A_332 = tpu.vector_load %arg11[%get3A_330, %get3A_331] {strides = array<i32>} : memref<64x768xf32, #tpu.memory_space<vmem>>, vector<1x16xf32>,
        %get3A_333 = vector.shape_cast %get3A_332 : vector<1x16xf32> to vector<16xf32>
        %mul3A_334 = vector.broadcast %squeeze3A_117 : f32 to vector<16xf32>
        %mul3A_335 = arith.mulf %mul3A_334, %get3A_333 : vector<16xf32>
        %add3A_336 = arith.addf %mul3A_329, %mul3A_335 : vector<16xf32>
        %swap3A_337 = arith.index_cast %add3A_121 : i32 to index
        %swap3A_338 = arith.index_cast %add3A_323 : i32 to index
        %swap3A_339 = tpu.vector_load %arg10[%swap3A_337, %swap3A_338] {strides = array<i32>} : memref<64x768xf32, #tpu.memory_space<vmem>>, vector<1x16xf32>,
        %swap3A_340 = vector.shape_cast %swap3A_339 : vector<1x16xf32> to vector<16xf32>
        %swap3A_341 = vector.shape_cast %add3A_336 : vector<16xf32> to vector<1x16xf32>
        tpu.vector_store %arg10[%swap3A_337, %swap3A_338], %swap3A_341 {strides = array<i32>} : memref<64x768xf32, #tpu.memory_space<vmem>>, vector<1x16xf32>,
      }
      %scan3A_127 = arith.constant 12 : i32
      %slice3A_128 = vector.extract_strided_slice %get3A_26 {offsets = [7], sizes = [1], strides = [1]} : vector<16xf32> to vector<1xf32>
      %squeeze3A_129 = vector.extract %slice3A_128[0] : f32 from vector<1xf32>
      %slice3A_130 = vector.extract_strided_slice %get3A_31 {offsets = [7], sizes = [1], strides = [1]} : vector<16xf32> to vector<1xf32>
      %squeeze3A_131 = vector.extract %slice3A_130[0] : f32 from vector<1xf32>
      %mul3A_132 = arith.constant 16 : i32
      %mul3A_133 = arith.muli %scan3A_22, %mul3A_132 : i32
      %add3A_134 = arith.constant 7 : i32
      %add3A_135 = arith.addi %mul3A_133, %add3A_134 : i32
      %scan3A_136 = arith.constant 0 : i32
      %scan3A_137 = arith.constant 0 : i32
      %scan3A_138 = arith.constant 12 : i32
      %scan3A_139 = arith.addi %scan3A_137, %scan3A_138 : i32
      %scan3A_140 = arith.constant 1 : i32
      scf.for %scan3A_254 = %scan3A_137 to %scan3A_139 step %scan3A_140  : i32 {
        %mul3A_255 = arith.constant 64 : i32
        %mul3A_256 = arith.muli %scan3A_254, %mul3A_255 : i32
        %add3A_257 = arith.constant 0 : i32
        %add3A_258 = arith.addi %mul3A_256, %add3A_257 : i32
        %get3A_259 = arith.index_cast %add3A_135 : i32 to index
        %get3A_260 = arith.index_cast %add3A_258 : i32 to index
        %get3A_261 = tpu.vector_load %arg10[%get3A_259, %get3A_260] {strides = array<i32>} : memref<64x768xf32, #tpu.memory_space<vmem>>, vector<1x16xf32>,
        %get3A_262 = vector.shape_cast %get3A_261 : vector<1x16xf32> to vector<16xf32>
        %mul3A_263 = vector.broadcast %squeeze3A_129 : f32 to vector<16xf32>
        %mul3A_264 = arith.mulf %mul3A_263, %get3A_262 : vector<16xf32>
        %get3A_265 = arith.index_cast %add3A_135 : i32 to index
        %get3A_266 = arith.index_cast %add3A_258 : i32 to index
        %get3A_267 = tpu.vector_load %arg11[%get3A_265, %get3A_266] {strides = array<i32>} : memref<64x768xf32, #tpu.memory_space<vmem>>, vector<1x16xf32>,
        %get3A_268 = vector.shape_cast %get3A_267 : vector<1x16xf32> to vector<16xf32>
        %mul3A_269 = vector.broadcast %squeeze3A_131 : f32 to vector<16xf32>
        %mul3A_270 = arith.mulf %mul3A_269, %get3A_268 : vector<16xf32>
        %add3A_271 = arith.addf %mul3A_264, %mul3A_270 : vector<16xf32>
        %swap3A = arith.index_cast %add3A_135 : i32 to index
        %swap3A_272 = arith.index_cast %add3A_258 : i32 to index
        %swap3A_273 = tpu.vector_load %arg10[%swap3A, %swap3A_272] {strides = array<i32>} : memref<64x768xf32, #tpu.memory_space<vmem>>, vector<1x16xf32>,
        %swap3A_274 = vector.shape_cast %swap3A_273 : vector<1x16xf32> to vector<16xf32>
        %swap3A_275 = vector.shape_cast %add3A_271 : vector<16xf32> to vector<1x16xf32>
        tpu.vector_store %arg10[%swap3A, %swap3A_272], %swap3A_275 {strides = array<i32>} : memref<64x768xf32, #tpu.memory_space<vmem>>, vector<1x16xf32>,
        %mul3A_276 = arith.constant 64 : i32
        %mul3A_277 = arith.muli %scan3A_254, %mul3A_276 : i32
        %add3A_278 = arith.constant 16 : i32
        %add3A_279 = arith.addi %mul3A_277, %add3A_278 : i32
        %get3A_280 = arith.index_cast %add3A_135 : i32 to index
        %get3A_281 = arith.index_cast %add3A_279 : i32 to index
        %get3A_282 = tpu.vector_load %arg10[%get3A_280, %get3A_281] {strides = array<i32>} : memref<64x768xf32, #tpu.memory_space<vmem>>, vector<1x16xf32>,
        %get3A_283 = vector.shape_cast %get3A_282 : vector<1x16xf32> to vector<16xf32>
        %mul3A_284 = vector.broadcast %squeeze3A_129 : f32 to vector<16xf32>
        %mul3A_285 = arith.mulf %mul3A_284, %get3A_283 : vector<16xf32>
        %get3A_286 = arith.index_cast %add3A_135 : i32 to index
        %get3A_287 = arith.index_cast %add3A_279 : i32 to index
        %get3A_288 = tpu.vector_load %arg11[%get3A_286, %get3A_287] {strides = array<i32>} : memref<64x768xf32, #tpu.memory_space<vmem>>, vector<1x16xf32>,
        %get3A_289 = vector.shape_cast %get3A_288 : vector<1x16xf32> to vector<16xf32>
        %mul3A_290 = vector.broadcast %squeeze3A_131 : f32 to vector<16xf32>
        %mul3A_291 = arith.mulf %mul3A_290, %get3A_289 : vector<16xf32>
        %add3A_292 = arith.addf %mul3A_285, %mul3A_291 : vector<16xf32>
        %swap3A_293 = arith.index_cast %add3A_135 : i32 to index
        %swap3A_294 = arith.index_cast %add3A_279 : i32 to index
        %swap3A_295 = tpu.vector_load %arg10[%swap3A_293, %swap3A_294] {strides = array<i32>} : memref<64x768xf32, #tpu.memory_space<vmem>>, vector<1x16xf32>,
        %swap3A_296 = vector.shape_cast %swap3A_295 : vector<1x16xf32> to vector<16xf32>
        %swap3A_297 = vector.shape_cast %add3A_292 : vector<16xf32> to vector<1x16xf32>
        tpu.vector_store %arg10[%swap3A_293, %swap3A_294], %swap3A_297 {strides = array<i32>} : memref<64x768xf32, #tpu.memory_space<vmem>>, vector<1x16xf32>,
        %mul3A_298 = arith.constant 64 : i32
        %mul3A_299 = arith.muli %scan3A_254, %mul3A_298 : i32
        %add3A_300 = arith.constant 32 : i32
        %add3A_301 = arith.addi %mul3A_299, %add3A_300 : i32
        %get3A_302 = arith.index_cast %add3A_135 : i32 to index
        %get3A_303 = arith.index_cast %add3A_301 : i32 to index
        %get3A_304 = tpu.vector_load %arg10[%get3A_302, %get3A_303] {strides = array<i32>} : memref<64x768xf32, #tpu.memory_space<vmem>>, vector<1x16xf32>,
        %get3A_305 = vector.shape_cast %get3A_304 : vector<1x16xf32> to vector<16xf32>
        %mul3A_306 = vector.broadcast %squeeze3A_129 : f32 to vector<16xf32>
        %mul3A_307 = arith.mulf %mul3A_306, %get3A_305 : vector<16xf32>
        %get3A_308 = arith.index_cast %add3A_135 : i32 to index
        %get3A_309 = arith.index_cast %add3A_301 : i32 to index
        %get3A_310 = tpu.vector_load %arg11[%get3A_308, %get3A_309] {strides = array<i32>} : memref<64x768xf32, #tpu.memory_space<vmem>>, vector<1x16xf32>,
        %get3A_311 = vector.shape_cast %get3A_310 : vector<1x16xf32> to vector<16xf32>
        %mul3A_312 = vector.broadcast %squeeze3A_131 : f32 to vector<16xf32>
        %mul3A_313 = arith.mulf %mul3A_312, %get3A_311 : vector<16xf32>
        %add3A_314 = arith.addf %mul3A_307, %mul3A_313 : vector<16xf32>
        %swap3A_315 = arith.index_cast %add3A_135 : i32 to index
        %swap3A_316 = arith.index_cast %add3A_301 : i32 to index
        %swap3A_317 = tpu.vector_load %arg10[%swap3A_315, %swap3A_316] {strides = array<i32>} : memref<64x768xf32, #tpu.memory_space<vmem>>, vector<1x16xf32>,
        %swap3A_318 = vector.shape_cast %swap3A_317 : vector<1x16xf32> to vector<16xf32>
        %swap3A_319 = vector.shape_cast %add3A_314 : vector<16xf32> to vector<1x16xf32>
        tpu.vector_store %arg10[%swap3A_315, %swap3A_316], %swap3A_319 {strides = array<i32>} : memref<64x768xf32, #tpu.memory_space<vmem>>, vector<1x16xf32>,
        %mul3A_320 = arith.constant 64 : i32
        %mul3A_321 = arith.muli %scan3A_254, %mul3A_320 : i32
        %add3A_322 = arith.constant 48 : i32
        %add3A_323 = arith.addi %mul3A_321, %add3A_322 : i32
        %get3A_324 = arith.index_cast %add3A_135 : i32 to index
        %get3A_325 = arith.index_cast %add3A_323 : i32 to index
        %get3A_326 = tpu.vector_load %arg10[%get3A_324, %get3A_325] {strides = array<i32>} : memref<64x768xf32, #tpu.memory_space<vmem>>, vector<1x16xf32>,
        %get3A_327 = vector.shape_cast %get3A_326 : vector<1x16xf32> to vector<16xf32>
        %mul3A_328 = vector.broadcast %squeeze3A_129 : f32 to vector<16xf32>
        %mul3A_329 = arith.mulf %mul3A_328, %get3A_327 : vector<16xf32>
        %get3A_330 = arith.index_cast %add3A_135 : i32 to index
        %get3A_331 = arith.index_cast %add3A_323 : i32 to index
        %get3A_332 = tpu.vector_load %arg11[%get3A_330, %get3A_331] {strides = array<i32>} : memref<64x768xf32, #tpu.memory_space<vmem>>, vector<1x16xf32>,
        %get3A_333 = vector.shape_cast %get3A_332 : vector<1x16xf32> to vector<16xf32>
        %mul3A_334 = vector.broadcast %squeeze3A_131 : f32 to vector<16xf32>
        %mul3A_335 = arith.mulf %mul3A_334, %get3A_333 : vector<16xf32>
        %add3A_336 = arith.addf %mul3A_329, %mul3A_335 : vector<16xf32>
        %swap3A_337 = arith.index_cast %add3A_135 : i32 to index
        %swap3A_338 = arith.index_cast %add3A_323 : i32 to index
        %swap3A_339 = tpu.vector_load %arg10[%swap3A_337, %swap3A_338] {strides = array<i32>} : memref<64x768xf32, #tpu.memory_space<vmem>>, vector<1x16xf32>,
        %swap3A_340 = vector.shape_cast %swap3A_339 : vector<1x16xf32> to vector<16xf32>
        %swap3A_341 = vector.shape_cast %add3A_336 : vector<16xf32> to vector<1x16xf32>
        tpu.vector_store %arg10[%swap3A_337, %swap3A_338], %swap3A_341 {strides = array<i32>} : memref<64x768xf32, #tpu.memory_space<vmem>>, vector<1x16xf32>,
      }
      %scan3A_141 = arith.constant 12 : i32
      %slice3A_142 = vector.extract_strided_slice %get3A_26 {offsets = [8], sizes = [1], strides = [1]} : vector<16xf32> to vector<1xf32>
      %squeeze3A_143 = vector.extract %slice3A_142[0] : f32 from vector<1xf32>
      %slice3A_144 = vector.extract_strided_slice %get3A_31 {offsets = [8], sizes = [1], strides = [1]} : vector<16xf32> to vector<1xf32>
      %squeeze3A_145 = vector.extract %slice3A_144[0] : f32 from vector<1xf32>
      %mul3A_146 = arith.constant 16 : i32
      %mul3A_147 = arith.muli %scan3A_22, %mul3A_146 : i32
      %add3A_148 = arith.constant 8 : i32
      %add3A_149 = arith.addi %mul3A_147, %add3A_148 : i32
      %scan3A_150 = arith.constant 0 : i32
      %scan3A_151 = arith.constant 0 : i32
      %scan3A_152 = arith.constant 12 : i32
      %scan3A_153 = arith.addi %scan3A_151, %scan3A_152 : i32
      %scan3A_154 = arith.constant 1 : i32
      scf.for %scan3A_254 = %scan3A_151 to %scan3A_153 step %scan3A_154  : i32 {
        %mul3A_255 = arith.constant 64 : i32
        %mul3A_256 = arith.muli %scan3A_254, %mul3A_255 : i32
        %add3A_257 = arith.constant 0 : i32
        %add3A_258 = arith.addi %mul3A_256, %add3A_257 : i32
        %get3A_259 = arith.index_cast %add3A_149 : i32 to index
        %get3A_260 = arith.index_cast %add3A_258 : i32 to index
        %get3A_261 = tpu.vector_load %arg10[%get3A_259, %get3A_260] {strides = array<i32>} : memref<64x768xf32, #tpu.memory_space<vmem>>, vector<1x16xf32>,
        %get3A_262 = vector.shape_cast %get3A_261 : vector<1x16xf32> to vector<16xf32>
        %mul3A_263 = vector.broadcast %squeeze3A_143 : f32 to vector<16xf32>
        %mul3A_264 = arith.mulf %mul3A_263, %get3A_262 : vector<16xf32>
        %get3A_265 = arith.index_cast %add3A_149 : i32 to index
        %get3A_266 = arith.index_cast %add3A_258 : i32 to index
        %get3A_267 = tpu.vector_load %arg11[%get3A_265, %get3A_266] {strides = array<i32>} : memref<64x768xf32, #tpu.memory_space<vmem>>, vector<1x16xf32>,
        %get3A_268 = vector.shape_cast %get3A_267 : vector<1x16xf32> to vector<16xf32>
        %mul3A_269 = vector.broadcast %squeeze3A_145 : f32 to vector<16xf32>
        %mul3A_270 = arith.mulf %mul3A_269, %get3A_268 : vector<16xf32>
        %add3A_271 = arith.addf %mul3A_264, %mul3A_270 : vector<16xf32>
        %swap3A = arith.index_cast %add3A_149 : i32 to index
        %swap3A_272 = arith.index_cast %add3A_258 : i32 to index
        %swap3A_273 = tpu.vector_load %arg10[%swap3A, %swap3A_272] {strides = array<i32>} : memref<64x768xf32, #tpu.memory_space<vmem>>, vector<1x16xf32>,
        %swap3A_274 = vector.shape_cast %swap3A_273 : vector<1x16xf32> to vector<16xf32>
        %swap3A_275 = vector.shape_cast %add3A_271 : vector<16xf32> to vector<1x16xf32>
        tpu.vector_store %arg10[%swap3A, %swap3A_272], %swap3A_275 {strides = array<i32>} : memref<64x768xf32, #tpu.memory_space<vmem>>, vector<1x16xf32>,
        %mul3A_276 = arith.constant 64 : i32
        %mul3A_277 = arith.muli %scan3A_254, %mul3A_276 : i32
        %add3A_278 = arith.constant 16 : i32
        %add3A_279 = arith.addi %mul3A_277, %add3A_278 : i32
        %get3A_280 = arith.index_cast %add3A_149 : i32 to index
        %get3A_281 = arith.index_cast %add3A_279 : i32 to index
        %get3A_282 = tpu.vector_load %arg10[%get3A_280, %get3A_281] {strides = array<i32>} : memref<64x768xf32, #tpu.memory_space<vmem>>, vector<1x16xf32>,
        %get3A_283 = vector.shape_cast %get3A_282 : vector<1x16xf32> to vector<16xf32>
        %mul3A_284 = vector.broadcast %squeeze3A_143 : f32 to vector<16xf32>
        %mul3A_285 = arith.mulf %mul3A_284, %get3A_283 : vector<16xf32>
        %get3A_286 = arith.index_cast %add3A_149 : i32 to index
        %get3A_287 = arith.index_cast %add3A_279 : i32 to index
        %get3A_288 = tpu.vector_load %arg11[%get3A_286, %get3A_287] {strides = array<i32>} : memref<64x768xf32, #tpu.memory_space<vmem>>, vector<1x16xf32>,
        %get3A_289 = vector.shape_cast %get3A_288 : vector<1x16xf32> to vector<16xf32>
        %mul3A_290 = vector.broadcast %squeeze3A_145 : f32 to vector<16xf32>
        %mul3A_291 = arith.mulf %mul3A_290, %get3A_289 : vector<16xf32>
        %add3A_292 = arith.addf %mul3A_285, %mul3A_291 : vector<16xf32>
        %swap3A_293 = arith.index_cast %add3A_149 : i32 to index
        %swap3A_294 = arith.index_cast %add3A_279 : i32 to index
        %swap3A_295 = tpu.vector_load %arg10[%swap3A_293, %swap3A_294] {strides = array<i32>} : memref<64x768xf32, #tpu.memory_space<vmem>>, vector<1x16xf32>,
        %swap3A_296 = vector.shape_cast %swap3A_295 : vector<1x16xf32> to vector<16xf32>
        %swap3A_297 = vector.shape_cast %add3A_292 : vector<16xf32> to vector<1x16xf32>
        tpu.vector_store %arg10[%swap3A_293, %swap3A_294], %swap3A_297 {strides = array<i32>} : memref<64x768xf32, #tpu.memory_space<vmem>>, vector<1x16xf32>,
        %mul3A_298 = arith.constant 64 : i32
        %mul3A_299 = arith.muli %scan3A_254, %mul3A_298 : i32
        %add3A_300 = arith.constant 32 : i32
        %add3A_301 = arith.addi %mul3A_299, %add3A_300 : i32
        %get3A_302 = arith.index_cast %add3A_149 : i32 to index
        %get3A_303 = arith.index_cast %add3A_301 : i32 to index
        %get3A_304 = tpu.vector_load %arg10[%get3A_302, %get3A_303] {strides = array<i32>} : memref<64x768xf32, #tpu.memory_space<vmem>>, vector<1x16xf32>,
        %get3A_305 = vector.shape_cast %get3A_304 : vector<1x16xf32> to vector<16xf32>
        %mul3A_306 = vector.broadcast %squeeze3A_143 : f32 to vector<16xf32>
        %mul3A_307 = arith.mulf %mul3A_306, %get3A_305 : vector<16xf32>
        %get3A_308 = arith.index_cast %add3A_149 : i32 to index
        %get3A_309 = arith.index_cast %add3A_301 : i32 to index
        %get3A_310 = tpu.vector_load %arg11[%get3A_308, %get3A_309] {strides = array<i32>} : memref<64x768xf32, #tpu.memory_space<vmem>>, vector<1x16xf32>,
        %get3A_311 = vector.shape_cast %get3A_310 : vector<1x16xf32> to vector<16xf32>
        %mul3A_312 = vector.broadcast %squeeze3A_145 : f32 to vector<16xf32>
        %mul3A_313 = arith.mulf %mul3A_312, %get3A_311 : vector<16xf32>
        %add3A_314 = arith.addf %mul3A_307, %mul3A_313 : vector<16xf32>
        %swap3A_315 = arith.index_cast %add3A_149 : i32 to index
        %swap3A_316 = arith.index_cast %add3A_301 : i32 to index
        %swap3A_317 = tpu.vector_load %arg10[%swap3A_315, %swap3A_316] {strides = array<i32>} : memref<64x768xf32, #tpu.memory_space<vmem>>, vector<1x16xf32>,
        %swap3A_318 = vector.shape_cast %swap3A_317 : vector<1x16xf32> to vector<16xf32>
        %swap3A_319 = vector.shape_cast %add3A_314 : vector<16xf32> to vector<1x16xf32>
        tpu.vector_store %arg10[%swap3A_315, %swap3A_316], %swap3A_319 {strides = array<i32>} : memref<64x768xf32, #tpu.memory_space<vmem>>, vector<1x16xf32>,
        %mul3A_320 = arith.constant 64 : i32
        %mul3A_321 = arith.muli %scan3A_254, %mul3A_320 : i32
        %add3A_322 = arith.constant 48 : i32
        %add3A_323 = arith.addi %mul3A_321, %add3A_322 : i32
        %get3A_324 = arith.index_cast %add3A_149 : i32 to index
        %get3A_325 = arith.index_cast %add3A_323 : i32 to index
        %get3A_326 = tpu.vector_load %arg10[%get3A_324, %get3A_325] {strides = array<i32>} : memref<64x768xf32, #tpu.memory_space<vmem>>, vector<1x16xf32>,
        %get3A_327 = vector.shape_cast %get3A_326 : vector<1x16xf32> to vector<16xf32>
        %mul3A_328 = vector.broadcast %squeeze3A_143 : f32 to vector<16xf32>
        %mul3A_329 = arith.mulf %mul3A_328, %get3A_327 : vector<16xf32>
        %get3A_330 = arith.index_cast %add3A_149 : i32 to index
        %get3A_331 = arith.index_cast %add3A_323 : i32 to index
        %get3A_332 = tpu.vector_load %arg11[%get3A_330, %get3A_331] {strides = array<i32>} : memref<64x768xf32, #tpu.memory_space<vmem>>, vector<1x16xf32>,
        %get3A_333 = vector.shape_cast %get3A_332 : vector<1x16xf32> to vector<16xf32>
        %mul3A_334 = vector.broadcast %squeeze3A_145 : f32 to vector<16xf32>
        %mul3A_335 = arith.mulf %mul3A_334, %get3A_333 : vector<16xf32>
        %add3A_336 = arith.addf %mul3A_329, %mul3A_335 : vector<16xf32>
        %swap3A_337 = arith.index_cast %add3A_149 : i32 to index
        %swap3A_338 = arith.index_cast %add3A_323 : i32 to index
        %swap3A_339 = tpu.vector_load %arg10[%swap3A_337, %swap3A_338] {strides = array<i32>} : memref<64x768xf32, #tpu.memory_space<vmem>>, vector<1x16xf32>,
        %swap3A_340 = vector.shape_cast %swap3A_339 : vector<1x16xf32> to vector<16xf32>
        %swap3A_341 = vector.shape_cast %add3A_336 : vector<16xf32> to vector<1x16xf32>
        tpu.vector_store %arg10[%swap3A_337, %swap3A_338], %swap3A_341 {strides = array<i32>} : memref<64x768xf32, #tpu.memory_space<vmem>>, vector<1x16xf32>,
      }
      %scan3A_155 = arith.constant 12 : i32
      %slice3A_156 = vector.extract_strided_slice %get3A_26 {offsets = [9], sizes = [1], strides = [1]} : vector<16xf32> to vector<1xf32>
      %squeeze3A_157 = vector.extract %slice3A_156[0] : f32 from vector<1xf32>
      %slice3A_158 = vector.extract_strided_slice %get3A_31 {offsets = [9], sizes = [1], strides = [1]} : vector<16xf32> to vector<1xf32>
      %squeeze3A_159 = vector.extract %slice3A_158[0] : f32 from vector<1xf32>
      %mul3A_160 = arith.constant 16 : i32
      %mul3A_161 = arith.muli %scan3A_22, %mul3A_160 : i32
      %add3A_162 = arith.constant 9 : i32
      %add3A_163 = arith.addi %mul3A_161, %add3A_162 : i32
      %scan3A_164 = arith.constant 0 : i32
      %scan3A_165 = arith.constant 0 : i32
      %scan3A_166 = arith.constant 12 : i32
      %scan3A_167 = arith.addi %scan3A_165, %scan3A_166 : i32
      %scan3A_168 = arith.constant 1 : i32
      scf.for %scan3A_254 = %scan3A_165 to %scan3A_167 step %scan3A_168  : i32 {
        %mul3A_255 = arith.constant 64 : i32
        %mul3A_256 = arith.muli %scan3A_254, %mul3A_255 : i32
        %add3A_257 = arith.constant 0 : i32
        %add3A_258 = arith.addi %mul3A_256, %add3A_257 : i32
        %get3A_259 = arith.index_cast %add3A_163 : i32 to index
        %get3A_260 = arith.index_cast %add3A_258 : i32 to index
        %get3A_261 = tpu.vector_load %arg10[%get3A_259, %get3A_260] {strides = array<i32>} : memref<64x768xf32, #tpu.memory_space<vmem>>, vector<1x16xf32>,
        %get3A_262 = vector.shape_cast %get3A_261 : vector<1x16xf32> to vector<16xf32>
        %mul3A_263 = vector.broadcast %squeeze3A_157 : f32 to vector<16xf32>
        %mul3A_264 = arith.mulf %mul3A_263, %get3A_262 : vector<16xf32>
        %get3A_265 = arith.index_cast %add3A_163 : i32 to index
        %get3A_266 = arith.index_cast %add3A_258 : i32 to index
        %get3A_267 = tpu.vector_load %arg11[%get3A_265, %get3A_266] {strides = array<i32>} : memref<64x768xf32, #tpu.memory_space<vmem>>, vector<1x16xf32>,
        %get3A_268 = vector.shape_cast %get3A_267 : vector<1x16xf32> to vector<16xf32>
        %mul3A_269 = vector.broadcast %squeeze3A_159 : f32 to vector<16xf32>
        %mul3A_270 = arith.mulf %mul3A_269, %get3A_268 : vector<16xf32>
        %add3A_271 = arith.addf %mul3A_264, %mul3A_270 : vector<16xf32>
        %swap3A = arith.index_cast %add3A_163 : i32 to index
        %swap3A_272 = arith.index_cast %add3A_258 : i32 to index
        %swap3A_273 = tpu.vector_load %arg10[%swap3A, %swap3A_272] {strides = array<i32>} : memref<64x768xf32, #tpu.memory_space<vmem>>, vector<1x16xf32>,
        %swap3A_274 = vector.shape_cast %swap3A_273 : vector<1x16xf32> to vector<16xf32>
        %swap3A_275 = vector.shape_cast %add3A_271 : vector<16xf32> to vector<1x16xf32>
        tpu.vector_store %arg10[%swap3A, %swap3A_272], %swap3A_275 {strides = array<i32>} : memref<64x768xf32, #tpu.memory_space<vmem>>, vector<1x16xf32>,
        %mul3A_276 = arith.constant 64 : i32
        %mul3A_277 = arith.muli %scan3A_254, %mul3A_276 : i32
        %add3A_278 = arith.constant 16 : i32
        %add3A_279 = arith.addi %mul3A_277, %add3A_278 : i32
        %get3A_280 = arith.index_cast %add3A_163 : i32 to index
        %get3A_281 = arith.index_cast %add3A_279 : i32 to index
        %get3A_282 = tpu.vector_load %arg10[%get3A_280, %get3A_281] {strides = array<i32>} : memref<64x768xf32, #tpu.memory_space<vmem>>, vector<1x16xf32>,
        %get3A_283 = vector.shape_cast %get3A_282 : vector<1x16xf32> to vector<16xf32>
        %mul3A_284 = vector.broadcast %squeeze3A_157 : f32 to vector<16xf32>
        %mul3A_285 = arith.mulf %mul3A_284, %get3A_283 : vector<16xf32>
        %get3A_286 = arith.index_cast %add3A_163 : i32 to index
        %get3A_287 = arith.index_cast %add3A_279 : i32 to index
        %get3A_288 = tpu.vector_load %arg11[%get3A_286, %get3A_287] {strides = array<i32>} : memref<64x768xf32, #tpu.memory_space<vmem>>, vector<1x16xf32>,
        %get3A_289 = vector.shape_cast %get3A_288 : vector<1x16xf32> to vector<16xf32>
        %mul3A_290 = vector.broadcast %squeeze3A_159 : f32 to vector<16xf32>
        %mul3A_291 = arith.mulf %mul3A_290, %get3A_289 : vector<16xf32>
        %add3A_292 = arith.addf %mul3A_285, %mul3A_291 : vector<16xf32>
        %swap3A_293 = arith.index_cast %add3A_163 : i32 to index
        %swap3A_294 = arith.index_cast %add3A_279 : i32 to index
        %swap3A_295 = tpu.vector_load %arg10[%swap3A_293, %swap3A_294] {strides = array<i32>} : memref<64x768xf32, #tpu.memory_space<vmem>>, vector<1x16xf32>,
        %swap3A_296 = vector.shape_cast %swap3A_295 : vector<1x16xf32> to vector<16xf32>
        %swap3A_297 = vector.shape_cast %add3A_292 : vector<16xf32> to vector<1x16xf32>
        tpu.vector_store %arg10[%swap3A_293, %swap3A_294], %swap3A_297 {strides = array<i32>} : memref<64x768xf32, #tpu.memory_space<vmem>>, vector<1x16xf32>,
        %mul3A_298 = arith.constant 64 : i32
        %mul3A_299 = arith.muli %scan3A_254, %mul3A_298 : i32
        %add3A_300 = arith.constant 32 : i32
        %add3A_301 = arith.addi %mul3A_299, %add3A_300 : i32
        %get3A_302 = arith.index_cast %add3A_163 : i32 to index
        %get3A_303 = arith.index_cast %add3A_301 : i32 to index
        %get3A_304 = tpu.vector_load %arg10[%get3A_302, %get3A_303] {strides = array<i32>} : memref<64x768xf32, #tpu.memory_space<vmem>>, vector<1x16xf32>,
        %get3A_305 = vector.shape_cast %get3A_304 : vector<1x16xf32> to vector<16xf32>
        %mul3A_306 = vector.broadcast %squeeze3A_157 : f32 to vector<16xf32>
        %mul3A_307 = arith.mulf %mul3A_306, %get3A_305 : vector<16xf32>
        %get3A_308 = arith.index_cast %add3A_163 : i32 to index
        %get3A_309 = arith.index_cast %add3A_301 : i32 to index
        %get3A_310 = tpu.vector_load %arg11[%get3A_308, %get3A_309] {strides = array<i32>} : memref<64x768xf32, #tpu.memory_space<vmem>>, vector<1x16xf32>,
        %get3A_311 = vector.shape_cast %get3A_310 : vector<1x16xf32> to vector<16xf32>
        %mul3A_312 = vector.broadcast %squeeze3A_159 : f32 to vector<16xf32>
        %mul3A_313 = arith.mulf %mul3A_312, %get3A_311 : vector<16xf32>
        %add3A_314 = arith.addf %mul3A_307, %mul3A_313 : vector<16xf32>
        %swap3A_315 = arith.index_cast %add3A_163 : i32 to index
        %swap3A_316 = arith.index_cast %add3A_301 : i32 to index
        %swap3A_317 = tpu.vector_load %arg10[%swap3A_315, %swap3A_316] {strides = array<i32>} : memref<64x768xf32, #tpu.memory_space<vmem>>, vector<1x16xf32>,
        %swap3A_318 = vector.shape_cast %swap3A_317 : vector<1x16xf32> to vector<16xf32>
        %swap3A_319 = vector.shape_cast %add3A_314 : vector<16xf32> to vector<1x16xf32>
        tpu.vector_store %arg10[%swap3A_315, %swap3A_316], %swap3A_319 {strides = array<i32>} : memref<64x768xf32, #tpu.memory_space<vmem>>, vector<1x16xf32>,
        %mul3A_320 = arith.constant 64 : i32
        %mul3A_321 = arith.muli %scan3A_254, %mul3A_320 : i32
        %add3A_322 = arith.constant 48 : i32
        %add3A_323 = arith.addi %mul3A_321, %add3A_322 : i32
        %get3A_324 = arith.index_cast %add3A_163 : i32 to index
        %get3A_325 = arith.index_cast %add3A_323 : i32 to index
        %get3A_326 = tpu.vector_load %arg10[%get3A_324, %get3A_325] {strides = array<i32>} : memref<64x768xf32, #tpu.memory_space<vmem>>, vector<1x16xf32>,
        %get3A_327 = vector.shape_cast %get3A_326 : vector<1x16xf32> to vector<16xf32>
        %mul3A_328 = vector.broadcast %squeeze3A_157 : f32 to vector<16xf32>
        %mul3A_329 = arith.mulf %mul3A_328, %get3A_327 : vector<16xf32>
        %get3A_330 = arith.index_cast %add3A_163 : i32 to index
        %get3A_331 = arith.index_cast %add3A_323 : i32 to index
        %get3A_332 = tpu.vector_load %arg11[%get3A_330, %get3A_331] {strides = array<i32>} : memref<64x768xf32, #tpu.memory_space<vmem>>, vector<1x16xf32>,
        %get3A_333 = vector.shape_cast %get3A_332 : vector<1x16xf32> to vector<16xf32>
        %mul3A_334 = vector.broadcast %squeeze3A_159 : f32 to vector<16xf32>
        %mul3A_335 = arith.mulf %mul3A_334, %get3A_333 : vector<16xf32>
        %add3A_336 = arith.addf %mul3A_329, %mul3A_335 : vector<16xf32>
        %swap3A_337 = arith.index_cast %add3A_163 : i32 to index
        %swap3A_338 = arith.index_cast %add3A_323 : i32 to index
        %swap3A_339 = tpu.vector_load %arg10[%swap3A_337, %swap3A_338] {strides = array<i32>} : memref<64x768xf32, #tpu.memory_space<vmem>>, vector<1x16xf32>,
        %swap3A_340 = vector.shape_cast %swap3A_339 : vector<1x16xf32> to vector<16xf32>
        %swap3A_341 = vector.shape_cast %add3A_336 : vector<16xf32> to vector<1x16xf32>
        tpu.vector_store %arg10[%swap3A_337, %swap3A_338], %swap3A_341 {strides = array<i32>} : memref<64x768xf32, #tpu.memory_space<vmem>>, vector<1x16xf32>,
      }
      %scan3A_169 = arith.constant 12 : i32
      %slice3A_170 = vector.extract_strided_slice %get3A_26 {offsets = [10], sizes = [1], strides = [1]} : vector<16xf32> to vector<1xf32>
      %squeeze3A_171 = vector.extract %slice3A_170[0] : f32 from vector<1xf32>
      %slice3A_172 = vector.extract_strided_slice %get3A_31 {offsets = [10], sizes = [1], strides = [1]} : vector<16xf32> to vector<1xf32>
      %squeeze3A_173 = vector.extract %slice3A_172[0] : f32 from vector<1xf32>
      %mul3A_174 = arith.constant 16 : i32
      %mul3A_175 = arith.muli %scan3A_22, %mul3A_174 : i32
      %add3A_176 = arith.constant 10 : i32
      %add3A_177 = arith.addi %mul3A_175, %add3A_176 : i32
      %scan3A_178 = arith.constant 0 : i32
      %scan3A_179 = arith.constant 0 : i32
      %scan3A_180 = arith.constant 12 : i32
      %scan3A_181 = arith.addi %scan3A_179, %scan3A_180 : i32
      %scan3A_182 = arith.constant 1 : i32
      scf.for %scan3A_254 = %scan3A_179 to %scan3A_181 step %scan3A_182  : i32 {
        %mul3A_255 = arith.constant 64 : i32
        %mul3A_256 = arith.muli %scan3A_254, %mul3A_255 : i32
        %add3A_257 = arith.constant 0 : i32
        %add3A_258 = arith.addi %mul3A_256, %add3A_257 : i32
        %get3A_259 = arith.index_cast %add3A_177 : i32 to index
        %get3A_260 = arith.index_cast %add3A_258 : i32 to index
        %get3A_261 = tpu.vector_load %arg10[%get3A_259, %get3A_260] {strides = array<i32>} : memref<64x768xf32, #tpu.memory_space<vmem>>, vector<1x16xf32>,
        %get3A_262 = vector.shape_cast %get3A_261 : vector<1x16xf32> to vector<16xf32>
        %mul3A_263 = vector.broadcast %squeeze3A_171 : f32 to vector<16xf32>
        %mul3A_264 = arith.mulf %mul3A_263, %get3A_262 : vector<16xf32>
        %get3A_265 = arith.index_cast %add3A_177 : i32 to index
        %get3A_266 = arith.index_cast %add3A_258 : i32 to index
        %get3A_267 = tpu.vector_load %arg11[%get3A_265, %get3A_266] {strides = array<i32>} : memref<64x768xf32, #tpu.memory_space<vmem>>, vector<1x16xf32>,
        %get3A_268 = vector.shape_cast %get3A_267 : vector<1x16xf32> to vector<16xf32>
        %mul3A_269 = vector.broadcast %squeeze3A_173 : f32 to vector<16xf32>
        %mul3A_270 = arith.mulf %mul3A_269, %get3A_268 : vector<16xf32>
        %add3A_271 = arith.addf %mul3A_264, %mul3A_270 : vector<16xf32>
        %swap3A = arith.index_cast %add3A_177 : i32 to index
        %swap3A_272 = arith.index_cast %add3A_258 : i32 to index
        %swap3A_273 = tpu.vector_load %arg10[%swap3A, %swap3A_272] {strides = array<i32>} : memref<64x768xf32, #tpu.memory_space<vmem>>, vector<1x16xf32>,
        %swap3A_274 = vector.shape_cast %swap3A_273 : vector<1x16xf32> to vector<16xf32>
        %swap3A_275 = vector.shape_cast %add3A_271 : vector<16xf32> to vector<1x16xf32>
        tpu.vector_store %arg10[%swap3A, %swap3A_272], %swap3A_275 {strides = array<i32>} : memref<64x768xf32, #tpu.memory_space<vmem>>, vector<1x16xf32>,
        %mul3A_276 = arith.constant 64 : i32
        %mul3A_277 = arith.muli %scan3A_254, %mul3A_276 : i32
        %add3A_278 = arith.constant 16 : i32
        %add3A_279 = arith.addi %mul3A_277, %add3A_278 : i32
        %get3A_280 = arith.index_cast %add3A_177 : i32 to index
        %get3A_281 = arith.index_cast %add3A_279 : i32 to index
        %get3A_282 = tpu.vector_load %arg10[%get3A_280, %get3A_281] {strides = array<i32>} : memref<64x768xf32, #tpu.memory_space<vmem>>, vector<1x16xf32>,
        %get3A_283 = vector.shape_cast %get3A_282 : vector<1x16xf32> to vector<16xf32>
        %mul3A_284 = vector.broadcast %squeeze3A_171 : f32 to vector<16xf32>
        %mul3A_285 = arith.mulf %mul3A_284, %get3A_283 : vector<16xf32>
        %get3A_286 = arith.index_cast %add3A_177 : i32 to index
        %get3A_287 = arith.index_cast %add3A_279 : i32 to index
        %get3A_288 = tpu.vector_load %arg11[%get3A_286, %get3A_287] {strides = array<i32>} : memref<64x768xf32, #tpu.memory_space<vmem>>, vector<1x16xf32>,
        %get3A_289 = vector.shape_cast %get3A_288 : vector<1x16xf32> to vector<16xf32>
        %mul3A_290 = vector.broadcast %squeeze3A_173 : f32 to vector<16xf32>
        %mul3A_291 = arith.mulf %mul3A_290, %get3A_289 : vector<16xf32>
        %add3A_292 = arith.addf %mul3A_285, %mul3A_291 : vector<16xf32>
        %swap3A_293 = arith.index_cast %add3A_177 : i32 to index
        %swap3A_294 = arith.index_cast %add3A_279 : i32 to index
        %swap3A_295 = tpu.vector_load %arg10[%swap3A_293, %swap3A_294] {strides = array<i32>} : memref<64x768xf32, #tpu.memory_space<vmem>>, vector<1x16xf32>,
        %swap3A_296 = vector.shape_cast %swap3A_295 : vector<1x16xf32> to vector<16xf32>
        %swap3A_297 = vector.shape_cast %add3A_292 : vector<16xf32> to vector<1x16xf32>
        tpu.vector_store %arg10[%swap3A_293, %swap3A_294], %swap3A_297 {strides = array<i32>} : memref<64x768xf32, #tpu.memory_space<vmem>>, vector<1x16xf32>,
        %mul3A_298 = arith.constant 64 : i32
        %mul3A_299 = arith.muli %scan3A_254, %mul3A_298 : i32
        %add3A_300 = arith.constant 32 : i32
        %add3A_301 = arith.addi %mul3A_299, %add3A_300 : i32
        %get3A_302 = arith.index_cast %add3A_177 : i32 to index
        %get3A_303 = arith.index_cast %add3A_301 : i32 to index
        %get3A_304 = tpu.vector_load %arg10[%get3A_302, %get3A_303] {strides = array<i32>} : memref<64x768xf32, #tpu.memory_space<vmem>>, vector<1x16xf32>,
        %get3A_305 = vector.shape_cast %get3A_304 : vector<1x16xf32> to vector<16xf32>
        %mul3A_306 = vector.broadcast %squeeze3A_171 : f32 to vector<16xf32>
        %mul3A_307 = arith.mulf %mul3A_306, %get3A_305 : vector<16xf32>
        %get3A_308 = arith.index_cast %add3A_177 : i32 to index
        %get3A_309 = arith.index_cast %add3A_301 : i32 to index
        %get3A_310 = tpu.vector_load %arg11[%get3A_308, %get3A_309] {strides = array<i32>} : memref<64x768xf32, #tpu.memory_space<vmem>>, vector<1x16xf32>,
        %get3A_311 = vector.shape_cast %get3A_310 : vector<1x16xf32> to vector<16xf32>
        %mul3A_312 = vector.broadcast %squeeze3A_173 : f32 to vector<16xf32>
        %mul3A_313 = arith.mulf %mul3A_312, %get3A_311 : vector<16xf32>
        %add3A_314 = arith.addf %mul3A_307, %mul3A_313 : vector<16xf32>
        %swap3A_315 = arith.index_cast %add3A_177 : i32 to index
        %swap3A_316 = arith.index_cast %add3A_301 : i32 to index
        %swap3A_317 = tpu.vector_load %arg10[%swap3A_315, %swap3A_316] {strides = array<i32>} : memref<64x768xf32, #tpu.memory_space<vmem>>, vector<1x16xf32>,
        %swap3A_318 = vector.shape_cast %swap3A_317 : vector<1x16xf32> to vector<16xf32>
        %swap3A_319 = vector.shape_cast %add3A_314 : vector<16xf32> to vector<1x16xf32>
        tpu.vector_store %arg10[%swap3A_315, %swap3A_316], %swap3A_319 {strides = array<i32>} : memref<64x768xf32, #tpu.memory_space<vmem>>, vector<1x16xf32>,
        %mul3A_320 = arith.constant 64 : i32
        %mul3A_321 = arith.muli %scan3A_254, %mul3A_320 : i32
        %add3A_322 = arith.constant 48 : i32
        %add3A_323 = arith.addi %mul3A_321, %add3A_322 : i32
        %get3A_324 = arith.index_cast %add3A_177 : i32 to index
        %get3A_325 = arith.index_cast %add3A_323 : i32 to index
        %get3A_326 = tpu.vector_load %arg10[%get3A_324, %get3A_325] {strides = array<i32>} : memref<64x768xf32, #tpu.memory_space<vmem>>, vector<1x16xf32>,
        %get3A_327 = vector.shape_cast %get3A_326 : vector<1x16xf32> to vector<16xf32>
        %mul3A_328 = vector.broadcast %squeeze3A_171 : f32 to vector<16xf32>
        %mul3A_329 = arith.mulf %mul3A_328, %get3A_327 : vector<16xf32>
        %get3A_330 = arith.index_cast %add3A_177 : i32 to index
        %get3A_331 = arith.index_cast %add3A_323 : i32 to index
        %get3A_332 = tpu.vector_load %arg11[%get3A_330, %get3A_331] {strides = array<i32>} : memref<64x768xf32, #tpu.memory_space<vmem>>, vector<1x16xf32>,
        %get3A_333 = vector.shape_cast %get3A_332 : vector<1x16xf32> to vector<16xf32>
        %mul3A_334 = vector.broadcast %squeeze3A_173 : f32 to vector<16xf32>
        %mul3A_335 = arith.mulf %mul3A_334, %get3A_333 : vector<16xf32>
        %add3A_336 = arith.addf %mul3A_329, %mul3A_335 : vector<16xf32>
        %swap3A_337 = arith.index_cast %add3A_177 : i32 to index
        %swap3A_338 = arith.index_cast %add3A_323 : i32 to index
        %swap3A_339 = tpu.vector_load %arg10[%swap3A_337, %swap3A_338] {strides = array<i32>} : memref<64x768xf32, #tpu.memory_space<vmem>>, vector<1x16xf32>,
        %swap3A_340 = vector.shape_cast %swap3A_339 : vector<1x16xf32> to vector<16xf32>
        %swap3A_341 = vector.shape_cast %add3A_336 : vector<16xf32> to vector<1x16xf32>
        tpu.vector_store %arg10[%swap3A_337, %swap3A_338], %swap3A_341 {strides = array<i32>} : memref<64x768xf32, #tpu.memory_space<vmem>>, vector<1x16xf32>,
      }
      %scan3A_183 = arith.constant 12 : i32
      %slice3A_184 = vector.extract_strided_slice %get3A_26 {offsets = [11], sizes = [1], strides = [1]} : vector<16xf32> to vector<1xf32>
      %squeeze3A_185 = vector.extract %slice3A_184[0] : f32 from vector<1xf32>
      %slice3A_186 = vector.extract_strided_slice %get3A_31 {offsets = [11], sizes = [1], strides = [1]} : vector<16xf32> to vector<1xf32>
      %squeeze3A_187 = vector.extract %slice3A_186[0] : f32 from vector<1xf32>
      %mul3A_188 = arith.constant 16 : i32
      %mul3A_189 = arith.muli %scan3A_22, %mul3A_188 : i32
      %add3A_190 = arith.constant 11 : i32
      %add3A_191 = arith.addi %mul3A_189, %add3A_190 : i32
      %scan3A_192 = arith.constant 0 : i32
      %scan3A_193 = arith.constant 0 : i32
      %scan3A_194 = arith.constant 12 : i32
      %scan3A_195 = arith.addi %scan3A_193, %scan3A_194 : i32
      %scan3A_196 = arith.constant 1 : i32
      scf.for %scan3A_254 = %scan3A_193 to %scan3A_195 step %scan3A_196  : i32 {
        %mul3A_255 = arith.constant 64 : i32
        %mul3A_256 = arith.muli %scan3A_254, %mul3A_255 : i32
        %add3A_257 = arith.constant 0 : i32
        %add3A_258 = arith.addi %mul3A_256, %add3A_257 : i32
        %get3A_259 = arith.index_cast %add3A_191 : i32 to index
        %get3A_260 = arith.index_cast %add3A_258 : i32 to index
        %get3A_261 = tpu.vector_load %arg10[%get3A_259, %get3A_260] {strides = array<i32>} : memref<64x768xf32, #tpu.memory_space<vmem>>, vector<1x16xf32>,
        %get3A_262 = vector.shape_cast %get3A_261 : vector<1x16xf32> to vector<16xf32>
        %mul3A_263 = vector.broadcast %squeeze3A_185 : f32 to vector<16xf32>
        %mul3A_264 = arith.mulf %mul3A_263, %get3A_262 : vector<16xf32>
        %get3A_265 = arith.index_cast %add3A_191 : i32 to index
        %get3A_266 = arith.index_cast %add3A_258 : i32 to index
        %get3A_267 = tpu.vector_load %arg11[%get3A_265, %get3A_266] {strides = array<i32>} : memref<64x768xf32, #tpu.memory_space<vmem>>, vector<1x16xf32>,
        %get3A_268 = vector.shape_cast %get3A_267 : vector<1x16xf32> to vector<16xf32>
        %mul3A_269 = vector.broadcast %squeeze3A_187 : f32 to vector<16xf32>
        %mul3A_270 = arith.mulf %mul3A_269, %get3A_268 : vector<16xf32>
        %add3A_271 = arith.addf %mul3A_264, %mul3A_270 : vector<16xf32>
        %swap3A = arith.index_cast %add3A_191 : i32 to index
        %swap3A_272 = arith.index_cast %add3A_258 : i32 to index
        %swap3A_273 = tpu.vector_load %arg10[%swap3A, %swap3A_272] {strides = array<i32>} : memref<64x768xf32, #tpu.memory_space<vmem>>, vector<1x16xf32>,
        %swap3A_274 = vector.shape_cast %swap3A_273 : vector<1x16xf32> to vector<16xf32>
        %swap3A_275 = vector.shape_cast %add3A_271 : vector<16xf32> to vector<1x16xf32>
        tpu.vector_store %arg10[%swap3A, %swap3A_272], %swap3A_275 {strides = array<i32>} : memref<64x768xf32, #tpu.memory_space<vmem>>, vector<1x16xf32>,
        %mul3A_276 = arith.constant 64 : i32
        %mul3A_277 = arith.muli %scan3A_254, %mul3A_276 : i32
        %add3A_278 = arith.constant 16 : i32
        %add3A_279 = arith.addi %mul3A_277, %add3A_278 : i32
        %get3A_280 = arith.index_cast %add3A_191 : i32 to index
        %get3A_281 = arith.index_cast %add3A_279 : i32 to index
        %get3A_282 = tpu.vector_load %arg10[%get3A_280, %get3A_281] {strides = array<i32>} : memref<64x768xf32, #tpu.memory_space<vmem>>, vector<1x16xf32>,
        %get3A_283 = vector.shape_cast %get3A_282 : vector<1x16xf32> to vector<16xf32>
        %mul3A_284 = vector.broadcast %squeeze3A_185 : f32 to vector<16xf32>
        %mul3A_285 = arith.mulf %mul3A_284, %get3A_283 : vector<16xf32>
        %get3A_286 = arith.index_cast %add3A_191 : i32 to index
        %get3A_287 = arith.index_cast %add3A_279 : i32 to index
        %get3A_288 = tpu.vector_load %arg11[%get3A_286, %get3A_287] {strides = array<i32>} : memref<64x768xf32, #tpu.memory_space<vmem>>, vector<1x16xf32>,
        %get3A_289 = vector.shape_cast %get3A_288 : vector<1x16xf32> to vector<16xf32>
        %mul3A_290 = vector.broadcast %squeeze3A_187 : f32 to vector<16xf32>
        %mul3A_291 = arith.mulf %mul3A_290, %get3A_289 : vector<16xf32>
        %add3A_292 = arith.addf %mul3A_285, %mul3A_291 : vector<16xf32>
        %swap3A_293 = arith.index_cast %add3A_191 : i32 to index
        %swap3A_294 = arith.index_cast %add3A_279 : i32 to index
        %swap3A_295 = tpu.vector_load %arg10[%swap3A_293, %swap3A_294] {strides = array<i32>} : memref<64x768xf32, #tpu.memory_space<vmem>>, vector<1x16xf32>,
        %swap3A_296 = vector.shape_cast %swap3A_295 : vector<1x16xf32> to vector<16xf32>
        %swap3A_297 = vector.shape_cast %add3A_292 : vector<16xf32> to vector<1x16xf32>
        tpu.vector_store %arg10[%swap3A_293, %swap3A_294], %swap3A_297 {strides = array<i32>} : memref<64x768xf32, #tpu.memory_space<vmem>>, vector<1x16xf32>,
        %mul3A_298 = arith.constant 64 : i32
        %mul3A_299 = arith.muli %scan3A_254, %mul3A_298 : i32
        %add3A_300 = arith.constant 32 : i32
        %add3A_301 = arith.addi %mul3A_299, %add3A_300 : i32
        %get3A_302 = arith.index_cast %add3A_191 : i32 to index
        %get3A_303 = arith.index_cast %add3A_301 : i32 to index
        %get3A_304 = tpu.vector_load %arg10[%get3A_302, %get3A_303] {strides = array<i32>} : memref<64x768xf32, #tpu.memory_space<vmem>>, vector<1x16xf32>,
        %get3A_305 = vector.shape_cast %get3A_304 : vector<1x16xf32> to vector<16xf32>
        %mul3A_306 = vector.broadcast %squeeze3A_185 : f32 to vector<16xf32>
        %mul3A_307 = arith.mulf %mul3A_306, %get3A_305 : vector<16xf32>
        %get3A_308 = arith.index_cast %add3A_191 : i32 to index
        %get3A_309 = arith.index_cast %add3A_301 : i32 to index
        %get3A_310 = tpu.vector_load %arg11[%get3A_308, %get3A_309] {strides = array<i32>} : memref<64x768xf32, #tpu.memory_space<vmem>>, vector<1x16xf32>,
        %get3A_311 = vector.shape_cast %get3A_310 : vector<1x16xf32> to vector<16xf32>
        %mul3A_312 = vector.broadcast %squeeze3A_187 : f32 to vector<16xf32>
        %mul3A_313 = arith.mulf %mul3A_312, %get3A_311 : vector<16xf32>
        %add3A_314 = arith.addf %mul3A_307, %mul3A_313 : vector<16xf32>
        %swap3A_315 = arith.index_cast %add3A_191 : i32 to index
        %swap3A_316 = arith.index_cast %add3A_301 : i32 to index
        %swap3A_317 = tpu.vector_load %arg10[%swap3A_315, %swap3A_316] {strides = array<i32>} : memref<64x768xf32, #tpu.memory_space<vmem>>, vector<1x16xf32>,
        %swap3A_318 = vector.shape_cast %swap3A_317 : vector<1x16xf32> to vector<16xf32>
        %swap3A_319 = vector.shape_cast %add3A_314 : vector<16xf32> to vector<1x16xf32>
        tpu.vector_store %arg10[%swap3A_315, %swap3A_316], %swap3A_319 {strides = array<i32>} : memref<64x768xf32, #tpu.memory_space<vmem>>, vector<1x16xf32>,
        %mul3A_320 = arith.constant 64 : i32
        %mul3A_321 = arith.muli %scan3A_254, %mul3A_320 : i32
        %add3A_322 = arith.constant 48 : i32
        %add3A_323 = arith.addi %mul3A_321, %add3A_322 : i32
        %get3A_324 = arith.index_cast %add3A_191 : i32 to index
        %get3A_325 = arith.index_cast %add3A_323 : i32 to index
        %get3A_326 = tpu.vector_load %arg10[%get3A_324, %get3A_325] {strides = array<i32>} : memref<64x768xf32, #tpu.memory_space<vmem>>, vector<1x16xf32>,
        %get3A_327 = vector.shape_cast %get3A_326 : vector<1x16xf32> to vector<16xf32>
        %mul3A_328 = vector.broadcast %squeeze3A_185 : f32 to vector<16xf32>
        %mul3A_329 = arith.mulf %mul3A_328, %get3A_327 : vector<16xf32>
        %get3A_330 = arith.index_cast %add3A_191 : i32 to index
        %get3A_331 = arith.index_cast %add3A_323 : i32 to index
        %get3A_332 = tpu.vector_load %arg11[%get3A_330, %get3A_331] {strides = array<i32>} : memref<64x768xf32, #tpu.memory_space<vmem>>, vector<1x16xf32>,
        %get3A_333 = vector.shape_cast %get3A_332 : vector<1x16xf32> to vector<16xf32>
        %mul3A_334 = vector.broadcast %squeeze3A_187 : f32 to vector<16xf32>
        %mul3A_335 = arith.mulf %mul3A_334, %get3A_333 : vector<16xf32>
        %add3A_336 = arith.addf %mul3A_329, %mul3A_335 : vector<16xf32>
        %swap3A_337 = arith.index_cast %add3A_191 : i32 to index
        %swap3A_338 = arith.index_cast %add3A_323 : i32 to index
        %swap3A_339 = tpu.vector_load %arg10[%swap3A_337, %swap3A_338] {strides = array<i32>} : memref<64x768xf32, #tpu.memory_space<vmem>>, vector<1x16xf32>,
        %swap3A_340 = vector.shape_cast %swap3A_339 : vector<1x16xf32> to vector<16xf32>
        %swap3A_341 = vector.shape_cast %add3A_336 : vector<16xf32> to vector<1x16xf32>
        tpu.vector_store %arg10[%swap3A_337, %swap3A_338], %swap3A_341 {strides = array<i32>} : memref<64x768xf32, #tpu.memory_space<vmem>>, vector<1x16xf32>,
      }
      %scan3A_197 = arith.constant 12 : i32
      %slice3A_198 = vector.extract_strided_slice %get3A_26 {offsets = [12], sizes = [1], strides = [1]} : vector<16xf32> to vector<1xf32>
      %squeeze3A_199 = vector.extract %slice3A_198[0] : f32 from vector<1xf32>
      %slice3A_200 = vector.extract_strided_slice %get3A_31 {offsets = [12], sizes = [1], strides = [1]} : vector<16xf32> to vector<1xf32>
      %squeeze3A_201 = vector.extract %slice3A_200[0] : f32 from vector<1xf32>
      %mul3A_202 = arith.constant 16 : i32
      %mul3A_203 = arith.muli %scan3A_22, %mul3A_202 : i32
      %add3A_204 = arith.constant 12 : i32
      %add3A_205 = arith.addi %mul3A_203, %add3A_204 : i32
      %scan3A_206 = arith.constant 0 : i32
      %scan3A_207 = arith.constant 0 : i32
      %scan3A_208 = arith.constant 12 : i32
      %scan3A_209 = arith.addi %scan3A_207, %scan3A_208 : i32
      %scan3A_210 = arith.constant 1 : i32
      scf.for %scan3A_254 = %scan3A_207 to %scan3A_209 step %scan3A_210  : i32 {
        %mul3A_255 = arith.constant 64 : i32
        %mul3A_256 = arith.muli %scan3A_254, %mul3A_255 : i32
        %add3A_257 = arith.constant 0 : i32
        %add3A_258 = arith.addi %mul3A_256, %add3A_257 : i32
        %get3A_259 = arith.index_cast %add3A_205 : i32 to index
        %get3A_260 = arith.index_cast %add3A_258 : i32 to index
        %get3A_261 = tpu.vector_load %arg10[%get3A_259, %get3A_260] {strides = array<i32>} : memref<64x768xf32, #tpu.memory_space<vmem>>, vector<1x16xf32>,
        %get3A_262 = vector.shape_cast %get3A_261 : vector<1x16xf32> to vector<16xf32>
        %mul3A_263 = vector.broadcast %squeeze3A_199 : f32 to vector<16xf32>
        %mul3A_264 = arith.mulf %mul3A_263, %get3A_262 : vector<16xf32>
        %get3A_265 = arith.index_cast %add3A_205 : i32 to index
        %get3A_266 = arith.index_cast %add3A_258 : i32 to index
        %get3A_267 = tpu.vector_load %arg11[%get3A_265, %get3A_266] {strides = array<i32>} : memref<64x768xf32, #tpu.memory_space<vmem>>, vector<1x16xf32>,
        %get3A_268 = vector.shape_cast %get3A_267 : vector<1x16xf32> to vector<16xf32>
        %mul3A_269 = vector.broadcast %squeeze3A_201 : f32 to vector<16xf32>
        %mul3A_270 = arith.mulf %mul3A_269, %get3A_268 : vector<16xf32>
        %add3A_271 = arith.addf %mul3A_264, %mul3A_270 : vector<16xf32>
        %swap3A = arith.index_cast %add3A_205 : i32 to index
        %swap3A_272 = arith.index_cast %add3A_258 : i32 to index
        %swap3A_273 = tpu.vector_load %arg10[%swap3A, %swap3A_272] {strides = array<i32>} : memref<64x768xf32, #tpu.memory_space<vmem>>, vector<1x16xf32>,
        %swap3A_274 = vector.shape_cast %swap3A_273 : vector<1x16xf32> to vector<16xf32>
        %swap3A_275 = vector.shape_cast %add3A_271 : vector<16xf32> to vector<1x16xf32>
        tpu.vector_store %arg10[%swap3A, %swap3A_272], %swap3A_275 {strides = array<i32>} : memref<64x768xf32, #tpu.memory_space<vmem>>, vector<1x16xf32>,
        %mul3A_276 = arith.constant 64 : i32
        %mul3A_277 = arith.muli %scan3A_254, %mul3A_276 : i32
        %add3A_278 = arith.constant 16 : i32
        %add3A_279 = arith.addi %mul3A_277, %add3A_278 : i32
        %get3A_280 = arith.index_cast %add3A_205 : i32 to index
        %get3A_281 = arith.index_cast %add3A_279 : i32 to index
        %get3A_282 = tpu.vector_load %arg10[%get3A_280, %get3A_281] {strides = array<i32>} : memref<64x768xf32, #tpu.memory_space<vmem>>, vector<1x16xf32>,
        %get3A_283 = vector.shape_cast %get3A_282 : vector<1x16xf32> to vector<16xf32>
        %mul3A_284 = vector.broadcast %squeeze3A_199 : f32 to vector<16xf32>
        %mul3A_285 = arith.mulf %mul3A_284, %get3A_283 : vector<16xf32>
        %get3A_286 = arith.index_cast %add3A_205 : i32 to index
        %get3A_287 = arith.index_cast %add3A_279 : i32 to index
        %get3A_288 = tpu.vector_load %arg11[%get3A_286, %get3A_287] {strides = array<i32>} : memref<64x768xf32, #tpu.memory_space<vmem>>, vector<1x16xf32>,
        %get3A_289 = vector.shape_cast %get3A_288 : vector<1x16xf32> to vector<16xf32>
        %mul3A_290 = vector.broadcast %squeeze3A_201 : f32 to vector<16xf32>
        %mul3A_291 = arith.mulf %mul3A_290, %get3A_289 : vector<16xf32>
        %add3A_292 = arith.addf %mul3A_285, %mul3A_291 : vector<16xf32>
        %swap3A_293 = arith.index_cast %add3A_205 : i32 to index
        %swap3A_294 = arith.index_cast %add3A_279 : i32 to index
        %swap3A_295 = tpu.vector_load %arg10[%swap3A_293, %swap3A_294] {strides = array<i32>} : memref<64x768xf32, #tpu.memory_space<vmem>>, vector<1x16xf32>,
        %swap3A_296 = vector.shape_cast %swap3A_295 : vector<1x16xf32> to vector<16xf32>
        %swap3A_297 = vector.shape_cast %add3A_292 : vector<16xf32> to vector<1x16xf32>
        tpu.vector_store %arg10[%swap3A_293, %swap3A_294], %swap3A_297 {strides = array<i32>} : memref<64x768xf32, #tpu.memory_space<vmem>>, vector<1x16xf32>,
        %mul3A_298 = arith.constant 64 : i32
        %mul3A_299 = arith.muli %scan3A_254, %mul3A_298 : i32
        %add3A_300 = arith.constant 32 : i32
        %add3A_301 = arith.addi %mul3A_299, %add3A_300 : i32
        %get3A_302 = arith.index_cast %add3A_205 : i32 to index
        %get3A_303 = arith.index_cast %add3A_301 : i32 to index
        %get3A_304 = tpu.vector_load %arg10[%get3A_302, %get3A_303] {strides = array<i32>} : memref<64x768xf32, #tpu.memory_space<vmem>>, vector<1x16xf32>,
        %get3A_305 = vector.shape_cast %get3A_304 : vector<1x16xf32> to vector<16xf32>
        %mul3A_306 = vector.broadcast %squeeze3A_199 : f32 to vector<16xf32>
        %mul3A_307 = arith.mulf %mul3A_306, %get3A_305 : vector<16xf32>
        %get3A_308 = arith.index_cast %add3A_205 : i32 to index
        %get3A_309 = arith.index_cast %add3A_301 : i32 to index
        %get3A_310 = tpu.vector_load %arg11[%get3A_308, %get3A_309] {strides = array<i32>} : memref<64x768xf32, #tpu.memory_space<vmem>>, vector<1x16xf32>,
        %get3A_311 = vector.shape_cast %get3A_310 : vector<1x16xf32> to vector<16xf32>
        %mul3A_312 = vector.broadcast %squeeze3A_201 : f32 to vector<16xf32>
        %mul3A_313 = arith.mulf %mul3A_312, %get3A_311 : vector<16xf32>
        %add3A_314 = arith.addf %mul3A_307, %mul3A_313 : vector<16xf32>
        %swap3A_315 = arith.index_cast %add3A_205 : i32 to index
        %swap3A_316 = arith.index_cast %add3A_301 : i32 to index
        %swap3A_317 = tpu.vector_load %arg10[%swap3A_315, %swap3A_316] {strides = array<i32>} : memref<64x768xf32, #tpu.memory_space<vmem>>, vector<1x16xf32>,
        %swap3A_318 = vector.shape_cast %swap3A_317 : vector<1x16xf32> to vector<16xf32>
        %swap3A_319 = vector.shape_cast %add3A_314 : vector<16xf32> to vector<1x16xf32>
        tpu.vector_store %arg10[%swap3A_315, %swap3A_316], %swap3A_319 {strides = array<i32>} : memref<64x768xf32, #tpu.memory_space<vmem>>, vector<1x16xf32>,
        %mul3A_320 = arith.constant 64 : i32
        %mul3A_321 = arith.muli %scan3A_254, %mul3A_320 : i32
        %add3A_322 = arith.constant 48 : i32
        %add3A_323 = arith.addi %mul3A_321, %add3A_322 : i32
        %get3A_324 = arith.index_cast %add3A_205 : i32 to index
        %get3A_325 = arith.index_cast %add3A_323 : i32 to index
        %get3A_326 = tpu.vector_load %arg10[%get3A_324, %get3A_325] {strides = array<i32>} : memref<64x768xf32, #tpu.memory_space<vmem>>, vector<1x16xf32>,
        %get3A_327 = vector.shape_cast %get3A_326 : vector<1x16xf32> to vector<16xf32>
        %mul3A_328 = vector.broadcast %squeeze3A_199 : f32 to vector<16xf32>
        %mul3A_329 = arith.mulf %mul3A_328, %get3A_327 : vector<16xf32>
        %get3A_330 = arith.index_cast %add3A_205 : i32 to index
        %get3A_331 = arith.index_cast %add3A_323 : i32 to index
        %get3A_332 = tpu.vector_load %arg11[%get3A_330, %get3A_331] {strides = array<i32>} : memref<64x768xf32, #tpu.memory_space<vmem>>, vector<1x16xf32>,
        %get3A_333 = vector.shape_cast %get3A_332 : vector<1x16xf32> to vector<16xf32>
        %mul3A_334 = vector.broadcast %squeeze3A_201 : f32 to vector<16xf32>
        %mul3A_335 = arith.mulf %mul3A_334, %get3A_333 : vector<16xf32>
        %add3A_336 = arith.addf %mul3A_329, %mul3A_335 : vector<16xf32>
        %swap3A_337 = arith.index_cast %add3A_205 : i32 to index
        %swap3A_338 = arith.index_cast %add3A_323 : i32 to index
        %swap3A_339 = tpu.vector_load %arg10[%swap3A_337, %swap3A_338] {strides = array<i32>} : memref<64x768xf32, #tpu.memory_space<vmem>>, vector<1x16xf32>,
        %swap3A_340 = vector.shape_cast %swap3A_339 : vector<1x16xf32> to vector<16xf32>
        %swap3A_341 = vector.shape_cast %add3A_336 : vector<16xf32> to vector<1x16xf32>
        tpu.vector_store %arg10[%swap3A_337, %swap3A_338], %swap3A_341 {strides = array<i32>} : memref<64x768xf32, #tpu.memory_space<vmem>>, vector<1x16xf32>,
      }
      %scan3A_211 = arith.constant 12 : i32
      %slice3A_212 = vector.extract_strided_slice %get3A_26 {offsets = [13], sizes = [1], strides = [1]} : vector<16xf32> to vector<1xf32>
      %squeeze3A_213 = vector.extract %slice3A_212[0] : f32 from vector<1xf32>
      %slice3A_214 = vector.extract_strided_slice %get3A_31 {offsets = [13], sizes = [1], strides = [1]} : vector<16xf32> to vector<1xf32>
      %squeeze3A_215 = vector.extract %slice3A_214[0] : f32 from vector<1xf32>
      %mul3A_216 = arith.constant 16 : i32
      %mul3A_217 = arith.muli %scan3A_22, %mul3A_216 : i32
      %add3A_218 = arith.constant 13 : i32
      %add3A_219 = arith.addi %mul3A_217, %add3A_218 : i32
      %scan3A_220 = arith.constant 0 : i32
      %scan3A_221 = arith.constant 0 : i32
      %scan3A_222 = arith.constant 12 : i32
      %scan3A_223 = arith.addi %scan3A_221, %scan3A_222 : i32
      %scan3A_224 = arith.constant 1 : i32
      scf.for %scan3A_254 = %scan3A_221 to %scan3A_223 step %scan3A_224  : i32 {
        %mul3A_255 = arith.constant 64 : i32
        %mul3A_256 = arith.muli %scan3A_254, %mul3A_255 : i32
        %add3A_257 = arith.constant 0 : i32
        %add3A_258 = arith.addi %mul3A_256, %add3A_257 : i32
        %get3A_259 = arith.index_cast %add3A_219 : i32 to index
        %get3A_260 = arith.index_cast %add3A_258 : i32 to index
        %get3A_261 = tpu.vector_load %arg10[%get3A_259, %get3A_260] {strides = array<i32>} : memref<64x768xf32, #tpu.memory_space<vmem>>, vector<1x16xf32>,
        %get3A_262 = vector.shape_cast %get3A_261 : vector<1x16xf32> to vector<16xf32>
        %mul3A_263 = vector.broadcast %squeeze3A_213 : f32 to vector<16xf32>
        %mul3A_264 = arith.mulf %mul3A_263, %get3A_262 : vector<16xf32>
        %get3A_265 = arith.index_cast %add3A_219 : i32 to index
        %get3A_266 = arith.index_cast %add3A_258 : i32 to index
        %get3A_267 = tpu.vector_load %arg11[%get3A_265, %get3A_266] {strides = array<i32>} : memref<64x768xf32, #tpu.memory_space<vmem>>, vector<1x16xf32>,
        %get3A_268 = vector.shape_cast %get3A_267 : vector<1x16xf32> to vector<16xf32>
        %mul3A_269 = vector.broadcast %squeeze3A_215 : f32 to vector<16xf32>
        %mul3A_270 = arith.mulf %mul3A_269, %get3A_268 : vector<16xf32>
        %add3A_271 = arith.addf %mul3A_264, %mul3A_270 : vector<16xf32>
        %swap3A = arith.index_cast %add3A_219 : i32 to index
        %swap3A_272 = arith.index_cast %add3A_258 : i32 to index
        %swap3A_273 = tpu.vector_load %arg10[%swap3A, %swap3A_272] {strides = array<i32>} : memref<64x768xf32, #tpu.memory_space<vmem>>, vector<1x16xf32>,
        %swap3A_274 = vector.shape_cast %swap3A_273 : vector<1x16xf32> to vector<16xf32>
        %swap3A_275 = vector.shape_cast %add3A_271 : vector<16xf32> to vector<1x16xf32>
        tpu.vector_store %arg10[%swap3A, %swap3A_272], %swap3A_275 {strides = array<i32>} : memref<64x768xf32, #tpu.memory_space<vmem>>, vector<1x16xf32>,
        %mul3A_276 = arith.constant 64 : i32
        %mul3A_277 = arith.muli %scan3A_254, %mul3A_276 : i32
        %add3A_278 = arith.constant 16 : i32
        %add3A_279 = arith.addi %mul3A_277, %add3A_278 : i32
        %get3A_280 = arith.index_cast %add3A_219 : i32 to index
        %get3A_281 = arith.index_cast %add3A_279 : i32 to index
        %get3A_282 = tpu.vector_load %arg10[%get3A_280, %get3A_281] {strides = array<i32>} : memref<64x768xf32, #tpu.memory_space<vmem>>, vector<1x16xf32>,
        %get3A_283 = vector.shape_cast %get3A_282 : vector<1x16xf32> to vector<16xf32>
        %mul3A_284 = vector.broadcast %squeeze3A_213 : f32 to vector<16xf32>
        %mul3A_285 = arith.mulf %mul3A_284, %get3A_283 : vector<16xf32>
        %get3A_286 = arith.index_cast %add3A_219 : i32 to index
        %get3A_287 = arith.index_cast %add3A_279 : i32 to index
        %get3A_288 = tpu.vector_load %arg11[%get3A_286, %get3A_287] {strides = array<i32>} : memref<64x768xf32, #tpu.memory_space<vmem>>, vector<1x16xf32>,
        %get3A_289 = vector.shape_cast %get3A_288 : vector<1x16xf32> to vector<16xf32>
        %mul3A_290 = vector.broadcast %squeeze3A_215 : f32 to vector<16xf32>
        %mul3A_291 = arith.mulf %mul3A_290, %get3A_289 : vector<16xf32>
        %add3A_292 = arith.addf %mul3A_285, %mul3A_291 : vector<16xf32>
        %swap3A_293 = arith.index_cast %add3A_219 : i32 to index
        %swap3A_294 = arith.index_cast %add3A_279 : i32 to index
        %swap3A_295 = tpu.vector_load %arg10[%swap3A_293, %swap3A_294] {strides = array<i32>} : memref<64x768xf32, #tpu.memory_space<vmem>>, vector<1x16xf32>,
        %swap3A_296 = vector.shape_cast %swap3A_295 : vector<1x16xf32> to vector<16xf32>
        %swap3A_297 = vector.shape_cast %add3A_292 : vector<16xf32> to vector<1x16xf32>
        tpu.vector_store %arg10[%swap3A_293, %swap3A_294], %swap3A_297 {strides = array<i32>} : memref<64x768xf32, #tpu.memory_space<vmem>>, vector<1x16xf32>,
        %mul3A_298 = arith.constant 64 : i32
        %mul3A_299 = arith.muli %scan3A_254, %mul3A_298 : i32
        %add3A_300 = arith.constant 32 : i32
        %add3A_301 = arith.addi %mul3A_299, %add3A_300 : i32
        %get3A_302 = arith.index_cast %add3A_219 : i32 to index
        %get3A_303 = arith.index_cast %add3A_301 : i32 to index
        %get3A_304 = tpu.vector_load %arg10[%get3A_302, %get3A_303] {strides = array<i32>} : memref<64x768xf32, #tpu.memory_space<vmem>>, vector<1x16xf32>,
        %get3A_305 = vector.shape_cast %get3A_304 : vector<1x16xf32> to vector<16xf32>
        %mul3A_306 = vector.broadcast %squeeze3A_213 : f32 to vector<16xf32>
        %mul3A_307 = arith.mulf %mul3A_306, %get3A_305 : vector<16xf32>
        %get3A_308 = arith.index_cast %add3A_219 : i32 to index
        %get3A_309 = arith.index_cast %add3A_301 : i32 to index
        %get3A_310 = tpu.vector_load %arg11[%get3A_308, %get3A_309] {strides = array<i32>} : memref<64x768xf32, #tpu.memory_space<vmem>>, vector<1x16xf32>,
        %get3A_311 = vector.shape_cast %get3A_310 : vector<1x16xf32> to vector<16xf32>
        %mul3A_312 = vector.broadcast %squeeze3A_215 : f32 to vector<16xf32>
        %mul3A_313 = arith.mulf %mul3A_312, %get3A_311 : vector<16xf32>
        %add3A_314 = arith.addf %mul3A_307, %mul3A_313 : vector<16xf32>
        %swap3A_315 = arith.index_cast %add3A_219 : i32 to index
        %swap3A_316 = arith.index_cast %add3A_301 : i32 to index
        %swap3A_317 = tpu.vector_load %arg10[%swap3A_315, %swap3A_316] {strides = array<i32>} : memref<64x768xf32, #tpu.memory_space<vmem>>, vector<1x16xf32>,
        %swap3A_318 = vector.shape_cast %swap3A_317 : vector<1x16xf32> to vector<16xf32>
        %swap3A_319 = vector.shape_cast %add3A_314 : vector<16xf32> to vector<1x16xf32>
        tpu.vector_store %arg10[%swap3A_315, %swap3A_316], %swap3A_319 {strides = array<i32>} : memref<64x768xf32, #tpu.memory_space<vmem>>, vector<1x16xf32>,
        %mul3A_320 = arith.constant 64 : i32
        %mul3A_321 = arith.muli %scan3A_254, %mul3A_320 : i32
        %add3A_322 = arith.constant 48 : i32
        %add3A_323 = arith.addi %mul3A_321, %add3A_322 : i32
        %get3A_324 = arith.index_cast %add3A_219 : i32 to index
        %get3A_325 = arith.index_cast %add3A_323 : i32 to index
        %get3A_326 = tpu.vector_load %arg10[%get3A_324, %get3A_325] {strides = array<i32>} : memref<64x768xf32, #tpu.memory_space<vmem>>, vector<1x16xf32>,
        %get3A_327 = vector.shape_cast %get3A_326 : vector<1x16xf32> to vector<16xf32>
        %mul3A_328 = vector.broadcast %squeeze3A_213 : f32 to vector<16xf32>
        %mul3A_329 = arith.mulf %mul3A_328, %get3A_327 : vector<16xf32>
        %get3A_330 = arith.index_cast %add3A_219 : i32 to index
        %get3A_331 = arith.index_cast %add3A_323 : i32 to index
        %get3A_332 = tpu.vector_load %arg11[%get3A_330, %get3A_331] {strides = array<i32>} : memref<64x768xf32, #tpu.memory_space<vmem>>, vector<1x16xf32>,
        %get3A_333 = vector.shape_cast %get3A_332 : vector<1x16xf32> to vector<16xf32>
        %mul3A_334 = vector.broadcast %squeeze3A_215 : f32 to vector<16xf32>
        %mul3A_335 = arith.mulf %mul3A_334, %get3A_333 : vector<16xf32>
        %add3A_336 = arith.addf %mul3A_329, %mul3A_335 : vector<16xf32>
        %swap3A_337 = arith.index_cast %add3A_219 : i32 to index
        %swap3A_338 = arith.index_cast %add3A_323 : i32 to index
        %swap3A_339 = tpu.vector_load %arg10[%swap3A_337, %swap3A_338] {strides = array<i32>} : memref<64x768xf32, #tpu.memory_space<vmem>>, vector<1x16xf32>,
        %swap3A_340 = vector.shape_cast %swap3A_339 : vector<1x16xf32> to vector<16xf32>
        %swap3A_341 = vector.shape_cast %add3A_336 : vector<16xf32> to vector<1x16xf32>
        tpu.vector_store %arg10[%swap3A_337, %swap3A_338], %swap3A_341 {strides = array<i32>} : memref<64x768xf32, #tpu.memory_space<vmem>>, vector<1x16xf32>,
      }
      %scan3A_225 = arith.constant 12 : i32
      %slice3A_226 = vector.extract_strided_slice %get3A_26 {offsets = [14], sizes = [1], strides = [1]} : vector<16xf32> to vector<1xf32>
      %squeeze3A_227 = vector.extract %slice3A_226[0] : f32 from vector<1xf32>
      %slice3A_228 = vector.extract_strided_slice %get3A_31 {offsets = [14], sizes = [1], strides = [1]} : vector<16xf32> to vector<1xf32>
      %squeeze3A_229 = vector.extract %slice3A_228[0] : f32 from vector<1xf32>
      %mul3A_230 = arith.constant 16 : i32
      %mul3A_231 = arith.muli %scan3A_22, %mul3A_230 : i32
      %add3A_232 = arith.constant 14 : i32
      %add3A_233 = arith.addi %mul3A_231, %add3A_232 : i32
      %scan3A_234 = arith.constant 0 : i32
      %scan3A_235 = arith.constant 0 : i32
      %scan3A_236 = arith.constant 12 : i32
      %scan3A_237 = arith.addi %scan3A_235, %scan3A_236 : i32
      %scan3A_238 = arith.constant 1 : i32
      scf.for %scan3A_254 = %scan3A_235 to %scan3A_237 step %scan3A_238  : i32 {
        %mul3A_255 = arith.constant 64 : i32
        %mul3A_256 = arith.muli %scan3A_254, %mul3A_255 : i32
        %add3A_257 = arith.constant 0 : i32
        %add3A_258 = arith.addi %mul3A_256, %add3A_257 : i32
        %get3A_259 = arith.index_cast %add3A_233 : i32 to index
        %get3A_260 = arith.index_cast %add3A_258 : i32 to index
        %get3A_261 = tpu.vector_load %arg10[%get3A_259, %get3A_260] {strides = array<i32>} : memref<64x768xf32, #tpu.memory_space<vmem>>, vector<1x16xf32>,
        %get3A_262 = vector.shape_cast %get3A_261 : vector<1x16xf32> to vector<16xf32>
        %mul3A_263 = vector.broadcast %squeeze3A_227 : f32 to vector<16xf32>
        %mul3A_264 = arith.mulf %mul3A_263, %get3A_262 : vector<16xf32>
        %get3A_265 = arith.index_cast %add3A_233 : i32 to index
        %get3A_266 = arith.index_cast %add3A_258 : i32 to index
        %get3A_267 = tpu.vector_load %arg11[%get3A_265, %get3A_266] {strides = array<i32>} : memref<64x768xf32, #tpu.memory_space<vmem>>, vector<1x16xf32>,
        %get3A_268 = vector.shape_cast %get3A_267 : vector<1x16xf32> to vector<16xf32>
        %mul3A_269 = vector.broadcast %squeeze3A_229 : f32 to vector<16xf32>
        %mul3A_270 = arith.mulf %mul3A_269, %get3A_268 : vector<16xf32>
        %add3A_271 = arith.addf %mul3A_264, %mul3A_270 : vector<16xf32>
        %swap3A = arith.index_cast %add3A_233 : i32 to index
        %swap3A_272 = arith.index_cast %add3A_258 : i32 to index
        %swap3A_273 = tpu.vector_load %arg10[%swap3A, %swap3A_272] {strides = array<i32>} : memref<64x768xf32, #tpu.memory_space<vmem>>, vector<1x16xf32>,
        %swap3A_274 = vector.shape_cast %swap3A_273 : vector<1x16xf32> to vector<16xf32>
        %swap3A_275 = vector.shape_cast %add3A_271 : vector<16xf32> to vector<1x16xf32>
        tpu.vector_store %arg10[%swap3A, %swap3A_272], %swap3A_275 {strides = array<i32>} : memref<64x768xf32, #tpu.memory_space<vmem>>, vector<1x16xf32>,
        %mul3A_276 = arith.constant 64 : i32
        %mul3A_277 = arith.muli %scan3A_254, %mul3A_276 : i32
        %add3A_278 = arith.constant 16 : i32
        %add3A_279 = arith.addi %mul3A_277, %add3A_278 : i32
        %get3A_280 = arith.index_cast %add3A_233 : i32 to index
        %get3A_281 = arith.index_cast %add3A_279 : i32 to index
        %get3A_282 = tpu.vector_load %arg10[%get3A_280, %get3A_281] {strides = array<i32>} : memref<64x768xf32, #tpu.memory_space<vmem>>, vector<1x16xf32>,
        %get3A_283 = vector.shape_cast %get3A_282 : vector<1x16xf32> to vector<16xf32>
        %mul3A_284 = vector.broadcast %squeeze3A_227 : f32 to vector<16xf32>
        %mul3A_285 = arith.mulf %mul3A_284, %get3A_283 : vector<16xf32>
        %get3A_286 = arith.index_cast %add3A_233 : i32 to index
        %get3A_287 = arith.index_cast %add3A_279 : i32 to index
        %get3A_288 = tpu.vector_load %arg11[%get3A_286, %get3A_287] {strides = array<i32>} : memref<64x768xf32, #tpu.memory_space<vmem>>, vector<1x16xf32>,
        %get3A_289 = vector.shape_cast %get3A_288 : vector<1x16xf32> to vector<16xf32>
        %mul3A_290 = vector.broadcast %squeeze3A_229 : f32 to vector<16xf32>
        %mul3A_291 = arith.mulf %mul3A_290, %get3A_289 : vector<16xf32>
        %add3A_292 = arith.addf %mul3A_285, %mul3A_291 : vector<16xf32>
        %swap3A_293 = arith.index_cast %add3A_233 : i32 to index
        %swap3A_294 = arith.index_cast %add3A_279 : i32 to index
        %swap3A_295 = tpu.vector_load %arg10[%swap3A_293, %swap3A_294] {strides = array<i32>} : memref<64x768xf32, #tpu.memory_space<vmem>>, vector<1x16xf32>,
        %swap3A_296 = vector.shape_cast %swap3A_295 : vector<1x16xf32> to vector<16xf32>
        %swap3A_297 = vector.shape_cast %add3A_292 : vector<16xf32> to vector<1x16xf32>
        tpu.vector_store %arg10[%swap3A_293, %swap3A_294], %swap3A_297 {strides = array<i32>} : memref<64x768xf32, #tpu.memory_space<vmem>>, vector<1x16xf32>,
        %mul3A_298 = arith.constant 64 : i32
        %mul3A_299 = arith.muli %scan3A_254, %mul3A_298 : i32
        %add3A_300 = arith.constant 32 : i32
        %add3A_301 = arith.addi %mul3A_299, %add3A_300 : i32
        %get3A_302 = arith.index_cast %add3A_233 : i32 to index
        %get3A_303 = arith.index_cast %add3A_301 : i32 to index
        %get3A_304 = tpu.vector_load %arg10[%get3A_302, %get3A_303] {strides = array<i32>} : memref<64x768xf32, #tpu.memory_space<vmem>>, vector<1x16xf32>,
        %get3A_305 = vector.shape_cast %get3A_304 : vector<1x16xf32> to vector<16xf32>
        %mul3A_306 = vector.broadcast %squeeze3A_227 : f32 to vector<16xf32>
        %mul3A_307 = arith.mulf %mul3A_306, %get3A_305 : vector<16xf32>
        %get3A_308 = arith.index_cast %add3A_233 : i32 to index
        %get3A_309 = arith.index_cast %add3A_301 : i32 to index
        %get3A_310 = tpu.vector_load %arg11[%get3A_308, %get3A_309] {strides = array<i32>} : memref<64x768xf32, #tpu.memory_space<vmem>>, vector<1x16xf32>,
        %get3A_311 = vector.shape_cast %get3A_310 : vector<1x16xf32> to vector<16xf32>
        %mul3A_312 = vector.broadcast %squeeze3A_229 : f32 to vector<16xf32>
        %mul3A_313 = arith.mulf %mul3A_312, %get3A_311 : vector<16xf32>
        %add3A_314 = arith.addf %mul3A_307, %mul3A_313 : vector<16xf32>
        %swap3A_315 = arith.index_cast %add3A_233 : i32 to index
        %swap3A_316 = arith.index_cast %add3A_301 : i32 to index
        %swap3A_317 = tpu.vector_load %arg10[%swap3A_315, %swap3A_316] {strides = array<i32>} : memref<64x768xf32, #tpu.memory_space<vmem>>, vector<1x16xf32>,
        %swap3A_318 = vector.shape_cast %swap3A_317 : vector<1x16xf32> to vector<16xf32>
        %swap3A_319 = vector.shape_cast %add3A_314 : vector<16xf32> to vector<1x16xf32>
        tpu.vector_store %arg10[%swap3A_315, %swap3A_316], %swap3A_319 {strides = array<i32>} : memref<64x768xf32, #tpu.memory_space<vmem>>, vector<1x16xf32>,
        %mul3A_320 = arith.constant 64 : i32
        %mul3A_321 = arith.muli %scan3A_254, %mul3A_320 : i32
        %add3A_322 = arith.constant 48 : i32
        %add3A_323 = arith.addi %mul3A_321, %add3A_322 : i32
        %get3A_324 = arith.index_cast %add3A_233 : i32 to index
        %get3A_325 = arith.index_cast %add3A_323 : i32 to index
        %get3A_326 = tpu.vector_load %arg10[%get3A_324, %get3A_325] {strides = array<i32>} : memref<64x768xf32, #tpu.memory_space<vmem>>, vector<1x16xf32>,
        %get3A_327 = vector.shape_cast %get3A_326 : vector<1x16xf32> to vector<16xf32>
        %mul3A_328 = vector.broadcast %squeeze3A_227 : f32 to vector<16xf32>
        %mul3A_329 = arith.mulf %mul3A_328, %get3A_327 : vector<16xf32>
        %get3A_330 = arith.index_cast %add3A_233 : i32 to index
        %get3A_331 = arith.index_cast %add3A_323 : i32 to index
        %get3A_332 = tpu.vector_load %arg11[%get3A_330, %get3A_331] {strides = array<i32>} : memref<64x768xf32, #tpu.memory_space<vmem>>, vector<1x16xf32>,
        %get3A_333 = vector.shape_cast %get3A_332 : vector<1x16xf32> to vector<16xf32>
        %mul3A_334 = vector.broadcast %squeeze3A_229 : f32 to vector<16xf32>
        %mul3A_335 = arith.mulf %mul3A_334, %get3A_333 : vector<16xf32>
        %add3A_336 = arith.addf %mul3A_329, %mul3A_335 : vector<16xf32>
        %swap3A_337 = arith.index_cast %add3A_233 : i32 to index
        %swap3A_338 = arith.index_cast %add3A_323 : i32 to index
        %swap3A_339 = tpu.vector_load %arg10[%swap3A_337, %swap3A_338] {strides = array<i32>} : memref<64x768xf32, #tpu.memory_space<vmem>>, vector<1x16xf32>,
        %swap3A_340 = vector.shape_cast %swap3A_339 : vector<1x16xf32> to vector<16xf32>
        %swap3A_341 = vector.shape_cast %add3A_336 : vector<16xf32> to vector<1x16xf32>
        tpu.vector_store %arg10[%swap3A_337, %swap3A_338], %swap3A_341 {strides = array<i32>} : memref<64x768xf32, #tpu.memory_space<vmem>>, vector<1x16xf32>,
      }
      %scan3A_239 = arith.constant 12 : i32
      %slice3A_240 = vector.extract_strided_slice %get3A_26 {offsets = [15], sizes = [1], strides = [1]} : vector<16xf32> to vector<1xf32>
      %squeeze3A_241 = vector.extract %slice3A_240[0] : f32 from vector<1xf32>
      %slice3A_242 = vector.extract_strided_slice %get3A_31 {offsets = [15], sizes = [1], strides = [1]} : vector<16xf32> to vector<1xf32>
      %squeeze3A_243 = vector.extract %slice3A_242[0] : f32 from vector<1xf32>
      %mul3A_244 = arith.constant 16 : i32
      %mul3A_245 = arith.muli %scan3A_22, %mul3A_244 : i32
      %add3A_246 = arith.constant 15 : i32
      %add3A_247 = arith.addi %mul3A_245, %add3A_246 : i32
      %scan3A_248 = arith.constant 0 : i32
      %scan3A_249 = arith.constant 0 : i32
      %scan3A_250 = arith.constant 12 : i32
      %scan3A_251 = arith.addi %scan3A_249, %scan3A_250 : i32
      %scan3A_252 = arith.constant 1 : i32
      scf.for %scan3A_254 = %scan3A_249 to %scan3A_251 step %scan3A_252  : i32 {
        %mul3A_255 = arith.constant 64 : i32
        %mul3A_256 = arith.muli %scan3A_254, %mul3A_255 : i32
        %add3A_257 = arith.constant 0 : i32
        %add3A_258 = arith.addi %mul3A_256, %add3A_257 : i32
        %get3A_259 = arith.index_cast %add3A_247 : i32 to index
        %get3A_260 = arith.index_cast %add3A_258 : i32 to index
        %get3A_261 = tpu.vector_load %arg10[%get3A_259, %get3A_260] {strides = array<i32>} : memref<64x768xf32, #tpu.memory_space<vmem>>, vector<1x16xf32>,
        %get3A_262 = vector.shape_cast %get3A_261 : vector<1x16xf32> to vector<16xf32>
        %mul3A_263 = vector.broadcast %squeeze3A_241 : f32 to vector<16xf32>
        %mul3A_264 = arith.mulf %mul3A_263, %get3A_262 : vector<16xf32>
        %get3A_265 = arith.index_cast %add3A_247 : i32 to index
        %get3A_266 = arith.index_cast %add3A_258 : i32 to index
        %get3A_267 = tpu.vector_load %arg11[%get3A_265, %get3A_266] {strides = array<i32>} : memref<64x768xf32, #tpu.memory_space<vmem>>, vector<1x16xf32>,
        %get3A_268 = vector.shape_cast %get3A_267 : vector<1x16xf32> to vector<16xf32>
        %mul3A_269 = vector.broadcast %squeeze3A_243 : f32 to vector<16xf32>
        %mul3A_270 = arith.mulf %mul3A_269, %get3A_268 : vector<16xf32>
        %add3A_271 = arith.addf %mul3A_264, %mul3A_270 : vector<16xf32>
        %swap3A = arith.index_cast %add3A_247 : i32 to index
        %swap3A_272 = arith.index_cast %add3A_258 : i32 to index
        %swap3A_273 = tpu.vector_load %arg10[%swap3A, %swap3A_272] {strides = array<i32>} : memref<64x768xf32, #tpu.memory_space<vmem>>, vector<1x16xf32>,
        %swap3A_274 = vector.shape_cast %swap3A_273 : vector<1x16xf32> to vector<16xf32>
        %swap3A_275 = vector.shape_cast %add3A_271 : vector<16xf32> to vector<1x16xf32>
        tpu.vector_store %arg10[%swap3A, %swap3A_272], %swap3A_275 {strides = array<i32>} : memref<64x768xf32, #tpu.memory_space<vmem>>, vector<1x16xf32>,
        %mul3A_276 = arith.constant 64 : i32
        %mul3A_277 = arith.muli %scan3A_254, %mul3A_276 : i32
        %add3A_278 = arith.constant 16 : i32
        %add3A_279 = arith.addi %mul3A_277, %add3A_278 : i32
        %get3A_280 = arith.index_cast %add3A_247 : i32 to index
        %get3A_281 = arith.index_cast %add3A_279 : i32 to index
        %get3A_282 = tpu.vector_load %arg10[%get3A_280, %get3A_281] {strides = array<i32>} : memref<64x768xf32, #tpu.memory_space<vmem>>, vector<1x16xf32>,
        %get3A_283 = vector.shape_cast %get3A_282 : vector<1x16xf32> to vector<16xf32>
        %mul3A_284 = vector.broadcast %squeeze3A_241 : f32 to vector<16xf32>
        %mul3A_285 = arith.mulf %mul3A_284, %get3A_283 : vector<16xf32>
        %get3A_286 = arith.index_cast %add3A_247 : i32 to index
        %get3A_287 = arith.index_cast %add3A_279 : i32 to index
        %get3A_288 = tpu.vector_load %arg11[%get3A_286, %get3A_287] {strides = array<i32>} : memref<64x768xf32, #tpu.memory_space<vmem>>, vector<1x16xf32>,
        %get3A_289 = vector.shape_cast %get3A_288 : vector<1x16xf32> to vector<16xf32>
        %mul3A_290 = vector.broadcast %squeeze3A_243 : f32 to vector<16xf32>
        %mul3A_291 = arith.mulf %mul3A_290, %get3A_289 : vector<16xf32>
        %add3A_292 = arith.addf %mul3A_285, %mul3A_291 : vector<16xf32>
        %swap3A_293 = arith.index_cast %add3A_247 : i32 to index
        %swap3A_294 = arith.index_cast %add3A_279 : i32 to index
        %swap3A_295 = tpu.vector_load %arg10[%swap3A_293, %swap3A_294] {strides = array<i32>} : memref<64x768xf32, #tpu.memory_space<vmem>>, vector<1x16xf32>,
        %swap3A_296 = vector.shape_cast %swap3A_295 : vector<1x16xf32> to vector<16xf32>
        %swap3A_297 = vector.shape_cast %add3A_292 : vector<16xf32> to vector<1x16xf32>
        tpu.vector_store %arg10[%swap3A_293, %swap3A_294], %swap3A_297 {strides = array<i32>} : memref<64x768xf32, #tpu.memory_space<vmem>>, vector<1x16xf32>,
        %mul3A_298 = arith.constant 64 : i32
        %mul3A_299 = arith.muli %scan3A_254, %mul3A_298 : i32
        %add3A_300 = arith.constant 32 : i32
        %add3A_301 = arith.addi %mul3A_299, %add3A_300 : i32
        %get3A_302 = arith.index_cast %add3A_247 : i32 to index
        %get3A_303 = arith.index_cast %add3A_301 : i32 to index
        %get3A_304 = tpu.vector_load %arg10[%get3A_302, %get3A_303] {strides = array<i32>} : memref<64x768xf32, #tpu.memory_space<vmem>>, vector<1x16xf32>,
        %get3A_305 = vector.shape_cast %get3A_304 : vector<1x16xf32> to vector<16xf32>
        %mul3A_306 = vector.broadcast %squeeze3A_241 : f32 to vector<16xf32>
        %mul3A_307 = arith.mulf %mul3A_306, %get3A_305 : vector<16xf32>
        %get3A_308 = arith.index_cast %add3A_247 : i32 to index
        %get3A_309 = arith.index_cast %add3A_301 : i32 to index
        %get3A_310 = tpu.vector_load %arg11[%get3A_308, %get3A_309] {strides = array<i32>} : memref<64x768xf32, #tpu.memory_space<vmem>>, vector<1x16xf32>,
        %get3A_311 = vector.shape_cast %get3A_310 : vector<1x16xf32> to vector<16xf32>
        %mul3A_312 = vector.broadcast %squeeze3A_243 : f32 to vector<16xf32>
        %mul3A_313 = arith.mulf %mul3A_312, %get3A_311 : vector<16xf32>
        %add3A_314 = arith.addf %mul3A_307, %mul3A_313 : vector<16xf32>
        %swap3A_315 = arith.index_cast %add3A_247 : i32 to index
        %swap3A_316 = arith.index_cast %add3A_301 : i32 to index
        %swap3A_317 = tpu.vector_load %arg10[%swap3A_315, %swap3A_316] {strides = array<i32>} : memref<64x768xf32, #tpu.memory_space<vmem>>, vector<1x16xf32>,
        %swap3A_318 = vector.shape_cast %swap3A_317 : vector<1x16xf32> to vector<16xf32>
        %swap3A_319 = vector.shape_cast %add3A_314 : vector<16xf32> to vector<1x16xf32>
        tpu.vector_store %arg10[%swap3A_315, %swap3A_316], %swap3A_319 {strides = array<i32>} : memref<64x768xf32, #tpu.memory_space<vmem>>, vector<1x16xf32>,
        %mul3A_320 = arith.constant 64 : i32
        %mul3A_321 = arith.muli %scan3A_254, %mul3A_320 : i32
        %add3A_322 = arith.constant 48 : i32
        %add3A_323 = arith.addi %mul3A_321, %add3A_322 : i32
        %get3A_324 = arith.index_cast %add3A_247 : i32 to index
        %get3A_325 = arith.index_cast %add3A_323 : i32 to index
        %get3A_326 = tpu.vector_load %arg10[%get3A_324, %get3A_325] {strides = array<i32>} : memref<64x768xf32, #tpu.memory_space<vmem>>, vector<1x16xf32>,
        %get3A_327 = vector.shape_cast %get3A_326 : vector<1x16xf32> to vector<16xf32>
        %mul3A_328 = vector.broadcast %squeeze3A_241 : f32 to vector<16xf32>
        %mul3A_329 = arith.mulf %mul3A_328, %get3A_327 : vector<16xf32>
        %get3A_330 = arith.index_cast %add3A_247 : i32 to index
        %get3A_331 = arith.index_cast %add3A_323 : i32 to index
        %get3A_332 = tpu.vector_load %arg11[%get3A_330, %get3A_331] {strides = array<i32>} : memref<64x768xf32, #tpu.memory_space<vmem>>, vector<1x16xf32>,
        %get3A_333 = vector.shape_cast %get3A_332 : vector<1x16xf32> to vector<16xf32>
        %mul3A_334 = vector.broadcast %squeeze3A_243 : f32 to vector<16xf32>
        %mul3A_335 = arith.mulf %mul3A_334, %get3A_333 : vector<16xf32>
        %add3A_336 = arith.addf %mul3A_329, %mul3A_335 : vector<16xf32>
        %swap3A_337 = arith.index_cast %add3A_247 : i32 to index
        %swap3A_338 = arith.index_cast %add3A_323 : i32 to index
        %swap3A_339 = tpu.vector_load %arg10[%swap3A_337, %swap3A_338] {strides = array<i32>} : memref<64x768xf32, #tpu.memory_space<vmem>>, vector<1x16xf32>,
        %swap3A_340 = vector.shape_cast %swap3A_339 : vector<1x16xf32> to vector<16xf32>
        %swap3A_341 = vector.shape_cast %add3A_336 : vector<16xf32> to vector<1x16xf32>
        tpu.vector_store %arg10[%swap3A_337, %swap3A_338], %swap3A_341 {strides = array<i32>} : memref<64x768xf32, #tpu.memory_space<vmem>>, vector<1x16xf32>,
      }
      %scan3A_253 = arith.constant 12 : i32
    }
    %scan3A_21 = arith.constant 4 : i32
    "tpu.region"() ({
      %run_scoped3A = tpu.sem_alloc : memref<!tpu.dma_semaphore, #tpu.memory_space<semaphore_mem>>
      %dma_start3A_22 = arith.constant 0 : i32
      %dma_start3A_23 = tpu.memref_slice %arg5[%mul3A_2, %dma_start3A_22] : memref<2048x768xf32, #tpu.memory_space<hbm>> -> memref<64x768xf32, #tpu.memory_space<hbm>>
      %dma_start3A_24 = arith.constant 0 : i32
      %dma_start3A_25 = tpu.memref_slice %arg5[%mul3A_2, %dma_start3A_24] : memref<2048x768xf32, #tpu.memory_space<hbm>> -> memref<64x768xf32, #tpu.memory_space<hbm>>
      tpu.enqueue_dma source(%arg10 : memref<64x768xf32, #tpu.memory_space<vmem>>) target(%dma_start3A_25 : memref<64x768xf32, #tpu.memory_space<hbm>>) target_semaphore(%run_scoped3A : memref<!tpu.dma_semaphore, #tpu.memory_space<semaphore_mem>>)
      %dma_wait3A_26 = arith.constant 0 : i32
      %dma_wait3A_27 = tpu.memref_slice %arg5[%mul3A_2, %dma_wait3A_26] : memref<2048x768xf32, #tpu.memory_space<hbm>> -> memref<64x768xf32, #tpu.memory_space<hbm>>
      %dma_wait3A_28 = arith.constant 0 : i32
      %dma_wait3A_29 = tpu.memref_slice %arg5[%mul3A_2, %dma_wait3A_28] : memref<2048x768xf32, #tpu.memory_space<hbm>> -> memref<64x768xf32, #tpu.memory_space<hbm>>
      tpu.wait_dma2 semaphore(%run_scoped3A : memref<!tpu.dma_semaphore, #tpu.memory_space<semaphore_mem>>) src(%arg10 : memref<64x768xf32, #tpu.memory_space<vmem>>) dst(%dma_wait3A_29 : memref<64x768xf32, #tpu.memory_space<hbm>>)
      tpu.yield
    }) : () -> ()
    return
  }
}

#map = affine_map<(d0, d1) -> (0, 0)>
#map1 = affine_map<(d0, d1) -> (0)>
module attributes {stable_mosaic.version = 14 : i64} {
  func.func @_dispatch_body(%arg0: i32, %arg1: i32, %arg2: memref<2048x768xf32, #tpu.memory_space<hbm>>, %arg3: memref<4096xi32, #tpu.memory_space<hbm>>, %arg4: memref<4096x768xf32, #tpu.memory_space<hbm>>, %arg5: memref<128xi32, #tpu.memory_space<vmem>>, %arg6: memref<128xi32, #tpu.memory_space<vmem>>, %arg7: memref<128x768xf32, #tpu.memory_space<vmem>>, %arg8: memref<!tpu.dma_semaphore, #tpu.memory_space<semaphore_mem>>) attributes {dimension_semantics = [#tpu.dimension_semantics<core_parallel>, #tpu.dimension_semantics<subcore_parallel>], iteration_bounds = array<i64: 2, 16>, scalar_prefetch = 0 : i64, scratch_operands = 4 : i64, tpu.core_type = #tpu.core_type<sc_vector_subcore>, window_params = [{transform_indices = #map}, {transform_indices = #map1}, {transform_indices = #map}]} {
    %mul3A = arith.constant 2 : i32
    %mul3A_0 = arith.muli %arg1, %mul3A : i32
    %add3A = arith.addi %mul3A_0, %arg0 : i32
    %mul3A_1 = arith.constant 128 : i32
    %mul3A_2 = arith.muli %add3A, %mul3A_1 : i32
    "tpu.region"() ({
      %run_scoped3A = tpu.sem_alloc : memref<!tpu.dma_semaphore, #tpu.memory_space<semaphore_mem>>
      %dma_start3A_106 = tpu.memref_slice %arg3[%mul3A_2] : memref<4096xi32, #tpu.memory_space<hbm>> -> memref<128xi32, #tpu.memory_space<hbm>>
      %dma_start3A_107 = tpu.memref_slice %arg3[%mul3A_2] : memref<4096xi32, #tpu.memory_space<hbm>> -> memref<128xi32, #tpu.memory_space<hbm>>
      tpu.enqueue_dma source(%dma_start3A_107 : memref<128xi32, #tpu.memory_space<hbm>>) target(%arg5 : memref<128xi32, #tpu.memory_space<vmem>>) target_semaphore(%run_scoped3A : memref<!tpu.dma_semaphore, #tpu.memory_space<semaphore_mem>>)
      %dma_wait3A_108 = tpu.memref_slice %arg3[%mul3A_2] : memref<4096xi32, #tpu.memory_space<hbm>> -> memref<128xi32, #tpu.memory_space<hbm>>
      %dma_wait3A_109 = tpu.memref_slice %arg3[%mul3A_2] : memref<4096xi32, #tpu.memory_space<hbm>> -> memref<128xi32, #tpu.memory_space<hbm>>
      tpu.wait_dma2 semaphore(%run_scoped3A : memref<!tpu.dma_semaphore, #tpu.memory_space<semaphore_mem>>) src(%dma_wait3A_109 : memref<128xi32, #tpu.memory_space<hbm>>) dst(%arg5 : memref<128xi32, #tpu.memory_space<vmem>>)
      tpu.yield
    }) : () -> ()
    %add3A_3 = arith.constant 0 : i32
    %add3A_4 = arith.addi %mul3A_2, %add3A_3 : i32
    %iota3A = tpu.iota {dimensions = array<i32: 0>} : vector<16xi32>
    %add3A_5 = vector.broadcast %add3A_4 : i32 to vector<16xi32>
    %add3A_6 = arith.addi %add3A_5, %iota3A : vector<16xi32>
    %and3A = arith.constant 2047 : i32
    %and3A_7 = vector.broadcast %and3A : i32 to vector<16xi32>
    %and3A_8 = arith.andi %add3A_6, %and3A_7 : vector<16xi32>
    %swap3A = arith.constant 0 : index
    %swap3A_9 = tpu.vector_load %arg6[%swap3A] {strides = array<i32>} : memref<128xi32, #tpu.memory_space<vmem>>, vector<16xi32>,
    %swap3A_10 = vector.shape_cast %swap3A_9 : vector<16xi32> to vector<16xi32>
    %swap3A_11 = vector.shape_cast %and3A_8 : vector<16xi32> to vector<16xi32>
    tpu.vector_store %arg6[%swap3A], %swap3A_11 {strides = array<i32>} : memref<128xi32, #tpu.memory_space<vmem>>, vector<16xi32>,
    %add3A_12 = arith.constant 16 : i32
    %add3A_13 = arith.addi %mul3A_2, %add3A_12 : i32
    %iota3A_14 = tpu.iota {dimensions = array<i32: 0>} : vector<16xi32>
    %add3A_15 = vector.broadcast %add3A_13 : i32 to vector<16xi32>
    %add3A_16 = arith.addi %add3A_15, %iota3A_14 : vector<16xi32>
    %and3A_17 = arith.constant 2047 : i32
    %and3A_18 = vector.broadcast %and3A_17 : i32 to vector<16xi32>
    %and3A_19 = arith.andi %add3A_16, %and3A_18 : vector<16xi32>
    %swap3A_20 = arith.constant 16 : index
    %swap3A_21 = tpu.vector_load %arg6[%swap3A_20] {strides = array<i32>} : memref<128xi32, #tpu.memory_space<vmem>>, vector<16xi32>,
    %swap3A_22 = vector.shape_cast %swap3A_21 : vector<16xi32> to vector<16xi32>
    %swap3A_23 = vector.shape_cast %and3A_19 : vector<16xi32> to vector<16xi32>
    tpu.vector_store %arg6[%swap3A_20], %swap3A_23 {strides = array<i32>} : memref<128xi32, #tpu.memory_space<vmem>>, vector<16xi32>,
    %add3A_24 = arith.constant 32 : i32
    %add3A_25 = arith.addi %mul3A_2, %add3A_24 : i32
    %iota3A_26 = tpu.iota {dimensions = array<i32: 0>} : vector<16xi32>
    %add3A_27 = vector.broadcast %add3A_25 : i32 to vector<16xi32>
    %add3A_28 = arith.addi %add3A_27, %iota3A_26 : vector<16xi32>
    %and3A_29 = arith.constant 2047 : i32
    %and3A_30 = vector.broadcast %and3A_29 : i32 to vector<16xi32>
    %and3A_31 = arith.andi %add3A_28, %and3A_30 : vector<16xi32>
    %swap3A_32 = arith.constant 32 : index
    %swap3A_33 = tpu.vector_load %arg6[%swap3A_32] {strides = array<i32>} : memref<128xi32, #tpu.memory_space<vmem>>, vector<16xi32>,
    %swap3A_34 = vector.shape_cast %swap3A_33 : vector<16xi32> to vector<16xi32>
    %swap3A_35 = vector.shape_cast %and3A_31 : vector<16xi32> to vector<16xi32>
    tpu.vector_store %arg6[%swap3A_32], %swap3A_35 {strides = array<i32>} : memref<128xi32, #tpu.memory_space<vmem>>, vector<16xi32>,
    %add3A_36 = arith.constant 48 : i32
    %add3A_37 = arith.addi %mul3A_2, %add3A_36 : i32
    %iota3A_38 = tpu.iota {dimensions = array<i32: 0>} : vector<16xi32>
    %add3A_39 = vector.broadcast %add3A_37 : i32 to vector<16xi32>
    %add3A_40 = arith.addi %add3A_39, %iota3A_38 : vector<16xi32>
    %and3A_41 = arith.constant 2047 : i32
    %and3A_42 = vector.broadcast %and3A_41 : i32 to vector<16xi32>
    %and3A_43 = arith.andi %add3A_40, %and3A_42 : vector<16xi32>
    %swap3A_44 = arith.constant 48 : index
    %swap3A_45 = tpu.vector_load %arg6[%swap3A_44] {strides = array<i32>} : memref<128xi32, #tpu.memory_space<vmem>>, vector<16xi32>,
    %swap3A_46 = vector.shape_cast %swap3A_45 : vector<16xi32> to vector<16xi32>
    %swap3A_47 = vector.shape_cast %and3A_43 : vector<16xi32> to vector<16xi32>
    tpu.vector_store %arg6[%swap3A_44], %swap3A_47 {strides = array<i32>} : memref<128xi32, #tpu.memory_space<vmem>>, vector<16xi32>,
    %add3A_48 = arith.constant 64 : i32
    %add3A_49 = arith.addi %mul3A_2, %add3A_48 : i32
    %iota3A_50 = tpu.iota {dimensions = array<i32: 0>} : vector<16xi32>
    %add3A_51 = vector.broadcast %add3A_49 : i32 to vector<16xi32>
    %add3A_52 = arith.addi %add3A_51, %iota3A_50 : vector<16xi32>
    %and3A_53 = arith.constant 2047 : i32
    %and3A_54 = vector.broadcast %and3A_53 : i32 to vector<16xi32>
    %and3A_55 = arith.andi %add3A_52, %and3A_54 : vector<16xi32>
    %swap3A_56 = arith.constant 64 : index
    %swap3A_57 = tpu.vector_load %arg6[%swap3A_56] {strides = array<i32>} : memref<128xi32, #tpu.memory_space<vmem>>, vector<16xi32>,
    %swap3A_58 = vector.shape_cast %swap3A_57 : vector<16xi32> to vector<16xi32>
    %swap3A_59 = vector.shape_cast %and3A_55 : vector<16xi32> to vector<16xi32>
    tpu.vector_store %arg6[%swap3A_56], %swap3A_59 {strides = array<i32>} : memref<128xi32, #tpu.memory_space<vmem>>, vector<16xi32>,
    %add3A_60 = arith.constant 80 : i32
    %add3A_61 = arith.addi %mul3A_2, %add3A_60 : i32
    %iota3A_62 = tpu.iota {dimensions = array<i32: 0>} : vector<16xi32>
    %add3A_63 = vector.broadcast %add3A_61 : i32 to vector<16xi32>
    %add3A_64 = arith.addi %add3A_63, %iota3A_62 : vector<16xi32>
    %and3A_65 = arith.constant 2047 : i32
    %and3A_66 = vector.broadcast %and3A_65 : i32 to vector<16xi32>
    %and3A_67 = arith.andi %add3A_64, %and3A_66 : vector<16xi32>
    %swap3A_68 = arith.constant 80 : index
    %swap3A_69 = tpu.vector_load %arg6[%swap3A_68] {strides = array<i32>} : memref<128xi32, #tpu.memory_space<vmem>>, vector<16xi32>,
    %swap3A_70 = vector.shape_cast %swap3A_69 : vector<16xi32> to vector<16xi32>
    %swap3A_71 = vector.shape_cast %and3A_67 : vector<16xi32> to vector<16xi32>
    tpu.vector_store %arg6[%swap3A_68], %swap3A_71 {strides = array<i32>} : memref<128xi32, #tpu.memory_space<vmem>>, vector<16xi32>,
    %add3A_72 = arith.constant 96 : i32
    %add3A_73 = arith.addi %mul3A_2, %add3A_72 : i32
    %iota3A_74 = tpu.iota {dimensions = array<i32: 0>} : vector<16xi32>
    %add3A_75 = vector.broadcast %add3A_73 : i32 to vector<16xi32>
    %add3A_76 = arith.addi %add3A_75, %iota3A_74 : vector<16xi32>
    %and3A_77 = arith.constant 2047 : i32
    %and3A_78 = vector.broadcast %and3A_77 : i32 to vector<16xi32>
    %and3A_79 = arith.andi %add3A_76, %and3A_78 : vector<16xi32>
    %swap3A_80 = arith.constant 96 : index
    %swap3A_81 = tpu.vector_load %arg6[%swap3A_80] {strides = array<i32>} : memref<128xi32, #tpu.memory_space<vmem>>, vector<16xi32>,
    %swap3A_82 = vector.shape_cast %swap3A_81 : vector<16xi32> to vector<16xi32>
    %swap3A_83 = vector.shape_cast %and3A_79 : vector<16xi32> to vector<16xi32>
    tpu.vector_store %arg6[%swap3A_80], %swap3A_83 {strides = array<i32>} : memref<128xi32, #tpu.memory_space<vmem>>, vector<16xi32>,
    %add3A_84 = arith.constant 112 : i32
    %add3A_85 = arith.addi %mul3A_2, %add3A_84 : i32
    %iota3A_86 = tpu.iota {dimensions = array<i32: 0>} : vector<16xi32>
    %add3A_87 = vector.broadcast %add3A_85 : i32 to vector<16xi32>
    %add3A_88 = arith.addi %add3A_87, %iota3A_86 : vector<16xi32>
    %and3A_89 = arith.constant 2047 : i32
    %and3A_90 = vector.broadcast %and3A_89 : i32 to vector<16xi32>
    %and3A_91 = arith.andi %add3A_88, %and3A_90 : vector<16xi32>
    %swap3A_92 = arith.constant 112 : index
    %swap3A_93 = tpu.vector_load %arg6[%swap3A_92] {strides = array<i32>} : memref<128xi32, #tpu.memory_space<vmem>>, vector<16xi32>,
    %swap3A_94 = vector.shape_cast %swap3A_93 : vector<16xi32> to vector<16xi32>
    %swap3A_95 = vector.shape_cast %and3A_91 : vector<16xi32> to vector<16xi32>
    tpu.vector_store %arg6[%swap3A_92], %swap3A_95 {strides = array<i32>} : memref<128xi32, #tpu.memory_space<vmem>>, vector<16xi32>,
    %dma_start3A = arith.constant 0 : i32
    %dma_start3A_96 = arith.constant 0 : i32
    %dma_start3A_97 = tpu.memref_slice %arg2[%dma_start3A, %dma_start3A_96] : memref<2048x768xf32, #tpu.memory_space<hbm>> -> memref<2048x768xf32, #tpu.memory_space<hbm>>
    tpu.enqueue_indirect_dma source(%dma_start3A_97 : memref<2048x768xf32, #tpu.memory_space<hbm>>) target(%arg7 : memref<128x768xf32, #tpu.memory_space<vmem>>) offsets(%arg6 : memref<128xi32, #tpu.memory_space<vmem>>) semaphore(%arg8 : memref<!tpu.dma_semaphore, #tpu.memory_space<semaphore_mem>>)
    %dma_wait3A = arith.constant 0 : i32
    %dma_wait3A_98 = arith.constant 0 : i32
    %dma_wait3A_99 = tpu.memref_slice %arg2[%dma_wait3A, %dma_wait3A_98] : memref<2048x768xf32, #tpu.memory_space<hbm>> -> memref<2048x768xf32, #tpu.memory_space<hbm>>
    tpu.wait_indirect_dma semaphore(%arg8 : memref<!tpu.dma_semaphore, #tpu.memory_space<semaphore_mem>>) src(%dma_wait3A_99 : memref<2048x768xf32, #tpu.memory_space<hbm>>) dst(%arg7 : memref<128x768xf32, #tpu.memory_space<vmem>>)
    %dma_start3A_100 = arith.constant 0 : i32
    %dma_start3A_101 = arith.constant 0 : i32
    %dma_start3A_102 = tpu.memref_slice %arg4[%dma_start3A_100, %dma_start3A_101] : memref<4096x768xf32, #tpu.memory_space<hbm>> -> memref<4096x768xf32, #tpu.memory_space<hbm>>
    tpu.enqueue_indirect_dma source(%arg7 : memref<128x768xf32, #tpu.memory_space<vmem>>) target(%dma_start3A_102 : memref<4096x768xf32, #tpu.memory_space<hbm>>) offsets(%arg5 : memref<128xi32, #tpu.memory_space<vmem>>) semaphore(%arg8 : memref<!tpu.dma_semaphore, #tpu.memory_space<semaphore_mem>>)
    %dma_wait3A_103 = arith.constant 0 : i32
    %dma_wait3A_104 = arith.constant 0 : i32
    %dma_wait3A_105 = tpu.memref_slice %arg4[%dma_wait3A_103, %dma_wait3A_104] : memref<4096x768xf32, #tpu.memory_space<hbm>> -> memref<4096x768xf32, #tpu.memory_space<hbm>>
    tpu.wait_indirect_dma semaphore(%arg8 : memref<!tpu.dma_semaphore, #tpu.memory_space<semaphore_mem>>) src(%arg7 : memref<128x768xf32, #tpu.memory_space<vmem>>) dst(%dma_wait3A_105 : memref<4096x768xf32, #tpu.memory_space<hbm>>)
    return
  }
}

module attributes {stable_mosaic.version = 14 : i64} {
  func.func @_router_kernel(%arg0: memref<2048x768xf32, #tpu.memory_space<vmem>>, %arg1: memref<64x768xf32, #tpu.memory_space<vmem>>, %arg2: memref<4096x1xi32, #tpu.memory_space<vmem>>, %arg3: memref<4096x1xf32, #tpu.memory_space<vmem>>, %arg4: memref<80x1xi32, #tpu.memory_space<vmem>>, %arg5: memref<80x1xi32, #tpu.memory_space<vmem>>, %arg6: memref<80x1xi32, #tpu.memory_space<vmem>>, %arg7: memref<80x1xi32, #tpu.memory_space<vmem>>, %arg8: memref<4096x64xf32, #tpu.memory_space<vmem>>, %arg9: memref<32x64xf32, #tpu.memory_space<vmem>>) attributes {dimension_semantics = [], scalar_prefetch = 0 : i64, scratch_operands = 2 : i64, tpu.core_type = #tpu.core_type<tc>} {
    %get3A = arith.constant 0 : index
    %get3A_0 = arith.constant 0 : index
    %get3A_1 = vector.load %arg0[%get3A, %get3A_0] : memref<2048x768xf32, #tpu.memory_space<vmem>>, vector<2048x768xf32>
    %get3A_2 = arith.constant 0 : index
    %get3A_3 = arith.constant 0 : index
    %get3A_4 = vector.load %arg1[%get3A_2, %get3A_3] : memref<64x768xf32, #tpu.memory_space<vmem>>, vector<64x768xf32>
    %transpose3A = tpu.transpose %get3A_4, [1, 0] : vector<64x768xf32> -> vector<768x64xf32>
    %dot_general3A = arith.constant dense<0.000000e+00> : vector<2048x64xf32>
    %dot_general3A_5 = tpu.matmul %get3A_1, %transpose3A, %dot_general3A {dimension_numbers = #tpu.dot_dimension_numbers<[1], [0], [0], [1], [0, 0, 1, 1], [], []>, transpose_lhs_hint = false} : vector<2048x768xf32>, vector<768x64xf32>, vector<2048x64xf32> -> vector<2048x64xf32>
    %iota3A = tpu.iota {dimensions = array<i32: 1>} : vector<1x64xi32>
    %reduce_max3A = arith.constant dense<0xFF800000> : vector<2048xf32>
    %reduce_max3A_6 = vector.multi_reduction <maximumf>, %dot_general3A_5, %reduce_max3A [1] : vector<2048x64xf32> to vector<2048xf32>
    %broadcast_in_dim3A = vector.shape_cast %reduce_max3A_6 : vector<2048xf32> to vector<2048x1xf32>
    %eq3A = vector.broadcast %broadcast_in_dim3A : vector<2048x1xf32> to vector<2048x64xf32>
    %eq3A_7 = arith.cmpf oeq, %dot_general3A_5, %eq3A : vector<2048x64xf32>
    %jit3A = arith.constant 64 : i32
    %broadcast_in_dim3A_8 = vector.shape_cast %iota3A : vector<1x64xi32> to vector<1x64xi32>
    %broadcast_in_dim3A_9 = vector.broadcast %broadcast_in_dim3A_8 : vector<1x64xi32> to vector<2048x64xi32>
    %broadcast_in_dim3A_10 = vector.broadcast %jit3A : i32 to vector<2048x64xi32>
    %select_n3A = arith.select %eq3A_7, %broadcast_in_dim3A_9, %broadcast_in_dim3A_10 : vector<2048x64xi1>, vector<2048x64xi32>
    %reduce_min3A = arith.constant dense<2147483647> : vector<2048xi32>
    %reduce_min3A_11 = vector.multi_reduction <minsi>, %select_n3A, %reduce_min3A [1] : vector<2048x64xi32> to vector<2048xi32>
    %broadcast_in_dim3A_12 = vector.shape_cast %reduce_min3A_11 : vector<2048xi32> to vector<2048x1xi32>
    %eq3A_13 = vector.broadcast %iota3A : vector<1x64xi32> to vector<2048x64xi32>
    %eq3A_14 = vector.broadcast %broadcast_in_dim3A_12 : vector<2048x1xi32> to vector<2048x64xi32>
    %eq3A_15 = arith.cmpi eq, %eq3A_13, %eq3A_14 : vector<2048x64xi32>
    %jit3A_16 = arith.constant 0xFF800000 : f32
    %broadcast_in_dim3A_17 = vector.broadcast %jit3A_16 : f32 to vector<2048x64xf32>
    %select_n3A_18 = arith.select %eq3A_15, %broadcast_in_dim3A_17, %dot_general3A_5 : vector<2048x64xi1>, vector<2048x64xf32>
    %reduce_max3A_19 = arith.constant dense<0xFF800000> : vector<2048xf32>
    %reduce_max3A_20 = vector.multi_reduction <maximumf>, %select_n3A_18, %reduce_max3A_19 [1] : vector<2048x64xf32> to vector<2048xf32>
    %broadcast_in_dim3A_21 = vector.shape_cast %reduce_max3A_20 : vector<2048xf32> to vector<2048x1xf32>
    %eq3A_22 = vector.broadcast %broadcast_in_dim3A_21 : vector<2048x1xf32> to vector<2048x64xf32>
    %eq3A_23 = arith.cmpf oeq, %select_n3A_18, %eq3A_22 : vector<2048x64xf32>
    %jit3A_24 = arith.constant 64 : i32
    %broadcast_in_dim3A_25 = vector.shape_cast %iota3A : vector<1x64xi32> to vector<1x64xi32>
    %broadcast_in_dim3A_26 = vector.broadcast %broadcast_in_dim3A_25 : vector<1x64xi32> to vector<2048x64xi32>
    %broadcast_in_dim3A_27 = vector.broadcast %jit3A_24 : i32 to vector<2048x64xi32>
    %select_n3A_28 = arith.select %eq3A_23, %broadcast_in_dim3A_26, %broadcast_in_dim3A_27 : vector<2048x64xi1>, vector<2048x64xi32>
    %reduce_min3A_29 = arith.constant dense<2147483647> : vector<2048xi32>
    %reduce_min3A_30 = vector.multi_reduction <minsi>, %select_n3A_28, %reduce_min3A_29 [1] : vector<2048x64xi32> to vector<2048xi32>
    %broadcast_in_dim3A_31 = vector.shape_cast %reduce_min3A_30 : vector<2048xi32> to vector<2048x1xi32>
    %sub3A = vector.broadcast %broadcast_in_dim3A : vector<2048x1xf32> to vector<2048x64xf32>
    %sub3A_32 = arith.subf %dot_general3A_5, %sub3A : vector<2048x64xf32>
    %exp3A = math.exp %sub3A_32 : vector<2048x64xf32>
    %reduce_sum3A = arith.constant dense<0.000000e+00> : vector<2048xf32>
    %reduce_sum3A_33 = vector.multi_reduction <add>, %exp3A, %reduce_sum3A [1] : vector<2048x64xf32> to vector<2048xf32>
    %broadcast_in_dim3A_34 = vector.shape_cast %reduce_sum3A_33 : vector<2048xf32> to vector<2048x1xf32>
    %div3A = arith.constant 1.000000e+00 : f32
    %div3A_35 = vector.broadcast %div3A : f32 to vector<2048x1xf32>
    %div3A_36 = arith.divf %div3A_35, %broadcast_in_dim3A_34 : vector<2048x1xf32>
    %sub3A_37 = arith.subf %broadcast_in_dim3A_21, %broadcast_in_dim3A : vector<2048x1xf32>
    %exp3A_38 = math.exp %sub3A_37 : vector<2048x1xf32>
    %div3A_39 = arith.divf %exp3A_38, %broadcast_in_dim3A_34 : vector<2048x1xf32>
    %concatenate3A = tpu.concatenate %broadcast_in_dim3A_12, %broadcast_in_dim3A_31 in 0 : vector<2048x1xi32>, vector<2048x1xi32> -> vector<4096x1xi32>
    %concatenate3A_40 = tpu.concatenate %div3A_36, %div3A_39 in 0 : vector<2048x1xf32>, vector<2048x1xf32> -> vector<4096x1xf32>
    %swap3A = arith.constant 0 : index
    %swap3A_41 = arith.constant 0 : index
    %swap3A_42 = vector.load %arg3[%swap3A, %swap3A_41] : memref<4096x1xf32, #tpu.memory_space<vmem>>, vector<4096x1xf32>
    tpu.vector_store %arg3[%swap3A, %swap3A_41], %concatenate3A_40 {strides = array<i32>} : memref<4096x1xf32, #tpu.memory_space<vmem>>, vector<4096x1xf32>,
    %eq3A_43 = vector.broadcast %concatenate3A : vector<4096x1xi32> to vector<4096x64xi32>
    %eq3A_44 = vector.broadcast %iota3A : vector<1x64xi32> to vector<4096x64xi32>
    %eq3A_45 = arith.cmpi eq, %eq3A_43, %eq3A_44 : vector<4096x64xi32>
    %convert_element_type3A = arith.extui %eq3A_45 : vector<4096x64xi1> to vector<4096x64xi32>
    %convert_element_type3A_46 = arith.sitofp %convert_element_type3A : vector<4096x64xi32> to vector<4096x64xf32>
    %iota3A_47 = tpu.iota {dimensions = array<i32: 0>} : vector<128x128xi32>
    %iota3A_48 = tpu.iota {dimensions = array<i32: 1>} : vector<128x128xi32>
    %ge3A = arith.cmpi sge, %iota3A_47, %iota3A_48 : vector<128x128xi32>
    %convert_element_type3A_49 = arith.extui %ge3A : vector<128x128xi1> to vector<128x128xi32>
    %convert_element_type3A_50 = arith.sitofp %convert_element_type3A_49 : vector<128x128xi32> to vector<128x128xf32>
    %slice3A = vector.extract_strided_slice %convert_element_type3A_46 {offsets = [0, 0], sizes = [128, 64], strides = [1, 1]} : vector<4096x64xf32> to vector<128x64xf32>
    %dot_general3A_51 = arith.constant dense<0.000000e+00> : vector<128x64xf32>
    %dot_general3A_52 = tpu.matmul %convert_element_type3A_50, %slice3A, %dot_general3A_51 {dimension_numbers = #tpu.dot_dimension_numbers<[1], [0], [0], [1], [0, 0, 1, 1], [], []>, precision = #tpu.contract_precision<fp32>, transpose_lhs_hint = false} : vector<128x128xf32>, vector<128x64xf32>, vector<128x64xf32> -> vector<128x64xf32>
    %swap3A_53 = arith.constant 0 : index
    %swap3A_54 = arith.constant 0 : index
    %swap3A_55 = vector.load %arg8[%swap3A_53, %swap3A_54] : memref<4096x64xf32, #tpu.memory_space<vmem>>, vector<128x64xf32>
    tpu.vector_store %arg8[%swap3A_53, %swap3A_54], %dot_general3A_52 {strides = array<i32>} : memref<4096x64xf32, #tpu.memory_space<vmem>>, vector<128x64xf32>,
    %reduce_sum3A_56 = arith.constant dense<0.000000e+00> : vector<64xf32>
    %reduce_sum3A_57 = vector.multi_reduction <add>, %slice3A, %reduce_sum3A_56 [0] : vector<128x64xf32> to vector<64xf32>
    %broadcast_in_dim3A_58 = vector.shape_cast %reduce_sum3A_57 : vector<64xf32> to vector<1x64xf32>
    %swap3A_59 = arith.constant 0 : index
    %swap3A_60 = arith.constant 0 : index
    %swap3A_61 = vector.load %arg9[%swap3A_59, %swap3A_60] : memref<32x64xf32, #tpu.memory_space<vmem>>, vector<1x64xf32>
    tpu.vector_store %arg9[%swap3A_59, %swap3A_60], %broadcast_in_dim3A_58 {strides = array<i32>} : memref<32x64xf32, #tpu.memory_space<vmem>>, vector<1x64xf32>,
    %slice3A_62 = vector.extract_strided_slice %convert_element_type3A_46 {offsets = [128, 0], sizes = [128, 64], strides = [1, 1]} : vector<4096x64xf32> to vector<128x64xf32>
    %dot_general3A_63 = arith.constant dense<0.000000e+00> : vector<128x64xf32>
    %dot_general3A_64 = tpu.matmul %convert_element_type3A_50, %slice3A_62, %dot_general3A_63 {dimension_numbers = #tpu.dot_dimension_numbers<[1], [0], [0], [1], [0, 0, 1, 1], [], []>, precision = #tpu.contract_precision<fp32>, transpose_lhs_hint = false} : vector<128x128xf32>, vector<128x64xf32>, vector<128x64xf32> -> vector<128x64xf32>
    %swap3A_65 = arith.constant 128 : index
    %swap3A_66 = arith.constant 0 : index
    %swap3A_67 = vector.load %arg8[%swap3A_65, %swap3A_66] : memref<4096x64xf32, #tpu.memory_space<vmem>>, vector<128x64xf32>
    tpu.vector_store %arg8[%swap3A_65, %swap3A_66], %dot_general3A_64 {strides = array<i32>} : memref<4096x64xf32, #tpu.memory_space<vmem>>, vector<128x64xf32>,
    %reduce_sum3A_68 = arith.constant dense<0.000000e+00> : vector<64xf32>
    %reduce_sum3A_69 = vector.multi_reduction <add>, %slice3A_62, %reduce_sum3A_68 [0] : vector<128x64xf32> to vector<64xf32>
    %broadcast_in_dim3A_70 = vector.shape_cast %reduce_sum3A_69 : vector<64xf32> to vector<1x64xf32>
    %swap3A_71 = arith.constant 1 : index
    %swap3A_72 = arith.constant 0 : index
    %swap3A_73 = vector.load %arg9[%swap3A_71, %swap3A_72] : memref<32x64xf32, #tpu.memory_space<vmem>>, vector<1x64xf32>
    tpu.vector_store %arg9[%swap3A_71, %swap3A_72], %broadcast_in_dim3A_70 {strides = array<i32>} : memref<32x64xf32, #tpu.memory_space<vmem>>, vector<1x64xf32>,
    %slice3A_74 = vector.extract_strided_slice %convert_element_type3A_46 {offsets = [256, 0], sizes = [128, 64], strides = [1, 1]} : vector<4096x64xf32> to vector<128x64xf32>
    %dot_general3A_75 = arith.constant dense<0.000000e+00> : vector<128x64xf32>
    %dot_general3A_76 = tpu.matmul %convert_element_type3A_50, %slice3A_74, %dot_general3A_75 {dimension_numbers = #tpu.dot_dimension_numbers<[1], [0], [0], [1], [0, 0, 1, 1], [], []>, precision = #tpu.contract_precision<fp32>, transpose_lhs_hint = false} : vector<128x128xf32>, vector<128x64xf32>, vector<128x64xf32> -> vector<128x64xf32>
    %swap3A_77 = arith.constant 256 : index
    %swap3A_78 = arith.constant 0 : index
    %swap3A_79 = vector.load %arg8[%swap3A_77, %swap3A_78] : memref<4096x64xf32, #tpu.memory_space<vmem>>, vector<128x64xf32>
    tpu.vector_store %arg8[%swap3A_77, %swap3A_78], %dot_general3A_76 {strides = array<i32>} : memref<4096x64xf32, #tpu.memory_space<vmem>>, vector<128x64xf32>,
    %reduce_sum3A_80 = arith.constant dense<0.000000e+00> : vector<64xf32>
    %reduce_sum3A_81 = vector.multi_reduction <add>, %slice3A_74, %reduce_sum3A_80 [0] : vector<128x64xf32> to vector<64xf32>
    %broadcast_in_dim3A_82 = vector.shape_cast %reduce_sum3A_81 : vector<64xf32> to vector<1x64xf32>
    %swap3A_83 = arith.constant 2 : index
    %swap3A_84 = arith.constant 0 : index
    %swap3A_85 = vector.load %arg9[%swap3A_83, %swap3A_84] : memref<32x64xf32, #tpu.memory_space<vmem>>, vector<1x64xf32>
    tpu.vector_store %arg9[%swap3A_83, %swap3A_84], %broadcast_in_dim3A_82 {strides = array<i32>} : memref<32x64xf32, #tpu.memory_space<vmem>>, vector<1x64xf32>,
    %slice3A_86 = vector.extract_strided_slice %convert_element_type3A_46 {offsets = [384, 0], sizes = [128, 64], strides = [1, 1]} : vector<4096x64xf32> to vector<128x64xf32>
    %dot_general3A_87 = arith.constant dense<0.000000e+00> : vector<128x64xf32>
    %dot_general3A_88 = tpu.matmul %convert_element_type3A_50, %slice3A_86, %dot_general3A_87 {dimension_numbers = #tpu.dot_dimension_numbers<[1], [0], [0], [1], [0, 0, 1, 1], [], []>, precision = #tpu.contract_precision<fp32>, transpose_lhs_hint = false} : vector<128x128xf32>, vector<128x64xf32>, vector<128x64xf32> -> vector<128x64xf32>
    %swap3A_89 = arith.constant 384 : index
    %swap3A_90 = arith.constant 0 : index
    %swap3A_91 = vector.load %arg8[%swap3A_89, %swap3A_90] : memref<4096x64xf32, #tpu.memory_space<vmem>>, vector<128x64xf32>
    tpu.vector_store %arg8[%swap3A_89, %swap3A_90], %dot_general3A_88 {strides = array<i32>} : memref<4096x64xf32, #tpu.memory_space<vmem>>, vector<128x64xf32>,
    %reduce_sum3A_92 = arith.constant dense<0.000000e+00> : vector<64xf32>
    %reduce_sum3A_93 = vector.multi_reduction <add>, %slice3A_86, %reduce_sum3A_92 [0] : vector<128x64xf32> to vector<64xf32>
    %broadcast_in_dim3A_94 = vector.shape_cast %reduce_sum3A_93 : vector<64xf32> to vector<1x64xf32>
    %swap3A_95 = arith.constant 3 : index
    %swap3A_96 = arith.constant 0 : index
    %swap3A_97 = vector.load %arg9[%swap3A_95, %swap3A_96] : memref<32x64xf32, #tpu.memory_space<vmem>>, vector<1x64xf32>
    tpu.vector_store %arg9[%swap3A_95, %swap3A_96], %broadcast_in_dim3A_94 {strides = array<i32>} : memref<32x64xf32, #tpu.memory_space<vmem>>, vector<1x64xf32>,
    %slice3A_98 = vector.extract_strided_slice %convert_element_type3A_46 {offsets = [512, 0], sizes = [128, 64], strides = [1, 1]} : vector<4096x64xf32> to vector<128x64xf32>
    %dot_general3A_99 = arith.constant dense<0.000000e+00> : vector<128x64xf32>
    %dot_general3A_100 = tpu.matmul %convert_element_type3A_50, %slice3A_98, %dot_general3A_99 {dimension_numbers = #tpu.dot_dimension_numbers<[1], [0], [0], [1], [0, 0, 1, 1], [], []>, precision = #tpu.contract_precision<fp32>, transpose_lhs_hint = false} : vector<128x128xf32>, vector<128x64xf32>, vector<128x64xf32> -> vector<128x64xf32>
    %swap3A_101 = arith.constant 512 : index
    %swap3A_102 = arith.constant 0 : index
    %swap3A_103 = vector.load %arg8[%swap3A_101, %swap3A_102] : memref<4096x64xf32, #tpu.memory_space<vmem>>, vector<128x64xf32>
    tpu.vector_store %arg8[%swap3A_101, %swap3A_102], %dot_general3A_100 {strides = array<i32>} : memref<4096x64xf32, #tpu.memory_space<vmem>>, vector<128x64xf32>,
    %reduce_sum3A_104 = arith.constant dense<0.000000e+00> : vector<64xf32>
    %reduce_sum3A_105 = vector.multi_reduction <add>, %slice3A_98, %reduce_sum3A_104 [0] : vector<128x64xf32> to vector<64xf32>
    %broadcast_in_dim3A_106 = vector.shape_cast %reduce_sum3A_105 : vector<64xf32> to vector<1x64xf32>
    %swap3A_107 = arith.constant 4 : index
    %swap3A_108 = arith.constant 0 : index
    %swap3A_109 = vector.load %arg9[%swap3A_107, %swap3A_108] : memref<32x64xf32, #tpu.memory_space<vmem>>, vector<1x64xf32>
    tpu.vector_store %arg9[%swap3A_107, %swap3A_108], %broadcast_in_dim3A_106 {strides = array<i32>} : memref<32x64xf32, #tpu.memory_space<vmem>>, vector<1x64xf32>,
    %slice3A_110 = vector.extract_strided_slice %convert_element_type3A_46 {offsets = [640, 0], sizes = [128, 64], strides = [1, 1]} : vector<4096x64xf32> to vector<128x64xf32>
    %dot_general3A_111 = arith.constant dense<0.000000e+00> : vector<128x64xf32>
    %dot_general3A_112 = tpu.matmul %convert_element_type3A_50, %slice3A_110, %dot_general3A_111 {dimension_numbers = #tpu.dot_dimension_numbers<[1], [0], [0], [1], [0, 0, 1, 1], [], []>, precision = #tpu.contract_precision<fp32>, transpose_lhs_hint = false} : vector<128x128xf32>, vector<128x64xf32>, vector<128x64xf32> -> vector<128x64xf32>
    %swap3A_113 = arith.constant 640 : index
    %swap3A_114 = arith.constant 0 : index
    %swap3A_115 = vector.load %arg8[%swap3A_113, %swap3A_114] : memref<4096x64xf32, #tpu.memory_space<vmem>>, vector<128x64xf32>
    tpu.vector_store %arg8[%swap3A_113, %swap3A_114], %dot_general3A_112 {strides = array<i32>} : memref<4096x64xf32, #tpu.memory_space<vmem>>, vector<128x64xf32>,
    %reduce_sum3A_116 = arith.constant dense<0.000000e+00> : vector<64xf32>
    %reduce_sum3A_117 = vector.multi_reduction <add>, %slice3A_110, %reduce_sum3A_116 [0] : vector<128x64xf32> to vector<64xf32>
    %broadcast_in_dim3A_118 = vector.shape_cast %reduce_sum3A_117 : vector<64xf32> to vector<1x64xf32>
    %swap3A_119 = arith.constant 5 : index
    %swap3A_120 = arith.constant 0 : index
    %swap3A_121 = vector.load %arg9[%swap3A_119, %swap3A_120] : memref<32x64xf32, #tpu.memory_space<vmem>>, vector<1x64xf32>
    tpu.vector_store %arg9[%swap3A_119, %swap3A_120], %broadcast_in_dim3A_118 {strides = array<i32>} : memref<32x64xf32, #tpu.memory_space<vmem>>, vector<1x64xf32>,
    %slice3A_122 = vector.extract_strided_slice %convert_element_type3A_46 {offsets = [768, 0], sizes = [128, 64], strides = [1, 1]} : vector<4096x64xf32> to vector<128x64xf32>
    %dot_general3A_123 = arith.constant dense<0.000000e+00> : vector<128x64xf32>
    %dot_general3A_124 = tpu.matmul %convert_element_type3A_50, %slice3A_122, %dot_general3A_123 {dimension_numbers = #tpu.dot_dimension_numbers<[1], [0], [0], [1], [0, 0, 1, 1], [], []>, precision = #tpu.contract_precision<fp32>, transpose_lhs_hint = false} : vector<128x128xf32>, vector<128x64xf32>, vector<128x64xf32> -> vector<128x64xf32>
    %swap3A_125 = arith.constant 768 : index
    %swap3A_126 = arith.constant 0 : index
    %swap3A_127 = vector.load %arg8[%swap3A_125, %swap3A_126] : memref<4096x64xf32, #tpu.memory_space<vmem>>, vector<128x64xf32>
    tpu.vector_store %arg8[%swap3A_125, %swap3A_126], %dot_general3A_124 {strides = array<i32>} : memref<4096x64xf32, #tpu.memory_space<vmem>>, vector<128x64xf32>,
    %reduce_sum3A_128 = arith.constant dense<0.000000e+00> : vector<64xf32>
    %reduce_sum3A_129 = vector.multi_reduction <add>, %slice3A_122, %reduce_sum3A_128 [0] : vector<128x64xf32> to vector<64xf32>
    %broadcast_in_dim3A_130 = vector.shape_cast %reduce_sum3A_129 : vector<64xf32> to vector<1x64xf32>
    %swap3A_131 = arith.constant 6 : index
    %swap3A_132 = arith.constant 0 : index
    %swap3A_133 = vector.load %arg9[%swap3A_131, %swap3A_132] : memref<32x64xf32, #tpu.memory_space<vmem>>, vector<1x64xf32>
    tpu.vector_store %arg9[%swap3A_131, %swap3A_132], %broadcast_in_dim3A_130 {strides = array<i32>} : memref<32x64xf32, #tpu.memory_space<vmem>>, vector<1x64xf32>,
    %slice3A_134 = vector.extract_strided_slice %convert_element_type3A_46 {offsets = [896, 0], sizes = [128, 64], strides = [1, 1]} : vector<4096x64xf32> to vector<128x64xf32>
    %dot_general3A_135 = arith.constant dense<0.000000e+00> : vector<128x64xf32>
    %dot_general3A_136 = tpu.matmul %convert_element_type3A_50, %slice3A_134, %dot_general3A_135 {dimension_numbers = #tpu.dot_dimension_numbers<[1], [0], [0], [1], [0, 0, 1, 1], [], []>, precision = #tpu.contract_precision<fp32>, transpose_lhs_hint = false} : vector<128x128xf32>, vector<128x64xf32>, vector<128x64xf32> -> vector<128x64xf32>
    %swap3A_137 = arith.constant 896 : index
    %swap3A_138 = arith.constant 0 : index
    %swap3A_139 = vector.load %arg8[%swap3A_137, %swap3A_138] : memref<4096x64xf32, #tpu.memory_space<vmem>>, vector<128x64xf32>
    tpu.vector_store %arg8[%swap3A_137, %swap3A_138], %dot_general3A_136 {strides = array<i32>} : memref<4096x64xf32, #tpu.memory_space<vmem>>, vector<128x64xf32>,
    %reduce_sum3A_140 = arith.constant dense<0.000000e+00> : vector<64xf32>
    %reduce_sum3A_141 = vector.multi_reduction <add>, %slice3A_134, %reduce_sum3A_140 [0] : vector<128x64xf32> to vector<64xf32>
    %broadcast_in_dim3A_142 = vector.shape_cast %reduce_sum3A_141 : vector<64xf32> to vector<1x64xf32>
    %swap3A_143 = arith.constant 7 : index
    %swap3A_144 = arith.constant 0 : index
    %swap3A_145 = vector.load %arg9[%swap3A_143, %swap3A_144] : memref<32x64xf32, #tpu.memory_space<vmem>>, vector<1x64xf32>
    tpu.vector_store %arg9[%swap3A_143, %swap3A_144], %broadcast_in_dim3A_142 {strides = array<i32>} : memref<32x64xf32, #tpu.memory_space<vmem>>, vector<1x64xf32>,
    %slice3A_146 = vector.extract_strided_slice %convert_element_type3A_46 {offsets = [1024, 0], sizes = [128, 64], strides = [1, 1]} : vector<4096x64xf32> to vector<128x64xf32>
    %dot_general3A_147 = arith.constant dense<0.000000e+00> : vector<128x64xf32>
    %dot_general3A_148 = tpu.matmul %convert_element_type3A_50, %slice3A_146, %dot_general3A_147 {dimension_numbers = #tpu.dot_dimension_numbers<[1], [0], [0], [1], [0, 0, 1, 1], [], []>, precision = #tpu.contract_precision<fp32>, transpose_lhs_hint = false} : vector<128x128xf32>, vector<128x64xf32>, vector<128x64xf32> -> vector<128x64xf32>
    %swap3A_149 = arith.constant 1024 : index
    %swap3A_150 = arith.constant 0 : index
    %swap3A_151 = vector.load %arg8[%swap3A_149, %swap3A_150] : memref<4096x64xf32, #tpu.memory_space<vmem>>, vector<128x64xf32>
    tpu.vector_store %arg8[%swap3A_149, %swap3A_150], %dot_general3A_148 {strides = array<i32>} : memref<4096x64xf32, #tpu.memory_space<vmem>>, vector<128x64xf32>,
    %reduce_sum3A_152 = arith.constant dense<0.000000e+00> : vector<64xf32>
    %reduce_sum3A_153 = vector.multi_reduction <add>, %slice3A_146, %reduce_sum3A_152 [0] : vector<128x64xf32> to vector<64xf32>
    %broadcast_in_dim3A_154 = vector.shape_cast %reduce_sum3A_153 : vector<64xf32> to vector<1x64xf32>
    %swap3A_155 = arith.constant 8 : index
    %swap3A_156 = arith.constant 0 : index
    %swap3A_157 = vector.load %arg9[%swap3A_155, %swap3A_156] : memref<32x64xf32, #tpu.memory_space<vmem>>, vector<1x64xf32>
    tpu.vector_store %arg9[%swap3A_155, %swap3A_156], %broadcast_in_dim3A_154 {strides = array<i32>} : memref<32x64xf32, #tpu.memory_space<vmem>>, vector<1x64xf32>,
    %slice3A_158 = vector.extract_strided_slice %convert_element_type3A_46 {offsets = [1152, 0], sizes = [128, 64], strides = [1, 1]} : vector<4096x64xf32> to vector<128x64xf32>
    %dot_general3A_159 = arith.constant dense<0.000000e+00> : vector<128x64xf32>
    %dot_general3A_160 = tpu.matmul %convert_element_type3A_50, %slice3A_158, %dot_general3A_159 {dimension_numbers = #tpu.dot_dimension_numbers<[1], [0], [0], [1], [0, 0, 1, 1], [], []>, precision = #tpu.contract_precision<fp32>, transpose_lhs_hint = false} : vector<128x128xf32>, vector<128x64xf32>, vector<128x64xf32> -> vector<128x64xf32>
    %swap3A_161 = arith.constant 1152 : index
    %swap3A_162 = arith.constant 0 : index
    %swap3A_163 = vector.load %arg8[%swap3A_161, %swap3A_162] : memref<4096x64xf32, #tpu.memory_space<vmem>>, vector<128x64xf32>
    tpu.vector_store %arg8[%swap3A_161, %swap3A_162], %dot_general3A_160 {strides = array<i32>} : memref<4096x64xf32, #tpu.memory_space<vmem>>, vector<128x64xf32>,
    %reduce_sum3A_164 = arith.constant dense<0.000000e+00> : vector<64xf32>
    %reduce_sum3A_165 = vector.multi_reduction <add>, %slice3A_158, %reduce_sum3A_164 [0] : vector<128x64xf32> to vector<64xf32>
    %broadcast_in_dim3A_166 = vector.shape_cast %reduce_sum3A_165 : vector<64xf32> to vector<1x64xf32>
    %swap3A_167 = arith.constant 9 : index
    %swap3A_168 = arith.constant 0 : index
    %swap3A_169 = vector.load %arg9[%swap3A_167, %swap3A_168] : memref<32x64xf32, #tpu.memory_space<vmem>>, vector<1x64xf32>
    tpu.vector_store %arg9[%swap3A_167, %swap3A_168], %broadcast_in_dim3A_166 {strides = array<i32>} : memref<32x64xf32, #tpu.memory_space<vmem>>, vector<1x64xf32>,
    %slice3A_170 = vector.extract_strided_slice %convert_element_type3A_46 {offsets = [1280, 0], sizes = [128, 64], strides = [1, 1]} : vector<4096x64xf32> to vector<128x64xf32>
    %dot_general3A_171 = arith.constant dense<0.000000e+00> : vector<128x64xf32>
    %dot_general3A_172 = tpu.matmul %convert_element_type3A_50, %slice3A_170, %dot_general3A_171 {dimension_numbers = #tpu.dot_dimension_numbers<[1], [0], [0], [1], [0, 0, 1, 1], [], []>, precision = #tpu.contract_precision<fp32>, transpose_lhs_hint = false} : vector<128x128xf32>, vector<128x64xf32>, vector<128x64xf32> -> vector<128x64xf32>
    %swap3A_173 = arith.constant 1280 : index
    %swap3A_174 = arith.constant 0 : index
    %swap3A_175 = vector.load %arg8[%swap3A_173, %swap3A_174] : memref<4096x64xf32, #tpu.memory_space<vmem>>, vector<128x64xf32>
    tpu.vector_store %arg8[%swap3A_173, %swap3A_174], %dot_general3A_172 {strides = array<i32>} : memref<4096x64xf32, #tpu.memory_space<vmem>>, vector<128x64xf32>,
    %reduce_sum3A_176 = arith.constant dense<0.000000e+00> : vector<64xf32>
    %reduce_sum3A_177 = vector.multi_reduction <add>, %slice3A_170, %reduce_sum3A_176 [0] : vector<128x64xf32> to vector<64xf32>
    %broadcast_in_dim3A_178 = vector.shape_cast %reduce_sum3A_177 : vector<64xf32> to vector<1x64xf32>
    %swap3A_179 = arith.constant 10 : index
    %swap3A_180 = arith.constant 0 : index
    %swap3A_181 = vector.load %arg9[%swap3A_179, %swap3A_180] : memref<32x64xf32, #tpu.memory_space<vmem>>, vector<1x64xf32>
    tpu.vector_store %arg9[%swap3A_179, %swap3A_180], %broadcast_in_dim3A_178 {strides = array<i32>} : memref<32x64xf32, #tpu.memory_space<vmem>>, vector<1x64xf32>,
    %slice3A_182 = vector.extract_strided_slice %convert_element_type3A_46 {offsets = [1408, 0], sizes = [128, 64], strides = [1, 1]} : vector<4096x64xf32> to vector<128x64xf32>
    %dot_general3A_183 = arith.constant dense<0.000000e+00> : vector<128x64xf32>
    %dot_general3A_184 = tpu.matmul %convert_element_type3A_50, %slice3A_182, %dot_general3A_183 {dimension_numbers = #tpu.dot_dimension_numbers<[1], [0], [0], [1], [0, 0, 1, 1], [], []>, precision = #tpu.contract_precision<fp32>, transpose_lhs_hint = false} : vector<128x128xf32>, vector<128x64xf32>, vector<128x64xf32> -> vector<128x64xf32>
    %swap3A_185 = arith.constant 1408 : index
    %swap3A_186 = arith.constant 0 : index
    %swap3A_187 = vector.load %arg8[%swap3A_185, %swap3A_186] : memref<4096x64xf32, #tpu.memory_space<vmem>>, vector<128x64xf32>
    tpu.vector_store %arg8[%swap3A_185, %swap3A_186], %dot_general3A_184 {strides = array<i32>} : memref<4096x64xf32, #tpu.memory_space<vmem>>, vector<128x64xf32>,
    %reduce_sum3A_188 = arith.constant dense<0.000000e+00> : vector<64xf32>
    %reduce_sum3A_189 = vector.multi_reduction <add>, %slice3A_182, %reduce_sum3A_188 [0] : vector<128x64xf32> to vector<64xf32>
    %broadcast_in_dim3A_190 = vector.shape_cast %reduce_sum3A_189 : vector<64xf32> to vector<1x64xf32>
    %swap3A_191 = arith.constant 11 : index
    %swap3A_192 = arith.constant 0 : index
    %swap3A_193 = vector.load %arg9[%swap3A_191, %swap3A_192] : memref<32x64xf32, #tpu.memory_space<vmem>>, vector<1x64xf32>
    tpu.vector_store %arg9[%swap3A_191, %swap3A_192], %broadcast_in_dim3A_190 {strides = array<i32>} : memref<32x64xf32, #tpu.memory_space<vmem>>, vector<1x64xf32>,
    %slice3A_194 = vector.extract_strided_slice %convert_element_type3A_46 {offsets = [1536, 0], sizes = [128, 64], strides = [1, 1]} : vector<4096x64xf32> to vector<128x64xf32>
    %dot_general3A_195 = arith.constant dense<0.000000e+00> : vector<128x64xf32>
    %dot_general3A_196 = tpu.matmul %convert_element_type3A_50, %slice3A_194, %dot_general3A_195 {dimension_numbers = #tpu.dot_dimension_numbers<[1], [0], [0], [1], [0, 0, 1, 1], [], []>, precision = #tpu.contract_precision<fp32>, transpose_lhs_hint = false} : vector<128x128xf32>, vector<128x64xf32>, vector<128x64xf32> -> vector<128x64xf32>
    %swap3A_197 = arith.constant 1536 : index
    %swap3A_198 = arith.constant 0 : index
    %swap3A_199 = vector.load %arg8[%swap3A_197, %swap3A_198] : memref<4096x64xf32, #tpu.memory_space<vmem>>, vector<128x64xf32>
    tpu.vector_store %arg8[%swap3A_197, %swap3A_198], %dot_general3A_196 {strides = array<i32>} : memref<4096x64xf32, #tpu.memory_space<vmem>>, vector<128x64xf32>,
    %reduce_sum3A_200 = arith.constant dense<0.000000e+00> : vector<64xf32>
    %reduce_sum3A_201 = vector.multi_reduction <add>, %slice3A_194, %reduce_sum3A_200 [0] : vector<128x64xf32> to vector<64xf32>
    %broadcast_in_dim3A_202 = vector.shape_cast %reduce_sum3A_201 : vector<64xf32> to vector<1x64xf32>
    %swap3A_203 = arith.constant 12 : index
    %swap3A_204 = arith.constant 0 : index
    %swap3A_205 = vector.load %arg9[%swap3A_203, %swap3A_204] : memref<32x64xf32, #tpu.memory_space<vmem>>, vector<1x64xf32>
    tpu.vector_store %arg9[%swap3A_203, %swap3A_204], %broadcast_in_dim3A_202 {strides = array<i32>} : memref<32x64xf32, #tpu.memory_space<vmem>>, vector<1x64xf32>,
    %slice3A_206 = vector.extract_strided_slice %convert_element_type3A_46 {offsets = [1664, 0], sizes = [128, 64], strides = [1, 1]} : vector<4096x64xf32> to vector<128x64xf32>
    %dot_general3A_207 = arith.constant dense<0.000000e+00> : vector<128x64xf32>
    %dot_general3A_208 = tpu.matmul %convert_element_type3A_50, %slice3A_206, %dot_general3A_207 {dimension_numbers = #tpu.dot_dimension_numbers<[1], [0], [0], [1], [0, 0, 1, 1], [], []>, precision = #tpu.contract_precision<fp32>, transpose_lhs_hint = false} : vector<128x128xf32>, vector<128x64xf32>, vector<128x64xf32> -> vector<128x64xf32>
    %swap3A_209 = arith.constant 1664 : index
    %swap3A_210 = arith.constant 0 : index
    %swap3A_211 = vector.load %arg8[%swap3A_209, %swap3A_210] : memref<4096x64xf32, #tpu.memory_space<vmem>>, vector<128x64xf32>
    tpu.vector_store %arg8[%swap3A_209, %swap3A_210], %dot_general3A_208 {strides = array<i32>} : memref<4096x64xf32, #tpu.memory_space<vmem>>, vector<128x64xf32>,
    %reduce_sum3A_212 = arith.constant dense<0.000000e+00> : vector<64xf32>
    %reduce_sum3A_213 = vector.multi_reduction <add>, %slice3A_206, %reduce_sum3A_212 [0] : vector<128x64xf32> to vector<64xf32>
    %broadcast_in_dim3A_214 = vector.shape_cast %reduce_sum3A_213 : vector<64xf32> to vector<1x64xf32>
    %swap3A_215 = arith.constant 13 : index
    %swap3A_216 = arith.constant 0 : index
    %swap3A_217 = vector.load %arg9[%swap3A_215, %swap3A_216] : memref<32x64xf32, #tpu.memory_space<vmem>>, vector<1x64xf32>
    tpu.vector_store %arg9[%swap3A_215, %swap3A_216], %broadcast_in_dim3A_214 {strides = array<i32>} : memref<32x64xf32, #tpu.memory_space<vmem>>, vector<1x64xf32>,
    %slice3A_218 = vector.extract_strided_slice %convert_element_type3A_46 {offsets = [1792, 0], sizes = [128, 64], strides = [1, 1]} : vector<4096x64xf32> to vector<128x64xf32>
    %dot_general3A_219 = arith.constant dense<0.000000e+00> : vector<128x64xf32>
    %dot_general3A_220 = tpu.matmul %convert_element_type3A_50, %slice3A_218, %dot_general3A_219 {dimension_numbers = #tpu.dot_dimension_numbers<[1], [0], [0], [1], [0, 0, 1, 1], [], []>, precision = #tpu.contract_precision<fp32>, transpose_lhs_hint = false} : vector<128x128xf32>, vector<128x64xf32>, vector<128x64xf32> -> vector<128x64xf32>
    %swap3A_221 = arith.constant 1792 : index
    %swap3A_222 = arith.constant 0 : index
    %swap3A_223 = vector.load %arg8[%swap3A_221, %swap3A_222] : memref<4096x64xf32, #tpu.memory_space<vmem>>, vector<128x64xf32>
    tpu.vector_store %arg8[%swap3A_221, %swap3A_222], %dot_general3A_220 {strides = array<i32>} : memref<4096x64xf32, #tpu.memory_space<vmem>>, vector<128x64xf32>,
    %reduce_sum3A_224 = arith.constant dense<0.000000e+00> : vector<64xf32>
    %reduce_sum3A_225 = vector.multi_reduction <add>, %slice3A_218, %reduce_sum3A_224 [0] : vector<128x64xf32> to vector<64xf32>
    %broadcast_in_dim3A_226 = vector.shape_cast %reduce_sum3A_225 : vector<64xf32> to vector<1x64xf32>
    %swap3A_227 = arith.constant 14 : index
    %swap3A_228 = arith.constant 0 : index
    %swap3A_229 = vector.load %arg9[%swap3A_227, %swap3A_228] : memref<32x64xf32, #tpu.memory_space<vmem>>, vector<1x64xf32>
    tpu.vector_store %arg9[%swap3A_227, %swap3A_228], %broadcast_in_dim3A_226 {strides = array<i32>} : memref<32x64xf32, #tpu.memory_space<vmem>>, vector<1x64xf32>,
    %slice3A_230 = vector.extract_strided_slice %convert_element_type3A_46 {offsets = [1920, 0], sizes = [128, 64], strides = [1, 1]} : vector<4096x64xf32> to vector<128x64xf32>
    %dot_general3A_231 = arith.constant dense<0.000000e+00> : vector<128x64xf32>
    %dot_general3A_232 = tpu.matmul %convert_element_type3A_50, %slice3A_230, %dot_general3A_231 {dimension_numbers = #tpu.dot_dimension_numbers<[1], [0], [0], [1], [0, 0, 1, 1], [], []>, precision = #tpu.contract_precision<fp32>, transpose_lhs_hint = false} : vector<128x128xf32>, vector<128x64xf32>, vector<128x64xf32> -> vector<128x64xf32>
    %swap3A_233 = arith.constant 1920 : index
    %swap3A_234 = arith.constant 0 : index
    %swap3A_235 = vector.load %arg8[%swap3A_233, %swap3A_234] : memref<4096x64xf32, #tpu.memory_space<vmem>>, vector<128x64xf32>
    tpu.vector_store %arg8[%swap3A_233, %swap3A_234], %dot_general3A_232 {strides = array<i32>} : memref<4096x64xf32, #tpu.memory_space<vmem>>, vector<128x64xf32>,
    %reduce_sum3A_236 = arith.constant dense<0.000000e+00> : vector<64xf32>
    %reduce_sum3A_237 = vector.multi_reduction <add>, %slice3A_230, %reduce_sum3A_236 [0] : vector<128x64xf32> to vector<64xf32>
    %broadcast_in_dim3A_238 = vector.shape_cast %reduce_sum3A_237 : vector<64xf32> to vector<1x64xf32>
    %swap3A_239 = arith.constant 15 : index
    %swap3A_240 = arith.constant 0 : index
    %swap3A_241 = vector.load %arg9[%swap3A_239, %swap3A_240] : memref<32x64xf32, #tpu.memory_space<vmem>>, vector<1x64xf32>
    tpu.vector_store %arg9[%swap3A_239, %swap3A_240], %broadcast_in_dim3A_238 {strides = array<i32>} : memref<32x64xf32, #tpu.memory_space<vmem>>, vector<1x64xf32>,
    %slice3A_242 = vector.extract_strided_slice %convert_element_type3A_46 {offsets = [2048, 0], sizes = [128, 64], strides = [1, 1]} : vector<4096x64xf32> to vector<128x64xf32>
    %dot_general3A_243 = arith.constant dense<0.000000e+00> : vector<128x64xf32>
    %dot_general3A_244 = tpu.matmul %convert_element_type3A_50, %slice3A_242, %dot_general3A_243 {dimension_numbers = #tpu.dot_dimension_numbers<[1], [0], [0], [1], [0, 0, 1, 1], [], []>, precision = #tpu.contract_precision<fp32>, transpose_lhs_hint = false} : vector<128x128xf32>, vector<128x64xf32>, vector<128x64xf32> -> vector<128x64xf32>
    %swap3A_245 = arith.constant 2048 : index
    %swap3A_246 = arith.constant 0 : index
    %swap3A_247 = vector.load %arg8[%swap3A_245, %swap3A_246] : memref<4096x64xf32, #tpu.memory_space<vmem>>, vector<128x64xf32>
    tpu.vector_store %arg8[%swap3A_245, %swap3A_246], %dot_general3A_244 {strides = array<i32>} : memref<4096x64xf32, #tpu.memory_space<vmem>>, vector<128x64xf32>,
    %reduce_sum3A_248 = arith.constant dense<0.000000e+00> : vector<64xf32>
    %reduce_sum3A_249 = vector.multi_reduction <add>, %slice3A_242, %reduce_sum3A_248 [0] : vector<128x64xf32> to vector<64xf32>
    %broadcast_in_dim3A_250 = vector.shape_cast %reduce_sum3A_249 : vector<64xf32> to vector<1x64xf32>
    %swap3A_251 = arith.constant 16 : index
    %swap3A_252 = arith.constant 0 : index
    %swap3A_253 = vector.load %arg9[%swap3A_251, %swap3A_252] : memref<32x64xf32, #tpu.memory_space<vmem>>, vector<1x64xf32>
    tpu.vector_store %arg9[%swap3A_251, %swap3A_252], %broadcast_in_dim3A_250 {strides = array<i32>} : memref<32x64xf32, #tpu.memory_space<vmem>>, vector<1x64xf32>,
    %slice3A_254 = vector.extract_strided_slice %convert_element_type3A_46 {offsets = [2176, 0], sizes = [128, 64], strides = [1, 1]} : vector<4096x64xf32> to vector<128x64xf32>
    %dot_general3A_255 = arith.constant dense<0.000000e+00> : vector<128x64xf32>
    %dot_general3A_256 = tpu.matmul %convert_element_type3A_50, %slice3A_254, %dot_general3A_255 {dimension_numbers = #tpu.dot_dimension_numbers<[1], [0], [0], [1], [0, 0, 1, 1], [], []>, precision = #tpu.contract_precision<fp32>, transpose_lhs_hint = false} : vector<128x128xf32>, vector<128x64xf32>, vector<128x64xf32> -> vector<128x64xf32>
    %swap3A_257 = arith.constant 2176 : index
    %swap3A_258 = arith.constant 0 : index
    %swap3A_259 = vector.load %arg8[%swap3A_257, %swap3A_258] : memref<4096x64xf32, #tpu.memory_space<vmem>>, vector<128x64xf32>
    tpu.vector_store %arg8[%swap3A_257, %swap3A_258], %dot_general3A_256 {strides = array<i32>} : memref<4096x64xf32, #tpu.memory_space<vmem>>, vector<128x64xf32>,
    %reduce_sum3A_260 = arith.constant dense<0.000000e+00> : vector<64xf32>
    %reduce_sum3A_261 = vector.multi_reduction <add>, %slice3A_254, %reduce_sum3A_260 [0] : vector<128x64xf32> to vector<64xf32>
    %broadcast_in_dim3A_262 = vector.shape_cast %reduce_sum3A_261 : vector<64xf32> to vector<1x64xf32>
    %swap3A_263 = arith.constant 17 : index
    %swap3A_264 = arith.constant 0 : index
    %swap3A_265 = vector.load %arg9[%swap3A_263, %swap3A_264] : memref<32x64xf32, #tpu.memory_space<vmem>>, vector<1x64xf32>
    tpu.vector_store %arg9[%swap3A_263, %swap3A_264], %broadcast_in_dim3A_262 {strides = array<i32>} : memref<32x64xf32, #tpu.memory_space<vmem>>, vector<1x64xf32>,
    %slice3A_266 = vector.extract_strided_slice %convert_element_type3A_46 {offsets = [2304, 0], sizes = [128, 64], strides = [1, 1]} : vector<4096x64xf32> to vector<128x64xf32>
    %dot_general3A_267 = arith.constant dense<0.000000e+00> : vector<128x64xf32>
    %dot_general3A_268 = tpu.matmul %convert_element_type3A_50, %slice3A_266, %dot_general3A_267 {dimension_numbers = #tpu.dot_dimension_numbers<[1], [0], [0], [1], [0, 0, 1, 1], [], []>, precision = #tpu.contract_precision<fp32>, transpose_lhs_hint = false} : vector<128x128xf32>, vector<128x64xf32>, vector<128x64xf32> -> vector<128x64xf32>
    %swap3A_269 = arith.constant 2304 : index
    %swap3A_270 = arith.constant 0 : index
    %swap3A_271 = vector.load %arg8[%swap3A_269, %swap3A_270] : memref<4096x64xf32, #tpu.memory_space<vmem>>, vector<128x64xf32>
    tpu.vector_store %arg8[%swap3A_269, %swap3A_270], %dot_general3A_268 {strides = array<i32>} : memref<4096x64xf32, #tpu.memory_space<vmem>>, vector<128x64xf32>,
    %reduce_sum3A_272 = arith.constant dense<0.000000e+00> : vector<64xf32>
    %reduce_sum3A_273 = vector.multi_reduction <add>, %slice3A_266, %reduce_sum3A_272 [0] : vector<128x64xf32> to vector<64xf32>
    %broadcast_in_dim3A_274 = vector.shape_cast %reduce_sum3A_273 : vector<64xf32> to vector<1x64xf32>
    %swap3A_275 = arith.constant 18 : index
    %swap3A_276 = arith.constant 0 : index
    %swap3A_277 = vector.load %arg9[%swap3A_275, %swap3A_276] : memref<32x64xf32, #tpu.memory_space<vmem>>, vector<1x64xf32>
    tpu.vector_store %arg9[%swap3A_275, %swap3A_276], %broadcast_in_dim3A_274 {strides = array<i32>} : memref<32x64xf32, #tpu.memory_space<vmem>>, vector<1x64xf32>,
    %slice3A_278 = vector.extract_strided_slice %convert_element_type3A_46 {offsets = [2432, 0], sizes = [128, 64], strides = [1, 1]} : vector<4096x64xf32> to vector<128x64xf32>
    %dot_general3A_279 = arith.constant dense<0.000000e+00> : vector<128x64xf32>
    %dot_general3A_280 = tpu.matmul %convert_element_type3A_50, %slice3A_278, %dot_general3A_279 {dimension_numbers = #tpu.dot_dimension_numbers<[1], [0], [0], [1], [0, 0, 1, 1], [], []>, precision = #tpu.contract_precision<fp32>, transpose_lhs_hint = false} : vector<128x128xf32>, vector<128x64xf32>, vector<128x64xf32> -> vector<128x64xf32>
    %swap3A_281 = arith.constant 2432 : index
    %swap3A_282 = arith.constant 0 : index
    %swap3A_283 = vector.load %arg8[%swap3A_281, %swap3A_282] : memref<4096x64xf32, #tpu.memory_space<vmem>>, vector<128x64xf32>
    tpu.vector_store %arg8[%swap3A_281, %swap3A_282], %dot_general3A_280 {strides = array<i32>} : memref<4096x64xf32, #tpu.memory_space<vmem>>, vector<128x64xf32>,
    %reduce_sum3A_284 = arith.constant dense<0.000000e+00> : vector<64xf32>
    %reduce_sum3A_285 = vector.multi_reduction <add>, %slice3A_278, %reduce_sum3A_284 [0] : vector<128x64xf32> to vector<64xf32>
    %broadcast_in_dim3A_286 = vector.shape_cast %reduce_sum3A_285 : vector<64xf32> to vector<1x64xf32>
    %swap3A_287 = arith.constant 19 : index
    %swap3A_288 = arith.constant 0 : index
    %swap3A_289 = vector.load %arg9[%swap3A_287, %swap3A_288] : memref<32x64xf32, #tpu.memory_space<vmem>>, vector<1x64xf32>
    tpu.vector_store %arg9[%swap3A_287, %swap3A_288], %broadcast_in_dim3A_286 {strides = array<i32>} : memref<32x64xf32, #tpu.memory_space<vmem>>, vector<1x64xf32>,
    %slice3A_290 = vector.extract_strided_slice %convert_element_type3A_46 {offsets = [2560, 0], sizes = [128, 64], strides = [1, 1]} : vector<4096x64xf32> to vector<128x64xf32>
    %dot_general3A_291 = arith.constant dense<0.000000e+00> : vector<128x64xf32>
    %dot_general3A_292 = tpu.matmul %convert_element_type3A_50, %slice3A_290, %dot_general3A_291 {dimension_numbers = #tpu.dot_dimension_numbers<[1], [0], [0], [1], [0, 0, 1, 1], [], []>, precision = #tpu.contract_precision<fp32>, transpose_lhs_hint = false} : vector<128x128xf32>, vector<128x64xf32>, vector<128x64xf32> -> vector<128x64xf32>
    %swap3A_293 = arith.constant 2560 : index
    %swap3A_294 = arith.constant 0 : index
    %swap3A_295 = vector.load %arg8[%swap3A_293, %swap3A_294] : memref<4096x64xf32, #tpu.memory_space<vmem>>, vector<128x64xf32>
    tpu.vector_store %arg8[%swap3A_293, %swap3A_294], %dot_general3A_292 {strides = array<i32>} : memref<4096x64xf32, #tpu.memory_space<vmem>>, vector<128x64xf32>,
    %reduce_sum3A_296 = arith.constant dense<0.000000e+00> : vector<64xf32>
    %reduce_sum3A_297 = vector.multi_reduction <add>, %slice3A_290, %reduce_sum3A_296 [0] : vector<128x64xf32> to vector<64xf32>
    %broadcast_in_dim3A_298 = vector.shape_cast %reduce_sum3A_297 : vector<64xf32> to vector<1x64xf32>
    %swap3A_299 = arith.constant 20 : index
    %swap3A_300 = arith.constant 0 : index
    %swap3A_301 = vector.load %arg9[%swap3A_299, %swap3A_300] : memref<32x64xf32, #tpu.memory_space<vmem>>, vector<1x64xf32>
    tpu.vector_store %arg9[%swap3A_299, %swap3A_300], %broadcast_in_dim3A_298 {strides = array<i32>} : memref<32x64xf32, #tpu.memory_space<vmem>>, vector<1x64xf32>,
    %slice3A_302 = vector.extract_strided_slice %convert_element_type3A_46 {offsets = [2688, 0], sizes = [128, 64], strides = [1, 1]} : vector<4096x64xf32> to vector<128x64xf32>
    %dot_general3A_303 = arith.constant dense<0.000000e+00> : vector<128x64xf32>
    %dot_general3A_304 = tpu.matmul %convert_element_type3A_50, %slice3A_302, %dot_general3A_303 {dimension_numbers = #tpu.dot_dimension_numbers<[1], [0], [0], [1], [0, 0, 1, 1], [], []>, precision = #tpu.contract_precision<fp32>, transpose_lhs_hint = false} : vector<128x128xf32>, vector<128x64xf32>, vector<128x64xf32> -> vector<128x64xf32>
    %swap3A_305 = arith.constant 2688 : index
    %swap3A_306 = arith.constant 0 : index
    %swap3A_307 = vector.load %arg8[%swap3A_305, %swap3A_306] : memref<4096x64xf32, #tpu.memory_space<vmem>>, vector<128x64xf32>
    tpu.vector_store %arg8[%swap3A_305, %swap3A_306], %dot_general3A_304 {strides = array<i32>} : memref<4096x64xf32, #tpu.memory_space<vmem>>, vector<128x64xf32>,
    %reduce_sum3A_308 = arith.constant dense<0.000000e+00> : vector<64xf32>
    %reduce_sum3A_309 = vector.multi_reduction <add>, %slice3A_302, %reduce_sum3A_308 [0] : vector<128x64xf32> to vector<64xf32>
    %broadcast_in_dim3A_310 = vector.shape_cast %reduce_sum3A_309 : vector<64xf32> to vector<1x64xf32>
    %swap3A_311 = arith.constant 21 : index
    %swap3A_312 = arith.constant 0 : index
    %swap3A_313 = vector.load %arg9[%swap3A_311, %swap3A_312] : memref<32x64xf32, #tpu.memory_space<vmem>>, vector<1x64xf32>
    tpu.vector_store %arg9[%swap3A_311, %swap3A_312], %broadcast_in_dim3A_310 {strides = array<i32>} : memref<32x64xf32, #tpu.memory_space<vmem>>, vector<1x64xf32>,
    %slice3A_314 = vector.extract_strided_slice %convert_element_type3A_46 {offsets = [2816, 0], sizes = [128, 64], strides = [1, 1]} : vector<4096x64xf32> to vector<128x64xf32>
    %dot_general3A_315 = arith.constant dense<0.000000e+00> : vector<128x64xf32>
    %dot_general3A_316 = tpu.matmul %convert_element_type3A_50, %slice3A_314, %dot_general3A_315 {dimension_numbers = #tpu.dot_dimension_numbers<[1], [0], [0], [1], [0, 0, 1, 1], [], []>, precision = #tpu.contract_precision<fp32>, transpose_lhs_hint = false} : vector<128x128xf32>, vector<128x64xf32>, vector<128x64xf32> -> vector<128x64xf32>
    %swap3A_317 = arith.constant 2816 : index
    %swap3A_318 = arith.constant 0 : index
    %swap3A_319 = vector.load %arg8[%swap3A_317, %swap3A_318] : memref<4096x64xf32, #tpu.memory_space<vmem>>, vector<128x64xf32>
    tpu.vector_store %arg8[%swap3A_317, %swap3A_318], %dot_general3A_316 {strides = array<i32>} : memref<4096x64xf32, #tpu.memory_space<vmem>>, vector<128x64xf32>,
    %reduce_sum3A_320 = arith.constant dense<0.000000e+00> : vector<64xf32>
    %reduce_sum3A_321 = vector.multi_reduction <add>, %slice3A_314, %reduce_sum3A_320 [0] : vector<128x64xf32> to vector<64xf32>
    %broadcast_in_dim3A_322 = vector.shape_cast %reduce_sum3A_321 : vector<64xf32> to vector<1x64xf32>
    %swap3A_323 = arith.constant 22 : index
    %swap3A_324 = arith.constant 0 : index
    %swap3A_325 = vector.load %arg9[%swap3A_323, %swap3A_324] : memref<32x64xf32, #tpu.memory_space<vmem>>, vector<1x64xf32>
    tpu.vector_store %arg9[%swap3A_323, %swap3A_324], %broadcast_in_dim3A_322 {strides = array<i32>} : memref<32x64xf32, #tpu.memory_space<vmem>>, vector<1x64xf32>,
    %slice3A_326 = vector.extract_strided_slice %convert_element_type3A_46 {offsets = [2944, 0], sizes = [128, 64], strides = [1, 1]} : vector<4096x64xf32> to vector<128x64xf32>
    %dot_general3A_327 = arith.constant dense<0.000000e+00> : vector<128x64xf32>
    %dot_general3A_328 = tpu.matmul %convert_element_type3A_50, %slice3A_326, %dot_general3A_327 {dimension_numbers = #tpu.dot_dimension_numbers<[1], [0], [0], [1], [0, 0, 1, 1], [], []>, precision = #tpu.contract_precision<fp32>, transpose_lhs_hint = false} : vector<128x128xf32>, vector<128x64xf32>, vector<128x64xf32> -> vector<128x64xf32>
    %swap3A_329 = arith.constant 2944 : index
    %swap3A_330 = arith.constant 0 : index
    %swap3A_331 = vector.load %arg8[%swap3A_329, %swap3A_330] : memref<4096x64xf32, #tpu.memory_space<vmem>>, vector<128x64xf32>
    tpu.vector_store %arg8[%swap3A_329, %swap3A_330], %dot_general3A_328 {strides = array<i32>} : memref<4096x64xf32, #tpu.memory_space<vmem>>, vector<128x64xf32>,
    %reduce_sum3A_332 = arith.constant dense<0.000000e+00> : vector<64xf32>
    %reduce_sum3A_333 = vector.multi_reduction <add>, %slice3A_326, %reduce_sum3A_332 [0] : vector<128x64xf32> to vector<64xf32>
    %broadcast_in_dim3A_334 = vector.shape_cast %reduce_sum3A_333 : vector<64xf32> to vector<1x64xf32>
    %swap3A_335 = arith.constant 23 : index
    %swap3A_336 = arith.constant 0 : index
    %swap3A_337 = vector.load %arg9[%swap3A_335, %swap3A_336] : memref<32x64xf32, #tpu.memory_space<vmem>>, vector<1x64xf32>
    tpu.vector_store %arg9[%swap3A_335, %swap3A_336], %broadcast_in_dim3A_334 {strides = array<i32>} : memref<32x64xf32, #tpu.memory_space<vmem>>, vector<1x64xf32>,
    %slice3A_338 = vector.extract_strided_slice %convert_element_type3A_46 {offsets = [3072, 0], sizes = [128, 64], strides = [1, 1]} : vector<4096x64xf32> to vector<128x64xf32>
    %dot_general3A_339 = arith.constant dense<0.000000e+00> : vector<128x64xf32>
    %dot_general3A_340 = tpu.matmul %convert_element_type3A_50, %slice3A_338, %dot_general3A_339 {dimension_numbers = #tpu.dot_dimension_numbers<[1], [0], [0], [1], [0, 0, 1, 1], [], []>, precision = #tpu.contract_precision<fp32>, transpose_lhs_hint = false} : vector<128x128xf32>, vector<128x64xf32>, vector<128x64xf32> -> vector<128x64xf32>
    %swap3A_341 = arith.constant 3072 : index
    %swap3A_342 = arith.constant 0 : index
    %swap3A_343 = vector.load %arg8[%swap3A_341, %swap3A_342] : memref<4096x64xf32, #tpu.memory_space<vmem>>, vector<128x64xf32>
    tpu.vector_store %arg8[%swap3A_341, %swap3A_342], %dot_general3A_340 {strides = array<i32>} : memref<4096x64xf32, #tpu.memory_space<vmem>>, vector<128x64xf32>,
    %reduce_sum3A_344 = arith.constant dense<0.000000e+00> : vector<64xf32>
    %reduce_sum3A_345 = vector.multi_reduction <add>, %slice3A_338, %reduce_sum3A_344 [0] : vector<128x64xf32> to vector<64xf32>
    %broadcast_in_dim3A_346 = vector.shape_cast %reduce_sum3A_345 : vector<64xf32> to vector<1x64xf32>
    %swap3A_347 = arith.constant 24 : index
    %swap3A_348 = arith.constant 0 : index
    %swap3A_349 = vector.load %arg9[%swap3A_347, %swap3A_348] : memref<32x64xf32, #tpu.memory_space<vmem>>, vector<1x64xf32>
    tpu.vector_store %arg9[%swap3A_347, %swap3A_348], %broadcast_in_dim3A_346 {strides = array<i32>} : memref<32x64xf32, #tpu.memory_space<vmem>>, vector<1x64xf32>,
    %slice3A_350 = vector.extract_strided_slice %convert_element_type3A_46 {offsets = [3200, 0], sizes = [128, 64], strides = [1, 1]} : vector<4096x64xf32> to vector<128x64xf32>
    %dot_general3A_351 = arith.constant dense<0.000000e+00> : vector<128x64xf32>
    %dot_general3A_352 = tpu.matmul %convert_element_type3A_50, %slice3A_350, %dot_general3A_351 {dimension_numbers = #tpu.dot_dimension_numbers<[1], [0], [0], [1], [0, 0, 1, 1], [], []>, precision = #tpu.contract_precision<fp32>, transpose_lhs_hint = false} : vector<128x128xf32>, vector<128x64xf32>, vector<128x64xf32> -> vector<128x64xf32>
    %swap3A_353 = arith.constant 3200 : index
    %swap3A_354 = arith.constant 0 : index
    %swap3A_355 = vector.load %arg8[%swap3A_353, %swap3A_354] : memref<4096x64xf32, #tpu.memory_space<vmem>>, vector<128x64xf32>
    tpu.vector_store %arg8[%swap3A_353, %swap3A_354], %dot_general3A_352 {strides = array<i32>} : memref<4096x64xf32, #tpu.memory_space<vmem>>, vector<128x64xf32>,
    %reduce_sum3A_356 = arith.constant dense<0.000000e+00> : vector<64xf32>
    %reduce_sum3A_357 = vector.multi_reduction <add>, %slice3A_350, %reduce_sum3A_356 [0] : vector<128x64xf32> to vector<64xf32>
    %broadcast_in_dim3A_358 = vector.shape_cast %reduce_sum3A_357 : vector<64xf32> to vector<1x64xf32>
    %swap3A_359 = arith.constant 25 : index
    %swap3A_360 = arith.constant 0 : index
    %swap3A_361 = vector.load %arg9[%swap3A_359, %swap3A_360] : memref<32x64xf32, #tpu.memory_space<vmem>>, vector<1x64xf32>
    tpu.vector_store %arg9[%swap3A_359, %swap3A_360], %broadcast_in_dim3A_358 {strides = array<i32>} : memref<32x64xf32, #tpu.memory_space<vmem>>, vector<1x64xf32>,
    %slice3A_362 = vector.extract_strided_slice %convert_element_type3A_46 {offsets = [3328, 0], sizes = [128, 64], strides = [1, 1]} : vector<4096x64xf32> to vector<128x64xf32>
    %dot_general3A_363 = arith.constant dense<0.000000e+00> : vector<128x64xf32>
    %dot_general3A_364 = tpu.matmul %convert_element_type3A_50, %slice3A_362, %dot_general3A_363 {dimension_numbers = #tpu.dot_dimension_numbers<[1], [0], [0], [1], [0, 0, 1, 1], [], []>, precision = #tpu.contract_precision<fp32>, transpose_lhs_hint = false} : vector<128x128xf32>, vector<128x64xf32>, vector<128x64xf32> -> vector<128x64xf32>
    %swap3A_365 = arith.constant 3328 : index
    %swap3A_366 = arith.constant 0 : index
    %swap3A_367 = vector.load %arg8[%swap3A_365, %swap3A_366] : memref<4096x64xf32, #tpu.memory_space<vmem>>, vector<128x64xf32>
    tpu.vector_store %arg8[%swap3A_365, %swap3A_366], %dot_general3A_364 {strides = array<i32>} : memref<4096x64xf32, #tpu.memory_space<vmem>>, vector<128x64xf32>,
    %reduce_sum3A_368 = arith.constant dense<0.000000e+00> : vector<64xf32>
    %reduce_sum3A_369 = vector.multi_reduction <add>, %slice3A_362, %reduce_sum3A_368 [0] : vector<128x64xf32> to vector<64xf32>
    %broadcast_in_dim3A_370 = vector.shape_cast %reduce_sum3A_369 : vector<64xf32> to vector<1x64xf32>
    %swap3A_371 = arith.constant 26 : index
    %swap3A_372 = arith.constant 0 : index
    %swap3A_373 = vector.load %arg9[%swap3A_371, %swap3A_372] : memref<32x64xf32, #tpu.memory_space<vmem>>, vector<1x64xf32>
    tpu.vector_store %arg9[%swap3A_371, %swap3A_372], %broadcast_in_dim3A_370 {strides = array<i32>} : memref<32x64xf32, #tpu.memory_space<vmem>>, vector<1x64xf32>,
    %slice3A_374 = vector.extract_strided_slice %convert_element_type3A_46 {offsets = [3456, 0], sizes = [128, 64], strides = [1, 1]} : vector<4096x64xf32> to vector<128x64xf32>
    %dot_general3A_375 = arith.constant dense<0.000000e+00> : vector<128x64xf32>
    %dot_general3A_376 = tpu.matmul %convert_element_type3A_50, %slice3A_374, %dot_general3A_375 {dimension_numbers = #tpu.dot_dimension_numbers<[1], [0], [0], [1], [0, 0, 1, 1], [], []>, precision = #tpu.contract_precision<fp32>, transpose_lhs_hint = false} : vector<128x128xf32>, vector<128x64xf32>, vector<128x64xf32> -> vector<128x64xf32>
    %swap3A_377 = arith.constant 3456 : index
    %swap3A_378 = arith.constant 0 : index
    %swap3A_379 = vector.load %arg8[%swap3A_377, %swap3A_378] : memref<4096x64xf32, #tpu.memory_space<vmem>>, vector<128x64xf32>
    tpu.vector_store %arg8[%swap3A_377, %swap3A_378], %dot_general3A_376 {strides = array<i32>} : memref<4096x64xf32, #tpu.memory_space<vmem>>, vector<128x64xf32>,
    %reduce_sum3A_380 = arith.constant dense<0.000000e+00> : vector<64xf32>
    %reduce_sum3A_381 = vector.multi_reduction <add>, %slice3A_374, %reduce_sum3A_380 [0] : vector<128x64xf32> to vector<64xf32>
    %broadcast_in_dim3A_382 = vector.shape_cast %reduce_sum3A_381 : vector<64xf32> to vector<1x64xf32>
    %swap3A_383 = arith.constant 27 : index
    %swap3A_384 = arith.constant 0 : index
    %swap3A_385 = vector.load %arg9[%swap3A_383, %swap3A_384] : memref<32x64xf32, #tpu.memory_space<vmem>>, vector<1x64xf32>
    tpu.vector_store %arg9[%swap3A_383, %swap3A_384], %broadcast_in_dim3A_382 {strides = array<i32>} : memref<32x64xf32, #tpu.memory_space<vmem>>, vector<1x64xf32>,
    %slice3A_386 = vector.extract_strided_slice %convert_element_type3A_46 {offsets = [3584, 0], sizes = [128, 64], strides = [1, 1]} : vector<4096x64xf32> to vector<128x64xf32>
    %dot_general3A_387 = arith.constant dense<0.000000e+00> : vector<128x64xf32>
    %dot_general3A_388 = tpu.matmul %convert_element_type3A_50, %slice3A_386, %dot_general3A_387 {dimension_numbers = #tpu.dot_dimension_numbers<[1], [0], [0], [1], [0, 0, 1, 1], [], []>, precision = #tpu.contract_precision<fp32>, transpose_lhs_hint = false} : vector<128x128xf32>, vector<128x64xf32>, vector<128x64xf32> -> vector<128x64xf32>
    %swap3A_389 = arith.constant 3584 : index
    %swap3A_390 = arith.constant 0 : index
    %swap3A_391 = vector.load %arg8[%swap3A_389, %swap3A_390] : memref<4096x64xf32, #tpu.memory_space<vmem>>, vector<128x64xf32>
    tpu.vector_store %arg8[%swap3A_389, %swap3A_390], %dot_general3A_388 {strides = array<i32>} : memref<4096x64xf32, #tpu.memory_space<vmem>>, vector<128x64xf32>,
    %reduce_sum3A_392 = arith.constant dense<0.000000e+00> : vector<64xf32>
    %reduce_sum3A_393 = vector.multi_reduction <add>, %slice3A_386, %reduce_sum3A_392 [0] : vector<128x64xf32> to vector<64xf32>
    %broadcast_in_dim3A_394 = vector.shape_cast %reduce_sum3A_393 : vector<64xf32> to vector<1x64xf32>
    %swap3A_395 = arith.constant 28 : index
    %swap3A_396 = arith.constant 0 : index
    %swap3A_397 = vector.load %arg9[%swap3A_395, %swap3A_396] : memref<32x64xf32, #tpu.memory_space<vmem>>, vector<1x64xf32>
    tpu.vector_store %arg9[%swap3A_395, %swap3A_396], %broadcast_in_dim3A_394 {strides = array<i32>} : memref<32x64xf32, #tpu.memory_space<vmem>>, vector<1x64xf32>,
    %slice3A_398 = vector.extract_strided_slice %convert_element_type3A_46 {offsets = [3712, 0], sizes = [128, 64], strides = [1, 1]} : vector<4096x64xf32> to vector<128x64xf32>
    %dot_general3A_399 = arith.constant dense<0.000000e+00> : vector<128x64xf32>
    %dot_general3A_400 = tpu.matmul %convert_element_type3A_50, %slice3A_398, %dot_general3A_399 {dimension_numbers = #tpu.dot_dimension_numbers<[1], [0], [0], [1], [0, 0, 1, 1], [], []>, precision = #tpu.contract_precision<fp32>, transpose_lhs_hint = false} : vector<128x128xf32>, vector<128x64xf32>, vector<128x64xf32> -> vector<128x64xf32>
    %swap3A_401 = arith.constant 3712 : index
    %swap3A_402 = arith.constant 0 : index
    %swap3A_403 = vector.load %arg8[%swap3A_401, %swap3A_402] : memref<4096x64xf32, #tpu.memory_space<vmem>>, vector<128x64xf32>
    tpu.vector_store %arg8[%swap3A_401, %swap3A_402], %dot_general3A_400 {strides = array<i32>} : memref<4096x64xf32, #tpu.memory_space<vmem>>, vector<128x64xf32>,
    %reduce_sum3A_404 = arith.constant dense<0.000000e+00> : vector<64xf32>
    %reduce_sum3A_405 = vector.multi_reduction <add>, %slice3A_398, %reduce_sum3A_404 [0] : vector<128x64xf32> to vector<64xf32>
    %broadcast_in_dim3A_406 = vector.shape_cast %reduce_sum3A_405 : vector<64xf32> to vector<1x64xf32>
    %swap3A_407 = arith.constant 29 : index
    %swap3A_408 = arith.constant 0 : index
    %swap3A_409 = vector.load %arg9[%swap3A_407, %swap3A_408] : memref<32x64xf32, #tpu.memory_space<vmem>>, vector<1x64xf32>
    tpu.vector_store %arg9[%swap3A_407, %swap3A_408], %broadcast_in_dim3A_406 {strides = array<i32>} : memref<32x64xf32, #tpu.memory_space<vmem>>, vector<1x64xf32>,
    %slice3A_410 = vector.extract_strided_slice %convert_element_type3A_46 {offsets = [3840, 0], sizes = [128, 64], strides = [1, 1]} : vector<4096x64xf32> to vector<128x64xf32>
    %dot_general3A_411 = arith.constant dense<0.000000e+00> : vector<128x64xf32>
    %dot_general3A_412 = tpu.matmul %convert_element_type3A_50, %slice3A_410, %dot_general3A_411 {dimension_numbers = #tpu.dot_dimension_numbers<[1], [0], [0], [1], [0, 0, 1, 1], [], []>, precision = #tpu.contract_precision<fp32>, transpose_lhs_hint = false} : vector<128x128xf32>, vector<128x64xf32>, vector<128x64xf32> -> vector<128x64xf32>
    %swap3A_413 = arith.constant 3840 : index
    %swap3A_414 = arith.constant 0 : index
    %swap3A_415 = vector.load %arg8[%swap3A_413, %swap3A_414] : memref<4096x64xf32, #tpu.memory_space<vmem>>, vector<128x64xf32>
    tpu.vector_store %arg8[%swap3A_413, %swap3A_414], %dot_general3A_412 {strides = array<i32>} : memref<4096x64xf32, #tpu.memory_space<vmem>>, vector<128x64xf32>,
    %reduce_sum3A_416 = arith.constant dense<0.000000e+00> : vector<64xf32>
    %reduce_sum3A_417 = vector.multi_reduction <add>, %slice3A_410, %reduce_sum3A_416 [0] : vector<128x64xf32> to vector<64xf32>
    %broadcast_in_dim3A_418 = vector.shape_cast %reduce_sum3A_417 : vector<64xf32> to vector<1x64xf32>
    %swap3A_419 = arith.constant 30 : index
    %swap3A_420 = arith.constant 0 : index
    %swap3A_421 = vector.load %arg9[%swap3A_419, %swap3A_420] : memref<32x64xf32, #tpu.memory_space<vmem>>, vector<1x64xf32>
    tpu.vector_store %arg9[%swap3A_419, %swap3A_420], %broadcast_in_dim3A_418 {strides = array<i32>} : memref<32x64xf32, #tpu.memory_space<vmem>>, vector<1x64xf32>,
    %slice3A_422 = vector.extract_strided_slice %convert_element_type3A_46 {offsets = [3968, 0], sizes = [128, 64], strides = [1, 1]} : vector<4096x64xf32> to vector<128x64xf32>
    %dot_general3A_423 = arith.constant dense<0.000000e+00> : vector<128x64xf32>
    %dot_general3A_424 = tpu.matmul %convert_element_type3A_50, %slice3A_422, %dot_general3A_423 {dimension_numbers = #tpu.dot_dimension_numbers<[1], [0], [0], [1], [0, 0, 1, 1], [], []>, precision = #tpu.contract_precision<fp32>, transpose_lhs_hint = false} : vector<128x128xf32>, vector<128x64xf32>, vector<128x64xf32> -> vector<128x64xf32>
    %swap3A_425 = arith.constant 3968 : index
    %swap3A_426 = arith.constant 0 : index
    %swap3A_427 = vector.load %arg8[%swap3A_425, %swap3A_426] : memref<4096x64xf32, #tpu.memory_space<vmem>>, vector<128x64xf32>
    tpu.vector_store %arg8[%swap3A_425, %swap3A_426], %dot_general3A_424 {strides = array<i32>} : memref<4096x64xf32, #tpu.memory_space<vmem>>, vector<128x64xf32>,
    %reduce_sum3A_428 = arith.constant dense<0.000000e+00> : vector<64xf32>
    %reduce_sum3A_429 = vector.multi_reduction <add>, %slice3A_422, %reduce_sum3A_428 [0] : vector<128x64xf32> to vector<64xf32>
    %broadcast_in_dim3A_430 = vector.shape_cast %reduce_sum3A_429 : vector<64xf32> to vector<1x64xf32>
    %swap3A_431 = arith.constant 31 : index
    %swap3A_432 = arith.constant 0 : index
    %swap3A_433 = vector.load %arg9[%swap3A_431, %swap3A_432] : memref<32x64xf32, #tpu.memory_space<vmem>>, vector<1x64xf32>
    tpu.vector_store %arg9[%swap3A_431, %swap3A_432], %broadcast_in_dim3A_430 {strides = array<i32>} : memref<32x64xf32, #tpu.memory_space<vmem>>, vector<1x64xf32>,
    %iota3A_434 = tpu.iota {dimensions = array<i32: 0>} : vector<32x32xi32>
    %iota3A_435 = tpu.iota {dimensions = array<i32: 1>} : vector<32x32xi32>
    %gt3A = arith.cmpi sgt, %iota3A_434, %iota3A_435 : vector<32x32xi32>
    %convert_element_type3A_436 = arith.extui %gt3A : vector<32x32xi1> to vector<32x32xi32>
    %convert_element_type3A_437 = arith.sitofp %convert_element_type3A_436 : vector<32x32xi32> to vector<32x32xf32>
    %get3A_438 = arith.constant 0 : index
    %get3A_439 = arith.constant 0 : index
    %get3A_440 = vector.load %arg9[%get3A_438, %get3A_439] : memref<32x64xf32, #tpu.memory_space<vmem>>, vector<32x64xf32>
    %dot_general3A_441 = arith.constant dense<0.000000e+00> : vector<32x64xf32>
    %dot_general3A_442 = tpu.matmul %convert_element_type3A_437, %get3A_440, %dot_general3A_441 {dimension_numbers = #tpu.dot_dimension_numbers<[1], [0], [0], [1], [0, 0, 1, 1], [], []>, precision = #tpu.contract_precision<fp32>, transpose_lhs_hint = false} : vector<32x32xf32>, vector<32x64xf32>, vector<32x64xf32> -> vector<32x64xf32>
    %get3A_443 = arith.constant 0 : index
    %get3A_444 = arith.constant 0 : index
    %get3A_445 = vector.load %arg8[%get3A_443, %get3A_444] : memref<4096x64xf32, #tpu.memory_space<vmem>>, vector<128x64xf32>
    %slice3A_446 = vector.extract_strided_slice %dot_general3A_442 {offsets = [0, 0], sizes = [1, 64], strides = [1, 1]} : vector<32x64xf32> to vector<1x64xf32>
    %add3A = vector.broadcast %slice3A_446 : vector<1x64xf32> to vector<128x64xf32>
    %add3A_447 = arith.addf %get3A_445, %add3A : vector<128x64xf32>
    %swap3A_448 = arith.constant 0 : index
    %swap3A_449 = arith.constant 0 : index
    %swap3A_450 = vector.load %arg8[%swap3A_448, %swap3A_449] : memref<4096x64xf32, #tpu.memory_space<vmem>>, vector<128x64xf32>
    tpu.vector_store %arg8[%swap3A_448, %swap3A_449], %add3A_447 {strides = array<i32>} : memref<4096x64xf32, #tpu.memory_space<vmem>>, vector<128x64xf32>,
    %get3A_451 = arith.constant 128 : index
    %get3A_452 = arith.constant 0 : index
    %get3A_453 = vector.load %arg8[%get3A_451, %get3A_452] : memref<4096x64xf32, #tpu.memory_space<vmem>>, vector<128x64xf32>
    %slice3A_454 = vector.extract_strided_slice %dot_general3A_442 {offsets = [1, 0], sizes = [1, 64], strides = [1, 1]} : vector<32x64xf32> to vector<1x64xf32>
    %add3A_455 = vector.broadcast %slice3A_454 : vector<1x64xf32> to vector<128x64xf32>
    %add3A_456 = arith.addf %get3A_453, %add3A_455 : vector<128x64xf32>
    %swap3A_457 = arith.constant 128 : index
    %swap3A_458 = arith.constant 0 : index
    %swap3A_459 = vector.load %arg8[%swap3A_457, %swap3A_458] : memref<4096x64xf32, #tpu.memory_space<vmem>>, vector<128x64xf32>
    tpu.vector_store %arg8[%swap3A_457, %swap3A_458], %add3A_456 {strides = array<i32>} : memref<4096x64xf32, #tpu.memory_space<vmem>>, vector<128x64xf32>,
    %get3A_460 = arith.constant 256 : index
    %get3A_461 = arith.constant 0 : index
    %get3A_462 = vector.load %arg8[%get3A_460, %get3A_461] : memref<4096x64xf32, #tpu.memory_space<vmem>>, vector<128x64xf32>
    %slice3A_463 = vector.extract_strided_slice %dot_general3A_442 {offsets = [2, 0], sizes = [1, 64], strides = [1, 1]} : vector<32x64xf32> to vector<1x64xf32>
    %add3A_464 = vector.broadcast %slice3A_463 : vector<1x64xf32> to vector<128x64xf32>
    %add3A_465 = arith.addf %get3A_462, %add3A_464 : vector<128x64xf32>
    %swap3A_466 = arith.constant 256 : index
    %swap3A_467 = arith.constant 0 : index
    %swap3A_468 = vector.load %arg8[%swap3A_466, %swap3A_467] : memref<4096x64xf32, #tpu.memory_space<vmem>>, vector<128x64xf32>
    tpu.vector_store %arg8[%swap3A_466, %swap3A_467], %add3A_465 {strides = array<i32>} : memref<4096x64xf32, #tpu.memory_space<vmem>>, vector<128x64xf32>,
    %get3A_469 = arith.constant 384 : index
    %get3A_470 = arith.constant 0 : index
    %get3A_471 = vector.load %arg8[%get3A_469, %get3A_470] : memref<4096x64xf32, #tpu.memory_space<vmem>>, vector<128x64xf32>
    %slice3A_472 = vector.extract_strided_slice %dot_general3A_442 {offsets = [3, 0], sizes = [1, 64], strides = [1, 1]} : vector<32x64xf32> to vector<1x64xf32>
    %add3A_473 = vector.broadcast %slice3A_472 : vector<1x64xf32> to vector<128x64xf32>
    %add3A_474 = arith.addf %get3A_471, %add3A_473 : vector<128x64xf32>
    %swap3A_475 = arith.constant 384 : index
    %swap3A_476 = arith.constant 0 : index
    %swap3A_477 = vector.load %arg8[%swap3A_475, %swap3A_476] : memref<4096x64xf32, #tpu.memory_space<vmem>>, vector<128x64xf32>
    tpu.vector_store %arg8[%swap3A_475, %swap3A_476], %add3A_474 {strides = array<i32>} : memref<4096x64xf32, #tpu.memory_space<vmem>>, vector<128x64xf32>,
    %get3A_478 = arith.constant 512 : index
    %get3A_479 = arith.constant 0 : index
    %get3A_480 = vector.load %arg8[%get3A_478, %get3A_479] : memref<4096x64xf32, #tpu.memory_space<vmem>>, vector<128x64xf32>
    %slice3A_481 = vector.extract_strided_slice %dot_general3A_442 {offsets = [4, 0], sizes = [1, 64], strides = [1, 1]} : vector<32x64xf32> to vector<1x64xf32>
    %add3A_482 = vector.broadcast %slice3A_481 : vector<1x64xf32> to vector<128x64xf32>
    %add3A_483 = arith.addf %get3A_480, %add3A_482 : vector<128x64xf32>
    %swap3A_484 = arith.constant 512 : index
    %swap3A_485 = arith.constant 0 : index
    %swap3A_486 = vector.load %arg8[%swap3A_484, %swap3A_485] : memref<4096x64xf32, #tpu.memory_space<vmem>>, vector<128x64xf32>
    tpu.vector_store %arg8[%swap3A_484, %swap3A_485], %add3A_483 {strides = array<i32>} : memref<4096x64xf32, #tpu.memory_space<vmem>>, vector<128x64xf32>,
    %get3A_487 = arith.constant 640 : index
    %get3A_488 = arith.constant 0 : index
    %get3A_489 = vector.load %arg8[%get3A_487, %get3A_488] : memref<4096x64xf32, #tpu.memory_space<vmem>>, vector<128x64xf32>
    %slice3A_490 = vector.extract_strided_slice %dot_general3A_442 {offsets = [5, 0], sizes = [1, 64], strides = [1, 1]} : vector<32x64xf32> to vector<1x64xf32>
    %add3A_491 = vector.broadcast %slice3A_490 : vector<1x64xf32> to vector<128x64xf32>
    %add3A_492 = arith.addf %get3A_489, %add3A_491 : vector<128x64xf32>
    %swap3A_493 = arith.constant 640 : index
    %swap3A_494 = arith.constant 0 : index
    %swap3A_495 = vector.load %arg8[%swap3A_493, %swap3A_494] : memref<4096x64xf32, #tpu.memory_space<vmem>>, vector<128x64xf32>
    tpu.vector_store %arg8[%swap3A_493, %swap3A_494], %add3A_492 {strides = array<i32>} : memref<4096x64xf32, #tpu.memory_space<vmem>>, vector<128x64xf32>,
    %get3A_496 = arith.constant 768 : index
    %get3A_497 = arith.constant 0 : index
    %get3A_498 = vector.load %arg8[%get3A_496, %get3A_497] : memref<4096x64xf32, #tpu.memory_space<vmem>>, vector<128x64xf32>
    %slice3A_499 = vector.extract_strided_slice %dot_general3A_442 {offsets = [6, 0], sizes = [1, 64], strides = [1, 1]} : vector<32x64xf32> to vector<1x64xf32>
    %add3A_500 = vector.broadcast %slice3A_499 : vector<1x64xf32> to vector<128x64xf32>
    %add3A_501 = arith.addf %get3A_498, %add3A_500 : vector<128x64xf32>
    %swap3A_502 = arith.constant 768 : index
    %swap3A_503 = arith.constant 0 : index
    %swap3A_504 = vector.load %arg8[%swap3A_502, %swap3A_503] : memref<4096x64xf32, #tpu.memory_space<vmem>>, vector<128x64xf32>
    tpu.vector_store %arg8[%swap3A_502, %swap3A_503], %add3A_501 {strides = array<i32>} : memref<4096x64xf32, #tpu.memory_space<vmem>>, vector<128x64xf32>,
    %get3A_505 = arith.constant 896 : index
    %get3A_506 = arith.constant 0 : index
    %get3A_507 = vector.load %arg8[%get3A_505, %get3A_506] : memref<4096x64xf32, #tpu.memory_space<vmem>>, vector<128x64xf32>
    %slice3A_508 = vector.extract_strided_slice %dot_general3A_442 {offsets = [7, 0], sizes = [1, 64], strides = [1, 1]} : vector<32x64xf32> to vector<1x64xf32>
    %add3A_509 = vector.broadcast %slice3A_508 : vector<1x64xf32> to vector<128x64xf32>
    %add3A_510 = arith.addf %get3A_507, %add3A_509 : vector<128x64xf32>
    %swap3A_511 = arith.constant 896 : index
    %swap3A_512 = arith.constant 0 : index
    %swap3A_513 = vector.load %arg8[%swap3A_511, %swap3A_512] : memref<4096x64xf32, #tpu.memory_space<vmem>>, vector<128x64xf32>
    tpu.vector_store %arg8[%swap3A_511, %swap3A_512], %add3A_510 {strides = array<i32>} : memref<4096x64xf32, #tpu.memory_space<vmem>>, vector<128x64xf32>,
    %get3A_514 = arith.constant 1024 : index
    %get3A_515 = arith.constant 0 : index
    %get3A_516 = vector.load %arg8[%get3A_514, %get3A_515] : memref<4096x64xf32, #tpu.memory_space<vmem>>, vector<128x64xf32>
    %slice3A_517 = vector.extract_strided_slice %dot_general3A_442 {offsets = [8, 0], sizes = [1, 64], strides = [1, 1]} : vector<32x64xf32> to vector<1x64xf32>
    %add3A_518 = vector.broadcast %slice3A_517 : vector<1x64xf32> to vector<128x64xf32>
    %add3A_519 = arith.addf %get3A_516, %add3A_518 : vector<128x64xf32>
    %swap3A_520 = arith.constant 1024 : index
    %swap3A_521 = arith.constant 0 : index
    %swap3A_522 = vector.load %arg8[%swap3A_520, %swap3A_521] : memref<4096x64xf32, #tpu.memory_space<vmem>>, vector<128x64xf32>
    tpu.vector_store %arg8[%swap3A_520, %swap3A_521], %add3A_519 {strides = array<i32>} : memref<4096x64xf32, #tpu.memory_space<vmem>>, vector<128x64xf32>,
    %get3A_523 = arith.constant 1152 : index
    %get3A_524 = arith.constant 0 : index
    %get3A_525 = vector.load %arg8[%get3A_523, %get3A_524] : memref<4096x64xf32, #tpu.memory_space<vmem>>, vector<128x64xf32>
    %slice3A_526 = vector.extract_strided_slice %dot_general3A_442 {offsets = [9, 0], sizes = [1, 64], strides = [1, 1]} : vector<32x64xf32> to vector<1x64xf32>
    %add3A_527 = vector.broadcast %slice3A_526 : vector<1x64xf32> to vector<128x64xf32>
    %add3A_528 = arith.addf %get3A_525, %add3A_527 : vector<128x64xf32>
    %swap3A_529 = arith.constant 1152 : index
    %swap3A_530 = arith.constant 0 : index
    %swap3A_531 = vector.load %arg8[%swap3A_529, %swap3A_530] : memref<4096x64xf32, #tpu.memory_space<vmem>>, vector<128x64xf32>
    tpu.vector_store %arg8[%swap3A_529, %swap3A_530], %add3A_528 {strides = array<i32>} : memref<4096x64xf32, #tpu.memory_space<vmem>>, vector<128x64xf32>,
    %get3A_532 = arith.constant 1280 : index
    %get3A_533 = arith.constant 0 : index
    %get3A_534 = vector.load %arg8[%get3A_532, %get3A_533] : memref<4096x64xf32, #tpu.memory_space<vmem>>, vector<128x64xf32>
    %slice3A_535 = vector.extract_strided_slice %dot_general3A_442 {offsets = [10, 0], sizes = [1, 64], strides = [1, 1]} : vector<32x64xf32> to vector<1x64xf32>
    %add3A_536 = vector.broadcast %slice3A_535 : vector<1x64xf32> to vector<128x64xf32>
    %add3A_537 = arith.addf %get3A_534, %add3A_536 : vector<128x64xf32>
    %swap3A_538 = arith.constant 1280 : index
    %swap3A_539 = arith.constant 0 : index
    %swap3A_540 = vector.load %arg8[%swap3A_538, %swap3A_539] : memref<4096x64xf32, #tpu.memory_space<vmem>>, vector<128x64xf32>
    tpu.vector_store %arg8[%swap3A_538, %swap3A_539], %add3A_537 {strides = array<i32>} : memref<4096x64xf32, #tpu.memory_space<vmem>>, vector<128x64xf32>,
    %get3A_541 = arith.constant 1408 : index
    %get3A_542 = arith.constant 0 : index
    %get3A_543 = vector.load %arg8[%get3A_541, %get3A_542] : memref<4096x64xf32, #tpu.memory_space<vmem>>, vector<128x64xf32>
    %slice3A_544 = vector.extract_strided_slice %dot_general3A_442 {offsets = [11, 0], sizes = [1, 64], strides = [1, 1]} : vector<32x64xf32> to vector<1x64xf32>
    %add3A_545 = vector.broadcast %slice3A_544 : vector<1x64xf32> to vector<128x64xf32>
    %add3A_546 = arith.addf %get3A_543, %add3A_545 : vector<128x64xf32>
    %swap3A_547 = arith.constant 1408 : index
    %swap3A_548 = arith.constant 0 : index
    %swap3A_549 = vector.load %arg8[%swap3A_547, %swap3A_548] : memref<4096x64xf32, #tpu.memory_space<vmem>>, vector<128x64xf32>
    tpu.vector_store %arg8[%swap3A_547, %swap3A_548], %add3A_546 {strides = array<i32>} : memref<4096x64xf32, #tpu.memory_space<vmem>>, vector<128x64xf32>,
    %get3A_550 = arith.constant 1536 : index
    %get3A_551 = arith.constant 0 : index
    %get3A_552 = vector.load %arg8[%get3A_550, %get3A_551] : memref<4096x64xf32, #tpu.memory_space<vmem>>, vector<128x64xf32>
    %slice3A_553 = vector.extract_strided_slice %dot_general3A_442 {offsets = [12, 0], sizes = [1, 64], strides = [1, 1]} : vector<32x64xf32> to vector<1x64xf32>
    %add3A_554 = vector.broadcast %slice3A_553 : vector<1x64xf32> to vector<128x64xf32>
    %add3A_555 = arith.addf %get3A_552, %add3A_554 : vector<128x64xf32>
    %swap3A_556 = arith.constant 1536 : index
    %swap3A_557 = arith.constant 0 : index
    %swap3A_558 = vector.load %arg8[%swap3A_556, %swap3A_557] : memref<4096x64xf32, #tpu.memory_space<vmem>>, vector<128x64xf32>
    tpu.vector_store %arg8[%swap3A_556, %swap3A_557], %add3A_555 {strides = array<i32>} : memref<4096x64xf32, #tpu.memory_space<vmem>>, vector<128x64xf32>,
    %get3A_559 = arith.constant 1664 : index
    %get3A_560 = arith.constant 0 : index
    %get3A_561 = vector.load %arg8[%get3A_559, %get3A_560] : memref<4096x64xf32, #tpu.memory_space<vmem>>, vector<128x64xf32>
    %slice3A_562 = vector.extract_strided_slice %dot_general3A_442 {offsets = [13, 0], sizes = [1, 64], strides = [1, 1]} : vector<32x64xf32> to vector<1x64xf32>
    %add3A_563 = vector.broadcast %slice3A_562 : vector<1x64xf32> to vector<128x64xf32>
    %add3A_564 = arith.addf %get3A_561, %add3A_563 : vector<128x64xf32>
    %swap3A_565 = arith.constant 1664 : index
    %swap3A_566 = arith.constant 0 : index
    %swap3A_567 = vector.load %arg8[%swap3A_565, %swap3A_566] : memref<4096x64xf32, #tpu.memory_space<vmem>>, vector<128x64xf32>
    tpu.vector_store %arg8[%swap3A_565, %swap3A_566], %add3A_564 {strides = array<i32>} : memref<4096x64xf32, #tpu.memory_space<vmem>>, vector<128x64xf32>,
    %get3A_568 = arith.constant 1792 : index
    %get3A_569 = arith.constant 0 : index
    %get3A_570 = vector.load %arg8[%get3A_568, %get3A_569] : memref<4096x64xf32, #tpu.memory_space<vmem>>, vector<128x64xf32>
    %slice3A_571 = vector.extract_strided_slice %dot_general3A_442 {offsets = [14, 0], sizes = [1, 64], strides = [1, 1]} : vector<32x64xf32> to vector<1x64xf32>
    %add3A_572 = vector.broadcast %slice3A_571 : vector<1x64xf32> to vector<128x64xf32>
    %add3A_573 = arith.addf %get3A_570, %add3A_572 : vector<128x64xf32>
    %swap3A_574 = arith.constant 1792 : index
    %swap3A_575 = arith.constant 0 : index
    %swap3A_576 = vector.load %arg8[%swap3A_574, %swap3A_575] : memref<4096x64xf32, #tpu.memory_space<vmem>>, vector<128x64xf32>
    tpu.vector_store %arg8[%swap3A_574, %swap3A_575], %add3A_573 {strides = array<i32>} : memref<4096x64xf32, #tpu.memory_space<vmem>>, vector<128x64xf32>,
    %get3A_577 = arith.constant 1920 : index
    %get3A_578 = arith.constant 0 : index
    %get3A_579 = vector.load %arg8[%get3A_577, %get3A_578] : memref<4096x64xf32, #tpu.memory_space<vmem>>, vector<128x64xf32>
    %slice3A_580 = vector.extract_strided_slice %dot_general3A_442 {offsets = [15, 0], sizes = [1, 64], strides = [1, 1]} : vector<32x64xf32> to vector<1x64xf32>
    %add3A_581 = vector.broadcast %slice3A_580 : vector<1x64xf32> to vector<128x64xf32>
    %add3A_582 = arith.addf %get3A_579, %add3A_581 : vector<128x64xf32>
    %swap3A_583 = arith.constant 1920 : index
    %swap3A_584 = arith.constant 0 : index
    %swap3A_585 = vector.load %arg8[%swap3A_583, %swap3A_584] : memref<4096x64xf32, #tpu.memory_space<vmem>>, vector<128x64xf32>
    tpu.vector_store %arg8[%swap3A_583, %swap3A_584], %add3A_582 {strides = array<i32>} : memref<4096x64xf32, #tpu.memory_space<vmem>>, vector<128x64xf32>,
    %get3A_586 = arith.constant 2048 : index
    %get3A_587 = arith.constant 0 : index
    %get3A_588 = vector.load %arg8[%get3A_586, %get3A_587] : memref<4096x64xf32, #tpu.memory_space<vmem>>, vector<128x64xf32>
    %slice3A_589 = vector.extract_strided_slice %dot_general3A_442 {offsets = [16, 0], sizes = [1, 64], strides = [1, 1]} : vector<32x64xf32> to vector<1x64xf32>
    %add3A_590 = vector.broadcast %slice3A_589 : vector<1x64xf32> to vector<128x64xf32>
    %add3A_591 = arith.addf %get3A_588, %add3A_590 : vector<128x64xf32>
    %swap3A_592 = arith.constant 2048 : index
    %swap3A_593 = arith.constant 0 : index
    %swap3A_594 = vector.load %arg8[%swap3A_592, %swap3A_593] : memref<4096x64xf32, #tpu.memory_space<vmem>>, vector<128x64xf32>
    tpu.vector_store %arg8[%swap3A_592, %swap3A_593], %add3A_591 {strides = array<i32>} : memref<4096x64xf32, #tpu.memory_space<vmem>>, vector<128x64xf32>,
    %get3A_595 = arith.constant 2176 : index
    %get3A_596 = arith.constant 0 : index
    %get3A_597 = vector.load %arg8[%get3A_595, %get3A_596] : memref<4096x64xf32, #tpu.memory_space<vmem>>, vector<128x64xf32>
    %slice3A_598 = vector.extract_strided_slice %dot_general3A_442 {offsets = [17, 0], sizes = [1, 64], strides = [1, 1]} : vector<32x64xf32> to vector<1x64xf32>
    %add3A_599 = vector.broadcast %slice3A_598 : vector<1x64xf32> to vector<128x64xf32>
    %add3A_600 = arith.addf %get3A_597, %add3A_599 : vector<128x64xf32>
    %swap3A_601 = arith.constant 2176 : index
    %swap3A_602 = arith.constant 0 : index
    %swap3A_603 = vector.load %arg8[%swap3A_601, %swap3A_602] : memref<4096x64xf32, #tpu.memory_space<vmem>>, vector<128x64xf32>
    tpu.vector_store %arg8[%swap3A_601, %swap3A_602], %add3A_600 {strides = array<i32>} : memref<4096x64xf32, #tpu.memory_space<vmem>>, vector<128x64xf32>,
    %get3A_604 = arith.constant 2304 : index
    %get3A_605 = arith.constant 0 : index
    %get3A_606 = vector.load %arg8[%get3A_604, %get3A_605] : memref<4096x64xf32, #tpu.memory_space<vmem>>, vector<128x64xf32>
    %slice3A_607 = vector.extract_strided_slice %dot_general3A_442 {offsets = [18, 0], sizes = [1, 64], strides = [1, 1]} : vector<32x64xf32> to vector<1x64xf32>
    %add3A_608 = vector.broadcast %slice3A_607 : vector<1x64xf32> to vector<128x64xf32>
    %add3A_609 = arith.addf %get3A_606, %add3A_608 : vector<128x64xf32>
    %swap3A_610 = arith.constant 2304 : index
    %swap3A_611 = arith.constant 0 : index
    %swap3A_612 = vector.load %arg8[%swap3A_610, %swap3A_611] : memref<4096x64xf32, #tpu.memory_space<vmem>>, vector<128x64xf32>
    tpu.vector_store %arg8[%swap3A_610, %swap3A_611], %add3A_609 {strides = array<i32>} : memref<4096x64xf32, #tpu.memory_space<vmem>>, vector<128x64xf32>,
    %get3A_613 = arith.constant 2432 : index
    %get3A_614 = arith.constant 0 : index
    %get3A_615 = vector.load %arg8[%get3A_613, %get3A_614] : memref<4096x64xf32, #tpu.memory_space<vmem>>, vector<128x64xf32>
    %slice3A_616 = vector.extract_strided_slice %dot_general3A_442 {offsets = [19, 0], sizes = [1, 64], strides = [1, 1]} : vector<32x64xf32> to vector<1x64xf32>
    %add3A_617 = vector.broadcast %slice3A_616 : vector<1x64xf32> to vector<128x64xf32>
    %add3A_618 = arith.addf %get3A_615, %add3A_617 : vector<128x64xf32>
    %swap3A_619 = arith.constant 2432 : index
    %swap3A_620 = arith.constant 0 : index
    %swap3A_621 = vector.load %arg8[%swap3A_619, %swap3A_620] : memref<4096x64xf32, #tpu.memory_space<vmem>>, vector<128x64xf32>
    tpu.vector_store %arg8[%swap3A_619, %swap3A_620], %add3A_618 {strides = array<i32>} : memref<4096x64xf32, #tpu.memory_space<vmem>>, vector<128x64xf32>,
    %get3A_622 = arith.constant 2560 : index
    %get3A_623 = arith.constant 0 : index
    %get3A_624 = vector.load %arg8[%get3A_622, %get3A_623] : memref<4096x64xf32, #tpu.memory_space<vmem>>, vector<128x64xf32>
    %slice3A_625 = vector.extract_strided_slice %dot_general3A_442 {offsets = [20, 0], sizes = [1, 64], strides = [1, 1]} : vector<32x64xf32> to vector<1x64xf32>
    %add3A_626 = vector.broadcast %slice3A_625 : vector<1x64xf32> to vector<128x64xf32>
    %add3A_627 = arith.addf %get3A_624, %add3A_626 : vector<128x64xf32>
    %swap3A_628 = arith.constant 2560 : index
    %swap3A_629 = arith.constant 0 : index
    %swap3A_630 = vector.load %arg8[%swap3A_628, %swap3A_629] : memref<4096x64xf32, #tpu.memory_space<vmem>>, vector<128x64xf32>
    tpu.vector_store %arg8[%swap3A_628, %swap3A_629], %add3A_627 {strides = array<i32>} : memref<4096x64xf32, #tpu.memory_space<vmem>>, vector<128x64xf32>,
    %get3A_631 = arith.constant 2688 : index
    %get3A_632 = arith.constant 0 : index
    %get3A_633 = vector.load %arg8[%get3A_631, %get3A_632] : memref<4096x64xf32, #tpu.memory_space<vmem>>, vector<128x64xf32>
    %slice3A_634 = vector.extract_strided_slice %dot_general3A_442 {offsets = [21, 0], sizes = [1, 64], strides = [1, 1]} : vector<32x64xf32> to vector<1x64xf32>
    %add3A_635 = vector.broadcast %slice3A_634 : vector<1x64xf32> to vector<128x64xf32>
    %add3A_636 = arith.addf %get3A_633, %add3A_635 : vector<128x64xf32>
    %swap3A_637 = arith.constant 2688 : index
    %swap3A_638 = arith.constant 0 : index
    %swap3A_639 = vector.load %arg8[%swap3A_637, %swap3A_638] : memref<4096x64xf32, #tpu.memory_space<vmem>>, vector<128x64xf32>
    tpu.vector_store %arg8[%swap3A_637, %swap3A_638], %add3A_636 {strides = array<i32>} : memref<4096x64xf32, #tpu.memory_space<vmem>>, vector<128x64xf32>,
    %get3A_640 = arith.constant 2816 : index
    %get3A_641 = arith.constant 0 : index
    %get3A_642 = vector.load %arg8[%get3A_640, %get3A_641] : memref<4096x64xf32, #tpu.memory_space<vmem>>, vector<128x64xf32>
    %slice3A_643 = vector.extract_strided_slice %dot_general3A_442 {offsets = [22, 0], sizes = [1, 64], strides = [1, 1]} : vector<32x64xf32> to vector<1x64xf32>
    %add3A_644 = vector.broadcast %slice3A_643 : vector<1x64xf32> to vector<128x64xf32>
    %add3A_645 = arith.addf %get3A_642, %add3A_644 : vector<128x64xf32>
    %swap3A_646 = arith.constant 2816 : index
    %swap3A_647 = arith.constant 0 : index
    %swap3A_648 = vector.load %arg8[%swap3A_646, %swap3A_647] : memref<4096x64xf32, #tpu.memory_space<vmem>>, vector<128x64xf32>
    tpu.vector_store %arg8[%swap3A_646, %swap3A_647], %add3A_645 {strides = array<i32>} : memref<4096x64xf32, #tpu.memory_space<vmem>>, vector<128x64xf32>,
    %get3A_649 = arith.constant 2944 : index
    %get3A_650 = arith.constant 0 : index
    %get3A_651 = vector.load %arg8[%get3A_649, %get3A_650] : memref<4096x64xf32, #tpu.memory_space<vmem>>, vector<128x64xf32>
    %slice3A_652 = vector.extract_strided_slice %dot_general3A_442 {offsets = [23, 0], sizes = [1, 64], strides = [1, 1]} : vector<32x64xf32> to vector<1x64xf32>
    %add3A_653 = vector.broadcast %slice3A_652 : vector<1x64xf32> to vector<128x64xf32>
    %add3A_654 = arith.addf %get3A_651, %add3A_653 : vector<128x64xf32>
    %swap3A_655 = arith.constant 2944 : index
    %swap3A_656 = arith.constant 0 : index
    %swap3A_657 = vector.load %arg8[%swap3A_655, %swap3A_656] : memref<4096x64xf32, #tpu.memory_space<vmem>>, vector<128x64xf32>
    tpu.vector_store %arg8[%swap3A_655, %swap3A_656], %add3A_654 {strides = array<i32>} : memref<4096x64xf32, #tpu.memory_space<vmem>>, vector<128x64xf32>,
    %get3A_658 = arith.constant 3072 : index
    %get3A_659 = arith.constant 0 : index
    %get3A_660 = vector.load %arg8[%get3A_658, %get3A_659] : memref<4096x64xf32, #tpu.memory_space<vmem>>, vector<128x64xf32>
    %slice3A_661 = vector.extract_strided_slice %dot_general3A_442 {offsets = [24, 0], sizes = [1, 64], strides = [1, 1]} : vector<32x64xf32> to vector<1x64xf32>
    %add3A_662 = vector.broadcast %slice3A_661 : vector<1x64xf32> to vector<128x64xf32>
    %add3A_663 = arith.addf %get3A_660, %add3A_662 : vector<128x64xf32>
    %swap3A_664 = arith.constant 3072 : index
    %swap3A_665 = arith.constant 0 : index
    %swap3A_666 = vector.load %arg8[%swap3A_664, %swap3A_665] : memref<4096x64xf32, #tpu.memory_space<vmem>>, vector<128x64xf32>
    tpu.vector_store %arg8[%swap3A_664, %swap3A_665], %add3A_663 {strides = array<i32>} : memref<4096x64xf32, #tpu.memory_space<vmem>>, vector<128x64xf32>,
    %get3A_667 = arith.constant 3200 : index
    %get3A_668 = arith.constant 0 : index
    %get3A_669 = vector.load %arg8[%get3A_667, %get3A_668] : memref<4096x64xf32, #tpu.memory_space<vmem>>, vector<128x64xf32>
    %slice3A_670 = vector.extract_strided_slice %dot_general3A_442 {offsets = [25, 0], sizes = [1, 64], strides = [1, 1]} : vector<32x64xf32> to vector<1x64xf32>
    %add3A_671 = vector.broadcast %slice3A_670 : vector<1x64xf32> to vector<128x64xf32>
    %add3A_672 = arith.addf %get3A_669, %add3A_671 : vector<128x64xf32>
    %swap3A_673 = arith.constant 3200 : index
    %swap3A_674 = arith.constant 0 : index
    %swap3A_675 = vector.load %arg8[%swap3A_673, %swap3A_674] : memref<4096x64xf32, #tpu.memory_space<vmem>>, vector<128x64xf32>
    tpu.vector_store %arg8[%swap3A_673, %swap3A_674], %add3A_672 {strides = array<i32>} : memref<4096x64xf32, #tpu.memory_space<vmem>>, vector<128x64xf32>,
    %get3A_676 = arith.constant 3328 : index
    %get3A_677 = arith.constant 0 : index
    %get3A_678 = vector.load %arg8[%get3A_676, %get3A_677] : memref<4096x64xf32, #tpu.memory_space<vmem>>, vector<128x64xf32>
    %slice3A_679 = vector.extract_strided_slice %dot_general3A_442 {offsets = [26, 0], sizes = [1, 64], strides = [1, 1]} : vector<32x64xf32> to vector<1x64xf32>
    %add3A_680 = vector.broadcast %slice3A_679 : vector<1x64xf32> to vector<128x64xf32>
    %add3A_681 = arith.addf %get3A_678, %add3A_680 : vector<128x64xf32>
    %swap3A_682 = arith.constant 3328 : index
    %swap3A_683 = arith.constant 0 : index
    %swap3A_684 = vector.load %arg8[%swap3A_682, %swap3A_683] : memref<4096x64xf32, #tpu.memory_space<vmem>>, vector<128x64xf32>
    tpu.vector_store %arg8[%swap3A_682, %swap3A_683], %add3A_681 {strides = array<i32>} : memref<4096x64xf32, #tpu.memory_space<vmem>>, vector<128x64xf32>,
    %get3A_685 = arith.constant 3456 : index
    %get3A_686 = arith.constant 0 : index
    %get3A_687 = vector.load %arg8[%get3A_685, %get3A_686] : memref<4096x64xf32, #tpu.memory_space<vmem>>, vector<128x64xf32>
    %slice3A_688 = vector.extract_strided_slice %dot_general3A_442 {offsets = [27, 0], sizes = [1, 64], strides = [1, 1]} : vector<32x64xf32> to vector<1x64xf32>
    %add3A_689 = vector.broadcast %slice3A_688 : vector<1x64xf32> to vector<128x64xf32>
    %add3A_690 = arith.addf %get3A_687, %add3A_689 : vector<128x64xf32>
    %swap3A_691 = arith.constant 3456 : index
    %swap3A_692 = arith.constant 0 : index
    %swap3A_693 = vector.load %arg8[%swap3A_691, %swap3A_692] : memref<4096x64xf32, #tpu.memory_space<vmem>>, vector<128x64xf32>
    tpu.vector_store %arg8[%swap3A_691, %swap3A_692], %add3A_690 {strides = array<i32>} : memref<4096x64xf32, #tpu.memory_space<vmem>>, vector<128x64xf32>,
    %get3A_694 = arith.constant 3584 : index
    %get3A_695 = arith.constant 0 : index
    %get3A_696 = vector.load %arg8[%get3A_694, %get3A_695] : memref<4096x64xf32, #tpu.memory_space<vmem>>, vector<128x64xf32>
    %slice3A_697 = vector.extract_strided_slice %dot_general3A_442 {offsets = [28, 0], sizes = [1, 64], strides = [1, 1]} : vector<32x64xf32> to vector<1x64xf32>
    %add3A_698 = vector.broadcast %slice3A_697 : vector<1x64xf32> to vector<128x64xf32>
    %add3A_699 = arith.addf %get3A_696, %add3A_698 : vector<128x64xf32>
    %swap3A_700 = arith.constant 3584 : index
    %swap3A_701 = arith.constant 0 : index
    %swap3A_702 = vector.load %arg8[%swap3A_700, %swap3A_701] : memref<4096x64xf32, #tpu.memory_space<vmem>>, vector<128x64xf32>
    tpu.vector_store %arg8[%swap3A_700, %swap3A_701], %add3A_699 {strides = array<i32>} : memref<4096x64xf32, #tpu.memory_space<vmem>>, vector<128x64xf32>,
    %get3A_703 = arith.constant 3712 : index
    %get3A_704 = arith.constant 0 : index
    %get3A_705 = vector.load %arg8[%get3A_703, %get3A_704] : memref<4096x64xf32, #tpu.memory_space<vmem>>, vector<128x64xf32>
    %slice3A_706 = vector.extract_strided_slice %dot_general3A_442 {offsets = [29, 0], sizes = [1, 64], strides = [1, 1]} : vector<32x64xf32> to vector<1x64xf32>
    %add3A_707 = vector.broadcast %slice3A_706 : vector<1x64xf32> to vector<128x64xf32>
    %add3A_708 = arith.addf %get3A_705, %add3A_707 : vector<128x64xf32>
    %swap3A_709 = arith.constant 3712 : index
    %swap3A_710 = arith.constant 0 : index
    %swap3A_711 = vector.load %arg8[%swap3A_709, %swap3A_710] : memref<4096x64xf32, #tpu.memory_space<vmem>>, vector<128x64xf32>
    tpu.vector_store %arg8[%swap3A_709, %swap3A_710], %add3A_708 {strides = array<i32>} : memref<4096x64xf32, #tpu.memory_space<vmem>>, vector<128x64xf32>,
    %get3A_712 = arith.constant 3840 : index
    %get3A_713 = arith.constant 0 : index
    %get3A_714 = vector.load %arg8[%get3A_712, %get3A_713] : memref<4096x64xf32, #tpu.memory_space<vmem>>, vector<128x64xf32>
    %slice3A_715 = vector.extract_strided_slice %dot_general3A_442 {offsets = [30, 0], sizes = [1, 64], strides = [1, 1]} : vector<32x64xf32> to vector<1x64xf32>
    %add3A_716 = vector.broadcast %slice3A_715 : vector<1x64xf32> to vector<128x64xf32>
    %add3A_717 = arith.addf %get3A_714, %add3A_716 : vector<128x64xf32>
    %swap3A_718 = arith.constant 3840 : index
    %swap3A_719 = arith.constant 0 : index
    %swap3A_720 = vector.load %arg8[%swap3A_718, %swap3A_719] : memref<4096x64xf32, #tpu.memory_space<vmem>>, vector<128x64xf32>
    tpu.vector_store %arg8[%swap3A_718, %swap3A_719], %add3A_717 {strides = array<i32>} : memref<4096x64xf32, #tpu.memory_space<vmem>>, vector<128x64xf32>,
    %get3A_721 = arith.constant 3968 : index
    %get3A_722 = arith.constant 0 : index
    %get3A_723 = vector.load %arg8[%get3A_721, %get3A_722] : memref<4096x64xf32, #tpu.memory_space<vmem>>, vector<128x64xf32>
    %slice3A_724 = vector.extract_strided_slice %dot_general3A_442 {offsets = [31, 0], sizes = [1, 64], strides = [1, 1]} : vector<32x64xf32> to vector<1x64xf32>
    %add3A_725 = vector.broadcast %slice3A_724 : vector<1x64xf32> to vector<128x64xf32>
    %add3A_726 = arith.addf %get3A_723, %add3A_725 : vector<128x64xf32>
    %swap3A_727 = arith.constant 3968 : index
    %swap3A_728 = arith.constant 0 : index
    %swap3A_729 = vector.load %arg8[%swap3A_727, %swap3A_728] : memref<4096x64xf32, #tpu.memory_space<vmem>>, vector<128x64xf32>
    tpu.vector_store %arg8[%swap3A_727, %swap3A_728], %add3A_726 {strides = array<i32>} : memref<4096x64xf32, #tpu.memory_space<vmem>>, vector<128x64xf32>,
    %get3A_730 = arith.constant 0 : index
    %get3A_731 = arith.constant 0 : index
    %get3A_732 = vector.load %arg8[%get3A_730, %get3A_731] : memref<4096x64xf32, #tpu.memory_space<vmem>>, vector<4096x64xf32>
    %sub3A_733 = arith.constant 1.000000e+00 : f32
    %sub3A_734 = vector.broadcast %sub3A_733 : f32 to vector<4096x64xf32>
    %sub3A_735 = arith.subf %get3A_732, %sub3A_734 : vector<4096x64xf32>
    %mul3A = arith.mulf %convert_element_type3A_46, %sub3A_735 : vector<4096x64xf32>
    %reduce_sum3A_736 = arith.constant dense<0.000000e+00> : vector<4096xf32>
    %reduce_sum3A_737 = vector.multi_reduction <add>, %mul3A, %reduce_sum3A_736 [1] : vector<4096x64xf32> to vector<4096xf32>
    %broadcast_in_dim3A_738 = vector.shape_cast %reduce_sum3A_737 : vector<4096xf32> to vector<4096x1xf32>
    %slice3A_739 = vector.extract_strided_slice %get3A_732 {offsets = [4095, 0], sizes = [1, 64], strides = [1, 1]} : vector<4096x64xf32> to vector<1x64xf32>
    %iota3A_740 = tpu.iota {dimensions = array<i32: 0>} : vector<64x64xi32>
    %iota3A_741 = tpu.iota {dimensions = array<i32: 1>} : vector<64x64xi32>
    %lt3A = arith.cmpi slt, %iota3A_740, %iota3A_741 : vector<64x64xi32>
    %convert_element_type3A_742 = arith.extui %lt3A : vector<64x64xi1> to vector<64x64xi32>
    %convert_element_type3A_743 = arith.sitofp %convert_element_type3A_742 : vector<64x64xi32> to vector<64x64xf32>
    %dot_general3A_744 = arith.constant dense<0.000000e+00> : vector<1x64xf32>
    %dot_general3A_745 = tpu.matmul %slice3A_739, %convert_element_type3A_743, %dot_general3A_744 {dimension_numbers = #tpu.dot_dimension_numbers<[1], [0], [0], [1], [0, 0, 1, 1], [], []>, precision = #tpu.contract_precision<fp32>, transpose_lhs_hint = false} : vector<1x64xf32>, vector<64x64xf32>, vector<1x64xf32> -> vector<1x64xf32>
    %mul3A_746 = vector.broadcast %dot_general3A_745 : vector<1x64xf32> to vector<4096x64xf32>
    %mul3A_747 = arith.mulf %convert_element_type3A_46, %mul3A_746 : vector<4096x64xf32>
    %reduce_sum3A_748 = arith.constant dense<0.000000e+00> : vector<4096xf32>
    %reduce_sum3A_749 = vector.multi_reduction <add>, %mul3A_747, %reduce_sum3A_748 [1] : vector<4096x64xf32> to vector<4096xf32>
    %broadcast_in_dim3A_750 = vector.shape_cast %reduce_sum3A_749 : vector<4096xf32> to vector<4096x1xf32>
    %add3A_751 = arith.addf %broadcast_in_dim3A_750, %broadcast_in_dim3A_738 : vector<4096x1xf32>
    %convert_element_type3A_752 = arith.fptosi %add3A_751 : vector<4096x1xf32> to vector<4096x1xi32>
    %swap3A_753 = arith.constant 0 : index
    %swap3A_754 = arith.constant 0 : index
    %swap3A_755 = vector.load %arg2[%swap3A_753, %swap3A_754] : memref<4096x1xi32, #tpu.memory_space<vmem>>, vector<4096x1xi32>
    tpu.vector_store %arg2[%swap3A_753, %swap3A_754], %convert_element_type3A_752 {strides = array<i32>} : memref<4096x1xi32, #tpu.memory_space<vmem>>, vector<4096x1xi32>,
    %convert_element_type3A_756 = arith.fptosi %dot_general3A_745 : vector<1x64xf32> to vector<1x64xi32>
    %convert_element_type3A_757 = arith.fptosi %slice3A_739 : vector<1x64xf32> to vector<1x64xi32>
    %add3A_758 = arith.addi %convert_element_type3A_756, %convert_element_type3A_757 : vector<1x64xi32>
    %jit3A_759 = arith.constant 256 : i32
    %div3A_760 = vector.broadcast %jit3A_759 : i32 to vector<1x64xi32>
    %div3A_761 = arith.divsi %convert_element_type3A_756, %div3A_760 : vector<1x64xi32>
    %sign3A = arith.constant 0 : i32
    %sign3A_762 = vector.broadcast %sign3A : i32 to vector<1x64xi32>
    %sign3A_763 = arith.cmpi sgt, %convert_element_type3A_756, %sign3A_762 : vector<1x64xi32>
    %sign3A_764 = arith.extui %sign3A_763 : vector<1x64xi1> to vector<1x64xi32>
    %sign3A_765 = arith.constant 0 : i32
    %sign3A_766 = vector.broadcast %sign3A_765 : i32 to vector<1x64xi32>
    %sign3A_767 = arith.cmpi slt, %convert_element_type3A_756, %sign3A_766 : vector<1x64xi32>
    %sign3A_768 = arith.extui %sign3A_767 : vector<1x64xi1> to vector<1x64xi32>
    %sign3A_769 = arith.subi %sign3A_764, %sign3A_768 : vector<1x64xi32>
    %sign3A_770 = arith.constant 0 : i32
    %sign3A_771 = arith.cmpi sgt, %jit3A_759, %sign3A_770 : i32
    %sign3A_772 = arith.extui %sign3A_771 : i1 to i32
    %sign3A_773 = arith.constant 0 : i32
    %sign3A_774 = arith.cmpi slt, %jit3A_759, %sign3A_773 : i32
    %sign3A_775 = arith.extui %sign3A_774 : i1 to i32
    %sign3A_776 = arith.subi %sign3A_772, %sign3A_775 : i32
    %ne3A = vector.broadcast %sign3A_776 : i32 to vector<1x64xi32>
    %ne3A_777 = arith.cmpi ne, %sign3A_769, %ne3A : vector<1x64xi32>
    %rem3A = vector.broadcast %jit3A_759 : i32 to vector<1x64xi32>
    %rem3A_778 = arith.remsi %convert_element_type3A_756, %rem3A : vector<1x64xi32>
    %ne3A_779 = arith.constant 0 : i32
    %ne3A_780 = vector.broadcast %ne3A_779 : i32 to vector<1x64xi32>
    %ne3A_781 = arith.cmpi ne, %rem3A_778, %ne3A_780 : vector<1x64xi32>
    %and3A = arith.andi %ne3A_777, %ne3A_781 : vector<1x64xi1>
    %sub3A_782 = arith.constant 1 : i32
    %sub3A_783 = vector.broadcast %sub3A_782 : i32 to vector<1x64xi32>
    %sub3A_784 = arith.subi %div3A_761, %sub3A_783 : vector<1x64xi32>
    %select_n3A_785 = arith.select %and3A, %sub3A_784, %div3A_761 : vector<1x64xi1>, vector<1x64xi32>
    %sub3A_786 = arith.constant 1 : i32
    %sub3A_787 = vector.broadcast %sub3A_786 : i32 to vector<1x64xi32>
    %sub3A_788 = arith.subi %add3A_758, %sub3A_787 : vector<1x64xi32>
    %max3A = arith.constant 0 : i32
    %max3A_789 = vector.broadcast %max3A : i32 to vector<1x64xi32>
    %max3A_790 = arith.maxsi %sub3A_788, %max3A_789 : vector<1x64xi32>
    %jit3A_791 = arith.constant 256 : i32
    %div3A_792 = vector.broadcast %jit3A_791 : i32 to vector<1x64xi32>
    %div3A_793 = arith.divsi %max3A_790, %div3A_792 : vector<1x64xi32>
    %sign3A_794 = arith.constant 0 : i32
    %sign3A_795 = vector.broadcast %sign3A_794 : i32 to vector<1x64xi32>
    %sign3A_796 = arith.cmpi sgt, %max3A_790, %sign3A_795 : vector<1x64xi32>
    %sign3A_797 = arith.extui %sign3A_796 : vector<1x64xi1> to vector<1x64xi32>
    %sign3A_798 = arith.constant 0 : i32
    %sign3A_799 = vector.broadcast %sign3A_798 : i32 to vector<1x64xi32>
    %sign3A_800 = arith.cmpi slt, %max3A_790, %sign3A_799 : vector<1x64xi32>
    %sign3A_801 = arith.extui %sign3A_800 : vector<1x64xi1> to vector<1x64xi32>
    %sign3A_802 = arith.subi %sign3A_797, %sign3A_801 : vector<1x64xi32>
    %sign3A_803 = arith.constant 0 : i32
    %sign3A_804 = arith.cmpi sgt, %jit3A_791, %sign3A_803 : i32
    %sign3A_805 = arith.extui %sign3A_804 : i1 to i32
    %sign3A_806 = arith.constant 0 : i32
    %sign3A_807 = arith.cmpi slt, %jit3A_791, %sign3A_806 : i32
    %sign3A_808 = arith.extui %sign3A_807 : i1 to i32
    %sign3A_809 = arith.subi %sign3A_805, %sign3A_808 : i32
    %ne3A_810 = vector.broadcast %sign3A_809 : i32 to vector<1x64xi32>
    %ne3A_811 = arith.cmpi ne, %sign3A_802, %ne3A_810 : vector<1x64xi32>
    %rem3A_812 = vector.broadcast %jit3A_791 : i32 to vector<1x64xi32>
    %rem3A_813 = arith.remsi %max3A_790, %rem3A_812 : vector<1x64xi32>
    %ne3A_814 = arith.constant 0 : i32
    %ne3A_815 = vector.broadcast %ne3A_814 : i32 to vector<1x64xi32>
    %ne3A_816 = arith.cmpi ne, %rem3A_813, %ne3A_815 : vector<1x64xi32>
    %and3A_817 = arith.andi %ne3A_811, %ne3A_816 : vector<1x64xi1>
    %sub3A_818 = arith.constant 1 : i32
    %sub3A_819 = vector.broadcast %sub3A_818 : i32 to vector<1x64xi32>
    %sub3A_820 = arith.subi %div3A_793, %sub3A_819 : vector<1x64xi32>
    %select_n3A_821 = arith.select %and3A_817, %sub3A_820, %div3A_793 : vector<1x64xi1>, vector<1x64xi32>
    %gt3A_822 = arith.constant 0 : i32
    %gt3A_823 = vector.broadcast %gt3A_822 : i32 to vector<1x64xi32>
    %gt3A_824 = arith.cmpi sgt, %convert_element_type3A_757, %gt3A_823 : vector<1x64xi32>
    %sub3A_825 = arith.subi %select_n3A_821, %select_n3A_785 : vector<1x64xi32>
    %add3A_826 = arith.constant 1 : i32
    %add3A_827 = vector.broadcast %add3A_826 : i32 to vector<1x64xi32>
    %add3A_828 = arith.addi %sub3A_825, %add3A_827 : vector<1x64xi32>
    %jit3A_829 = arith.constant 0 : i32
    %broadcast_in_dim3A_830 = vector.broadcast %jit3A_829 : i32 to vector<1x64xi32>
    %select_n3A_831 = arith.select %gt3A_824, %add3A_828, %broadcast_in_dim3A_830 : vector<1x64xi1>, vector<1x64xi32>
    %convert_element_type3A_832 = arith.sitofp %select_n3A_831 : vector<1x64xi32> to vector<1x64xf32>
    %dot_general3A_833 = arith.constant dense<0.000000e+00> : vector<1x64xf32>
    %dot_general3A_834 = tpu.matmul %convert_element_type3A_832, %convert_element_type3A_743, %dot_general3A_833 {dimension_numbers = #tpu.dot_dimension_numbers<[1], [0], [0], [1], [0, 0, 1, 1], [], []>, precision = #tpu.contract_precision<fp32>, transpose_lhs_hint = false} : vector<1x64xf32>, vector<64x64xf32>, vector<1x64xf32> -> vector<1x64xf32>
    %convert_element_type3A_835 = arith.fptosi %dot_general3A_834 : vector<1x64xf32> to vector<1x64xi32>
    %reduce_sum3A_836 = arith.constant dense<0> : vector<1xi32>
    %reduce_sum3A_837 = vector.multi_reduction <add>, %select_n3A_831, %reduce_sum3A_836 [1] : vector<1x64xi32> to vector<1xi32>
    %broadcast_in_dim3A_838 = vector.shape_cast %reduce_sum3A_837 : vector<1xi32> to vector<1x1xi32>
    %iota3A_839 = tpu.iota {dimensions = array<i32: 0>} : vector<80x1xi32>
    %le3A = vector.broadcast %convert_element_type3A_835 : vector<1x64xi32> to vector<80x64xi32>
    %le3A_840 = vector.broadcast %iota3A_839 : vector<80x1xi32> to vector<80x64xi32>
    %le3A_841 = arith.cmpi sle, %le3A, %le3A_840 : vector<80x64xi32>
    %convert_element_type3A_842 = arith.extui %le3A_841 : vector<80x64xi1> to vector<80x64xi32>
    %reduce_sum3A_843 = arith.constant dense<0> : vector<80xi32>
    %reduce_sum3A_844 = vector.multi_reduction <add>, %convert_element_type3A_842, %reduce_sum3A_843 [1] : vector<80x64xi32> to vector<80xi32>
    %broadcast_in_dim3A_845 = vector.shape_cast %reduce_sum3A_844 : vector<80xi32> to vector<80x1xi32>
    %sub3A_846 = arith.constant 1 : i32
    %sub3A_847 = vector.broadcast %sub3A_846 : i32 to vector<80x1xi32>
    %sub3A_848 = arith.subi %broadcast_in_dim3A_845, %sub3A_847 : vector<80x1xi32>
    %eq3A_849 = vector.broadcast %sub3A_848 : vector<80x1xi32> to vector<80x64xi32>
    %eq3A_850 = vector.broadcast %iota3A : vector<1x64xi32> to vector<80x64xi32>
    %eq3A_851 = arith.cmpi eq, %eq3A_849, %eq3A_850 : vector<80x64xi32>
    %convert_element_type3A_852 = arith.extui %eq3A_851 : vector<80x64xi1> to vector<80x64xi32>
    %mul3A_853 = vector.broadcast %convert_element_type3A_835 : vector<1x64xi32> to vector<80x64xi32>
    %mul3A_854 = arith.muli %convert_element_type3A_852, %mul3A_853 : vector<80x64xi32>
    %reduce_sum3A_855 = arith.constant dense<0> : vector<80xi32>
    %reduce_sum3A_856 = vector.multi_reduction <add>, %mul3A_854, %reduce_sum3A_855 [1] : vector<80x64xi32> to vector<80xi32>
    %broadcast_in_dim3A_857 = vector.shape_cast %reduce_sum3A_856 : vector<80xi32> to vector<80x1xi32>
    %mul3A_858 = vector.broadcast %select_n3A_785 : vector<1x64xi32> to vector<80x64xi32>
    %mul3A_859 = arith.muli %convert_element_type3A_852, %mul3A_858 : vector<80x64xi32>
    %reduce_sum3A_860 = arith.constant dense<0> : vector<80xi32>
    %reduce_sum3A_861 = vector.multi_reduction <add>, %mul3A_859, %reduce_sum3A_860 [1] : vector<80x64xi32> to vector<80xi32>
    %broadcast_in_dim3A_862 = vector.shape_cast %reduce_sum3A_861 : vector<80xi32> to vector<80x1xi32>
    %mul3A_863 = vector.broadcast %convert_element_type3A_756 : vector<1x64xi32> to vector<80x64xi32>
    %mul3A_864 = arith.muli %convert_element_type3A_852, %mul3A_863 : vector<80x64xi32>
    %reduce_sum3A_865 = arith.constant dense<0> : vector<80xi32>
    %reduce_sum3A_866 = vector.multi_reduction <add>, %mul3A_864, %reduce_sum3A_865 [1] : vector<80x64xi32> to vector<80xi32>
    %broadcast_in_dim3A_867 = vector.shape_cast %reduce_sum3A_866 : vector<80xi32> to vector<80x1xi32>
    %mul3A_868 = vector.broadcast %add3A_758 : vector<1x64xi32> to vector<80x64xi32>
    %mul3A_869 = arith.muli %convert_element_type3A_852, %mul3A_868 : vector<80x64xi32>
    %reduce_sum3A_870 = arith.constant dense<0> : vector<80xi32>
    %reduce_sum3A_871 = vector.multi_reduction <add>, %mul3A_869, %reduce_sum3A_870 [1] : vector<80x64xi32> to vector<80xi32>
    %broadcast_in_dim3A_872 = vector.shape_cast %reduce_sum3A_871 : vector<80xi32> to vector<80x1xi32>
    %sub3A_873 = arith.subi %iota3A_839, %broadcast_in_dim3A_857 : vector<80x1xi32>
    %add3A_874 = arith.addi %broadcast_in_dim3A_862, %sub3A_873 : vector<80x1xi32>
    %mul3A_875 = arith.constant 256 : i32
    %mul3A_876 = vector.broadcast %mul3A_875 : i32 to vector<80x1xi32>
    %mul3A_877 = arith.muli %add3A_874, %mul3A_876 : vector<80x1xi32>
    %max3A_878 = arith.maxsi %broadcast_in_dim3A_867, %mul3A_877 : vector<80x1xi32>
    %mul3A_879 = arith.constant 256 : i32
    %mul3A_880 = vector.broadcast %mul3A_879 : i32 to vector<80x1xi32>
    %mul3A_881 = arith.muli %add3A_874, %mul3A_880 : vector<80x1xi32>
    %sub3A_882 = arith.subi %max3A_878, %mul3A_881 : vector<80x1xi32>
    %add3A_883 = arith.constant 1 : i32
    %add3A_884 = vector.broadcast %add3A_883 : i32 to vector<80x1xi32>
    %add3A_885 = arith.addi %add3A_874, %add3A_884 : vector<80x1xi32>
    %mul3A_886 = arith.constant 256 : i32
    %mul3A_887 = vector.broadcast %mul3A_886 : i32 to vector<80x1xi32>
    %mul3A_888 = arith.muli %add3A_885, %mul3A_887 : vector<80x1xi32>
    %min3A = arith.minsi %broadcast_in_dim3A_872, %mul3A_888 : vector<80x1xi32>
    %mul3A_889 = arith.constant 256 : i32
    %mul3A_890 = vector.broadcast %mul3A_889 : i32 to vector<80x1xi32>
    %mul3A_891 = arith.muli %add3A_874, %mul3A_890 : vector<80x1xi32>
    %sub3A_892 = arith.subi %min3A, %mul3A_891 : vector<80x1xi32>
    %gt3A_893 = arith.constant 0 : i32
    %gt3A_894 = vector.broadcast %gt3A_893 : i32 to vector<1x64xi32>
    %gt3A_895 = arith.cmpi sgt, %select_n3A_831, %gt3A_894 : vector<1x64xi32>
    %jit3A_896 = arith.constant -1 : i32
    %broadcast_in_dim3A_897 = vector.broadcast %jit3A_896 : i32 to vector<1x64xi32>
    %select_n3A_898 = arith.select %gt3A_895, %iota3A, %broadcast_in_dim3A_897 : vector<1x64xi1>, vector<1x64xi32>
    %reduce_max3A_899 = arith.constant dense<-2147483648> : vector<1xi32>
    %reduce_max3A_900 = vector.multi_reduction <maxsi>, %select_n3A_898, %reduce_max3A_899 [1] : vector<1x64xi32> to vector<1xi32>
    %broadcast_in_dim3A_901 = vector.shape_cast %reduce_max3A_900 : vector<1xi32> to vector<1x1xi32>
    %lt3A_902 = vector.broadcast %broadcast_in_dim3A_838 : vector<1x1xi32> to vector<80x1xi32>
    %lt3A_903 = arith.cmpi slt, %iota3A_839, %lt3A_902 : vector<80x1xi32>
    %broadcast_in_dim3A_904 = vector.shape_cast %broadcast_in_dim3A_901 : vector<1x1xi32> to vector<1x1xi32>
    %broadcast_in_dim3A_905 = vector.broadcast %broadcast_in_dim3A_904 : vector<1x1xi32> to vector<80x1xi32>
    %select_n3A_906 = arith.select %lt3A_903, %sub3A_848, %broadcast_in_dim3A_905 : vector<80x1xi1>, vector<80x1xi32>
    %swap3A_907 = arith.constant 0 : index
    %swap3A_908 = arith.constant 0 : index
    %swap3A_909 = vector.load %arg5[%swap3A_907, %swap3A_908] : memref<80x1xi32, #tpu.memory_space<vmem>>, vector<80x1xi32>
    tpu.vector_store %arg5[%swap3A_907, %swap3A_908], %select_n3A_906 {strides = array<i32>} : memref<80x1xi32, #tpu.memory_space<vmem>>, vector<80x1xi32>,
    %jit3A_910 = arith.constant 15 : i32
    %broadcast_in_dim3A_911 = vector.broadcast %jit3A_910 : i32 to vector<80x1xi32>
    %select_n3A_912 = arith.select %lt3A_903, %add3A_874, %broadcast_in_dim3A_911 : vector<80x1xi1>, vector<80x1xi32>
    %swap3A_913 = arith.constant 0 : index
    %swap3A_914 = arith.constant 0 : index
    %swap3A_915 = vector.load %arg4[%swap3A_913, %swap3A_914] : memref<80x1xi32, #tpu.memory_space<vmem>>, vector<80x1xi32>
    tpu.vector_store %arg4[%swap3A_913, %swap3A_914], %select_n3A_912 {strides = array<i32>} : memref<80x1xi32, #tpu.memory_space<vmem>>, vector<80x1xi32>,
    %jit3A_916 = arith.constant 0 : i32
    %broadcast_in_dim3A_917 = vector.broadcast %jit3A_916 : i32 to vector<80x1xi32>
    %select_n3A_918 = arith.select %lt3A_903, %sub3A_882, %broadcast_in_dim3A_917 : vector<80x1xi1>, vector<80x1xi32>
    %swap3A_919 = arith.constant 0 : index
    %swap3A_920 = arith.constant 0 : index
    %swap3A_921 = vector.load %arg6[%swap3A_919, %swap3A_920] : memref<80x1xi32, #tpu.memory_space<vmem>>, vector<80x1xi32>
    tpu.vector_store %arg6[%swap3A_919, %swap3A_920], %select_n3A_918 {strides = array<i32>} : memref<80x1xi32, #tpu.memory_space<vmem>>, vector<80x1xi32>,
    %jit3A_922 = arith.constant 0 : i32
    %broadcast_in_dim3A_923 = vector.broadcast %jit3A_922 : i32 to vector<80x1xi32>
    %select_n3A_924 = arith.select %lt3A_903, %sub3A_892, %broadcast_in_dim3A_923 : vector<80x1xi1>, vector<80x1xi32>
    %swap3A_925 = arith.constant 0 : index
    %swap3A_926 = arith.constant 0 : index
    %swap3A_927 = vector.load %arg7[%swap3A_925, %swap3A_926] : memref<80x1xi32, #tpu.memory_space<vmem>>, vector<80x1xi32>
    tpu.vector_store %arg7[%swap3A_925, %swap3A_926], %select_n3A_924 {strides = array<i32>} : memref<80x1xi32, #tpu.memory_space<vmem>>, vector<80x1xi32>,
    return
  }
}

module attributes {stable_mosaic.version = 14 : i64} {
  func.func @_gmm_kernel(%arg0: memref<80xi32, #tpu.memory_space<smem>>, %arg1: memref<80xi32, #tpu.memory_space<smem>>, %arg2: memref<80xi32, #tpu.memory_space<smem>>, %arg3: memref<80xi32, #tpu.memory_space<smem>>, %arg4: memref<4096x768xf32, #tpu.memory_space<vmem>>, %arg5: memref<64x768x192xf32, #tpu.memory_space<any>>, %arg6: memref<64x192x768xf32, #tpu.memory_space<any>>, %arg7: memref<64x768x192xf32, #tpu.memory_space<any>>, %arg8: memref<4096x768xf32, #tpu.memory_space<vmem>>, %arg9: memref<5x768x192xf32, #tpu.memory_space<vmem>>, %arg10: memref<5x192x768xf32, #tpu.memory_space<vmem>>, %arg11: memref<5x768x192xf32, #tpu.memory_space<vmem>>, %arg12: memref<5x!tpu.dma_semaphore, #tpu.memory_space<semaphore_mem>>, %arg13: memref<5x!tpu.dma_semaphore, #tpu.memory_space<semaphore_mem>>, %arg14: memref<5x!tpu.dma_semaphore, #tpu.memory_space<semaphore_mem>>) attributes {dimension_semantics = [], scalar_prefetch = 0 : i64, scratch_operands = 6 : i64, tpu.core_type = #tpu.core_type<tc>} {
    %rem3A = arith.constant 0 : i32
    %rem3A_0 = arith.constant 5 : i32
    %rem3A_1 = arith.remsi %rem3A, %rem3A_0 : i32
    %get3A = arith.constant 0 : index
    %get3A_2 = memref.load %arg1[%get3A] : memref<80xi32, #tpu.memory_space<smem>>
    %dma_start3A = tpu.memref_slice %arg12[%rem3A_1] : memref<5x!tpu.dma_semaphore, #tpu.memory_space<semaphore_mem>> -> memref<1x!tpu.dma_semaphore, #tpu.memory_space<semaphore_mem>>
    %dma_start3A_3 = tpu.memref_squeeze %dma_start3A : memref<1x!tpu.dma_semaphore, #tpu.memory_space<semaphore_mem>> -> memref<!tpu.dma_semaphore, #tpu.memory_space<semaphore_mem>>
    %dma_start3A_4 = arith.constant 0 : i32
    %dma_start3A_5 = arith.constant 0 : i32
    %dma_start3A_6 = tpu.memref_slice %arg9[%rem3A_1, %dma_start3A_4, %dma_start3A_5] : memref<5x768x192xf32, #tpu.memory_space<vmem>> -> memref<1x768x192xf32, #tpu.memory_space<vmem>>
    %dma_start3A_7 = tpu.memref_squeeze %dma_start3A_6 : memref<1x768x192xf32, #tpu.memory_space<vmem>> -> memref<768x192xf32, #tpu.memory_space<vmem>>
    %dma_start3A_8 = arith.constant 0 : i32
    %dma_start3A_9 = arith.constant 0 : i32
    %dma_start3A_10 = tpu.memref_slice %arg5[%get3A_2, %dma_start3A_8, %dma_start3A_9] : memref<64x768x192xf32, #tpu.memory_space<any>> -> memref<1x768x192xf32, #tpu.memory_space<any>>
    %dma_start3A_11 = tpu.memref_squeeze %dma_start3A_10 : memref<1x768x192xf32, #tpu.memory_space<any>> -> memref<768x192xf32, #tpu.memory_space<any>>
    tpu.enqueue_dma source(%dma_start3A_11 : memref<768x192xf32, #tpu.memory_space<any>>) target(%dma_start3A_7 : memref<768x192xf32, #tpu.memory_space<vmem>>) target_semaphore(%dma_start3A_3 : memref<!tpu.dma_semaphore, #tpu.memory_space<semaphore_mem>>)
    %dma_start3A_12 = tpu.memref_slice %arg13[%rem3A_1] : memref<5x!tpu.dma_semaphore, #tpu.memory_space<semaphore_mem>> -> memref<1x!tpu.dma_semaphore, #tpu.memory_space<semaphore_mem>>
    %dma_start3A_13 = tpu.memref_squeeze %dma_start3A_12 : memref<1x!tpu.dma_semaphore, #tpu.memory_space<semaphore_mem>> -> memref<!tpu.dma_semaphore, #tpu.memory_space<semaphore_mem>>
    %dma_start3A_14 = arith.constant 0 : i32
    %dma_start3A_15 = arith.constant 0 : i32
    %dma_start3A_16 = tpu.memref_slice %arg10[%rem3A_1, %dma_start3A_14, %dma_start3A_15] : memref<5x192x768xf32, #tpu.memory_space<vmem>> -> memref<1x192x768xf32, #tpu.memory_space<vmem>>
    %dma_start3A_17 = tpu.memref_squeeze %dma_start3A_16 : memref<1x192x768xf32, #tpu.memory_space<vmem>> -> memref<192x768xf32, #tpu.memory_space<vmem>>
    %dma_start3A_18 = arith.constant 0 : i32
    %dma_start3A_19 = arith.constant 0 : i32
    %dma_start3A_20 = tpu.memref_slice %arg6[%get3A_2, %dma_start3A_18, %dma_start3A_19] : memref<64x192x768xf32, #tpu.memory_space<any>> -> memref<1x192x768xf32, #tpu.memory_space<any>>
    %dma_start3A_21 = tpu.memref_squeeze %dma_start3A_20 : memref<1x192x768xf32, #tpu.memory_space<any>> -> memref<192x768xf32, #tpu.memory_space<any>>
    tpu.enqueue_dma source(%dma_start3A_21 : memref<192x768xf32, #tpu.memory_space<any>>) target(%dma_start3A_17 : memref<192x768xf32, #tpu.memory_space<vmem>>) target_semaphore(%dma_start3A_13 : memref<!tpu.dma_semaphore, #tpu.memory_space<semaphore_mem>>)
    %dma_start3A_22 = tpu.memref_slice %arg14[%rem3A_1] : memref<5x!tpu.dma_semaphore, #tpu.memory_space<semaphore_mem>> -> memref<1x!tpu.dma_semaphore, #tpu.memory_space<semaphore_mem>>
    %dma_start3A_23 = tpu.memref_squeeze %dma_start3A_22 : memref<1x!tpu.dma_semaphore, #tpu.memory_space<semaphore_mem>> -> memref<!tpu.dma_semaphore, #tpu.memory_space<semaphore_mem>>
    %dma_start3A_24 = arith.constant 0 : i32
    %dma_start3A_25 = arith.constant 0 : i32
    %dma_start3A_26 = tpu.memref_slice %arg11[%rem3A_1, %dma_start3A_24, %dma_start3A_25] : memref<5x768x192xf32, #tpu.memory_space<vmem>> -> memref<1x768x192xf32, #tpu.memory_space<vmem>>
    %dma_start3A_27 = tpu.memref_squeeze %dma_start3A_26 : memref<1x768x192xf32, #tpu.memory_space<vmem>> -> memref<768x192xf32, #tpu.memory_space<vmem>>
    %dma_start3A_28 = arith.constant 0 : i32
    %dma_start3A_29 = arith.constant 0 : i32
    %dma_start3A_30 = tpu.memref_slice %arg7[%get3A_2, %dma_start3A_28, %dma_start3A_29] : memref<64x768x192xf32, #tpu.memory_space<any>> -> memref<1x768x192xf32, #tpu.memory_space<any>>
    %dma_start3A_31 = tpu.memref_squeeze %dma_start3A_30 : memref<1x768x192xf32, #tpu.memory_space<any>> -> memref<768x192xf32, #tpu.memory_space<any>>
    tpu.enqueue_dma source(%dma_start3A_31 : memref<768x192xf32, #tpu.memory_space<any>>) target(%dma_start3A_27 : memref<768x192xf32, #tpu.memory_space<vmem>>) target_semaphore(%dma_start3A_23 : memref<!tpu.dma_semaphore, #tpu.memory_space<semaphore_mem>>)
    %rem3A_32 = arith.constant 1 : i32
    %rem3A_33 = arith.constant 5 : i32
    %rem3A_34 = arith.remsi %rem3A_32, %rem3A_33 : i32
    %get3A_35 = arith.constant 1 : index
    %get3A_36 = memref.load %arg1[%get3A_35] : memref<80xi32, #tpu.memory_space<smem>>
    %dma_start3A_37 = tpu.memref_slice %arg12[%rem3A_34] : memref<5x!tpu.dma_semaphore, #tpu.memory_space<semaphore_mem>> -> memref<1x!tpu.dma_semaphore, #tpu.memory_space<semaphore_mem>>
    %dma_start3A_38 = tpu.memref_squeeze %dma_start3A_37 : memref<1x!tpu.dma_semaphore, #tpu.memory_space<semaphore_mem>> -> memref<!tpu.dma_semaphore, #tpu.memory_space<semaphore_mem>>
    %dma_start3A_39 = arith.constant 0 : i32
    %dma_start3A_40 = arith.constant 0 : i32
    %dma_start3A_41 = tpu.memref_slice %arg9[%rem3A_34, %dma_start3A_39, %dma_start3A_40] : memref<5x768x192xf32, #tpu.memory_space<vmem>> -> memref<1x768x192xf32, #tpu.memory_space<vmem>>
    %dma_start3A_42 = tpu.memref_squeeze %dma_start3A_41 : memref<1x768x192xf32, #tpu.memory_space<vmem>> -> memref<768x192xf32, #tpu.memory_space<vmem>>
    %dma_start3A_43 = arith.constant 0 : i32
    %dma_start3A_44 = arith.constant 0 : i32
    %dma_start3A_45 = tpu.memref_slice %arg5[%get3A_36, %dma_start3A_43, %dma_start3A_44] : memref<64x768x192xf32, #tpu.memory_space<any>> -> memref<1x768x192xf32, #tpu.memory_space<any>>
    %dma_start3A_46 = tpu.memref_squeeze %dma_start3A_45 : memref<1x768x192xf32, #tpu.memory_space<any>> -> memref<768x192xf32, #tpu.memory_space<any>>
    tpu.enqueue_dma source(%dma_start3A_46 : memref<768x192xf32, #tpu.memory_space<any>>) target(%dma_start3A_42 : memref<768x192xf32, #tpu.memory_space<vmem>>) target_semaphore(%dma_start3A_38 : memref<!tpu.dma_semaphore, #tpu.memory_space<semaphore_mem>>)
    %dma_start3A_47 = tpu.memref_slice %arg13[%rem3A_34] : memref<5x!tpu.dma_semaphore, #tpu.memory_space<semaphore_mem>> -> memref<1x!tpu.dma_semaphore, #tpu.memory_space<semaphore_mem>>
    %dma_start3A_48 = tpu.memref_squeeze %dma_start3A_47 : memref<1x!tpu.dma_semaphore, #tpu.memory_space<semaphore_mem>> -> memref<!tpu.dma_semaphore, #tpu.memory_space<semaphore_mem>>
    %dma_start3A_49 = arith.constant 0 : i32
    %dma_start3A_50 = arith.constant 0 : i32
    %dma_start3A_51 = tpu.memref_slice %arg10[%rem3A_34, %dma_start3A_49, %dma_start3A_50] : memref<5x192x768xf32, #tpu.memory_space<vmem>> -> memref<1x192x768xf32, #tpu.memory_space<vmem>>
    %dma_start3A_52 = tpu.memref_squeeze %dma_start3A_51 : memref<1x192x768xf32, #tpu.memory_space<vmem>> -> memref<192x768xf32, #tpu.memory_space<vmem>>
    %dma_start3A_53 = arith.constant 0 : i32
    %dma_start3A_54 = arith.constant 0 : i32
    %dma_start3A_55 = tpu.memref_slice %arg6[%get3A_36, %dma_start3A_53, %dma_start3A_54] : memref<64x192x768xf32, #tpu.memory_space<any>> -> memref<1x192x768xf32, #tpu.memory_space<any>>
    %dma_start3A_56 = tpu.memref_squeeze %dma_start3A_55 : memref<1x192x768xf32, #tpu.memory_space<any>> -> memref<192x768xf32, #tpu.memory_space<any>>
    tpu.enqueue_dma source(%dma_start3A_56 : memref<192x768xf32, #tpu.memory_space<any>>) target(%dma_start3A_52 : memref<192x768xf32, #tpu.memory_space<vmem>>) target_semaphore(%dma_start3A_48 : memref<!tpu.dma_semaphore, #tpu.memory_space<semaphore_mem>>)
    %dma_start3A_57 = tpu.memref_slice %arg14[%rem3A_34] : memref<5x!tpu.dma_semaphore, #tpu.memory_space<semaphore_mem>> -> memref<1x!tpu.dma_semaphore, #tpu.memory_space<semaphore_mem>>
    %dma_start3A_58 = tpu.memref_squeeze %dma_start3A_57 : memref<1x!tpu.dma_semaphore, #tpu.memory_space<semaphore_mem>> -> memref<!tpu.dma_semaphore, #tpu.memory_space<semaphore_mem>>
    %dma_start3A_59 = arith.constant 0 : i32
    %dma_start3A_60 = arith.constant 0 : i32
    %dma_start3A_61 = tpu.memref_slice %arg11[%rem3A_34, %dma_start3A_59, %dma_start3A_60] : memref<5x768x192xf32, #tpu.memory_space<vmem>> -> memref<1x768x192xf32, #tpu.memory_space<vmem>>
    %dma_start3A_62 = tpu.memref_squeeze %dma_start3A_61 : memref<1x768x192xf32, #tpu.memory_space<vmem>> -> memref<768x192xf32, #tpu.memory_space<vmem>>
    %dma_start3A_63 = arith.constant 0 : i32
    %dma_start3A_64 = arith.constant 0 : i32
    %dma_start3A_65 = tpu.memref_slice %arg7[%get3A_36, %dma_start3A_63, %dma_start3A_64] : memref<64x768x192xf32, #tpu.memory_space<any>> -> memref<1x768x192xf32, #tpu.memory_space<any>>
    %dma_start3A_66 = tpu.memref_squeeze %dma_start3A_65 : memref<1x768x192xf32, #tpu.memory_space<any>> -> memref<768x192xf32, #tpu.memory_space<any>>
    tpu.enqueue_dma source(%dma_start3A_66 : memref<768x192xf32, #tpu.memory_space<any>>) target(%dma_start3A_62 : memref<768x192xf32, #tpu.memory_space<vmem>>) target_semaphore(%dma_start3A_58 : memref<!tpu.dma_semaphore, #tpu.memory_space<semaphore_mem>>)
    %rem3A_67 = arith.constant 2 : i32
    %rem3A_68 = arith.constant 5 : i32
    %rem3A_69 = arith.remsi %rem3A_67, %rem3A_68 : i32
    %get3A_70 = arith.constant 2 : index
    %get3A_71 = memref.load %arg1[%get3A_70] : memref<80xi32, #tpu.memory_space<smem>>
    %dma_start3A_72 = tpu.memref_slice %arg12[%rem3A_69] : memref<5x!tpu.dma_semaphore, #tpu.memory_space<semaphore_mem>> -> memref<1x!tpu.dma_semaphore, #tpu.memory_space<semaphore_mem>>
    %dma_start3A_73 = tpu.memref_squeeze %dma_start3A_72 : memref<1x!tpu.dma_semaphore, #tpu.memory_space<semaphore_mem>> -> memref<!tpu.dma_semaphore, #tpu.memory_space<semaphore_mem>>
    %dma_start3A_74 = arith.constant 0 : i32
    %dma_start3A_75 = arith.constant 0 : i32
    %dma_start3A_76 = tpu.memref_slice %arg9[%rem3A_69, %dma_start3A_74, %dma_start3A_75] : memref<5x768x192xf32, #tpu.memory_space<vmem>> -> memref<1x768x192xf32, #tpu.memory_space<vmem>>
    %dma_start3A_77 = tpu.memref_squeeze %dma_start3A_76 : memref<1x768x192xf32, #tpu.memory_space<vmem>> -> memref<768x192xf32, #tpu.memory_space<vmem>>
    %dma_start3A_78 = arith.constant 0 : i32
    %dma_start3A_79 = arith.constant 0 : i32
    %dma_start3A_80 = tpu.memref_slice %arg5[%get3A_71, %dma_start3A_78, %dma_start3A_79] : memref<64x768x192xf32, #tpu.memory_space<any>> -> memref<1x768x192xf32, #tpu.memory_space<any>>
    %dma_start3A_81 = tpu.memref_squeeze %dma_start3A_80 : memref<1x768x192xf32, #tpu.memory_space<any>> -> memref<768x192xf32, #tpu.memory_space<any>>
    tpu.enqueue_dma source(%dma_start3A_81 : memref<768x192xf32, #tpu.memory_space<any>>) target(%dma_start3A_77 : memref<768x192xf32, #tpu.memory_space<vmem>>) target_semaphore(%dma_start3A_73 : memref<!tpu.dma_semaphore, #tpu.memory_space<semaphore_mem>>)
    %dma_start3A_82 = tpu.memref_slice %arg13[%rem3A_69] : memref<5x!tpu.dma_semaphore, #tpu.memory_space<semaphore_mem>> -> memref<1x!tpu.dma_semaphore, #tpu.memory_space<semaphore_mem>>
    %dma_start3A_83 = tpu.memref_squeeze %dma_start3A_82 : memref<1x!tpu.dma_semaphore, #tpu.memory_space<semaphore_mem>> -> memref<!tpu.dma_semaphore, #tpu.memory_space<semaphore_mem>>
    %dma_start3A_84 = arith.constant 0 : i32
    %dma_start3A_85 = arith.constant 0 : i32
    %dma_start3A_86 = tpu.memref_slice %arg10[%rem3A_69, %dma_start3A_84, %dma_start3A_85] : memref<5x192x768xf32, #tpu.memory_space<vmem>> -> memref<1x192x768xf32, #tpu.memory_space<vmem>>
    %dma_start3A_87 = tpu.memref_squeeze %dma_start3A_86 : memref<1x192x768xf32, #tpu.memory_space<vmem>> -> memref<192x768xf32, #tpu.memory_space<vmem>>
    %dma_start3A_88 = arith.constant 0 : i32
    %dma_start3A_89 = arith.constant 0 : i32
    %dma_start3A_90 = tpu.memref_slice %arg6[%get3A_71, %dma_start3A_88, %dma_start3A_89] : memref<64x192x768xf32, #tpu.memory_space<any>> -> memref<1x192x768xf32, #tpu.memory_space<any>>
    %dma_start3A_91 = tpu.memref_squeeze %dma_start3A_90 : memref<1x192x768xf32, #tpu.memory_space<any>> -> memref<192x768xf32, #tpu.memory_space<any>>
    tpu.enqueue_dma source(%dma_start3A_91 : memref<192x768xf32, #tpu.memory_space<any>>) target(%dma_start3A_87 : memref<192x768xf32, #tpu.memory_space<vmem>>) target_semaphore(%dma_start3A_83 : memref<!tpu.dma_semaphore, #tpu.memory_space<semaphore_mem>>)
    %dma_start3A_92 = tpu.memref_slice %arg14[%rem3A_69] : memref<5x!tpu.dma_semaphore, #tpu.memory_space<semaphore_mem>> -> memref<1x!tpu.dma_semaphore, #tpu.memory_space<semaphore_mem>>
    %dma_start3A_93 = tpu.memref_squeeze %dma_start3A_92 : memref<1x!tpu.dma_semaphore, #tpu.memory_space<semaphore_mem>> -> memref<!tpu.dma_semaphore, #tpu.memory_space<semaphore_mem>>
    %dma_start3A_94 = arith.constant 0 : i32
    %dma_start3A_95 = arith.constant 0 : i32
    %dma_start3A_96 = tpu.memref_slice %arg11[%rem3A_69, %dma_start3A_94, %dma_start3A_95] : memref<5x768x192xf32, #tpu.memory_space<vmem>> -> memref<1x768x192xf32, #tpu.memory_space<vmem>>
    %dma_start3A_97 = tpu.memref_squeeze %dma_start3A_96 : memref<1x768x192xf32, #tpu.memory_space<vmem>> -> memref<768x192xf32, #tpu.memory_space<vmem>>
    %dma_start3A_98 = arith.constant 0 : i32
    %dma_start3A_99 = arith.constant 0 : i32
    %dma_start3A_100 = tpu.memref_slice %arg7[%get3A_71, %dma_start3A_98, %dma_start3A_99] : memref<64x768x192xf32, #tpu.memory_space<any>> -> memref<1x768x192xf32, #tpu.memory_space<any>>
    %dma_start3A_101 = tpu.memref_squeeze %dma_start3A_100 : memref<1x768x192xf32, #tpu.memory_space<any>> -> memref<768x192xf32, #tpu.memory_space<any>>
    tpu.enqueue_dma source(%dma_start3A_101 : memref<768x192xf32, #tpu.memory_space<any>>) target(%dma_start3A_97 : memref<768x192xf32, #tpu.memory_space<vmem>>) target_semaphore(%dma_start3A_93 : memref<!tpu.dma_semaphore, #tpu.memory_space<semaphore_mem>>)
    %rem3A_102 = arith.constant 3 : i32
    %rem3A_103 = arith.constant 5 : i32
    %rem3A_104 = arith.remsi %rem3A_102, %rem3A_103 : i32
    %get3A_105 = arith.constant 3 : index
    %get3A_106 = memref.load %arg1[%get3A_105] : memref<80xi32, #tpu.memory_space<smem>>
    %dma_start3A_107 = tpu.memref_slice %arg12[%rem3A_104] : memref<5x!tpu.dma_semaphore, #tpu.memory_space<semaphore_mem>> -> memref<1x!tpu.dma_semaphore, #tpu.memory_space<semaphore_mem>>
    %dma_start3A_108 = tpu.memref_squeeze %dma_start3A_107 : memref<1x!tpu.dma_semaphore, #tpu.memory_space<semaphore_mem>> -> memref<!tpu.dma_semaphore, #tpu.memory_space<semaphore_mem>>
    %dma_start3A_109 = arith.constant 0 : i32
    %dma_start3A_110 = arith.constant 0 : i32
    %dma_start3A_111 = tpu.memref_slice %arg9[%rem3A_104, %dma_start3A_109, %dma_start3A_110] : memref<5x768x192xf32, #tpu.memory_space<vmem>> -> memref<1x768x192xf32, #tpu.memory_space<vmem>>
    %dma_start3A_112 = tpu.memref_squeeze %dma_start3A_111 : memref<1x768x192xf32, #tpu.memory_space<vmem>> -> memref<768x192xf32, #tpu.memory_space<vmem>>
    %dma_start3A_113 = arith.constant 0 : i32
    %dma_start3A_114 = arith.constant 0 : i32
    %dma_start3A_115 = tpu.memref_slice %arg5[%get3A_106, %dma_start3A_113, %dma_start3A_114] : memref<64x768x192xf32, #tpu.memory_space<any>> -> memref<1x768x192xf32, #tpu.memory_space<any>>
    %dma_start3A_116 = tpu.memref_squeeze %dma_start3A_115 : memref<1x768x192xf32, #tpu.memory_space<any>> -> memref<768x192xf32, #tpu.memory_space<any>>
    tpu.enqueue_dma source(%dma_start3A_116 : memref<768x192xf32, #tpu.memory_space<any>>) target(%dma_start3A_112 : memref<768x192xf32, #tpu.memory_space<vmem>>) target_semaphore(%dma_start3A_108 : memref<!tpu.dma_semaphore, #tpu.memory_space<semaphore_mem>>)
    %dma_start3A_117 = tpu.memref_slice %arg13[%rem3A_104] : memref<5x!tpu.dma_semaphore, #tpu.memory_space<semaphore_mem>> -> memref<1x!tpu.dma_semaphore, #tpu.memory_space<semaphore_mem>>
    %dma_start3A_118 = tpu.memref_squeeze %dma_start3A_117 : memref<1x!tpu.dma_semaphore, #tpu.memory_space<semaphore_mem>> -> memref<!tpu.dma_semaphore, #tpu.memory_space<semaphore_mem>>
    %dma_start3A_119 = arith.constant 0 : i32
    %dma_start3A_120 = arith.constant 0 : i32
    %dma_start3A_121 = tpu.memref_slice %arg10[%rem3A_104, %dma_start3A_119, %dma_start3A_120] : memref<5x192x768xf32, #tpu.memory_space<vmem>> -> memref<1x192x768xf32, #tpu.memory_space<vmem>>
    %dma_start3A_122 = tpu.memref_squeeze %dma_start3A_121 : memref<1x192x768xf32, #tpu.memory_space<vmem>> -> memref<192x768xf32, #tpu.memory_space<vmem>>
    %dma_start3A_123 = arith.constant 0 : i32
    %dma_start3A_124 = arith.constant 0 : i32
    %dma_start3A_125 = tpu.memref_slice %arg6[%get3A_106, %dma_start3A_123, %dma_start3A_124] : memref<64x192x768xf32, #tpu.memory_space<any>> -> memref<1x192x768xf32, #tpu.memory_space<any>>
    %dma_start3A_126 = tpu.memref_squeeze %dma_start3A_125 : memref<1x192x768xf32, #tpu.memory_space<any>> -> memref<192x768xf32, #tpu.memory_space<any>>
    tpu.enqueue_dma source(%dma_start3A_126 : memref<192x768xf32, #tpu.memory_space<any>>) target(%dma_start3A_122 : memref<192x768xf32, #tpu.memory_space<vmem>>) target_semaphore(%dma_start3A_118 : memref<!tpu.dma_semaphore, #tpu.memory_space<semaphore_mem>>)
    %dma_start3A_127 = tpu.memref_slice %arg14[%rem3A_104] : memref<5x!tpu.dma_semaphore, #tpu.memory_space<semaphore_mem>> -> memref<1x!tpu.dma_semaphore, #tpu.memory_space<semaphore_mem>>
    %dma_start3A_128 = tpu.memref_squeeze %dma_start3A_127 : memref<1x!tpu.dma_semaphore, #tpu.memory_space<semaphore_mem>> -> memref<!tpu.dma_semaphore, #tpu.memory_space<semaphore_mem>>
    %dma_start3A_129 = arith.constant 0 : i32
    %dma_start3A_130 = arith.constant 0 : i32
    %dma_start3A_131 = tpu.memref_slice %arg11[%rem3A_104, %dma_start3A_129, %dma_start3A_130] : memref<5x768x192xf32, #tpu.memory_space<vmem>> -> memref<1x768x192xf32, #tpu.memory_space<vmem>>
    %dma_start3A_132 = tpu.memref_squeeze %dma_start3A_131 : memref<1x768x192xf32, #tpu.memory_space<vmem>> -> memref<768x192xf32, #tpu.memory_space<vmem>>
    %dma_start3A_133 = arith.constant 0 : i32
    %dma_start3A_134 = arith.constant 0 : i32
    %dma_start3A_135 = tpu.memref_slice %arg7[%get3A_106, %dma_start3A_133, %dma_start3A_134] : memref<64x768x192xf32, #tpu.memory_space<any>> -> memref<1x768x192xf32, #tpu.memory_space<any>>
    %dma_start3A_136 = tpu.memref_squeeze %dma_start3A_135 : memref<1x768x192xf32, #tpu.memory_space<any>> -> memref<768x192xf32, #tpu.memory_space<any>>
    tpu.enqueue_dma source(%dma_start3A_136 : memref<768x192xf32, #tpu.memory_space<any>>) target(%dma_start3A_132 : memref<768x192xf32, #tpu.memory_space<vmem>>) target_semaphore(%dma_start3A_128 : memref<!tpu.dma_semaphore, #tpu.memory_space<semaphore_mem>>)
    %broadcast_in_dim3A = arith.constant 0.000000e+00 : f32
    %broadcast_in_dim3A_137 = vector.broadcast %broadcast_in_dim3A : f32 to vector<4096x768xf32>
    %swap3A = arith.constant 0 : index
    %swap3A_138 = arith.constant 0 : index
    %swap3A_139 = vector.load %arg8[%swap3A, %swap3A_138] : memref<4096x768xf32, #tpu.memory_space<vmem>>, vector<4096x768xf32>
    tpu.vector_store %arg8[%swap3A, %swap3A_138], %broadcast_in_dim3A_137 {strides = array<i32>} : memref<4096x768xf32, #tpu.memory_space<vmem>>, vector<4096x768xf32>,
    %scan3A = arith.constant 0 : i32
    %scan3A_140 = arith.constant 80 : i32
    %scan3A_141 = arith.addi %scan3A, %scan3A_140 : i32
    %scan3A_142 = arith.constant 1 : i32
    scf.for %scan3A_144 = %scan3A to %scan3A_141 step %scan3A_142  : i32 {
      %rem3A_145 = arith.constant 5 : i32
      %rem3A_146 = arith.remsi %scan3A_144, %rem3A_145 : i32
      %dma_wait3A = arith.constant 0 : i32
      %dma_wait3A_147 = tpu.memref_slice %arg12[%rem3A_146] : memref<5x!tpu.dma_semaphore, #tpu.memory_space<semaphore_mem>> -> memref<1x!tpu.dma_semaphore, #tpu.memory_space<semaphore_mem>>
      %dma_wait3A_148 = tpu.memref_squeeze %dma_wait3A_147 : memref<1x!tpu.dma_semaphore, #tpu.memory_space<semaphore_mem>> -> memref<!tpu.dma_semaphore, #tpu.memory_space<semaphore_mem>>
      %dma_wait3A_149 = arith.constant 0 : i32
      %dma_wait3A_150 = arith.constant 0 : i32
      %dma_wait3A_151 = tpu.memref_slice %arg9[%rem3A_146, %dma_wait3A_149, %dma_wait3A_150] : memref<5x768x192xf32, #tpu.memory_space<vmem>> -> memref<1x768x192xf32, #tpu.memory_space<vmem>>
      %dma_wait3A_152 = tpu.memref_squeeze %dma_wait3A_151 : memref<1x768x192xf32, #tpu.memory_space<vmem>> -> memref<768x192xf32, #tpu.memory_space<vmem>>
      %dma_wait3A_153 = arith.constant 0 : i32
      %dma_wait3A_154 = arith.constant 0 : i32
      %dma_wait3A_155 = tpu.memref_slice %arg5[%dma_wait3A, %dma_wait3A_153, %dma_wait3A_154] : memref<64x768x192xf32, #tpu.memory_space<any>> -> memref<1x768x192xf32, #tpu.memory_space<any>>
      %dma_wait3A_156 = tpu.memref_squeeze %dma_wait3A_155 : memref<1x768x192xf32, #tpu.memory_space<any>> -> memref<768x192xf32, #tpu.memory_space<any>>
      tpu.wait_dma2 semaphore(%dma_wait3A_148 : memref<!tpu.dma_semaphore, #tpu.memory_space<semaphore_mem>>) src(%dma_wait3A_156 : memref<768x192xf32, #tpu.memory_space<any>>) dst(%dma_wait3A_152 : memref<768x192xf32, #tpu.memory_space<vmem>>)
      %dma_wait3A_157 = arith.constant 0 : i32
      %dma_wait3A_158 = tpu.memref_slice %arg13[%rem3A_146] : memref<5x!tpu.dma_semaphore, #tpu.memory_space<semaphore_mem>> -> memref<1x!tpu.dma_semaphore, #tpu.memory_space<semaphore_mem>>
      %dma_wait3A_159 = tpu.memref_squeeze %dma_wait3A_158 : memref<1x!tpu.dma_semaphore, #tpu.memory_space<semaphore_mem>> -> memref<!tpu.dma_semaphore, #tpu.memory_space<semaphore_mem>>
      %dma_wait3A_160 = arith.constant 0 : i32
      %dma_wait3A_161 = arith.constant 0 : i32
      %dma_wait3A_162 = tpu.memref_slice %arg10[%rem3A_146, %dma_wait3A_160, %dma_wait3A_161] : memref<5x192x768xf32, #tpu.memory_space<vmem>> -> memref<1x192x768xf32, #tpu.memory_space<vmem>>
      %dma_wait3A_163 = tpu.memref_squeeze %dma_wait3A_162 : memref<1x192x768xf32, #tpu.memory_space<vmem>> -> memref<192x768xf32, #tpu.memory_space<vmem>>
      %dma_wait3A_164 = arith.constant 0 : i32
      %dma_wait3A_165 = arith.constant 0 : i32
      %dma_wait3A_166 = tpu.memref_slice %arg6[%dma_wait3A_157, %dma_wait3A_164, %dma_wait3A_165] : memref<64x192x768xf32, #tpu.memory_space<any>> -> memref<1x192x768xf32, #tpu.memory_space<any>>
      %dma_wait3A_167 = tpu.memref_squeeze %dma_wait3A_166 : memref<1x192x768xf32, #tpu.memory_space<any>> -> memref<192x768xf32, #tpu.memory_space<any>>
      tpu.wait_dma2 semaphore(%dma_wait3A_159 : memref<!tpu.dma_semaphore, #tpu.memory_space<semaphore_mem>>) src(%dma_wait3A_167 : memref<192x768xf32, #tpu.memory_space<any>>) dst(%dma_wait3A_163 : memref<192x768xf32, #tpu.memory_space<vmem>>)
      %dma_wait3A_168 = arith.constant 0 : i32
      %dma_wait3A_169 = tpu.memref_slice %arg14[%rem3A_146] : memref<5x!tpu.dma_semaphore, #tpu.memory_space<semaphore_mem>> -> memref<1x!tpu.dma_semaphore, #tpu.memory_space<semaphore_mem>>
      %dma_wait3A_170 = tpu.memref_squeeze %dma_wait3A_169 : memref<1x!tpu.dma_semaphore, #tpu.memory_space<semaphore_mem>> -> memref<!tpu.dma_semaphore, #tpu.memory_space<semaphore_mem>>
      %dma_wait3A_171 = arith.constant 0 : i32
      %dma_wait3A_172 = arith.constant 0 : i32
      %dma_wait3A_173 = tpu.memref_slice %arg11[%rem3A_146, %dma_wait3A_171, %dma_wait3A_172] : memref<5x768x192xf32, #tpu.memory_space<vmem>> -> memref<1x768x192xf32, #tpu.memory_space<vmem>>
      %dma_wait3A_174 = tpu.memref_squeeze %dma_wait3A_173 : memref<1x768x192xf32, #tpu.memory_space<vmem>> -> memref<768x192xf32, #tpu.memory_space<vmem>>
      %dma_wait3A_175 = arith.constant 0 : i32
      %dma_wait3A_176 = arith.constant 0 : i32
      %dma_wait3A_177 = tpu.memref_slice %arg7[%dma_wait3A_168, %dma_wait3A_175, %dma_wait3A_176] : memref<64x768x192xf32, #tpu.memory_space<any>> -> memref<1x768x192xf32, #tpu.memory_space<any>>
      %dma_wait3A_178 = tpu.memref_squeeze %dma_wait3A_177 : memref<1x768x192xf32, #tpu.memory_space<any>> -> memref<768x192xf32, #tpu.memory_space<any>>
      tpu.wait_dma2 semaphore(%dma_wait3A_170 : memref<!tpu.dma_semaphore, #tpu.memory_space<semaphore_mem>>) src(%dma_wait3A_178 : memref<768x192xf32, #tpu.memory_space<any>>) dst(%dma_wait3A_174 : memref<768x192xf32, #tpu.memory_space<vmem>>)
      %get3A_179 = arith.index_cast %scan3A_144 : i32 to index
      %get3A_180 = memref.load %arg0[%get3A_179] : memref<80xi32, #tpu.memory_space<smem>>
      %mul3A = arith.constant 256 : i32
      %mul3A_181 = arith.muli %get3A_180, %mul3A : i32
      %get3A_182 = arith.index_cast %mul3A_181 : i32 to index
      %get3A_183 = arith.constant 0 : index
      %get3A_184 = vector.load %arg4[%get3A_182, %get3A_183] : memref<4096x768xf32, #tpu.memory_space<vmem>>, vector<256x768xf32>
      %convert_element_type3A = arith.truncf %get3A_184 : vector<256x768xf32> to vector<256x768xbf16>
      %get3A_185 = arith.index_cast %rem3A_146 : i32 to index
      %get3A_186 = arith.constant 0 : index
      %get3A_187 = arith.constant 0 : index
      %get3A_188 = vector.load %arg9[%get3A_185, %get3A_186, %get3A_187] : memref<5x768x192xf32, #tpu.memory_space<vmem>>, vector<1x768x192xf32>
      %get3A_189 = vector.shape_cast %get3A_188 : vector<1x768x192xf32> to vector<768x192xf32>
      %convert_element_type3A_190 = arith.truncf %get3A_189 : vector<768x192xf32> to vector<768x192xbf16>
      %dot_general3A = arith.constant dense<0.000000e+00> : vector<256x192xf32>
      %dot_general3A_191 = tpu.matmul %convert_element_type3A, %convert_element_type3A_190, %dot_general3A {dimension_numbers = #tpu.dot_dimension_numbers<[1], [0], [0], [1], [0, 0, 1, 1], [], []>, transpose_lhs_hint = false} : vector<256x768xbf16>, vector<768x192xbf16>, vector<256x192xf32> -> vector<256x192xf32>
      %get3A_192 = arith.index_cast %rem3A_146 : i32 to index
      %get3A_193 = arith.constant 0 : index
      %get3A_194 = arith.constant 0 : index
      %get3A_195 = vector.load %arg11[%get3A_192, %get3A_193, %get3A_194] : memref<5x768x192xf32, #tpu.memory_space<vmem>>, vector<1x768x192xf32>
      %get3A_196 = vector.shape_cast %get3A_195 : vector<1x768x192xf32> to vector<768x192xf32>
      %convert_element_type3A_197 = arith.truncf %get3A_196 : vector<768x192xf32> to vector<768x192xbf16>
      %dot_general3A_198 = arith.constant dense<0.000000e+00> : vector<256x192xf32>
      %dot_general3A_199 = tpu.matmul %convert_element_type3A, %convert_element_type3A_197, %dot_general3A_198 {dimension_numbers = #tpu.dot_dimension_numbers<[1], [0], [0], [1], [0, 0, 1, 1], [], []>, transpose_lhs_hint = false} : vector<256x768xbf16>, vector<768x192xbf16>, vector<256x192xf32> -> vector<256x192xf32>
      %logistic3A = arith.negf %dot_general3A_191 : vector<256x192xf32>
      %logistic3A_200 = math.exp %logistic3A : vector<256x192xf32>
      %logistic3A_201 = arith.constant 1.000000e+00 : f32
      %logistic3A_202 = vector.broadcast %logistic3A_201 : f32 to vector<256x192xf32>
      %logistic3A_203 = arith.addf %logistic3A_202, %logistic3A_200 : vector<256x192xf32>
      %logistic3A_204 = arith.divf %logistic3A_202, %logistic3A_203 : vector<256x192xf32>
      %mul3A_205 = arith.mulf %dot_general3A_191, %logistic3A_204 : vector<256x192xf32>
      %mul3A_206 = arith.mulf %mul3A_205, %dot_general3A_199 : vector<256x192xf32>
      %convert_element_type3A_207 = arith.truncf %mul3A_206 : vector<256x192xf32> to vector<256x192xbf16>
      %get3A_208 = arith.index_cast %rem3A_146 : i32 to index
      %get3A_209 = arith.constant 0 : index
      %get3A_210 = arith.constant 0 : index
      %get3A_211 = vector.load %arg10[%get3A_208, %get3A_209, %get3A_210] : memref<5x192x768xf32, #tpu.memory_space<vmem>>, vector<1x192x768xf32>
      %get3A_212 = vector.shape_cast %get3A_211 : vector<1x192x768xf32> to vector<192x768xf32>
      %convert_element_type3A_213 = arith.truncf %get3A_212 : vector<192x768xf32> to vector<192x768xbf16>
      %dot_general3A_214 = arith.constant dense<0.000000e+00> : vector<256x768xf32>
      %dot_general3A_215 = tpu.matmul %convert_element_type3A_207, %convert_element_type3A_213, %dot_general3A_214 {dimension_numbers = #tpu.dot_dimension_numbers<[1], [0], [0], [1], [0, 0, 1, 1], [], []>, transpose_lhs_hint = false} : vector<256x192xbf16>, vector<192x768xbf16>, vector<256x768xf32> -> vector<256x768xf32>
      %iota3A = tpu.iota {dimensions = array<i32: 0>} : vector<256x1xi32>
      %get3A_216 = arith.index_cast %scan3A_144 : i32 to index
      %get3A_217 = memref.load %arg2[%get3A_216] : memref<80xi32, #tpu.memory_space<smem>>
      %ge3A = vector.broadcast %get3A_217 : i32 to vector<256x1xi32>
      %ge3A_218 = arith.cmpi sge, %iota3A, %ge3A : vector<256x1xi32>
      %get3A_219 = arith.index_cast %scan3A_144 : i32 to index
      %get3A_220 = memref.load %arg3[%get3A_219] : memref<80xi32, #tpu.memory_space<smem>>
      %lt3A = vector.broadcast %get3A_220 : i32 to vector<256x1xi32>
      %lt3A_221 = arith.cmpi slt, %iota3A, %lt3A : vector<256x1xi32>
      %and3A = arith.andi %ge3A_218, %lt3A_221 : vector<256x1xi1>
      %get3A_222 = arith.index_cast %mul3A_181 : i32 to index
      %get3A_223 = arith.constant 0 : index
      %get3A_224 = vector.load %arg8[%get3A_222, %get3A_223] : memref<4096x768xf32, #tpu.memory_space<vmem>>, vector<256x768xf32>
      %jit3A = arith.constant 0.000000e+00 : f32
      %broadcast_in_dim3A_225 = vector.shape_cast %and3A : vector<256x1xi1> to vector<256x1xi1>
      %broadcast_in_dim3A_226 = vector.broadcast %broadcast_in_dim3A_225 : vector<256x1xi1> to vector<256x768xi1>
      %broadcast_in_dim3A_227 = vector.broadcast %jit3A : f32 to vector<256x768xf32>
      %select_n3A = arith.select %broadcast_in_dim3A_226, %dot_general3A_215, %broadcast_in_dim3A_227 : vector<256x768xi1>, vector<256x768xf32>
      %add3A = arith.addf %get3A_224, %select_n3A : vector<256x768xf32>
      %swap3A_228 = arith.index_cast %mul3A_181 : i32 to index
      %swap3A_229 = arith.constant 0 : index
      %swap3A_230 = vector.load %arg8[%swap3A_228, %swap3A_229] : memref<4096x768xf32, #tpu.memory_space<vmem>>, vector<256x768xf32>
      tpu.vector_store %arg8[%swap3A_228, %swap3A_229], %add3A {strides = array<i32>} : memref<4096x768xf32, #tpu.memory_space<vmem>>, vector<256x768xf32>,
      %add3A_231 = arith.constant 5 : i32
      %add3A_232 = arith.addi %scan3A_144, %add3A_231 : i32
      %sub3A = arith.constant 1 : i32
      %sub3A_233 = arith.subi %add3A_232, %sub3A : i32
      %lt3A_234 = arith.constant 80 : i32
      %lt3A_235 = arith.cmpi slt, %sub3A_233, %lt3A_234 : i32
      %convert_element_type3A_236 = arith.extui %lt3A_235 : i1 to i32
      %cond3A = arith.constant 0 : i32
      %cond3A_237 = arith.cmpi ne, %convert_element_type3A_236, %cond3A : i32
      scf.if %cond3A_237 {
        %rem3A_238 = arith.constant 5 : i32
        %rem3A_239 = arith.remsi %sub3A_233, %rem3A_238 : i32
        %get3A_240 = arith.index_cast %sub3A_233 : i32 to index
        %get3A_241 = memref.load %arg1[%get3A_240] : memref<80xi32, #tpu.memory_space<smem>>
        %dma_start3A_242 = tpu.memref_slice %arg12[%rem3A_239] : memref<5x!tpu.dma_semaphore, #tpu.memory_space<semaphore_mem>> -> memref<1x!tpu.dma_semaphore, #tpu.memory_space<semaphore_mem>>
        %dma_start3A_243 = tpu.memref_squeeze %dma_start3A_242 : memref<1x!tpu.dma_semaphore, #tpu.memory_space<semaphore_mem>> -> memref<!tpu.dma_semaphore, #tpu.memory_space<semaphore_mem>>
        %dma_start3A_244 = arith.constant 0 : i32
        %dma_start3A_245 = arith.constant 0 : i32
        %dma_start3A_246 = tpu.memref_slice %arg9[%rem3A_239, %dma_start3A_244, %dma_start3A_245] : memref<5x768x192xf32, #tpu.memory_space<vmem>> -> memref<1x768x192xf32, #tpu.memory_space<vmem>>
        %dma_start3A_247 = tpu.memref_squeeze %dma_start3A_246 : memref<1x768x192xf32, #tpu.memory_space<vmem>> -> memref<768x192xf32, #tpu.memory_space<vmem>>
        %dma_start3A_248 = arith.constant 0 : i32
        %dma_start3A_249 = arith.constant 0 : i32
        %dma_start3A_250 = tpu.memref_slice %arg5[%get3A_241, %dma_start3A_248, %dma_start3A_249] : memref<64x768x192xf32, #tpu.memory_space<any>> -> memref<1x768x192xf32, #tpu.memory_space<any>>
        %dma_start3A_251 = tpu.memref_squeeze %dma_start3A_250 : memref<1x768x192xf32, #tpu.memory_space<any>> -> memref<768x192xf32, #tpu.memory_space<any>>
        tpu.enqueue_dma source(%dma_start3A_251 : memref<768x192xf32, #tpu.memory_space<any>>) target(%dma_start3A_247 : memref<768x192xf32, #tpu.memory_space<vmem>>) target_semaphore(%dma_start3A_243 : memref<!tpu.dma_semaphore, #tpu.memory_space<semaphore_mem>>)
        %dma_start3A_252 = tpu.memref_slice %arg13[%rem3A_239] : memref<5x!tpu.dma_semaphore, #tpu.memory_space<semaphore_mem>> -> memref<1x!tpu.dma_semaphore, #tpu.memory_space<semaphore_mem>>
        %dma_start3A_253 = tpu.memref_squeeze %dma_start3A_252 : memref<1x!tpu.dma_semaphore, #tpu.memory_space<semaphore_mem>> -> memref<!tpu.dma_semaphore, #tpu.memory_space<semaphore_mem>>
        %dma_start3A_254 = arith.constant 0 : i32
        %dma_start3A_255 = arith.constant 0 : i32
        %dma_start3A_256 = tpu.memref_slice %arg10[%rem3A_239, %dma_start3A_254, %dma_start3A_255] : memref<5x192x768xf32, #tpu.memory_space<vmem>> -> memref<1x192x768xf32, #tpu.memory_space<vmem>>
        %dma_start3A_257 = tpu.memref_squeeze %dma_start3A_256 : memref<1x192x768xf32, #tpu.memory_space<vmem>> -> memref<192x768xf32, #tpu.memory_space<vmem>>
        %dma_start3A_258 = arith.constant 0 : i32
        %dma_start3A_259 = arith.constant 0 : i32
        %dma_start3A_260 = tpu.memref_slice %arg6[%get3A_241, %dma_start3A_258, %dma_start3A_259] : memref<64x192x768xf32, #tpu.memory_space<any>> -> memref<1x192x768xf32, #tpu.memory_space<any>>
        %dma_start3A_261 = tpu.memref_squeeze %dma_start3A_260 : memref<1x192x768xf32, #tpu.memory_space<any>> -> memref<192x768xf32, #tpu.memory_space<any>>
        tpu.enqueue_dma source(%dma_start3A_261 : memref<192x768xf32, #tpu.memory_space<any>>) target(%dma_start3A_257 : memref<192x768xf32, #tpu.memory_space<vmem>>) target_semaphore(%dma_start3A_253 : memref<!tpu.dma_semaphore, #tpu.memory_space<semaphore_mem>>)
        %dma_start3A_262 = tpu.memref_slice %arg14[%rem3A_239] : memref<5x!tpu.dma_semaphore, #tpu.memory_space<semaphore_mem>> -> memref<1x!tpu.dma_semaphore, #tpu.memory_space<semaphore_mem>>
        %dma_start3A_263 = tpu.memref_squeeze %dma_start3A_262 : memref<1x!tpu.dma_semaphore, #tpu.memory_space<semaphore_mem>> -> memref<!tpu.dma_semaphore, #tpu.memory_space<semaphore_mem>>
        %dma_start3A_264 = arith.constant 0 : i32
        %dma_start3A_265 = arith.constant 0 : i32
        %dma_start3A_266 = tpu.memref_slice %arg11[%rem3A_239, %dma_start3A_264, %dma_start3A_265] : memref<5x768x192xf32, #tpu.memory_space<vmem>> -> memref<1x768x192xf32, #tpu.memory_space<vmem>>
        %dma_start3A_267 = tpu.memref_squeeze %dma_start3A_266 : memref<1x768x192xf32, #tpu.memory_space<vmem>> -> memref<768x192xf32, #tpu.memory_space<vmem>>
        %dma_start3A_268 = arith.constant 0 : i32
        %dma_start3A_269 = arith.constant 0 : i32
        %dma_start3A_270 = tpu.memref_slice %arg7[%get3A_241, %dma_start3A_268, %dma_start3A_269] : memref<64x768x192xf32, #tpu.memory_space<any>> -> memref<1x768x192xf32, #tpu.memory_space<any>>
        %dma_start3A_271 = tpu.memref_squeeze %dma_start3A_270 : memref<1x768x192xf32, #tpu.memory_space<any>> -> memref<768x192xf32, #tpu.memory_space<any>>
        tpu.enqueue_dma source(%dma_start3A_271 : memref<768x192xf32, #tpu.memory_space<any>>) target(%dma_start3A_267 : memref<768x192xf32, #tpu.memory_space<vmem>>) target_semaphore(%dma_start3A_263 : memref<!tpu.dma_semaphore, #tpu.memory_space<semaphore_mem>>)
      } else {
      }
    }
    %scan3A_143 = arith.constant 80 : i32
    return
  }
}

</mosaic_0001>

<sc_bundles>
// kernel: kernel.6.cloned.1.call-start
scs
__scs_entry_jumppad:
0x0: {  	(pc) =	sbr.rel $0x88, $3  }
0x1: {  	(tag) =	ssettag $0x0;
	lr =	simm.s32 $0x1  }
0x2: {  	[smem:$0x3F9C] =	sst lr;
	_ =	strace $0xD0000000  }
0x3: {  	_ = 	snop  }
0x4: {  	_ = 	snop  }
0x5: {  	_ = 	snop  }
0x6: {  	_ = 	snop  }
0x7: {  	_ = 	snop  }
__scs_overlays_trampoline_lowered:
0x8: {  	[smem:$0x3FAB] =	sst s0  }
0x9: {  	[smem:$0x3FAC] =	sst s1  }
0xa: {  	[smem:$0x3FAD] =	sst s2  }
0xb: {  	[smem:$0x3FAE] =	sst s3  }
0xc: {  	[smem:$0x3FAF] =	sst s4  }
0xd: {  	[smem:$0x3FB0] =	sst s5  }
0xe: {  	[smem:$0x3FB1] =	sst s6  }
0xf: {  	[smem:$0x3FB2] =	sst s7  }
0x10: {  	[smem:$0x3FB3] =	sst s8  }
0x11: {  	[smem:$0x3FB4] =	sst s9;
	s0 =	simm.s32 @!p0 $0x0  }
0x12: {  	s1 =	sld [smem:$0x3F9A];
	s0 =	simm.s32 @p0 $0x1  }
0x13: {  	[smem:$0x3FB5] =	sst s0;
	s0 =	simm.s32 @!p1 $0x0  }
0x14: {  	s2 =	sld [smem:$0x3F99];
	s0 =	simm.s32 @p1 $0x1  }
0x15: {  	[smem:$0x3FB6] =	sst s0;
	s0 =	simm.s32 @!p2 $0x0  }
0x16: {  	s3 =	sld [smem:$0x3FDB];
	s0 =	simm.s32 @p2 $0x1  }
0x17: {  	s4 =	simm.s32 $0x1BF5;
	[smem:$0x3FB8] =	sst s0  }
0x18: {  	s0 =	sld [smem:$0x3F9B];
	_ =	swait.ge [sflag:s4], $0x0  }
0x19: {  	s7 =	sld [smem:$0x3F9C]  }
0x1a: {  	s8 =	sadd.s32 $0xFFFFE003, lr  }
0x1b: {  	s9 =	sadd.s32 $0xFFFFFEF7, lr;
	s5 =	simm.s32 $0xFFFFFFFF;
	p2 =	slt.u32 s8, $0xFFFFF086  }
0x1c: {  	p1 =	slt.u32 s9, $0xF7A;
	s5 =	simm.s32 @!p2 $0x0  }
0x1d: {  	s5 =	simm.s32 @p1 $0x1;
	p0 =	seq.s32 s7, s2  }
0x1e: {  	s7 =	smul.u32 @!p0 $0xF7A, s2;
	p2 =	seq.s32 @!p0 s5, $0x0  }
0x1f: {  	s9 =	smul.u32 $0xF7A, s1;
	s8 =	simm.s32 @!p0 $0x1BF5;
	p2 =	por !p2, p0  }
0x20: {  	[sflag:s8] =	ssyncset.s32 @!p0 $0xFFFFF086;
	s6 =	sadd.s32 @!p0 s3, s7;
	s7 =	simm.s32 @!p0 $0x108  }
0x21: {  	s3 =	sadd.s32 s3, s9;
	s6 =	sadd.s32 @!p0 $0x88, s6;
	s7 =	simm.s32 @p2 $0x1082  }
0x22: {  	[simem:s7], [sflag:s8] =	dma.local @!p0 [hbm:s6], $0xF7A  }
0x23: {  	s9 =	sor.u32 $0xD0000000, s2;
	s6 =	simm.s32 $0x108;
	_ =	swait.ge @!p0 [sflag:s8], $0x0  }
0x24: {  	s3 =	sadd.s32 $0x88, s3;
	s6 =	simm.s32 @!p1 $0x1082;
	[sflag:s4] =	ssyncset.s32 $0xFFFFF086  }
0x25: {  	[simem:s6], [sflag:s4] =	dma.local [hbm:s3], $0xF7A  }
0x26: {  	[smem:$0x3F9C] =	sst s1;
	(tag) =	ssettag s2;
	_ =	strace s9  }
0x27: {  	s1 =	sld [smem:$0x3FAC]  }
0x28: {  	s2 =	sld [smem:$0x3FAD]  }
0x29: {  	s4 =	sld [smem:$0x3FAF]  }
0x2a: {  	p0 =	seq.s32 s5, $0x0;
	s5 =	sld [smem:$0x3FB0]  }
0x2b: {  	s6 =	sld [smem:$0x3FB1]  }
0x2c: {  	s7 =	sld [smem:$0x3FB2]  }
0x2d: {  	s3 =	simm.s32 $0x108;
	s8 =	sld [smem:$0x3FB3]  }
0x2e: {  	s3 =	simm.s32 @!p0 $0x1082;
	s9 =	sld [smem:$0x3FB4]  }
0x2f: {  	lr =	sadd.s32 s0, s3;
	s0 =	sld [smem:$0x3FAB]  }
0x30: {  	s3 =	sld [smem:$0x3FAE]  }
0x31: {  	[smem:$0x3FB7] =	sst s10  }
0x32: {  	s10 =	sld [smem:$0x3FB5];
	_ =	sdelay $0x3  }
0x33: {  	p0 =	seq.s32 s10, $0x1;
	s10 =	sld [smem:$0x3FB7];
	_ =	sdelay $0x3  }
0x34: {  	[smem:$0x3FB7] =	sst s10  }
0x35: {  	s10 =	sld [smem:$0x3FB6];
	_ =	sdelay $0x3  }
0x36: {  	p1 =	seq.s32 s10, $0x1;
	s10 =	sld [smem:$0x3FB7];
	_ =	sdelay $0x3  }
0x37: {  	[smem:$0x3FB7] =	sst s10  }
0x38: {  	s10 =	sld [smem:$0x3FB8]  }
0x39: {  	_ = 	snop;
	(pc) =	sbr.ind lr, $3  }
0x3a: {  	_ = 	snop  }
0x3b: {  	_ = 	snop  }
0x3c: {  	p2 =	seq.s32 s10, $0x1;
	s10 =	sld [smem:$0x3FB7]  }
0x3d: {  	_ =	shalt  }
0x3e: {  	_ =	shalt  }
0x3f: {  	_ =	shalt  }
0x40: {  	_ =	shalt  }
0x41: {  	_ =	shalt  }
0x42: {  	_ =	shalt  }
0x43: {  	_ =	shalt  }
0x44: {  	_ =	shalt  }
0x45: {  	_ =	shalt  }
0x46: {  	_ =	shalt  }
0x47: {  	_ =	shalt  }
0x48: {  	_ =	shalt  }
0x49: {  	_ =	shalt  }
0x4a: {  	_ =	shalt  }
0x4b: {  	_ =	shalt  }
0x4c: {  	_ =	shalt  }
0x4d: {  	_ =	shalt  }
0x4e: {  	_ =	shalt  }
0x4f: {  	_ =	shalt  }
0x50: {  	_ =	shalt  }
0x51: {  	_ =	shalt  }
0x52: {  	_ =	shalt  }
0x53: {  	_ =	shalt  }
0x54: {  	_ =	shalt  }
0x55: {  	_ =	shalt  }
0x56: {  	_ =	shalt  }
0x57: {  	_ =	shalt  }
0x58: {  	_ =	shalt  }
0x59: {  	_ =	shalt  }
0x5a: {  	_ =	shalt  }
0x5b: {  	_ =	shalt  }
0x5c: {  	_ =	shalt  }
0x5d: {  	_ =	shalt  }
0x5e: {  	_ =	shalt  }
0x5f: {  	_ =	shalt  }
0x60: {  	_ =	shalt  }
0x61: {  	_ =	shalt  }
0x62: {  	_ =	shalt  }
0x63: {  	_ =	shalt  }
0x64: {  	_ =	shalt  }
0x65: {  	_ =	shalt  }
0x66: {  	_ =	shalt  }
0x67: {  	_ =	shalt  }
0x68: {  	_ =	shalt  }
0x69: {  	_ =	shalt  }
0x6a: {  	_ =	shalt  }
0x6b: {  	_ =	shalt  }
0x6c: {  	_ =	shalt  }
0x6d: {  	_ =	shalt  }
0x6e: {  	_ =	shalt  }
0x6f: {  	_ =	shalt  }
0x70: {  	_ =	shalt  }
0x71: {  	_ =	shalt  }
0x72: {  	_ =	shalt  }
0x73: {  	_ =	shalt  }
0x74: {  	_ =	shalt  }
0x75: {  	_ =	shalt  }
0x76: {  	_ =	shalt  }
0x77: {  	_ =	shalt  }
0x78: {  	_ =	shalt  }
0x79: {  	_ =	shalt  }
0x7a: {  	_ =	shalt  }
0x7b: {  	_ =	shalt  }
0x7c: {  	_ =	shalt  }
0x7d: {  	_ =	shalt  }
0x7e: {  	_ =	shalt  }
0x7f: {  	_ =	shalt  }
0x80: {  	_ =	shalt  }
0x81: {  	_ =	shalt  }
0x82: {  	_ =	shalt  }
0x83: {  	_ =	shalt  }
0x84: {  	_ =	shalt  }
0x85: {  	_ =	shalt  }
0x86: {  	_ =	shalt  }
0x87: {  	_ =	shalt  }
.Lfunc_end0:
.L_simem_size_0:
called_computation_lowered:
.L_overlay_start_0:
0x88: {  	s2 =	sld [smem:$0x3FD9]  }
0x89: {  	s3 =	sld [smem:$0x3FFE];
	_ =	sdelay $0x1  }
0x8a: {  	s1 =	srdreg.scid  }
0x8b: {  	s0 =	sand.u32 $0x1, s1  }
0x8c: {  	s17 =	sshll.u32 s0, $0xA;
	s2 =	sadd.s32 s3, s2  }
0x8d: {  	s2 =	sadd.s32 s2, s17  }
0x8e: {  	[smem:$0x3FC3] =	sst s2  }
0x8f: {  	_ = 	snop  }
0x90: {  	s2 =	sld [smem:$0x3FC9];
	(tm) =	ssettm $0x1  }
0x91: {  	s18 =	sld [smem:$0x3FFB];
	_ =	sdelay $0x3  }
0x92: {  	_ =	strace s18  }
0x93: {  	s3 =	sld [smem:$0x3FFC];
	_ =	sdelay $0x3  }
0x94: {  	_ =	strace s3  }
0x95: {  	s3 =	sld [smem:$0x3FFD];
	_ =	sdelay $0x3  }
0x96: {  	_ =	strace s3  }
0x97: {  	_ =	strace $0x8FFFFFFF  }
0x98: {  	s19 =	sld [smem:$0x3FDB];
	_ =	sdelay $0x1  }
0x99: {  	s4 =	simm.s32 $_scs_section_size  }
0x9a: {  	s5 =	simm.s32 $_size__tile_overlayer_lowered;
	s6 =	simm.s32 $_tile_overlayer_lowered  }
0x9b: {  	s22 =	simm.s32 $0x1BFF;
	s21 =	sshll.u32 s6, $0x1;
	s3 =	sadd.s32 s4, s19  }
0x9c: {  	s7 =	simm.s32 $0x0;
	s20 =	sshll.u32 s5, $0x1;
	s5 =	sadd.s32 s21, s3  }
0x9d: {  	[timem:s7], [sflag:s22] =	dma.local [hbm:s5], s20  }
0x9e: {  	_ =	swait.ge [sflag:s22], s20  }
0x9f: {  	s4 =	ssub.s32 $0x0, s20;
	[sflag:s22] =	ssyncset.done $0x0  }
0xa0: {  	[sflag:s22] =	ssyncadd.s32 s4;
	_ =	sdelay $0x1  }
0xa1: {  	s23 =	simm.s32 $0x1B8B  }
0xa2: {  	_ =	swait.ge [sflag:s23], $0x1  }
0xa3: {  	[sflag:s23] =	ssyncset.done $0x0  }
0xa4: {  	s25 =	simm.s32 $0x1B8E;
	s24 =	sld [smem:$0x3FFE];
	[sflag:s23] =	ssyncadd.s32 $0xFFFFFFFF  }
0xa5: {  	s26 =	simm.s32 $execute0_lowered;
	[smem:$0x3FD2] =	sst s25  }
0xa6: {  	s5 =	sshll.u32 s26, $0x1;
	_ =	strace $0x80000046;
	[dreg:$0x1] =	wrdreg $0xFFFFFFFF  }
0xa7: {  	s28 =	simm.s32 $_size_execute0_lowered;
	s3 =	sadd.s32 s3, s5;
	[dreg:$0x0] =	wrdreg $0x0  }
0xa8: {  	s5 =	sshll.u32 s28, $0x1;
	[dreg:$0x2] =	wrdreg s3  }
0xa9: {  	[dreg:$0x3] =	wrdreg s5  }
0xaa: {  	[dreg:$0x4] =	wrdreg $0xC0  }
0xab: {  	_ =	task [dreg:s7], $0x5FFFF  }
0xac: {  	[dreg:$0x1] =	wrdreg $0xFFFFFFFF  }
0xad: {  	[dreg:$0x0] =	wrdreg $0x60  }
0xae: {  	[dreg:$0x2] =	wrdreg s2  }
0xaf: {  	[dreg:$0x3] =	wrdreg s24  }
0xb0: {  	[dreg:$0x4] =	wrdreg $0x9  }
0xb1: {  	_ =	task.clear_ibuf [dreg:s7], $0x5FFFF;
	_ =	strace $0x90000046  }
0xb2: {  	s29 =	simm.s32 $0x9;
	_ =	strace $0x80000048  }
0xb3: {  	_ =	swait.ge [sflag:s29], $0x1  }
0xb4: {  	[sflag:s29] =	ssyncadd.s32 $0xFFFFFFFF  }
0xb5: {  	_ =	strace $0x90000048  }
0xb6: {  	_ =	sfence  }
0xb7: {  	s30 =	sld [smem:$0x0];
	_ =	sdelay $0x2  }
0xb8: {  	s31 =	sshll.u32 s1, $0xD;
	s1 =	sshrl.u32 s1, $0x2  }
0xb9: {  	s3 =	sand.u32 $0x4000, s31;
	s1 =	sadd.s32 s1, s30  }
0xba: {  	s0 =	sor.u32 s3, s0;
	s1 =	sshll.u32 s1, $0x11  }
0xbb: {  	s0 =	sor.u32 s1, s0  }
0xbc: {  	s0 =	sadd.s32 $0x8F2B, s0  }
0xbd: {  	[sflag:s0] =	ssyncadd.remote.s32 $0x1  }
0xbe: {  	_ =	sfence.sel $0xFFFF  }
0xbf: {  	[dreg:$0x0] =	wrdreg $0xFFFFFFFF;
	(pc) =	sbr.abs _section_cstart, $3  }
0xc0: {  	[dreg:$0x1] =	wrdreg $0xFFFFFFFF  }
0xc1: {  	_ =	task.clear_ibuf [dreg:s7], $0x2FFFF;
	_ =	strace $0x9FFFFFFF  }
0xc2: {  	(tm) =	ssettm $0x7FFFFFFF  }
0xc3: {  	_ =	shalt  }
tec
execute0_lowered:
.L_overlay_start_1:
0x0: {  	(tag) =	ssettag $0x1  }
0x1: {  	s2 =	rddreg [dreg:$0x0]  }
0x2: {  	s0 =	rddreg [dreg:$0x1]  }
0x3: {  	s1 =	srdreg.scid;
	s4 =	stileid.u32;
	s3 =	simm.s32 $0x0  }
0x4: {  	s19 =	simm.s32 $0x1900;
	s20 =	simm.s32 $0x2100;
	s21 =	simm.s32 $0x2900  }
0x5: {  	s22 =	simm.s32 $0x3100;
	s23 =	simm.s32 $0x3900;
	s24 =	simm.s32 $0x4100  }
0x6: {  	s28 =	simm.s32 $0x5900;
	s29 =	simm.s32 $0x6100;
	s1 =	sand.u32 $0x1, s1  }
0x7: {  	s30 =	simm.s32 $0x6900;
	s4 =	sshll.u32 s4, $0x8;
	s5 =	sshll.u32 s1, $0x7  }
0x8: {  	s31 =	simm.s32 $0x7100;
	s10 =	simm.s32 $0xA900;
	s11 =	sor.u32 s5, s4  }
0x9: {  	v6 =	vlaneseq.u32;
	vm0 =	vmmov $0xffff;
	[smem:$0x7FF] =	sst s3;
	s12 =	sor.u32 $0x10, s11;
	s13 =	sor.u32 $0x20, s11  }
0xa: {  	s7 =	sadd.s32 $0x300, s0;
	s14 =	sor.u32 $0x30, s11;
	s15 =	sor.u32 $0x40, s11;
	v0 =	vor.u32 s11, v6;
	v1 =	vor.u32 s12, v6;
	v2 =	vor.u32 s13, v6  }
0xb: {  	s8 =	sadd.s32 $0x400, s0;
	s16 =	sor.u32 $0x50, s11;
	s17 =	sor.u32 $0x60, s11;
	v3 =	vor.u32 s14, v6;
	v4 =	vor.u32 s15, v6;
	v0 =	vand.u32 $0x78F, v0  }
0xc: {  	s1 =	ssub.s32 $0x2, s1;
	_ =	strace $0x80000047;
	s18 =	sor.u32 $0x70, s11;
	v8 =	vor.u32 s16, v6;
	v9 =	vor.u32 s17, v6;
	v5 =	vshrl.u32 v0, $0x3  }
0xd: {  	s25 =	sshrl.u32 s1, $0x1;
	s4 =	sadd.s32 $0x200, s0;
	s5 =	sadd.s32 $0x100, s2;
	v10 =	vor.u32 s18, v6;
	v1 =	vand.u32 $0x79F, v1;
	v7 =	vmul.u32 $0x30, v5  }
0xe: {  	s6 =	sshrl.u32 s11, $0x3;
	s1 =	ssub.s32 s1, s25;
	s25 =	simm.s32 $0x4900;
	v2 =	vand.u32 $0x7AF, v2;
	v3 =	vand.u32 $0x7BF, v3;
	v5 =	vand.u32 $0x7, v6  }
0xf: {  	s11 =	simm.s32 $0x8900;
	s26 =	sadd.s32 s0, s6;
	s6 =	sadd.s32 $0x200, s2;
	v11 =	vor.u32 v5, v7;
	v7 =	vshrl.u32 v6, $0x3;
	v6 =	vor.u32 $0x8, v6  }
0x10: {  	s9 =	smax.u32 s1, $0x1;
	s15 =	simm.s32 $0x1;
	s17 =	simm.s32 $0x900;
	v12 =	vperm.xlane v11, v5;
	v7 =	vmul.u32 $0x8, v7;
	v13 =	vperm.xlane v11, v6  }
0x11: {  	s18 =	simm.s32 $0x1100;
	s12 =	simm.s32 $0x9100;
	s13 =	simm.s32 $0x9900;
	v4 =	vand.u32 $0x7CF, v4;
	v8 =	vand.u32 $0x7DF, v8;
	v9 =	vand.u32 $0x7EF, v9  }
0x12: {  	s14 =	simm.s32 $0xA100;
	[dreg:$0x3] =	wrdreg s26;
	v10 =	vand.u32 $0x7FF, v10;
	s26 =	simm.s32 $0x5100;
	v11 =	vadd.s32 v7, v12;
	v12 =	vadd.s32 v7, v13  }
.LBB2_1:
0x13: {  	s16 =	rddreg [dreg:$0x3];
	s0 =	simm.s32 $0x2  }
0x14: {  	[tilespmem:s3], [sflag:$0x2] =	stream.linear.gather [hbm4b:s16+s3], $0x80, $0x38;
	[tilespmem:$0x18100] =	vst v63  }
0x15: {  	_ =	swait.ge [sflag:s0], $0x80  }
0x16: {  	[sflag:s0] =	ssyncset.done $0x0  }
0x17: {  	[sflag:s0] =	ssyncadd.s32 $0xFFFFFF80  }
0x18: {  	[tilespmem:$0x80] =	vst v0  }
0x19: {  	[tilespmem:$0x90] =	vst v1  }
0x1a: {  	[tilespmem:$0xA0] =	vst v2  }
0x1b: {  	[tilespmem:$0xB0] =	vst v3  }
0x1c: {  	[tilespmem:$0xC0] =	vst v4  }
0x1d: {  	[tilespmem:$0xD0] =	vst v8  }
0x1e: {  	[tilespmem:$0xE0] =	vst v9  }
0x1f: {  	s16 =	simm.s32 $0x100;
	[tilespmem:$0xF0] =	vst v10  }
0x20: {  	[tilespmem:s16], [sflag:$0x1] =	stream.indirect_vreg.gather [hbm4b:s2+s3], $0x80, v11, vm0, $0xb8;
	[tilespmem:$0x18100] =	vst v63  }
0x21: {  	_ = 	snop  }
0x22: {  	[tilespmem:s17], [sflag:$0x1] =	stream.indirect_vreg.gather [hbm4b:s5+s3], $0x80, v11, vm0, $0xb8;
	[tilespmem:$0x18100] =	vst v63  }
0x23: {  	_ = 	snop  }
0x24: {  	[tilespmem:s18], [sflag:$0x1] =	stream.indirect_vreg.gather [hbm4b:s6+s3], $0x80, v11, vm0, $0xb8;
	[tilespmem:$0x18100] =	vst v63  }
0x25: {  	_ = 	snop  }
0x26: {  	[tilespmem:s19], [sflag:$0x1] =	stream.indirect_vreg.gather [hbm4b:s2+s3], $0x80, v12, vm0, $0xb8;
	[tilespmem:$0x18100] =	vst v63  }
0x27: {  	_ = 	snop  }
0x28: {  	[tilespmem:s20], [sflag:$0x1] =	stream.indirect_vreg.gather [hbm4b:s5+s3], $0x80, v12, vm0, $0xb8;
	[tilespmem:$0x18100] =	vst v63  }
0x29: {  	_ = 	snop  }
0x2a: {  	[tilespmem:s21], [sflag:$0x1] =	stream.indirect_vreg.gather [hbm4b:s6+s3], $0x80, v12, vm0, $0xb8;
	[tilespmem:$0x18100] =	vst v63  }
0x2b: {  	v13 =	vld [tilespmem:$0x90];
	_ =	sdelay $0x4  }
0x2c: {  	v14 =	vshrl.u32 v13, $0x3  }
0x2d: {  	v14 =	vmul.u32 $0x30, v14  }
0x2e: {  	v13 =	vand.u32 $0x7, v13  }
0x2f: {  	v13 =	vor.u32 v13, v14  }
0x30: {  	v14 =	vperm.xlane v13, v5;
	_ =	sdelay $0x1  }
0x31: {  	v14 =	vadd.s32 v7, v14;
	_ =	sdelay $0x3  }
0x32: {  	v13 =	vperm.xlane v13, v6  }
0x33: {  	[tilespmem:s22], [sflag:$0x1] =	stream.indirect_vreg.gather [hbm4b:s2+s3], $0x80, v14, vm0, $0xb8;
	[tilespmem:$0x18100] =	vst v63  }
0x34: {  	v13 =	vadd.s32 v7, v13  }
0x35: {  	[tilespmem:s23], [sflag:$0x1] =	stream.indirect_vreg.gather [hbm4b:s5+s3], $0x80, v14, vm0, $0xb8;
	[tilespmem:$0x18100] =	vst v63  }
0x36: {  	_ = 	snop  }
0x37: {  	[tilespmem:s24], [sflag:$0x1] =	stream.indirect_vreg.gather [hbm4b:s6+s3], $0x80, v14, vm0, $0xb8;
	[tilespmem:$0x18100] =	vst v63  }
0x38: {  	_ = 	snop  }
0x39: {  	[tilespmem:s25], [sflag:$0x1] =	stream.indirect_vreg.gather [hbm4b:s2+s3], $0x80, v13, vm0, $0xb8;
	[tilespmem:$0x18100] =	vst v63  }
0x3a: {  	_ = 	snop  }
0x3b: {  	[tilespmem:s26], [sflag:$0x1] =	stream.indirect_vreg.gather [hbm4b:s5+s3], $0x80, v13, vm0, $0xb8;
	[tilespmem:$0x18100] =	vst v63  }
0x3c: {  	_ = 	snop  }
0x3d: {  	[tilespmem:s28], [sflag:$0x1] =	stream.indirect_vreg.gather [hbm4b:s6+s3], $0x80, v13, vm0, $0xb8;
	[tilespmem:$0x18100] =	vst v63  }
0x3e: {  	v13 =	vld [tilespmem:$0xA0];
	_ =	sdelay $0x4  }
0x3f: {  	v14 =	vshrl.u32 v13, $0x3  }
0x40: {  	v14 =	vmul.u32 $0x30, v14  }
0x41: {  	v13 =	vand.u32 $0x7, v13  }
0x42: {  	v13 =	vor.u32 v13, v14  }
0x43: {  	v14 =	vperm.xlane v13, v5;
	_ =	sdelay $0x1  }
0x44: {  	v14 =	vadd.s32 v7, v14;
	_ =	sdelay $0x3  }
0x45: {  	v13 =	vperm.xlane v13, v6  }
0x46: {  	[tilespmem:s29], [sflag:$0x1] =	stream.indirect_vreg.gather [hbm4b:s2+s3], $0x80, v14, vm0, $0xb8;
	[tilespmem:$0x18100] =	vst v63  }
0x47: {  	v13 =	vadd.s32 v7, v13  }
0x48: {  	[tilespmem:s30], [sflag:$0x1] =	stream.indirect_vreg.gather [hbm4b:s5+s3], $0x80, v14, vm0, $0xb8;
	[tilespmem:$0x18100] =	vst v63  }
0x49: {  	_ = 	snop  }
0x4a: {  	[tilespmem:s31], [sflag:$0x1] =	stream.indirect_vreg.gather [hbm4b:s6+s3], $0x80, v14, vm0, $0xb8;
	[tilespmem:$0x18100] =	vst v63  }
0x4b: {  	s1 =	simm.s32 $0x7900  }
0x4c: {  	[tilespmem:s1], [sflag:$0x1] =	stream.indirect_vreg.gather [hbm4b:s2+s3], $0x80, v13, vm0, $0xb8;
	[tilespmem:$0x18100] =	vst v63  }
0x4d: {  	s1 =	simm.s32 $0x8100  }
0x4e: {  	[tilespmem:s1], [sflag:$0x1] =	stream.indirect_vreg.gather [hbm4b:s5+s3], $0x80, v13, vm0, $0xb8;
	[tilespmem:$0x18100] =	vst v63  }
0x4f: {  	_ = 	snop  }
0x50: {  	[tilespmem:s11], [sflag:$0x1] =	stream.indirect_vreg.gather [hbm4b:s6+s3], $0x80, v13, vm0, $0xb8;
	[tilespmem:$0x18100] =	vst v63  }
0x51: {  	v13 =	vld [tilespmem:$0xB0];
	_ =	sdelay $0x4  }
0x52: {  	v14 =	vshrl.u32 v13, $0x3  }
0x53: {  	v14 =	vmul.u32 $0x30, v14  }
0x54: {  	v13 =	vand.u32 $0x7, v13  }
0x55: {  	v13 =	vor.u32 v13, v14  }
0x56: {  	v14 =	vperm.xlane v13, v5;
	_ =	sdelay $0x1  }
0x57: {  	v14 =	vadd.s32 v7, v14;
	_ =	sdelay $0x3  }
0x58: {  	v13 =	vperm.xlane v13, v6  }
0x59: {  	[tilespmem:s12], [sflag:$0x1] =	stream.indirect_vreg.gather [hbm4b:s2+s3], $0x80, v14, vm0, $0xb8;
	[tilespmem:$0x18100] =	vst v63  }
0x5a: {  	v13 =	vadd.s32 v7, v13  }
0x5b: {  	[tilespmem:s13], [sflag:$0x1] =	stream.indirect_vreg.gather [hbm4b:s5+s3], $0x80, v14, vm0, $0xb8;
	[tilespmem:$0x18100] =	vst v63  }
0x5c: {  	_ = 	snop  }
0x5d: {  	[tilespmem:s14], [sflag:$0x1] =	stream.indirect_vreg.gather [hbm4b:s6+s3], $0x80, v14, vm0, $0xb8;
	[tilespmem:$0x18100] =	vst v63  }
0x5e: {  	_ = 	snop  }
0x5f: {  	[tilespmem:s10], [sflag:$0x1] =	stream.indirect_vreg.gather [hbm4b:s2+s3], $0x80, v13, vm0, $0xb8;
	[tilespmem:$0x18100] =	vst v63  }
0x60: {  	s0 =	simm.s32 $0xB100  }
0x61: {  	[tilespmem:s0], [sflag:$0x1] =	stream.indirect_vreg.gather [hbm4b:s5+s3], $0x80, v13, vm0, $0xb8;
	[tilespmem:$0x18100] =	vst v63  }
0x62: {  	s0 =	simm.s32 $0xB900  }
0x63: {  	[tilespmem:s0], [sflag:$0x1] =	stream.indirect_vreg.gather [hbm4b:s6+s3], $0x80, v13, vm0, $0xb8;
	[tilespmem:$0x18100] =	vst v63  }
0x64: {  	v13 =	vld [tilespmem:$0xC0];
	_ =	sdelay $0x4  }
0x65: {  	v14 =	vshrl.u32 v13, $0x3  }
0x66: {  	v14 =	vmul.u32 $0x30, v14  }
0x67: {  	v13 =	vand.u32 $0x7, v13  }
0x68: {  	v13 =	vor.u32 v13, v14  }
0x69: {  	v14 =	vperm.xlane v13, v5;
	_ =	sdelay $0x1  }
0x6a: {  	v14 =	vadd.s32 v7, v14;
	_ =	sdelay $0x3  }
0x6b: {  	s0 =	simm.s32 $0xC100;
	v13 =	vperm.xlane v13, v6  }
0x6c: {  	[tilespmem:s0], [sflag:$0x1] =	stream.indirect_vreg.gather [hbm4b:s2+s3], $0x80, v14, vm0, $0xb8;
	[tilespmem:$0x18100] =	vst v63  }
0x6d: {  	v13 =	vadd.s32 v7, v13;
	s0 =	simm.s32 $0xC900  }
0x6e: {  	[tilespmem:s0], [sflag:$0x1] =	stream.indirect_vreg.gather [hbm4b:s5+s3], $0x80, v14, vm0, $0xb8;
	[tilespmem:$0x18100] =	vst v63  }
0x6f: {  	s0 =	simm.s32 $0xD100  }
0x70: {  	[tilespmem:s0], [sflag:$0x1] =	stream.indirect_vreg.gather [hbm4b:s6+s3], $0x80, v14, vm0, $0xb8;
	[tilespmem:$0x18100] =	vst v63  }
0x71: {  	s0 =	simm.s32 $0xD900  }
0x72: {  	[tilespmem:s0], [sflag:$0x1] =	stream.indirect_vreg.gather [hbm4b:s2+s3], $0x80, v13, vm0, $0xb8;
	[tilespmem:$0x18100] =	vst v63  }
0x73: {  	s0 =	simm.s32 $0xE100  }
0x74: {  	[tilespmem:s0], [sflag:$0x1] =	stream.indirect_vreg.gather [hbm4b:s5+s3], $0x80, v13, vm0, $0xb8;
	[tilespmem:$0x18100] =	vst v63  }
0x75: {  	s0 =	simm.s32 $0xE900  }
0x76: {  	[tilespmem:s0], [sflag:$0x1] =	stream.indirect_vreg.gather [hbm4b:s6+s3], $0x80, v13, vm0, $0xb8;
	[tilespmem:$0x18100] =	vst v63  }
0x77: {  	v13 =	vld [tilespmem:$0xD0];
	_ =	sdelay $0x4  }
0x78: {  	v14 =	vshrl.u32 v13, $0x3  }
0x79: {  	v14 =	vmul.u32 $0x30, v14  }
0x7a: {  	v13 =	vand.u32 $0x7, v13  }
0x7b: {  	v13 =	vor.u32 v13, v14  }
0x7c: {  	v14 =	vperm.xlane v13, v5;
	_ =	sdelay $0x1  }
0x7d: {  	v14 =	vadd.s32 v7, v14;
	_ =	sdelay $0x3  }
0x7e: {  	s0 =	simm.s32 $0xF100;
	v13 =	vperm.xlane v13, v6  }
0x7f: {  	[tilespmem:s0], [sflag:$0x1] =	stream.indirect_vreg.gather [hbm4b:s2+s3], $0x80, v14, vm0, $0xb8;
	[tilespmem:$0x18100] =	vst v63  }
0x80: {  	v13 =	vadd.s32 v7, v13;
	s0 =	simm.s32 $0xF900  }
0x81: {  	[tilespmem:s0], [sflag:$0x1] =	stream.indirect_vreg.gather [hbm4b:s5+s3], $0x80, v14, vm0, $0xb8;
	[tilespmem:$0x18100] =	vst v63  }
0x82: {  	s0 =	simm.s32 $0x10100  }
0x83: {  	[tilespmem:s0], [sflag:$0x1] =	stream.indirect_vreg.gather [hbm4b:s6+s3], $0x80, v14, vm0, $0xb8;
	[tilespmem:$0x18100] =	vst v63  }
0x84: {  	s0 =	simm.s32 $0x10900  }
0x85: {  	[tilespmem:s0], [sflag:$0x1] =	stream.indirect_vreg.gather [hbm4b:s2+s3], $0x80, v13, vm0, $0xb8;
	[tilespmem:$0x18100] =	vst v63  }
0x86: {  	s0 =	simm.s32 $0x11100  }
0x87: {  	[tilespmem:s0], [sflag:$0x1] =	stream.indirect_vreg.gather [hbm4b:s5+s3], $0x80, v13, vm0, $0xb8;
	[tilespmem:$0x18100] =	vst v63  }
0x88: {  	s0 =	simm.s32 $0x11900  }
0x89: {  	[tilespmem:s0], [sflag:$0x1] =	stream.indirect_vreg.gather [hbm4b:s6+s3], $0x80, v13, vm0, $0xb8;
	[tilespmem:$0x18100] =	vst v63  }
0x8a: {  	v13 =	vld [tilespmem:$0xE0];
	_ =	sdelay $0x4  }
0x8b: {  	v14 =	vshrl.u32 v13, $0x3  }
0x8c: {  	v14 =	vmul.u32 $0x30, v14  }
0x8d: {  	v13 =	vand.u32 $0x7, v13  }
0x8e: {  	v13 =	vor.u32 v13, v14  }
0x8f: {  	v14 =	vperm.xlane v13, v5;
	_ =	sdelay $0x1  }
0x90: {  	v14 =	vadd.s32 v7, v14;
	_ =	sdelay $0x3  }
0x91: {  	s0 =	simm.s32 $0x12100;
	v13 =	vperm.xlane v13, v6  }
0x92: {  	[tilespmem:s0], [sflag:$0x1] =	stream.indirect_vreg.gather [hbm4b:s2+s3], $0x80, v14, vm0, $0xb8;
	[tilespmem:$0x18100] =	vst v63  }
0x93: {  	v13 =	vadd.s32 v7, v13;
	s0 =	simm.s32 $0x12900  }
0x94: {  	[tilespmem:s0], [sflag:$0x1] =	stream.indirect_vreg.gather [hbm4b:s5+s3], $0x80, v14, vm0, $0xb8;
	[tilespmem:$0x18100] =	vst v63  }
0x95: {  	s0 =	simm.s32 $0x13100  }
0x96: {  	[tilespmem:s0], [sflag:$0x1] =	stream.indirect_vreg.gather [hbm4b:s6+s3], $0x80, v14, vm0, $0xb8;
	[tilespmem:$0x18100] =	vst v63  }
0x97: {  	s0 =	simm.s32 $0x13900  }
0x98: {  	[tilespmem:s0], [sflag:$0x1] =	stream.indirect_vreg.gather [hbm4b:s2+s3], $0x80, v13, vm0, $0xb8;
	[tilespmem:$0x18100] =	vst v63  }
0x99: {  	s0 =	simm.s32 $0x14100  }
0x9a: {  	[tilespmem:s0], [sflag:$0x1] =	stream.indirect_vreg.gather [hbm4b:s5+s3], $0x80, v13, vm0, $0xb8;
	[tilespmem:$0x18100] =	vst v63  }
0x9b: {  	s0 =	simm.s32 $0x14900  }
0x9c: {  	[tilespmem:s0], [sflag:$0x1] =	stream.indirect_vreg.gather [hbm4b:s6+s3], $0x80, v13, vm0, $0xb8;
	[tilespmem:$0x18100] =	vst v63  }
0x9d: {  	v13 =	vld [tilespmem:$0xF0];
	_ =	sdelay $0x4  }
0x9e: {  	v14 =	vshrl.u32 v13, $0x3  }
0x9f: {  	v14 =	vmul.u32 $0x30, v14  }
0xa0: {  	v13 =	vand.u32 $0x7, v13  }
0xa1: {  	v13 =	vor.u32 v13, v14  }
0xa2: {  	v14 =	vperm.xlane v13, v5;
	_ =	sdelay $0x1  }
0xa3: {  	v14 =	vadd.s32 v7, v14;
	_ =	sdelay $0x3  }
0xa4: {  	s0 =	simm.s32 $0x15100;
	v13 =	vperm.xlane v13, v6  }
0xa5: {  	[tilespmem:s0], [sflag:$0x1] =	stream.indirect_vreg.gather [hbm4b:s2+s3], $0x80, v14, vm0, $0xb8;
	[tilespmem:$0x18100] =	vst v63  }
0xa6: {  	v13 =	vadd.s32 v7, v13;
	s0 =	simm.s32 $0x15900  }
0xa7: {  	[tilespmem:s0], [sflag:$0x1] =	stream.indirect_vreg.gather [hbm4b:s5+s3], $0x80, v14, vm0, $0xb8;
	[tilespmem:$0x18100] =	vst v63  }
0xa8: {  	s0 =	simm.s32 $0x16100  }
0xa9: {  	[tilespmem:s0], [sflag:$0x1] =	stream.indirect_vreg.gather [hbm4b:s6+s3], $0x80, v14, vm0, $0xb8;
	[tilespmem:$0x18100] =	vst v63  }
0xaa: {  	s0 =	simm.s32 $0x16900  }
0xab: {  	[tilespmem:s0], [sflag:$0x1] =	stream.indirect_vreg.gather [hbm4b:s2+s3], $0x80, v13, vm0, $0xb8;
	[tilespmem:$0x18100] =	vst v63  }
0xac: {  	s0 =	simm.s32 $0x17100  }
0xad: {  	[tilespmem:s0], [sflag:$0x1] =	stream.indirect_vreg.gather [hbm4b:s5+s3], $0x80, v13, vm0, $0xb8;
	[tilespmem:$0x18100] =	vst v63  }
0xae: {  	s0 =	simm.s32 $0x17900  }
0xaf: {  	[tilespmem:s0], [sflag:$0x1] =	stream.indirect_vreg.gather [hbm4b:s6+s3], $0x80, v13, vm0, $0xb8;
	[tilespmem:$0x18100] =	vst v63  }
0xb0: {  	_ =	swait.ge [sflag:s15], $0x18000  }
0xb1: {  	[sflag:s15] =	ssyncset.done $0x0  }
0xb2: {  	[sflag:s15] =	ssyncadd.s32 $0xFFFE8000  }
0xb3: {  	v13 =	vld [tilespmem:$0x0];
	_ =	sdelay $0x4  }
0xb4: {  	v14 =	vshrl.u32 v13, $0x3  }
0xb5: {  	v14 =	vmul.u32 $0x30, v14  }
0xb6: {  	v13 =	vand.u32 $0x7, v13  }
0xb7: {  	v13 =	vor.u32 v13, v14  }
0xb8: {  	v14 =	vperm.xlane v13, v5;
	_ =	sdelay $0x1  }
0xb9: {  	v14 =	vadd.s32 v7, v14;
	_ =	sdelay $0x3  }
0xba: {  	v13 =	vperm.xlane v13, v6  }
0xbb: {  	[hbm4b:s4+s3] =	stream.indirect_vreg.scatter [tilespmem:s16], [sflag:$0x1], $0x80, v14, vm0, $0xb8;
	[tilespmem:$0x18100] =	vst v63  }
0xbc: {  	v13 =	vadd.s32 v7, v13  }
0xbd: {  	[hbm4b:s7+s3] =	stream.indirect_vreg.scatter [tilespmem:s17], [sflag:$0x1], $0x80, v14, vm0, $0xb8;
	[tilespmem:$0x18100] =	vst v63  }
0xbe: {  	_ = 	snop  }
0xbf: {  	[hbm4b:s8+s3] =	stream.indirect_vreg.scatter [tilespmem:s18], [sflag:$0x1], $0x80, v14, vm0, $0xb8;
	[tilespmem:$0x18100] =	vst v63  }
0xc0: {  	_ = 	snop  }
0xc1: {  	[hbm4b:s4+s3] =	stream.indirect_vreg.scatter [tilespmem:s19], [sflag:$0x1], $0x80, v13, vm0, $0xb8;
	[tilespmem:$0x18100] =	vst v63  }
0xc2: {  	_ = 	snop  }
0xc3: {  	[hbm4b:s7+s3] =	stream.indirect_vreg.scatter [tilespmem:s20], [sflag:$0x1], $0x80, v13, vm0, $0xb8;
	[tilespmem:$0x18100] =	vst v63  }
0xc4: {  	_ = 	snop  }
0xc5: {  	[hbm4b:s8+s3] =	stream.indirect_vreg.scatter [tilespmem:s21], [sflag:$0x1], $0x80, v13, vm0, $0xb8;
	[tilespmem:$0x18100] =	vst v63  }
0xc6: {  	v13 =	vld [tilespmem:$0x10];
	_ =	sdelay $0x4  }
0xc7: {  	v14 =	vshrl.u32 v13, $0x3  }
0xc8: {  	v14 =	vmul.u32 $0x30, v14  }
0xc9: {  	v13 =	vand.u32 $0x7, v13  }
0xca: {  	v13 =	vor.u32 v13, v14  }
0xcb: {  	v14 =	vperm.xlane v13, v5;
	_ =	sdelay $0x1  }
0xcc: {  	v14 =	vadd.s32 v7, v14;
	_ =	sdelay $0x3  }
0xcd: {  	v13 =	vperm.xlane v13, v6  }
0xce: {  	[hbm4b:s4+s3] =	stream.indirect_vreg.scatter [tilespmem:s22], [sflag:$0x1], $0x80, v14, vm0, $0xb8;
	[tilespmem:$0x18100] =	vst v63  }
0xcf: {  	v13 =	vadd.s32 v7, v13  }
0xd0: {  	[hbm4b:s7+s3] =	stream.indirect_vreg.scatter [tilespmem:s23], [sflag:$0x1], $0x80, v14, vm0, $0xb8;
	[tilespmem:$0x18100] =	vst v63  }
0xd1: {  	_ = 	snop  }
0xd2: {  	[hbm4b:s8+s3] =	stream.indirect_vreg.scatter [tilespmem:s24], [sflag:$0x1], $0x80, v14, vm0, $0xb8;
	[tilespmem:$0x18100] =	vst v63  }
0xd3: {  	_ = 	snop  }
0xd4: {  	[hbm4b:s4+s3] =	stream.indirect_vreg.scatter [tilespmem:s25], [sflag:$0x1], $0x80, v13, vm0, $0xb8;
	[tilespmem:$0x18100] =	vst v63  }
0xd5: {  	_ = 	snop  }
0xd6: {  	[hbm4b:s7+s3] =	stream.indirect_vreg.scatter [tilespmem:s26], [sflag:$0x1], $0x80, v13, vm0, $0xb8;
	[tilespmem:$0x18100] =	vst v63  }
0xd7: {  	_ = 	snop  }
0xd8: {  	[hbm4b:s8+s3] =	stream.indirect_vreg.scatter [tilespmem:s28], [sflag:$0x1], $0x80, v13, vm0, $0xb8;
	[tilespmem:$0x18100] =	vst v63  }
0xd9: {  	v13 =	vld [tilespmem:$0x20];
	_ =	sdelay $0x4  }
0xda: {  	v14 =	vshrl.u32 v13, $0x3  }
0xdb: {  	v14 =	vmul.u32 $0x30, v14  }
0xdc: {  	v13 =	vand.u32 $0x7, v13  }
0xdd: {  	v13 =	vor.u32 v13, v14  }
0xde: {  	v14 =	vperm.xlane v13, v5;
	_ =	sdelay $0x1  }
0xdf: {  	v14 =	vadd.s32 v7, v14;
	_ =	sdelay $0x3  }
0xe0: {  	v13 =	vperm.xlane v13, v6  }
0xe1: {  	[hbm4b:s4+s3] =	stream.indirect_vreg.scatter [tilespmem:s29], [sflag:$0x1], $0x80, v14, vm0, $0xb8;
	[tilespmem:$0x18100] =	vst v63  }
0xe2: {  	v13 =	vadd.s32 v7, v13  }
0xe3: {  	[hbm4b:s7+s3] =	stream.indirect_vreg.scatter [tilespmem:s30], [sflag:$0x1], $0x80, v14, vm0, $0xb8;
	[tilespmem:$0x18100] =	vst v63  }
0xe4: {  	_ = 	snop  }
0xe5: {  	[hbm4b:s8+s3] =	stream.indirect_vreg.scatter [tilespmem:s31], [sflag:$0x1], $0x80, v14, vm0, $0xb8;
	[tilespmem:$0x18100] =	vst v63  }
0xe6: {  	s16 =	simm.s32 $0x7900  }
0xe7: {  	[hbm4b:s4+s3] =	stream.indirect_vreg.scatter [tilespmem:s16], [sflag:$0x1], $0x80, v13, vm0, $0xb8;
	[tilespmem:$0x18100] =	vst v63  }
0xe8: {  	_ = 	snop  }
0xe9: {  	[hbm4b:s7+s3] =	stream.indirect_vreg.scatter [tilespmem:s1], [sflag:$0x1], $0x80, v13, vm0, $0xb8;
	[tilespmem:$0x18100] =	vst v63  }
0xea: {  	_ = 	snop  }
0xeb: {  	[hbm4b:s8+s3] =	stream.indirect_vreg.scatter [tilespmem:s11], [sflag:$0x1], $0x80, v13, vm0, $0xb8;
	[tilespmem:$0x18100] =	vst v63  }
0xec: {  	v13 =	vld [tilespmem:$0x30];
	_ =	sdelay $0x4  }
0xed: {  	v14 =	vshrl.u32 v13, $0x3  }
0xee: {  	v14 =	vmul.u32 $0x30, v14  }
0xef: {  	v13 =	vand.u32 $0x7, v13  }
0xf0: {  	v13 =	vor.u32 v13, v14  }
0xf1: {  	v14 =	vperm.xlane v13, v5;
	_ =	sdelay $0x1  }
0xf2: {  	v14 =	vadd.s32 v7, v14;
	_ =	sdelay $0x3  }
0xf3: {  	v13 =	vperm.xlane v13, v6  }
0xf4: {  	[hbm4b:s4+s3] =	stream.indirect_vreg.scatter [tilespmem:s12], [sflag:$0x1], $0x80, v14, vm0, $0xb8;
	[tilespmem:$0x18100] =	vst v63  }
0xf5: {  	v13 =	vadd.s32 v7, v13  }
0xf6: {  	[hbm4b:s7+s3] =	stream.indirect_vreg.scatter [tilespmem:s13], [sflag:$0x1], $0x80, v14, vm0, $0xb8;
	[tilespmem:$0x18100] =	vst v63  }
0xf7: {  	_ = 	snop  }
0xf8: {  	[hbm4b:s8+s3] =	stream.indirect_vreg.scatter [tilespmem:s14], [sflag:$0x1], $0x80, v14, vm0, $0xb8;
	[tilespmem:$0x18100] =	vst v63  }
0xf9: {  	_ = 	snop  }
0xfa: {  	[hbm4b:s4+s3] =	stream.indirect_vreg.scatter [tilespmem:s10], [sflag:$0x1], $0x80, v13, vm0, $0xb8;
	[tilespmem:$0x18100] =	vst v63  }
0xfb: {  	s16 =	simm.s32 $0xB100  }
0xfc: {  	[hbm4b:s7+s3] =	stream.indirect_vreg.scatter [tilespmem:s16], [sflag:$0x1], $0x80, v13, vm0, $0xb8;
	[tilespmem:$0x18100] =	vst v63  }
0xfd: {  	s16 =	simm.s32 $0xB900  }
0xfe: {  	[hbm4b:s8+s3] =	stream.indirect_vreg.scatter [tilespmem:s16], [sflag:$0x1], $0x80, v13, vm0, $0xb8;
	[tilespmem:$0x18100] =	vst v63  }
0xff: {  	v13 =	vld [tilespmem:$0x40];
	_ =	sdelay $0x4  }
0x100: {  	v14 =	vshrl.u32 v13, $0x3  }
0x101: {  	v14 =	vmul.u32 $0x30, v14  }
0x102: {  	v13 =	vand.u32 $0x7, v13  }
0x103: {  	v13 =	vor.u32 v13, v14  }
0x104: {  	v14 =	vperm.xlane v13, v5;
	_ =	sdelay $0x1  }
0x105: {  	v14 =	vadd.s32 v7, v14;
	_ =	sdelay $0x3  }
0x106: {  	s16 =	simm.s32 $0xC100;
	v13 =	vperm.xlane v13, v6  }
0x107: {  	[hbm4b:s4+s3] =	stream.indirect_vreg.scatter [tilespmem:s16], [sflag:$0x1], $0x80, v14, vm0, $0xb8;
	[tilespmem:$0x18100] =	vst v63  }
0x108: {  	v13 =	vadd.s32 v7, v13;
	s16 =	simm.s32 $0xC900  }
0x109: {  	[hbm4b:s7+s3] =	stream.indirect_vreg.scatter [tilespmem:s16], [sflag:$0x1], $0x80, v14, vm0, $0xb8;
	[tilespmem:$0x18100] =	vst v63  }
0x10a: {  	s16 =	simm.s32 $0xD100  }
0x10b: {  	[hbm4b:s8+s3] =	stream.indirect_vreg.scatter [tilespmem:s16], [sflag:$0x1], $0x80, v14, vm0, $0xb8;
	[tilespmem:$0x18100] =	vst v63  }
0x10c: {  	s16 =	simm.s32 $0xD900  }
0x10d: {  	[hbm4b:s4+s3] =	stream.indirect_vreg.scatter [tilespmem:s16], [sflag:$0x1], $0x80, v13, vm0, $0xb8;
	[tilespmem:$0x18100] =	vst v63  }
0x10e: {  	s16 =	simm.s32 $0xE100  }
0x10f: {  	[hbm4b:s7+s3] =	stream.indirect_vreg.scatter [tilespmem:s16], [sflag:$0x1], $0x80, v13, vm0, $0xb8;
	[tilespmem:$0x18100] =	vst v63  }
0x110: {  	s16 =	simm.s32 $0xE900  }
0x111: {  	[hbm4b:s8+s3] =	stream.indirect_vreg.scatter [tilespmem:s16], [sflag:$0x1], $0x80, v13, vm0, $0xb8;
	[tilespmem:$0x18100] =	vst v63  }
0x112: {  	v13 =	vld [tilespmem:$0x50];
	_ =	sdelay $0x4  }
0x113: {  	v14 =	vshrl.u32 v13, $0x3  }
0x114: {  	v14 =	vmul.u32 $0x30, v14  }
0x115: {  	v13 =	vand.u32 $0x7, v13  }
0x116: {  	v13 =	vor.u32 v13, v14  }
0x117: {  	v14 =	vperm.xlane v13, v5;
	_ =	sdelay $0x1  }
0x118: {  	v14 =	vadd.s32 v7, v14;
	_ =	sdelay $0x3  }
0x119: {  	s16 =	simm.s32 $0xF100;
	v13 =	vperm.xlane v13, v6  }
0x11a: {  	[hbm4b:s4+s3] =	stream.indirect_vreg.scatter [tilespmem:s16], [sflag:$0x1], $0x80, v14, vm0, $0xb8;
	[tilespmem:$0x18100] =	vst v63  }
0x11b: {  	v13 =	vadd.s32 v7, v13;
	s16 =	simm.s32 $0xF900  }
0x11c: {  	[hbm4b:s7+s3] =	stream.indirect_vreg.scatter [tilespmem:s16], [sflag:$0x1], $0x80, v14, vm0, $0xb8;
	[tilespmem:$0x18100] =	vst v63  }
0x11d: {  	s16 =	simm.s32 $0x10100  }
0x11e: {  	[hbm4b:s8+s3] =	stream.indirect_vreg.scatter [tilespmem:s16], [sflag:$0x1], $0x80, v14, vm0, $0xb8;
	[tilespmem:$0x18100] =	vst v63  }
0x11f: {  	s16 =	simm.s32 $0x10900  }
0x120: {  	[hbm4b:s4+s3] =	stream.indirect_vreg.scatter [tilespmem:s16], [sflag:$0x1], $0x80, v13, vm0, $0xb8;
	[tilespmem:$0x18100] =	vst v63  }
0x121: {  	s16 =	simm.s32 $0x11100  }
0x122: {  	[hbm4b:s7+s3] =	stream.indirect_vreg.scatter [tilespmem:s16], [sflag:$0x1], $0x80, v13, vm0, $0xb8;
	[tilespmem:$0x18100] =	vst v63  }
0x123: {  	s16 =	simm.s32 $0x11900  }
0x124: {  	[hbm4b:s8+s3] =	stream.indirect_vreg.scatter [tilespmem:s16], [sflag:$0x1], $0x80, v13, vm0, $0xb8;
	[tilespmem:$0x18100] =	vst v63  }
0x125: {  	v13 =	vld [tilespmem:$0x60];
	_ =	sdelay $0x4  }
0x126: {  	v14 =	vshrl.u32 v13, $0x3  }
0x127: {  	v14 =	vmul.u32 $0x30, v14  }
0x128: {  	v13 =	vand.u32 $0x7, v13  }
0x129: {  	v13 =	vor.u32 v13, v14  }
0x12a: {  	v14 =	vperm.xlane v13, v5;
	_ =	sdelay $0x1  }
0x12b: {  	v14 =	vadd.s32 v7, v14;
	_ =	sdelay $0x3  }
0x12c: {  	s16 =	simm.s32 $0x12100;
	v13 =	vperm.xlane v13, v6  }
0x12d: {  	[hbm4b:s4+s3] =	stream.indirect_vreg.scatter [tilespmem:s16], [sflag:$0x1], $0x80, v14, vm0, $0xb8;
	[tilespmem:$0x18100] =	vst v63  }
0x12e: {  	v13 =	vadd.s32 v7, v13;
	s16 =	simm.s32 $0x12900  }
0x12f: {  	[hbm4b:s7+s3] =	stream.indirect_vreg.scatter [tilespmem:s16], [sflag:$0x1], $0x80, v14, vm0, $0xb8;
	[tilespmem:$0x18100] =	vst v63  }
0x130: {  	s16 =	simm.s32 $0x13100  }
0x131: {  	[hbm4b:s8+s3] =	stream.indirect_vreg.scatter [tilespmem:s16], [sflag:$0x1], $0x80, v14, vm0, $0xb8;
	[tilespmem:$0x18100] =	vst v63  }
0x132: {  	s16 =	simm.s32 $0x13900  }
0x133: {  	[hbm4b:s4+s3] =	stream.indirect_vreg.scatter [tilespmem:s16], [sflag:$0x1], $0x80, v13, vm0, $0xb8;
	[tilespmem:$0x18100] =	vst v63  }
0x134: {  	s16 =	simm.s32 $0x14100  }
0x135: {  	[hbm4b:s7+s3] =	stream.indirect_vreg.scatter [tilespmem:s16], [sflag:$0x1], $0x80, v13, vm0, $0xb8;
	[tilespmem:$0x18100] =	vst v63  }
0x136: {  	s16 =	simm.s32 $0x14900  }
0x137: {  	[hbm4b:s8+s3] =	stream.indirect_vreg.scatter [tilespmem:s16], [sflag:$0x1], $0x80, v13, vm0, $0xb8;
	[tilespmem:$0x18100] =	vst v63  }
0x138: {  	v13 =	vld [tilespmem:$0x70];
	_ =	sdelay $0x4  }
0x139: {  	v14 =	vshrl.u32 v13, $0x3  }
0x13a: {  	v14 =	vmul.u32 $0x30, v14  }
0x13b: {  	v13 =	vand.u32 $0x7, v13  }
0x13c: {  	v13 =	vor.u32 v13, v14  }
0x13d: {  	v14 =	vperm.xlane v13, v5;
	_ =	sdelay $0x1  }
0x13e: {  	v14 =	vadd.s32 v7, v14;
	_ =	sdelay $0x3  }
0x13f: {  	s16 =	simm.s32 $0x15100;
	v13 =	vperm.xlane v13, v6  }
0x140: {  	[hbm4b:s4+s3] =	stream.indirect_vreg.scatter [tilespmem:s16], [sflag:$0x1], $0x80, v14, vm0, $0xb8;
	[tilespmem:$0x18100] =	vst v63  }
0x141: {  	v13 =	vadd.s32 v7, v13;
	s16 =	simm.s32 $0x15900  }
0x142: {  	[hbm4b:s7+s3] =	stream.indirect_vreg.scatter [tilespmem:s16], [sflag:$0x1], $0x80, v14, vm0, $0xb8;
	[tilespmem:$0x18100] =	vst v63  }
0x143: {  	s16 =	simm.s32 $0x16100  }
0x144: {  	[hbm4b:s8+s3] =	stream.indirect_vreg.scatter [tilespmem:s16], [sflag:$0x1], $0x80, v14, vm0, $0xb8;
	[tilespmem:$0x18100] =	vst v63  }
0x145: {  	s16 =	simm.s32 $0x16900  }
0x146: {  	[hbm4b:s4+s3] =	stream.indirect_vreg.scatter [tilespmem:s16], [sflag:$0x1], $0x80, v13, vm0, $0xb8;
	[tilespmem:$0x18100] =	vst v63  }
0x147: {  	p0 =	sne.s32 s9, $0x1;
	s16 =	simm.s32 $0x17100  }
0x148: {  	[hbm4b:s7+s3] =	stream.indirect_vreg.scatter [tilespmem:s16], [sflag:$0x1], $0x80, v13, vm0, $0xb8;
	[tilespmem:$0x18100] =	vst v63  }
.Ltmp0:
0x149: {  	_ = 	snop;
	(pc) =	sbr.rel @p0 .LBB2_1-.Ltmp0, $4  }
0x14a: {  	[hbm4b:s8+s3] =	stream.indirect_vreg.scatter [tilespmem:s0], [sflag:$0x1], $0x80, v13, vm0, $0xb8;
	[tilespmem:$0x18100] =	vst v63  }
0x14b: {  	_ =	swait.ge [sflag:s15], $0x18000  }
0x14c: {  	[sflag:s15] =	ssyncset.done $0x0  }
0x14d: {  	s9 =	sadd.s32 $0xFFFFFFFF, s9;
	[sflag:s15] =	ssyncadd.s32 $0xFFFE8000  }
0x14e: {  	_ =	sfence.sel $0x180000  }
0x14f: {  	[bflag:$0x0] =	sbarrier.arrive $0xFFFF  }
0x150: {  	_ =	strace $0x90000047  }
0x151: {  	s0 =	stileid.u32;
	[bflag:$0x2] =	sbarrier.arrive $0xFFFF  }
0x152: {  	p0 =	sne.s32 s0, $0x0;
	s0 =	rddreg [dreg:$0x2]  }
0x153: {  	s0 =	sadd.s32 @!p0 $0x100000, s0  }
0x154: {  	[sflag:s0] =	ssyncadd.tile.s32 @!p0 $0x1;
	_ =	shalt  }
.Lfunc_end2:
_tile_overlayer_lowered:
.L_overlay_start_2:
0x155: {  	(tag) =	ssettag $0x2  }
0x156: {  	s0 =	rddreg [dreg:$0x0];
	s2 =	stileid.u32  }
0x157: {  	s1 =	rddreg [dreg:$0x1];
	p0 =	sne.s32 s2, $0x0  }
0x158: {  	s3 =	rddreg [dreg:$0x2];
	[bflag:$0x3] =	sbarrier.arrive $0xFFFF;
	s2 =	simm.s32 @!p0 $0x1C02  }
0x159: {  	[timem:s3], [sflag:s2] =	dma.local @!p0 [hbm:s0], s1  }
0x15a: {  	s0 =	simm.s32 @!p0 $0x2  }
0x15b: {  	_ =	swait.ge @!p0 [sflag:s0], s1  }
0x15c: {  	s1 =	ssub.s32 @!p0 $0x0, s1;
	[sflag:s0] =	ssyncset.done @!p0 $0x0  }
0x15d: {  	[sflag:s0] =	ssyncadd.s32 @!p0 s1  }
0x15e: {  	[bflag:$0x3] =	sbarrier.arrive $0xFFFF  }
0x15f: {  	_ =	shalt  }

// kernel: kernel.9.cloned.1.call-start
scs
__scs_entry_jumppad:
0x0: {  	(pc) =	sbr.rel $0x88, $3  }
0x1: {  	(tag) =	ssettag $0x0;
	lr =	simm.s32 $0x1  }
0x2: {  	[smem:$0x3F9C] =	sst lr;
	_ =	strace $0xD0000000  }
0x3: {  	_ = 	snop  }
0x4: {  	_ = 	snop  }
0x5: {  	_ = 	snop  }
0x6: {  	_ = 	snop  }
0x7: {  	_ = 	snop  }
__scs_overlays_trampoline_lowered:
0x8: {  	[smem:$0x3FAB] =	sst s0  }
0x9: {  	[smem:$0x3FAC] =	sst s1  }
0xa: {  	[smem:$0x3FAD] =	sst s2  }
0xb: {  	[smem:$0x3FAE] =	sst s3  }
0xc: {  	[smem:$0x3FAF] =	sst s4  }
0xd: {  	[smem:$0x3FB0] =	sst s5  }
0xe: {  	[smem:$0x3FB1] =	sst s6  }
0xf: {  	[smem:$0x3FB2] =	sst s7  }
0x10: {  	[smem:$0x3FB3] =	sst s8  }
0x11: {  	[smem:$0x3FB4] =	sst s9;
	s0 =	simm.s32 @!p0 $0x0  }
0x12: {  	s1 =	sld [smem:$0x3F9A];
	s0 =	simm.s32 @p0 $0x1  }
0x13: {  	[smem:$0x3FB5] =	sst s0;
	s0 =	simm.s32 @!p1 $0x0  }
0x14: {  	s2 =	sld [smem:$0x3F99];
	s0 =	simm.s32 @p1 $0x1  }
0x15: {  	[smem:$0x3FB6] =	sst s0;
	s0 =	simm.s32 @!p2 $0x0  }
0x16: {  	s3 =	sld [smem:$0x3FDB];
	s0 =	simm.s32 @p2 $0x1  }
0x17: {  	s4 =	simm.s32 $0x1BF5;
	[smem:$0x3FB8] =	sst s0  }
0x18: {  	s0 =	sld [smem:$0x3F9B];
	_ =	swait.ge [sflag:s4], $0x0  }
0x19: {  	s7 =	sld [smem:$0x3F9C]  }
0x1a: {  	s8 =	sadd.s32 $0xFFFFE003, lr  }
0x1b: {  	s9 =	sadd.s32 $0xFFFFFEF7, lr;
	s5 =	simm.s32 $0xFFFFFFFF;
	p2 =	slt.u32 s8, $0xFFFFF086  }
0x1c: {  	p1 =	slt.u32 s9, $0xF7A;
	s5 =	simm.s32 @!p2 $0x0  }
0x1d: {  	s5 =	simm.s32 @p1 $0x1;
	p0 =	seq.s32 s7, s2  }
0x1e: {  	s7 =	smul.u32 @!p0 $0xF7A, s2;
	p2 =	seq.s32 @!p0 s5, $0x0  }
0x1f: {  	s9 =	smul.u32 $0xF7A, s1;
	s8 =	simm.s32 @!p0 $0x1BF5;
	p2 =	por !p2, p0  }
0x20: {  	[sflag:s8] =	ssyncset.s32 @!p0 $0xFFFFF086;
	s6 =	sadd.s32 @!p0 s3, s7;
	s7 =	simm.s32 @!p0 $0x108  }
0x21: {  	s3 =	sadd.s32 s3, s9;
	s6 =	sadd.s32 @!p0 $0x88, s6;
	s7 =	simm.s32 @p2 $0x1082  }
0x22: {  	[simem:s7], [sflag:s8] =	dma.local @!p0 [hbm:s6], $0xF7A  }
0x23: {  	s9 =	sor.u32 $0xD0000000, s2;
	s6 =	simm.s32 $0x108;
	_ =	swait.ge @!p0 [sflag:s8], $0x0  }
0x24: {  	s3 =	sadd.s32 $0x88, s3;
	s6 =	simm.s32 @!p1 $0x1082;
	[sflag:s4] =	ssyncset.s32 $0xFFFFF086  }
0x25: {  	[simem:s6], [sflag:s4] =	dma.local [hbm:s3], $0xF7A  }
0x26: {  	[smem:$0x3F9C] =	sst s1;
	(tag) =	ssettag s2;
	_ =	strace s9  }
0x27: {  	s1 =	sld [smem:$0x3FAC]  }
0x28: {  	s2 =	sld [smem:$0x3FAD]  }
0x29: {  	s4 =	sld [smem:$0x3FAF]  }
0x2a: {  	p0 =	seq.s32 s5, $0x0;
	s5 =	sld [smem:$0x3FB0]  }
0x2b: {  	s6 =	sld [smem:$0x3FB1]  }
0x2c: {  	s7 =	sld [smem:$0x3FB2]  }
0x2d: {  	s3 =	simm.s32 $0x108;
	s8 =	sld [smem:$0x3FB3]  }
0x2e: {  	s3 =	simm.s32 @!p0 $0x1082;
	s9 =	sld [smem:$0x3FB4]  }
0x2f: {  	lr =	sadd.s32 s0, s3;
	s0 =	sld [smem:$0x3FAB]  }
0x30: {  	s3 =	sld [smem:$0x3FAE]  }
0x31: {  	[smem:$0x3FB7] =	sst s10  }
0x32: {  	s10 =	sld [smem:$0x3FB5];
	_ =	sdelay $0x3  }
0x33: {  	p0 =	seq.s32 s10, $0x1;
	s10 =	sld [smem:$0x3FB7];
	_ =	sdelay $0x3  }
0x34: {  	[smem:$0x3FB7] =	sst s10  }
0x35: {  	s10 =	sld [smem:$0x3FB6];
	_ =	sdelay $0x3  }
0x36: {  	p1 =	seq.s32 s10, $0x1;
	s10 =	sld [smem:$0x3FB7];
	_ =	sdelay $0x3  }
0x37: {  	[smem:$0x3FB7] =	sst s10  }
0x38: {  	s10 =	sld [smem:$0x3FB8]  }
0x39: {  	_ = 	snop;
	(pc) =	sbr.ind lr, $3  }
0x3a: {  	_ = 	snop  }
0x3b: {  	_ = 	snop  }
0x3c: {  	p2 =	seq.s32 s10, $0x1;
	s10 =	sld [smem:$0x3FB7]  }
0x3d: {  	_ =	shalt  }
0x3e: {  	_ =	shalt  }
0x3f: {  	_ =	shalt  }
0x40: {  	_ =	shalt  }
0x41: {  	_ =	shalt  }
0x42: {  	_ =	shalt  }
0x43: {  	_ =	shalt  }
0x44: {  	_ =	shalt  }
0x45: {  	_ =	shalt  }
0x46: {  	_ =	shalt  }
0x47: {  	_ =	shalt  }
0x48: {  	_ =	shalt  }
0x49: {  	_ =	shalt  }
0x4a: {  	_ =	shalt  }
0x4b: {  	_ =	shalt  }
0x4c: {  	_ =	shalt  }
0x4d: {  	_ =	shalt  }
0x4e: {  	_ =	shalt  }
0x4f: {  	_ =	shalt  }
0x50: {  	_ =	shalt  }
0x51: {  	_ =	shalt  }
0x52: {  	_ =	shalt  }
0x53: {  	_ =	shalt  }
0x54: {  	_ =	shalt  }
0x55: {  	_ =	shalt  }
0x56: {  	_ =	shalt  }
0x57: {  	_ =	shalt  }
0x58: {  	_ =	shalt  }
0x59: {  	_ =	shalt  }
0x5a: {  	_ =	shalt  }
0x5b: {  	_ =	shalt  }
0x5c: {  	_ =	shalt  }
0x5d: {  	_ =	shalt  }
0x5e: {  	_ =	shalt  }
0x5f: {  	_ =	shalt  }
0x60: {  	_ =	shalt  }
0x61: {  	_ =	shalt  }
0x62: {  	_ =	shalt  }
0x63: {  	_ =	shalt  }
0x64: {  	_ =	shalt  }
0x65: {  	_ =	shalt  }
0x66: {  	_ =	shalt  }
0x67: {  	_ =	shalt  }
0x68: {  	_ =	shalt  }
0x69: {  	_ =	shalt  }
0x6a: {  	_ =	shalt  }
0x6b: {  	_ =	shalt  }
0x6c: {  	_ =	shalt  }
0x6d: {  	_ =	shalt  }
0x6e: {  	_ =	shalt  }
0x6f: {  	_ =	shalt  }
0x70: {  	_ =	shalt  }
0x71: {  	_ =	shalt  }
0x72: {  	_ =	shalt  }
0x73: {  	_ =	shalt  }
0x74: {  	_ =	shalt  }
0x75: {  	_ =	shalt  }
0x76: {  	_ =	shalt  }
0x77: {  	_ =	shalt  }
0x78: {  	_ =	shalt  }
0x79: {  	_ =	shalt  }
0x7a: {  	_ =	shalt  }
0x7b: {  	_ =	shalt  }
0x7c: {  	_ =	shalt  }
0x7d: {  	_ =	shalt  }
0x7e: {  	_ =	shalt  }
0x7f: {  	_ =	shalt  }
0x80: {  	_ =	shalt  }
0x81: {  	_ =	shalt  }
0x82: {  	_ =	shalt  }
0x83: {  	_ =	shalt  }
0x84: {  	_ =	shalt  }
0x85: {  	_ =	shalt  }
0x86: {  	_ =	shalt  }
0x87: {  	_ =	shalt  }
.Lfunc_end0:
.L_simem_size_0:
called_computation.1_lowered:
.L_overlay_start_0:
0x88: {  	s2 =	sld [smem:$0x3FD9]  }
0x89: {  	s3 =	sld [smem:$0x3FFE];
	_ =	sdelay $0x1  }
0x8a: {  	s1 =	srdreg.scid  }
0x8b: {  	s0 =	sand.u32 $0x1, s1  }
0x8c: {  	s17 =	sshll.u32 s0, $0xA;
	s2 =	sadd.s32 s3, s2  }
0x8d: {  	s2 =	sadd.s32 s2, s17  }
0x8e: {  	[smem:$0x3FC3] =	sst s2  }
0x8f: {  	_ = 	snop  }
0x90: {  	s2 =	sld [smem:$0x3FD0];
	(tm) =	ssettm $0x1  }
0x91: {  	s18 =	sld [smem:$0x3FFB];
	_ =	sdelay $0x3  }
0x92: {  	_ =	strace s18  }
0x93: {  	s3 =	sld [smem:$0x3FFC];
	_ =	sdelay $0x3  }
0x94: {  	_ =	strace s3  }
0x95: {  	s3 =	sld [smem:$0x3FFD];
	_ =	sdelay $0x3  }
0x96: {  	_ =	strace s3  }
0x97: {  	_ =	strace $0x8FFFFFFF  }
0x98: {  	s19 =	sld [smem:$0x3FDB];
	_ =	sdelay $0x1  }
0x99: {  	s4 =	simm.s32 $_scs_section_size  }
0x9a: {  	s5 =	simm.s32 $_size__tile_overlayer_lowered;
	s6 =	simm.s32 $_tile_overlayer_lowered  }
0x9b: {  	s22 =	simm.s32 $0x1BFF;
	s21 =	sshll.u32 s6, $0x1;
	s3 =	sadd.s32 s4, s19  }
0x9c: {  	s7 =	simm.s32 $0x0;
	s20 =	sshll.u32 s5, $0x1;
	s5 =	sadd.s32 s21, s3  }
0x9d: {  	[timem:s7], [sflag:s22] =	dma.local [hbm:s5], s20  }
0x9e: {  	_ =	swait.ge [sflag:s22], s20  }
0x9f: {  	s4 =	ssub.s32 $0x0, s20;
	[sflag:s22] =	ssyncset.done $0x0  }
0xa0: {  	[sflag:s22] =	ssyncadd.s32 s4;
	_ =	sdelay $0x1  }
0xa1: {  	s23 =	simm.s32 $0x1B8B  }
0xa2: {  	_ =	swait.ge [sflag:s23], $0x1  }
0xa3: {  	[sflag:s23] =	ssyncset.done $0x0  }
0xa4: {  	s25 =	simm.s32 $0x1B8E;
	s24 =	sld [smem:$0x3FFE];
	[sflag:s23] =	ssyncadd.s32 $0xFFFFFFFF  }
0xa5: {  	s26 =	simm.s32 $execute0_lowered;
	[smem:$0x3FD2] =	sst s25  }
0xa6: {  	s5 =	sshll.u32 s26, $0x1;
	_ =	strace $0x80000049;
	[dreg:$0x1] =	wrdreg $0xFFFFFFFF  }
0xa7: {  	s28 =	simm.s32 $_size_execute0_lowered;
	s3 =	sadd.s32 s3, s5;
	[dreg:$0x0] =	wrdreg $0x0  }
0xa8: {  	s5 =	sshll.u32 s28, $0x1;
	[dreg:$0x2] =	wrdreg s3  }
0xa9: {  	[dreg:$0x3] =	wrdreg s5  }
0xaa: {  	[dreg:$0x4] =	wrdreg $0xC0  }
0xab: {  	_ =	task [dreg:s7], $0x5FFFF  }
0xac: {  	[dreg:$0x1] =	wrdreg $0xFFFFFFFF  }
0xad: {  	[dreg:$0x0] =	wrdreg $0x60  }
0xae: {  	[dreg:$0x2] =	wrdreg s24  }
0xaf: {  	[dreg:$0x3] =	wrdreg s2  }
0xb0: {  	[dreg:$0x4] =	wrdreg $0x9  }
0xb1: {  	_ =	task.clear_ibuf [dreg:s7], $0x5FFFF;
	_ =	strace $0x90000049  }
0xb2: {  	s29 =	simm.s32 $0x9;
	_ =	strace $0x8000004B  }
0xb3: {  	_ =	swait.ge [sflag:s29], $0x1  }
0xb4: {  	[sflag:s29] =	ssyncadd.s32 $0xFFFFFFFF  }
0xb5: {  	_ =	strace $0x9000004B  }
0xb6: {  	_ =	sfence  }
0xb7: {  	s30 =	sld [smem:$0x0];
	_ =	sdelay $0x2  }
0xb8: {  	s31 =	sshll.u32 s1, $0xD;
	s1 =	sshrl.u32 s1, $0x2  }
0xb9: {  	s3 =	sand.u32 $0x4000, s31;
	s1 =	sadd.s32 s1, s30  }
0xba: {  	s0 =	sor.u32 s3, s0;
	s1 =	sshll.u32 s1, $0x11  }
0xbb: {  	s0 =	sor.u32 s1, s0  }
0xbc: {  	s0 =	sadd.s32 $0x8F2B, s0  }
0xbd: {  	[sflag:s0] =	ssyncadd.remote.s32 $0x1  }
0xbe: {  	_ =	sfence.sel $0xFFFF  }
0xbf: {  	[dreg:$0x0] =	wrdreg $0xFFFFFFFF;
	(pc) =	sbr.abs _section_cstart, $3  }
0xc0: {  	[dreg:$0x1] =	wrdreg $0xFFFFFFFF  }
0xc1: {  	_ =	task.clear_ibuf [dreg:s7], $0x2FFFF;
	_ =	strace $0x9FFFFFFF  }
0xc2: {  	(tm) =	ssettm $0x7FFFFFFF  }
0xc3: {  	_ =	shalt  }
tec
execute0_lowered:
.L_overlay_start_1:
0x0: {  	(tag) =	ssettag $0x1  }
0x1: {  	s0 =	rddreg [dreg:$0x0]  }
0x2: {  	s1 =	rddreg [dreg:$0x1]  }
0x3: {  	s2 =	simm.s32 $0x0;
	s3 =	srdreg.scid;
	s5 =	stileid.u32  }
0x4: {  	s12 =	simm.s32 $0x2;
	s16 =	simm.s32 $0x200;
	s21 =	simm.s32 $0x1  }
0x5: {  	s19 =	simm.s32 $0x14200;
	s20 =	simm.s32 $0x14A00;
	s22 =	simm.s32 $0x15200  }
0x6: {  	s23 =	simm.s32 $0x15A00;
	s24 =	simm.s32 $0x16200;
	s25 =	simm.s32 $0x16A00  }
0x7: {  	s26 =	simm.s32 $0x17200;
	s28 =	simm.s32 $0x17A00;
	s29 =	simm.s32 $0x0  }
0x8: {  	[smem:$0x7FF] =	sst s2;
	s3 =	sand.u32 $0x1, s3;
	s5 =	sshll.u32 s5, $0x4  }
0x9: {  	s8 =	sadd.s32 $0x360800, s0;
	s9 =	sadd.s32 $0x360C00, s0;
	s4 =	ssub.s32 $0x2, s3  }
0xa: {  	_ =	strace $0x8000004A;
	s6 =	sshll.u32 s3, $0x3;
	s7 =	sshrl.u32 s4, $0x1  }
0xb: {  	s3 =	sadd.s32 $0x360A00, s0;
	s6 =	sor.u32 s6, s5;
	s11 =	ssub.s32 s4, s7  }
0xc: {  	v2 =	vlaneseq.u32;
	s31 =	sor.u32 $0x100, s6;
	s4 =	sadd.s32 s0, s6;
	s10 =	smul.u32 $0x300, s6  }
0xd: {  	vm0 =	vmmov $0xffff;
	v1 =	vshrl.u32 v2, $0x3;
	s6 =	sadd.s32 s8, s6;
	s5 =	sadd.s32 s0, s31;
	s7 =	sadd.s32 s8, s31  }
0xe: {  	v0 =	vand.u32 $0x7, v2;
	v2 =	vor.u32 $0x8, v2;
	v1 =	vmul.u32 $0x8, v1;
	s8 =	sadd.s32 $0x360B00, s0;
	s11 =	smax.u32 s11, $0x1;
	s10 =	sadd.s32 s1, s10  }
.LBB2_1:
0xf: {  	[tilespmem:s2], [sflag:$0x2] =	stream.linear.gather [hbm4b:s4+s2], $0x40, $0x38;
	[tilespmem:$0x18200] =	vst v63  }
0x10: {  	_ =	swait.ge [sflag:s12], $0x40  }
0x11: {  	[sflag:s12] =	ssyncset.done $0x0  }
0x12: {  	s0 =	simm.s32 $0x80;
	[sflag:s12] =	ssyncadd.s32 $0xFFFFFFC0  }
0x13: {  	[tilespmem:s0], [sflag:$0x2] =	stream.linear.gather [hbm4b:s5+s2], $0x40, $0x38;
	[tilespmem:$0x18200] =	vst v63  }
0x14: {  	_ =	swait.ge [sflag:s12], $0x40  }
0x15: {  	[sflag:s12] =	ssyncset.done $0x0  }
0x16: {  	s13 =	simm.s32 $0x100;
	[sflag:s12] =	ssyncadd.s32 $0xFFFFFFC0  }
0x17: {  	[tilespmem:s13], [sflag:$0x2] =	stream.linear.gather [hbm4b:s6+s2], $0x40, $0x38;
	[tilespmem:$0x18200] =	vst v63  }
0x18: {  	_ =	swait.ge [sflag:s12], $0x40  }
0x19: {  	[sflag:s12] =	ssyncset.done $0x0  }
0x1a: {  	s14 =	simm.s32 $0x180;
	[sflag:s12] =	ssyncadd.s32 $0xFFFFFFC0  }
0x1b: {  	[tilespmem:s14], [sflag:$0x2] =	stream.linear.gather [hbm4b:s7+s2], $0x40, $0x38;
	[tilespmem:$0x18200] =	vst v63  }
0x1c: {  	_ =	swait.ge [sflag:s12], $0x40  }
0x1d: {  	[sflag:s12] =	ssyncset.done $0x0  }
0x1e: {  	[sflag:s12] =	ssyncadd.s32 $0xFFFFFFC0  }
0x1f: {  	v3 =	vld [tilespmem:$0x0];
	_ =	sdelay $0x4  }
0x20: {  	v4 =	vshrl.u32 v3, $0x3  }
0x21: {  	v4 =	vmul.u32 $0x30, v4  }
0x22: {  	v3 =	vand.u32 $0x7, v3  }
0x23: {  	v3 =	vor.u32 v3, v4  }
0x24: {  	v4 =	vperm.xlane v3, v0;
	_ =	sdelay $0x1  }
0x25: {  	v4 =	vadd.s32 v1, v4;
	_ =	sdelay $0x3  }
0x26: {  	v3 =	vperm.xlane v3, v2  }
0x27: {  	[tilespmem:s16], [sflag:$0x1] =	stream.indirect_vreg.gather [hbm4b:s3+s2], $0x80, v4, vm0, $0xb8;
	[tilespmem:$0x18200] =	vst v63  }
0x28: {  	s15 =	simm.s32 $0xA00;
	v3 =	vadd.s32 v1, v3  }
0x29: {  	[tilespmem:s15], [sflag:$0x1] =	stream.indirect_vreg.gather [hbm4b:s8+s2], $0x80, v4, vm0, $0xb8;
	[tilespmem:$0x18200] =	vst v63  }
0x2a: {  	s17 =	simm.s32 $0x1200  }
0x2b: {  	[tilespmem:s17], [sflag:$0x1] =	stream.indirect_vreg.gather [hbm4b:s9+s2], $0x80, v4, vm0, $0xb8;
	[tilespmem:$0x18200] =	vst v63  }
0x2c: {  	s18 =	simm.s32 $0x1A00  }
0x2d: {  	[tilespmem:s18], [sflag:$0x1] =	stream.indirect_vreg.gather [hbm4b:s3+s2], $0x80, v3, vm0, $0xb8;
	[tilespmem:$0x18200] =	vst v63  }
0x2e: {  	s31 =	simm.s32 $0x2200  }
0x2f: {  	[tilespmem:s31], [sflag:$0x1] =	stream.indirect_vreg.gather [hbm4b:s8+s2], $0x80, v3, vm0, $0xb8;
	[tilespmem:$0x18200] =	vst v63  }
0x30: {  	s1 =	simm.s32 $0x2A00  }
0x31: {  	[tilespmem:s1], [sflag:$0x1] =	stream.indirect_vreg.gather [hbm4b:s9+s2], $0x80, v3, vm0, $0xb8;
	[tilespmem:$0x18200] =	vst v63  }
0x32: {  	v3 =	vld [tilespmem:$0x10];
	_ =	sdelay $0x4  }
0x33: {  	v57 =	vshrl.u32 v3, $0x3  }
0x34: {  	v4 =	vmul.u32 $0x30, v57  }
0x35: {  	v3 =	vand.u32 $0x7, v3  }
0x36: {  	v3 =	vor.u32 v3, v4  }
0x37: {  	v4 =	vperm.xlane v3, v0;
	_ =	sdelay $0x1  }
0x38: {  	v4 =	vadd.s32 v1, v4;
	_ =	sdelay $0x3  }
0x39: {  	s13 =	simm.s32 $0x3200;
	v3 =	vperm.xlane v3, v2  }
0x3a: {  	[tilespmem:s13], [sflag:$0x1] =	stream.indirect_vreg.gather [hbm4b:s3+s2], $0x80, v4, vm0, $0xb8;
	[tilespmem:$0x18200] =	vst v63  }
0x3b: {  	s14 =	simm.s32 $0x3A00;
	v3 =	vadd.s32 v1, v3  }
0x3c: {  	[tilespmem:s14], [sflag:$0x1] =	stream.indirect_vreg.gather [hbm4b:s8+s2], $0x80, v4, vm0, $0xb8;
	[tilespmem:$0x18200] =	vst v63  }
0x3d: {  	s15 =	simm.s32 $0x4200  }
0x3e: {  	[tilespmem:s15], [sflag:$0x1] =	stream.indirect_vreg.gather [hbm4b:s9+s2], $0x80, v4, vm0, $0xb8;
	[tilespmem:$0x18200] =	vst v63  }
0x3f: {  	s17 =	simm.s32 $0x4A00  }
0x40: {  	[tilespmem:s17], [sflag:$0x1] =	stream.indirect_vreg.gather [hbm4b:s3+s2], $0x80, v3, vm0, $0xb8;
	[tilespmem:$0x18200] =	vst v63  }
0x41: {  	s18 =	simm.s32 $0x5200  }
0x42: {  	[tilespmem:s18], [sflag:$0x1] =	stream.indirect_vreg.gather [hbm4b:s8+s2], $0x80, v3, vm0, $0xb8;
	[tilespmem:$0x18200] =	vst v63  }
0x43: {  	s31 =	simm.s32 $0x5A00  }
0x44: {  	[tilespmem:s31], [sflag:$0x1] =	stream.indirect_vreg.gather [hbm4b:s9+s2], $0x80, v3, vm0, $0xb8;
	[tilespmem:$0x18200] =	vst v63  }
0x45: {  	v3 =	vld [tilespmem:$0x20];
	_ =	sdelay $0x4  }
0x46: {  	v58 =	vshrl.u32 v3, $0x3  }
0x47: {  	v4 =	vmul.u32 $0x30, v58  }
0x48: {  	v3 =	vand.u32 $0x7, v3  }
0x49: {  	v3 =	vor.u32 v3, v4  }
0x4a: {  	v4 =	vperm.xlane v3, v0;
	_ =	sdelay $0x1  }
0x4b: {  	v4 =	vadd.s32 v1, v4;
	_ =	sdelay $0x3  }
0x4c: {  	s1 =	simm.s32 $0x6200;
	v3 =	vperm.xlane v3, v2  }
0x4d: {  	[tilespmem:s1], [sflag:$0x1] =	stream.indirect_vreg.gather [hbm4b:s3+s2], $0x80, v4, vm0, $0xb8;
	[tilespmem:$0x18200] =	vst v63  }
0x4e: {  	s13 =	simm.s32 $0x6A00;
	v3 =	vadd.s32 v1, v3  }
0x4f: {  	[tilespmem:s13], [sflag:$0x1] =	stream.indirect_vreg.gather [hbm4b:s8+s2], $0x80, v4, vm0, $0xb8;
	[tilespmem:$0x18200] =	vst v63  }
0x50: {  	s14 =	simm.s32 $0x7200  }
0x51: {  	[tilespmem:s14], [sflag:$0x1] =	stream.indirect_vreg.gather [hbm4b:s9+s2], $0x80, v4, vm0, $0xb8;
	[tilespmem:$0x18200] =	vst v63  }
0x52: {  	s15 =	simm.s32 $0x7A00  }
0x53: {  	[tilespmem:s15], [sflag:$0x1] =	stream.indirect_vreg.gather [hbm4b:s3+s2], $0x80, v3, vm0, $0xb8;
	[tilespmem:$0x18200] =	vst v63  }
0x54: {  	s17 =	simm.s32 $0x8200  }
0x55: {  	[tilespmem:s17], [sflag:$0x1] =	stream.indirect_vreg.gather [hbm4b:s8+s2], $0x80, v3, vm0, $0xb8;
	[tilespmem:$0x18200] =	vst v63  }
0x56: {  	s18 =	simm.s32 $0x8A00  }
0x57: {  	[tilespmem:s18], [sflag:$0x1] =	stream.indirect_vreg.gather [hbm4b:s9+s2], $0x80, v3, vm0, $0xb8;
	[tilespmem:$0x18200] =	vst v63  }
0x58: {  	v3 =	vld [tilespmem:$0x30];
	_ =	sdelay $0x4  }
0x59: {  	v59 =	vshrl.u32 v3, $0x3  }
0x5a: {  	v4 =	vmul.u32 $0x30, v59  }
0x5b: {  	v3 =	vand.u32 $0x7, v3  }
0x5c: {  	v3 =	vor.u32 v3, v4  }
0x5d: {  	v4 =	vperm.xlane v3, v0;
	_ =	sdelay $0x1  }
0x5e: {  	v4 =	vadd.s32 v1, v4;
	_ =	sdelay $0x3  }
0x5f: {  	s31 =	simm.s32 $0x9200;
	v3 =	vperm.xlane v3, v2  }
0x60: {  	[tilespmem:s31], [sflag:$0x1] =	stream.indirect_vreg.gather [hbm4b:s3+s2], $0x80, v4, vm0, $0xb8;
	[tilespmem:$0x18200] =	vst v63  }
0x61: {  	s1 =	simm.s32 $0x9A00;
	v3 =	vadd.s32 v1, v3  }
0x62: {  	[tilespmem:s1], [sflag:$0x1] =	stream.indirect_vreg.gather [hbm4b:s8+s2], $0x80, v4, vm0, $0xb8;
	[tilespmem:$0x18200] =	vst v63  }
0x63: {  	s13 =	simm.s32 $0xA200  }
0x64: {  	[tilespmem:s13], [sflag:$0x1] =	stream.indirect_vreg.gather [hbm4b:s9+s2], $0x80, v4, vm0, $0xb8;
	[tilespmem:$0x18200] =	vst v63  }
0x65: {  	s14 =	simm.s32 $0xAA00  }
0x66: {  	[tilespmem:s14], [sflag:$0x1] =	stream.indirect_vreg.gather [hbm4b:s3+s2], $0x80, v3, vm0, $0xb8;
	[tilespmem:$0x18200] =	vst v63  }
0x67: {  	s15 =	simm.s32 $0xB200  }
0x68: {  	[tilespmem:s15], [sflag:$0x1] =	stream.indirect_vreg.gather [hbm4b:s8+s2], $0x80, v3, vm0, $0xb8;
	[tilespmem:$0x18200] =	vst v63  }
0x69: {  	s17 =	simm.s32 $0xBA00  }
0x6a: {  	[tilespmem:s17], [sflag:$0x1] =	stream.indirect_vreg.gather [hbm4b:s9+s2], $0x80, v3, vm0, $0xb8;
	[tilespmem:$0x18200] =	vst v63  }
0x6b: {  	_ =	swait.ge [sflag:s21], $0xC000  }
0x6c: {  	[sflag:s21] =	ssyncset.done $0x0  }
0x6d: {  	[sflag:s21] =	ssyncadd.s32 $0xFFFF4000  }
0x6e: {  	v3 =	vld [tilespmem:$0x80];
	_ =	sdelay $0x4  }
0x6f: {  	v60 =	vshrl.u32 v3, $0x3  }
0x70: {  	v4 =	vmul.u32 $0x30, v60  }
0x71: {  	v3 =	vand.u32 $0x7, v3  }
0x72: {  	v3 =	vor.u32 v3, v4  }
0x73: {  	v4 =	vperm.xlane v3, v0;
	_ =	sdelay $0x1  }
0x74: {  	v4 =	vadd.s32 v1, v4;
	_ =	sdelay $0x3  }
0x75: {  	s18 =	simm.s32 $0xC200;
	v3 =	vperm.xlane v3, v2  }
0x76: {  	[tilespmem:s18], [sflag:$0x1] =	stream.indirect_vreg.gather [hbm4b:s3+s2], $0x80, v4, vm0, $0xb8;
	[tilespmem:$0x18200] =	vst v63  }
0x77: {  	s31 =	simm.s32 $0xCA00;
	v3 =	vadd.s32 v1, v3  }
0x78: {  	[tilespmem:s31], [sflag:$0x1] =	stream.indirect_vreg.gather [hbm4b:s8+s2], $0x80, v4, vm0, $0xb8;
	[tilespmem:$0x18200] =	vst v63  }
0x79: {  	s1 =	simm.s32 $0xD200  }
0x7a: {  	[tilespmem:s1], [sflag:$0x1] =	stream.indirect_vreg.gather [hbm4b:s9+s2], $0x80, v4, vm0, $0xb8;
	[tilespmem:$0x18200] =	vst v63  }
0x7b: {  	s13 =	simm.s32 $0xDA00  }
0x7c: {  	[tilespmem:s13], [sflag:$0x1] =	stream.indirect_vreg.gather [hbm4b:s3+s2], $0x80, v3, vm0, $0xb8;
	[tilespmem:$0x18200] =	vst v63  }
0x7d: {  	s14 =	simm.s32 $0xE200  }
0x7e: {  	[tilespmem:s14], [sflag:$0x1] =	stream.indirect_vreg.gather [hbm4b:s8+s2], $0x80, v3, vm0, $0xb8;
	[tilespmem:$0x18200] =	vst v63  }
0x7f: {  	s15 =	simm.s32 $0xEA00  }
0x80: {  	[tilespmem:s15], [sflag:$0x1] =	stream.indirect_vreg.gather [hbm4b:s9+s2], $0x80, v3, vm0, $0xb8;
	[tilespmem:$0x18200] =	vst v63  }
0x81: {  	v3 =	vld [tilespmem:$0x90];
	_ =	sdelay $0x4  }
0x82: {  	v61 =	vshrl.u32 v3, $0x3  }
0x83: {  	v4 =	vmul.u32 $0x30, v61  }
0x84: {  	v3 =	vand.u32 $0x7, v3  }
0x85: {  	v3 =	vor.u32 v3, v4  }
0x86: {  	v4 =	vperm.xlane v3, v0;
	_ =	sdelay $0x1  }
0x87: {  	v4 =	vadd.s32 v1, v4;
	_ =	sdelay $0x3  }
0x88: {  	s17 =	simm.s32 $0xF200;
	v3 =	vperm.xlane v3, v2  }
0x89: {  	[tilespmem:s17], [sflag:$0x1] =	stream.indirect_vreg.gather [hbm4b:s3+s2], $0x80, v4, vm0, $0xb8;
	[tilespmem:$0x18200] =	vst v63  }
0x8a: {  	s18 =	simm.s32 $0xFA00;
	v3 =	vadd.s32 v1, v3  }
0x8b: {  	[tilespmem:s18], [sflag:$0x1] =	stream.indirect_vreg.gather [hbm4b:s8+s2], $0x80, v4, vm0, $0xb8;
	[tilespmem:$0x18200] =	vst v63  }
0x8c: {  	s31 =	simm.s32 $0x10200  }
0x8d: {  	[tilespmem:s31], [sflag:$0x1] =	stream.indirect_vreg.gather [hbm4b:s9+s2], $0x80, v4, vm0, $0xb8;
	[tilespmem:$0x18200] =	vst v63  }
0x8e: {  	s1 =	simm.s32 $0x10A00  }
0x8f: {  	[tilespmem:s1], [sflag:$0x1] =	stream.indirect_vreg.gather [hbm4b:s3+s2], $0x80, v3, vm0, $0xb8;
	[tilespmem:$0x18200] =	vst v63  }
0x90: {  	s13 =	simm.s32 $0x11200  }
0x91: {  	[tilespmem:s13], [sflag:$0x1] =	stream.indirect_vreg.gather [hbm4b:s8+s2], $0x80, v3, vm0, $0xb8;
	[tilespmem:$0x18200] =	vst v63  }
0x92: {  	s14 =	simm.s32 $0x11A00  }
0x93: {  	[tilespmem:s14], [sflag:$0x1] =	stream.indirect_vreg.gather [hbm4b:s9+s2], $0x80, v3, vm0, $0xb8;
	[tilespmem:$0x18200] =	vst v63  }
0x94: {  	v3 =	vld [tilespmem:$0xA0];
	_ =	sdelay $0x4  }
0x95: {  	v62 =	vshrl.u32 v3, $0x3  }
0x96: {  	v4 =	vmul.u32 $0x30, v62  }
0x97: {  	v3 =	vand.u32 $0x7, v3  }
0x98: {  	v3 =	vor.u32 v3, v4  }
0x99: {  	v4 =	vperm.xlane v3, v0;
	_ =	sdelay $0x1  }
0x9a: {  	v4 =	vadd.s32 v1, v4;
	_ =	sdelay $0x3  }
0x9b: {  	s15 =	simm.s32 $0x12200;
	v3 =	vperm.xlane v3, v2  }
0x9c: {  	[tilespmem:s15], [sflag:$0x1] =	stream.indirect_vreg.gather [hbm4b:s3+s2], $0x80, v4, vm0, $0xb8;
	[tilespmem:$0x18200] =	vst v63  }
0x9d: {  	s17 =	simm.s32 $0x12A00;
	v3 =	vadd.s32 v1, v3  }
0x9e: {  	[tilespmem:s17], [sflag:$0x1] =	stream.indirect_vreg.gather [hbm4b:s8+s2], $0x80, v4, vm0, $0xb8;
	[tilespmem:$0x18200] =	vst v63  }
0x9f: {  	s18 =	simm.s32 $0x13200  }
0xa0: {  	[tilespmem:s18], [sflag:$0x1] =	stream.indirect_vreg.gather [hbm4b:s9+s2], $0x80, v4, vm0, $0xb8;
	[tilespmem:$0x18200] =	vst v63  }
0xa1: {  	s31 =	simm.s32 $0x13A00  }
0xa2: {  	[tilespmem:s31], [sflag:$0x1] =	stream.indirect_vreg.gather [hbm4b:s3+s2], $0x80, v3, vm0, $0xb8;
	[tilespmem:$0x18200] =	vst v63  }
0xa3: {  	_ = 	snop  }
0xa4: {  	[tilespmem:s19], [sflag:$0x1] =	stream.indirect_vreg.gather [hbm4b:s8+s2], $0x80, v3, vm0, $0xb8;
	[tilespmem:$0x18200] =	vst v63  }
0xa5: {  	_ = 	snop  }
0xa6: {  	[tilespmem:s20], [sflag:$0x1] =	stream.indirect_vreg.gather [hbm4b:s9+s2], $0x80, v3, vm0, $0xb8;
	[tilespmem:$0x18200] =	vst v63  }
0xa7: {  	v3 =	vld [tilespmem:$0xB0];
	_ =	sdelay $0x4  }
0xa8: {  	v63 =	vshrl.u32 v3, $0x3  }
0xa9: {  	v4 =	vmul.u32 $0x30, v63  }
0xaa: {  	v3 =	vand.u32 $0x7, v3  }
0xab: {  	v3 =	vor.u32 v3, v4  }
0xac: {  	v4 =	vperm.xlane v3, v0;
	_ =	sdelay $0x1  }
0xad: {  	v4 =	vadd.s32 v1, v4;
	_ =	sdelay $0x3  }
0xae: {  	v3 =	vperm.xlane v3, v2  }
0xaf: {  	[tilespmem:s22], [sflag:$0x1] =	stream.indirect_vreg.gather [hbm4b:s3+s2], $0x80, v4, vm0, $0xb8;
	[tilespmem:$0x18200] =	vst v63  }
0xb0: {  	v3 =	vadd.s32 v1, v3  }
0xb1: {  	[tilespmem:s23], [sflag:$0x1] =	stream.indirect_vreg.gather [hbm4b:s8+s2], $0x80, v4, vm0, $0xb8;
	[tilespmem:$0x18200] =	vst v63  }
0xb2: {  	_ = 	snop  }
0xb3: {  	[tilespmem:s24], [sflag:$0x1] =	stream.indirect_vreg.gather [hbm4b:s9+s2], $0x80, v4, vm0, $0xb8;
	[tilespmem:$0x18200] =	vst v63  }
0xb4: {  	_ = 	snop  }
0xb5: {  	[tilespmem:s25], [sflag:$0x1] =	stream.indirect_vreg.gather [hbm4b:s3+s2], $0x80, v3, vm0, $0xb8;
	[tilespmem:$0x18200] =	vst v63  }
0xb6: {  	_ = 	snop  }
0xb7: {  	[tilespmem:s26], [sflag:$0x1] =	stream.indirect_vreg.gather [hbm4b:s8+s2], $0x80, v3, vm0, $0xb8;
	[tilespmem:$0x18200] =	vst v63  }
0xb8: {  	_ = 	snop  }
0xb9: {  	[tilespmem:s28], [sflag:$0x1] =	stream.indirect_vreg.gather [hbm4b:s9+s2], $0x80, v3, vm0, $0xb8;
	[tilespmem:$0x18200] =	vst v63  }
0xba: {  	_ =	swait.ge [sflag:s21], $0xC000  }
0xbb: {  	s30 =	simm.s32 $0x1800;
	[sflag:s21] =	ssyncset.done $0x0  }
0xbc: {  	s0 =	simm.s32 $0x0;
	s14 =	simm.s32 $0x0;
	[sflag:s21] =	ssyncadd.s32 $0xFFFF4000  }
.LBB2_2:
0xbd: {  	s1 =	sshll.u32 s0, $0x4  }
0xbe: {  	v3 =	vld [tilespmem:s1+$0x100]  }
0xbf: {  	s13 =	simm.s32 $0x0;
	v4 =	vld [tilespmem:s1+$0x180];
	s1 =	smul.u32 $0x3000, s0  }
0xc0: {  	s15 =	sand.u32 $0x1C00, s13  }
0xc1: {  	s13 =	sand.u32 $0x40, s13;
	s15 =	sadd.s32 s1, s15  }
0xc2: {  	s13 =	sor.u32 s13, s15  }
0xc3: {  	v7 =	vld [tilespmem:s13+$0xC200]  }
0xc4: {  	v9 =	vld [tilespmem:s13+$0xC210]  }
0xc5: {  	v10 =	vld [tilespmem:s13+$0xC220]  }
0xc6: {  	v8 =	vld [tilespmem:s13+$0x200]  }
0xc7: {  	v11 =	vld [tilespmem:s13+$0xC230]  }
0xc8: {  	v12 =	vld [tilespmem:s13+$0x210]  }
0xc9: {  	s15 =	simm.s32 $0x200;
	v13 =	vld [tilespmem:s13+$0x220]  }
0xca: {  	s17 =	simm.s32 $0x40;
	s31 =	sand.u32 $0x1C00, s15;
	v14 =	vld [tilespmem:s13+$0x230];
	v5 =	vbroadcast v3, $0x0;
	v6 =	vbroadcast v4, $0x0  }
0xcb: {  	s17 =	sand.u32 $0x40, s17;
	s31 =	sadd.s32 s1, s31  }
0xcc: {  	s31 =	sor.u32 s17, s31;
	v15 =	vmul.f32 v8, v5;
	v16 =	vmul.f32 v7, v6  }
0xcd: {  	v8 =	vld [tilespmem:s31+$0xC200];
	v12 =	vmul.f32 v12, v5;
	v17 =	vmul.f32 v9, v6  }
0xce: {  	v7 =	vld [tilespmem:s31+$0xC210];
	v13 =	vmul.f32 v13, v5;
	v63 =	vmul.f32 v10, v6;
	v15 =	vadd.f32 v16, v15  }
0xcf: {  	v9 =	vld [tilespmem:s31+$0xC220];
	v14 =	vmul.f32 v14, v5;
	v18 =	vmul.f32 v11, v6;
	v17 =	vadd.f32 v17, v12  }
0xd0: {  	v10 =	vld [tilespmem:s31+$0xC230];
	v12 =	vadd.f32 v63, v13;
	[tilespmem:s13+$0x200] =	vst v15  }
0xd1: {  	s17 =	simm.s32 $0x80;
	v13 =	vadd.f32 v18, v14;
	v11 =	vld [tilespmem:s31+$0x200];
	[tilespmem:s13+$0x210] =	vst v17  }
.LBB2_3:
0xd2: {  	p0 =	seq.s32 s17, $0x2C0;
	v14 =	vld [tilespmem:s31+$0x210];
	[tilespmem:s13+$0x220] =	vst v12  }
0xd3: {  	s15 =	sadd.s32 $0x200, s15;
	v12 =	vld [tilespmem:s31+$0x220];
	[tilespmem:s13+$0x230] =	vst v13;
	s13 =	smov.u32 s31  }
0xd4: {  	s31 =	sand.u32 $0x1C00, s15;
	v13 =	vld [tilespmem:s13+$0x230]  }
0xd5: {  	s18 =	sand.u32 $0x40, s17;
	s31 =	sadd.s32 s1, s31  }
0xd6: {  	v15 =	vmul.f32 v8, v6;
	s31 =	sor.u32 s18, s31;
	v11 =	vmul.f32 v11, v5  }
.Ltmp0:
0xd7: {  	v16 =	vmul.f32 v7, v6;
	v8 =	vld [tilespmem:s31+$0xC200];
	v14 =	vmul.f32 v14, v5;
	(pc) =	sbr.rel @!p0 .LBB2_3-.Ltmp0, $4  }
0xd8: {  	v7 =	vld [tilespmem:s31+$0xC210];
	v11 =	vadd.f32 v15, v11;
	v12 =	vmul.f32 v12, v5;
	v15 =	vmul.f32 v9, v6  }
0xd9: {  	v9 =	vld [tilespmem:s31+$0xC220];
	v14 =	vadd.f32 v16, v14;
	v13 =	vmul.f32 v13, v5;
	v16 =	vmul.f32 v10, v6  }
0xda: {  	v10 =	vld [tilespmem:s31+$0xC230];
	[tilespmem:s13+$0x200] =	vst v11;
	v12 =	vadd.f32 v15, v12  }
0xdb: {  	s17 =	sadd.s32 $0x40, s17;
	v11 =	vld [tilespmem:s31+$0x200];
	[tilespmem:s13+$0x210] =	vst v14;
	v13 =	vadd.f32 v16, v13  }
0xdc: {  	v14 =	vld [tilespmem:s31+$0x210];
	[tilespmem:s13+$0x220] =	vst v12  }
0xdd: {  	v12 =	vld [tilespmem:s31+$0x220];
	[tilespmem:s13+$0x230] =	vst v13  }
0xde: {  	v13 =	vld [tilespmem:s31+$0x230];
	_ =	sdelay $0x1  }
0xdf: {  	v8 =	vmul.f32 v8, v6;
	v11 =	vmul.f32 v11, v5  }
0xe0: {  	v7 =	vmul.f32 v7, v6;
	v14 =	vmul.f32 v14, v5  }
0xe1: {  	v9 =	vmul.f32 v9, v6;
	v8 =	vadd.f32 v8, v11;
	v11 =	vmul.f32 v12, v5  }
0xe2: {  	v6 =	vmul.f32 v10, v6;
	v7 =	vadd.f32 v7, v14;
	v5 =	vmul.f32 v13, v5  }
0xe3: {  	s18 =	simm.s32 $0x0;
	[tilespmem:s31+$0x200] =	vst v8;
	v8 =	vadd.f32 v9, v11  }
0xe4: {  	s15 =	sand.u32 $0x1C00, s18;
	[tilespmem:s31+$0x210] =	vst v7;
	v5 =	vadd.f32 v6, v5  }
0xe5: {  	s13 =	sand.u32 $0x40, s18;
	s15 =	sadd.s32 s1, s15;
	[tilespmem:s31+$0x220] =	vst v8  }
0xe6: {  	s13 =	sor.u32 s13, s15;
	[tilespmem:s31+$0x230] =	vst v5  }
0xe7: {  	v7 =	vld [tilespmem:s13+$0xC280]  }
0xe8: {  	v9 =	vld [tilespmem:s13+$0xC290]  }
0xe9: {  	v10 =	vld [tilespmem:s13+$0xC2A0]  }
0xea: {  	v8 =	vld [tilespmem:s13+$0x280]  }
0xeb: {  	v11 =	vld [tilespmem:s13+$0xC2B0]  }
0xec: {  	v12 =	vld [tilespmem:s13+$0x290]  }
0xed: {  	s15 =	simm.s32 $0x200;
	v13 =	vld [tilespmem:s13+$0x2A0]  }
0xee: {  	s17 =	simm.s32 $0x40;
	s18 =	sand.u32 $0x1C00, s15;
	v6 =	vbroadcast v4, $0x1;
	v5 =	vbroadcast v3, $0x1;
	v14 =	vld [tilespmem:s13+$0x2B0]  }
0xef: {  	s17 =	sand.u32 $0x40, s17;
	s18 =	sadd.s32 s1, s18  }
0xf0: {  	s31 =	sor.u32 s17, s18;
	v15 =	vmul.f32 v8, v5;
	v16 =	vmul.f32 v7, v6  }
0xf1: {  	v8 =	vld [tilespmem:s31+$0xC280];
	v12 =	vmul.f32 v12, v5;
	v17 =	vmul.f32 v9, v6  }
0xf2: {  	v7 =	vld [tilespmem:s31+$0xC290];
	v13 =	vmul.f32 v13, v5;
	v63 =	vmul.f32 v10, v6;
	v15 =	vadd.f32 v16, v15  }
0xf3: {  	v9 =	vld [tilespmem:s31+$0xC2A0];
	v14 =	vmul.f32 v14, v5;
	v18 =	vmul.f32 v11, v6;
	v17 =	vadd.f32 v17, v12  }
0xf4: {  	v10 =	vld [tilespmem:s31+$0xC2B0];
	v12 =	vadd.f32 v63, v13;
	[tilespmem:s13+$0x280] =	vst v15  }
0xf5: {  	s17 =	simm.s32 $0x80;
	v13 =	vadd.f32 v18, v14;
	v11 =	vld [tilespmem:s31+$0x280];
	[tilespmem:s13+$0x290] =	vst v17  }
.LBB2_5:
0xf6: {  	p0 =	seq.s32 s17, $0x2C0;
	v14 =	vld [tilespmem:s31+$0x290];
	[tilespmem:s13+$0x2A0] =	vst v12  }
0xf7: {  	s15 =	sadd.s32 $0x200, s15;
	v12 =	vld [tilespmem:s31+$0x2A0];
	[tilespmem:s13+$0x2B0] =	vst v13;
	s13 =	smov.u32 s31  }
0xf8: {  	s18 =	sand.u32 $0x1C00, s15;
	v13 =	vld [tilespmem:s13+$0x2B0]  }
0xf9: {  	s31 =	sand.u32 $0x40, s17;
	s18 =	sadd.s32 s1, s18  }
0xfa: {  	v15 =	vmul.f32 v8, v6;
	s31 =	sor.u32 s31, s18;
	v11 =	vmul.f32 v11, v5  }
.Ltmp1:
0xfb: {  	v16 =	vmul.f32 v7, v6;
	v8 =	vld [tilespmem:s31+$0xC280];
	v14 =	vmul.f32 v14, v5;
	(pc) =	sbr.rel @!p0 .LBB2_5-.Ltmp1, $4  }
0xfc: {  	v7 =	vld [tilespmem:s31+$0xC290];
	v11 =	vadd.f32 v15, v11;
	v12 =	vmul.f32 v12, v5;
	v15 =	vmul.f32 v9, v6  }
0xfd: {  	v9 =	vld [tilespmem:s31+$0xC2A0];
	v14 =	vadd.f32 v16, v14;
	v13 =	vmul.f32 v13, v5;
	v16 =	vmul.f32 v10, v6  }
0xfe: {  	v10 =	vld [tilespmem:s31+$0xC2B0];
	[tilespmem:s13+$0x280] =	vst v11;
	v12 =	vadd.f32 v15, v12  }
0xff: {  	s17 =	sadd.s32 $0x40, s17;
	v11 =	vld [tilespmem:s31+$0x280];
	[tilespmem:s13+$0x290] =	vst v14;
	v13 =	vadd.f32 v16, v13  }
0x100: {  	v14 =	vld [tilespmem:s31+$0x290];
	[tilespmem:s13+$0x2A0] =	vst v12  }
0x101: {  	v12 =	vld [tilespmem:s31+$0x2A0];
	[tilespmem:s13+$0x2B0] =	vst v13  }
0x102: {  	v13 =	vld [tilespmem:s31+$0x2B0];
	_ =	sdelay $0x1  }
0x103: {  	v8 =	vmul.f32 v8, v6;
	v11 =	vmul.f32 v11, v5  }
0x104: {  	v7 =	vmul.f32 v7, v6;
	v14 =	vmul.f32 v14, v5  }
0x105: {  	v9 =	vmul.f32 v9, v6;
	v8 =	vadd.f32 v8, v11;
	v11 =	vmul.f32 v12, v5  }
0x106: {  	v6 =	vmul.f32 v10, v6;
	v7 =	vadd.f32 v7, v14;
	v5 =	vmul.f32 v13, v5  }
0x107: {  	s18 =	simm.s32 $0x0;
	[tilespmem:s31+$0x280] =	vst v8;
	v8 =	vadd.f32 v9, v11  }
0x108: {  	s15 =	sand.u32 $0x1C00, s18;
	[tilespmem:s31+$0x290] =	vst v7;
	v5 =	vadd.f32 v6, v5  }
0x109: {  	s13 =	sand.u32 $0x40, s18;
	s15 =	sadd.s32 s1, s15;
	[tilespmem:s31+$0x2A0] =	vst v8  }
0x10a: {  	s13 =	sor.u32 s13, s15;
	[tilespmem:s31+$0x2B0] =	vst v5  }
0x10b: {  	v7 =	vld [tilespmem:s13+$0xC300]  }
0x10c: {  	v9 =	vld [tilespmem:s13+$0xC310]  }
0x10d: {  	v10 =	vld [tilespmem:s13+$0xC320]  }
0x10e: {  	v8 =	vld [tilespmem:s13+$0x300]  }
0x10f: {  	v11 =	vld [tilespmem:s13+$0xC330]  }
0x110: {  	v12 =	vld [tilespmem:s13+$0x310]  }
0x111: {  	s15 =	simm.s32 $0x200;
	v13 =	vld [tilespmem:s13+$0x320]  }
0x112: {  	s17 =	simm.s32 $0x40;
	s18 =	sand.u32 $0x1C00, s15;
	v6 =	vbroadcast v4, $0x2;
	v5 =	vbroadcast v3, $0x2;
	v14 =	vld [tilespmem:s13+$0x330]  }
0x113: {  	s17 =	sand.u32 $0x40, s17;
	s18 =	sadd.s32 s1, s18  }
0x114: {  	s31 =	sor.u32 s17, s18;
	v15 =	vmul.f32 v8, v5;
	v16 =	vmul.f32 v7, v6  }
0x115: {  	v8 =	vld [tilespmem:s31+$0xC300];
	v12 =	vmul.f32 v12, v5;
	v17 =	vmul.f32 v9, v6  }
0x116: {  	v7 =	vld [tilespmem:s31+$0xC310];
	v13 =	vmul.f32 v13, v5;
	v63 =	vmul.f32 v10, v6;
	v15 =	vadd.f32 v16, v15  }
0x117: {  	v9 =	vld [tilespmem:s31+$0xC320];
	v14 =	vmul.f32 v14, v5;
	v18 =	vmul.f32 v11, v6;
	v17 =	vadd.f32 v17, v12  }
0x118: {  	v10 =	vld [tilespmem:s31+$0xC330];
	v12 =	vadd.f32 v63, v13;
	[tilespmem:s13+$0x300] =	vst v15  }
0x119: {  	s17 =	simm.s32 $0x80;
	v13 =	vadd.f32 v18, v14;
	v11 =	vld [tilespmem:s31+$0x300];
	[tilespmem:s13+$0x310] =	vst v17  }
.LBB2_7:
0x11a: {  	p0 =	seq.s32 s17, $0x2C0;
	v14 =	vld [tilespmem:s31+$0x310];
	[tilespmem:s13+$0x320] =	vst v12  }
0x11b: {  	s15 =	sadd.s32 $0x200, s15;
	v12 =	vld [tilespmem:s31+$0x320];
	[tilespmem:s13+$0x330] =	vst v13;
	s13 =	smov.u32 s31  }
0x11c: {  	s18 =	sand.u32 $0x1C00, s15;
	v13 =	vld [tilespmem:s13+$0x330]  }
0x11d: {  	s31 =	sand.u32 $0x40, s17;
	s18 =	sadd.s32 s1, s18  }
0x11e: {  	v15 =	vmul.f32 v8, v6;
	s31 =	sor.u32 s31, s18;
	v11 =	vmul.f32 v11, v5  }
.Ltmp2:
0x11f: {  	v16 =	vmul.f32 v7, v6;
	v8 =	vld [tilespmem:s31+$0xC300];
	v14 =	vmul.f32 v14, v5;
	(pc) =	sbr.rel @!p0 .LBB2_7-.Ltmp2, $4  }
0x120: {  	v7 =	vld [tilespmem:s31+$0xC310];
	v11 =	vadd.f32 v15, v11;
	v12 =	vmul.f32 v12, v5;
	v15 =	vmul.f32 v9, v6  }
0x121: {  	v9 =	vld [tilespmem:s31+$0xC320];
	v14 =	vadd.f32 v16, v14;
	v13 =	vmul.f32 v13, v5;
	v16 =	vmul.f32 v10, v6  }
0x122: {  	v10 =	vld [tilespmem:s31+$0xC330];
	[tilespmem:s13+$0x300] =	vst v11;
	v12 =	vadd.f32 v15, v12  }
0x123: {  	s17 =	sadd.s32 $0x40, s17;
	v11 =	vld [tilespmem:s31+$0x300];
	[tilespmem:s13+$0x310] =	vst v14;
	v13 =	vadd.f32 v16, v13  }
0x124: {  	v14 =	vld [tilespmem:s31+$0x310];
	[tilespmem:s13+$0x320] =	vst v12  }
0x125: {  	v12 =	vld [tilespmem:s31+$0x320];
	[tilespmem:s13+$0x330] =	vst v13  }
0x126: {  	v13 =	vld [tilespmem:s31+$0x330];
	_ =	sdelay $0x1  }
0x127: {  	v8 =	vmul.f32 v8, v6;
	v11 =	vmul.f32 v11, v5  }
0x128: {  	v7 =	vmul.f32 v7, v6;
	v14 =	vmul.f32 v14, v5  }
0x129: {  	v9 =	vmul.f32 v9, v6;
	v8 =	vadd.f32 v8, v11;
	v11 =	vmul.f32 v12, v5  }
0x12a: {  	v6 =	vmul.f32 v10, v6;
	v7 =	vadd.f32 v7, v14;
	v5 =	vmul.f32 v13, v5  }
0x12b: {  	s18 =	simm.s32 $0x0;
	[tilespmem:s31+$0x300] =	vst v8;
	v8 =	vadd.f32 v9, v11  }
0x12c: {  	s15 =	sand.u32 $0x1C00, s18;
	[tilespmem:s31+$0x310] =	vst v7;
	v5 =	vadd.f32 v6, v5  }
0x12d: {  	s13 =	sand.u32 $0x40, s18;
	s15 =	sadd.s32 s1, s15;
	[tilespmem:s31+$0x320] =	vst v8  }
0x12e: {  	s13 =	sor.u32 s13, s15;
	[tilespmem:s31+$0x330] =	vst v5  }
0x12f: {  	v7 =	vld [tilespmem:s13+$0xC380]  }
0x130: {  	v9 =	vld [tilespmem:s13+$0xC390]  }
0x131: {  	v10 =	vld [tilespmem:s13+$0xC3A0]  }
0x132: {  	v8 =	vld [tilespmem:s13+$0x380]  }
0x133: {  	v11 =	vld [tilespmem:s13+$0xC3B0]  }
0x134: {  	v12 =	vld [tilespmem:s13+$0x390]  }
0x135: {  	s15 =	simm.s32 $0x200;
	v13 =	vld [tilespmem:s13+$0x3A0]  }
0x136: {  	s17 =	simm.s32 $0x40;
	s18 =	sand.u32 $0x1C00, s15;
	v6 =	vbroadcast v4, $0x3;
	v5 =	vbroadcast v3, $0x3;
	v14 =	vld [tilespmem:s13+$0x3B0]  }
0x137: {  	s17 =	sand.u32 $0x40, s17;
	s18 =	sadd.s32 s1, s18  }
0x138: {  	s31 =	sor.u32 s17, s18;
	v15 =	vmul.f32 v8, v5;
	v16 =	vmul.f32 v7, v6  }
0x139: {  	v8 =	vld [tilespmem:s31+$0xC380];
	v12 =	vmul.f32 v12, v5;
	v17 =	vmul.f32 v9, v6  }
0x13a: {  	v7 =	vld [tilespmem:s31+$0xC390];
	v13 =	vmul.f32 v13, v5;
	v63 =	vmul.f32 v10, v6;
	v15 =	vadd.f32 v16, v15  }
0x13b: {  	v9 =	vld [tilespmem:s31+$0xC3A0];
	v14 =	vmul.f32 v14, v5;
	v18 =	vmul.f32 v11, v6;
	v17 =	vadd.f32 v17, v12  }
0x13c: {  	v10 =	vld [tilespmem:s31+$0xC3B0];
	v12 =	vadd.f32 v63, v13;
	[tilespmem:s13+$0x380] =	vst v15  }
0x13d: {  	s17 =	simm.s32 $0x80;
	v13 =	vadd.f32 v18, v14;
	v11 =	vld [tilespmem:s31+$0x380];
	[tilespmem:s13+$0x390] =	vst v17  }
.LBB2_9:
0x13e: {  	p0 =	seq.s32 s17, $0x2C0;
	v14 =	vld [tilespmem:s31+$0x390];
	[tilespmem:s13+$0x3A0] =	vst v12  }
0x13f: {  	s15 =	sadd.s32 $0x200, s15;
	v12 =	vld [tilespmem:s31+$0x3A0];
	[tilespmem:s13+$0x3B0] =	vst v13;
	s13 =	smov.u32 s31  }
0x140: {  	s18 =	sand.u32 $0x1C00, s15;
	v13 =	vld [tilespmem:s13+$0x3B0]  }
0x141: {  	s31 =	sand.u32 $0x40, s17;
	s18 =	sadd.s32 s1, s18  }
0x142: {  	v15 =	vmul.f32 v8, v6;
	s31 =	sor.u32 s31, s18;
	v11 =	vmul.f32 v11, v5  }
.Ltmp3:
0x143: {  	v16 =	vmul.f32 v7, v6;
	v8 =	vld [tilespmem:s31+$0xC380];
	v14 =	vmul.f32 v14, v5;
	(pc) =	sbr.rel @!p0 .LBB2_9-.Ltmp3, $4  }
0x144: {  	v7 =	vld [tilespmem:s31+$0xC390];
	v11 =	vadd.f32 v15, v11;
	v12 =	vmul.f32 v12, v5;
	v15 =	vmul.f32 v9, v6  }
0x145: {  	v9 =	vld [tilespmem:s31+$0xC3A0];
	v14 =	vadd.f32 v16, v14;
	v13 =	vmul.f32 v13, v5;
	v16 =	vmul.f32 v10, v6  }
0x146: {  	v10 =	vld [tilespmem:s31+$0xC3B0];
	[tilespmem:s13+$0x380] =	vst v11;
	v12 =	vadd.f32 v15, v12  }
0x147: {  	s17 =	sadd.s32 $0x40, s17;
	v11 =	vld [tilespmem:s31+$0x380];
	[tilespmem:s13+$0x390] =	vst v14;
	v13 =	vadd.f32 v16, v13  }
0x148: {  	v14 =	vld [tilespmem:s31+$0x390];
	[tilespmem:s13+$0x3A0] =	vst v12  }
0x149: {  	v12 =	vld [tilespmem:s31+$0x3A0];
	[tilespmem:s13+$0x3B0] =	vst v13  }
0x14a: {  	v13 =	vld [tilespmem:s31+$0x3B0];
	_ =	sdelay $0x1  }
0x14b: {  	v8 =	vmul.f32 v8, v6;
	v11 =	vmul.f32 v11, v5  }
0x14c: {  	v7 =	vmul.f32 v7, v6;
	v14 =	vmul.f32 v14, v5  }
0x14d: {  	v9 =	vmul.f32 v9, v6;
	v8 =	vadd.f32 v8, v11;
	v11 =	vmul.f32 v12, v5  }
0x14e: {  	v6 =	vmul.f32 v10, v6;
	v7 =	vadd.f32 v7, v14;
	v5 =	vmul.f32 v13, v5  }
0x14f: {  	s18 =	simm.s32 $0x0;
	[tilespmem:s31+$0x380] =	vst v8;
	v8 =	vadd.f32 v9, v11  }
0x150: {  	s15 =	sand.u32 $0x1C00, s18;
	[tilespmem:s31+$0x390] =	vst v7;
	v5 =	vadd.f32 v6, v5  }
0x151: {  	s13 =	sand.u32 $0x40, s18;
	s15 =	sadd.s32 s1, s15;
	[tilespmem:s31+$0x3A0] =	vst v8  }
0x152: {  	s13 =	sor.u32 s13, s15;
	[tilespmem:s31+$0x3B0] =	vst v5  }
0x153: {  	v7 =	vld [tilespmem:s13+$0xC400]  }
0x154: {  	v9 =	vld [tilespmem:s13+$0xC410]  }
0x155: {  	v10 =	vld [tilespmem:s13+$0xC420]  }
0x156: {  	v8 =	vld [tilespmem:s13+$0x400]  }
0x157: {  	v11 =	vld [tilespmem:s13+$0xC430]  }
0x158: {  	v12 =	vld [tilespmem:s13+$0x410]  }
0x159: {  	s15 =	simm.s32 $0x200;
	v13 =	vld [tilespmem:s13+$0x420]  }
0x15a: {  	s17 =	simm.s32 $0x40;
	s18 =	sand.u32 $0x1C00, s15;
	v6 =	vbroadcast v4, $0x4;
	v5 =	vbroadcast v3, $0x4;
	v14 =	vld [tilespmem:s13+$0x430]  }
0x15b: {  	s17 =	sand.u32 $0x40, s17;
	s18 =	sadd.s32 s1, s18  }
0x15c: {  	s31 =	sor.u32 s17, s18;
	v15 =	vmul.f32 v8, v5;
	v16 =	vmul.f32 v7, v6  }
0x15d: {  	v8 =	vld [tilespmem:s31+$0xC400];
	v12 =	vmul.f32 v12, v5;
	v17 =	vmul.f32 v9, v6  }
0x15e: {  	v7 =	vld [tilespmem:s31+$0xC410];
	v13 =	vmul.f32 v13, v5;
	v63 =	vmul.f32 v10, v6;
	v15 =	vadd.f32 v16, v15  }
0x15f: {  	v9 =	vld [tilespmem:s31+$0xC420];
	v14 =	vmul.f32 v14, v5;
	v18 =	vmul.f32 v11, v6;
	v17 =	vadd.f32 v17, v12  }
0x160: {  	v10 =	vld [tilespmem:s31+$0xC430];
	v12 =	vadd.f32 v63, v13;
	[tilespmem:s13+$0x400] =	vst v15  }
0x161: {  	s17 =	simm.s32 $0x80;
	v13 =	vadd.f32 v18, v14;
	v11 =	vld [tilespmem:s31+$0x400];
	[tilespmem:s13+$0x410] =	vst v17  }
.LBB2_11:
0x162: {  	p0 =	seq.s32 s17, $0x2C0;
	v14 =	vld [tilespmem:s31+$0x410];
	[tilespmem:s13+$0x420] =	vst v12  }
0x163: {  	s15 =	sadd.s32 $0x200, s15;
	v12 =	vld [tilespmem:s31+$0x420];
	[tilespmem:s13+$0x430] =	vst v13;
	s13 =	smov.u32 s31  }
0x164: {  	s18 =	sand.u32 $0x1C00, s15;
	v13 =	vld [tilespmem:s13+$0x430]  }
0x165: {  	s31 =	sand.u32 $0x40, s17;
	s18 =	sadd.s32 s1, s18  }
0x166: {  	v15 =	vmul.f32 v8, v6;
	s31 =	sor.u32 s31, s18;
	v11 =	vmul.f32 v11, v5  }
.Ltmp4:
0x167: {  	v16 =	vmul.f32 v7, v6;
	v8 =	vld [tilespmem:s31+$0xC400];
	v14 =	vmul.f32 v14, v5;
	(pc) =	sbr.rel @!p0 .LBB2_11-.Ltmp4, $4  }
0x168: {  	v7 =	vld [tilespmem:s31+$0xC410];
	v11 =	vadd.f32 v15, v11;
	v12 =	vmul.f32 v12, v5;
	v15 =	vmul.f32 v9, v6  }
0x169: {  	v9 =	vld [tilespmem:s31+$0xC420];
	v14 =	vadd.f32 v16, v14;
	v13 =	vmul.f32 v13, v5;
	v16 =	vmul.f32 v10, v6  }
0x16a: {  	v10 =	vld [tilespmem:s31+$0xC430];
	[tilespmem:s13+$0x400] =	vst v11;
	v12 =	vadd.f32 v15, v12  }
0x16b: {  	s17 =	sadd.s32 $0x40, s17;
	v11 =	vld [tilespmem:s31+$0x400];
	[tilespmem:s13+$0x410] =	vst v14;
	v13 =	vadd.f32 v16, v13  }
0x16c: {  	v14 =	vld [tilespmem:s31+$0x410];
	[tilespmem:s13+$0x420] =	vst v12  }
0x16d: {  	v12 =	vld [tilespmem:s31+$0x420];
	[tilespmem:s13+$0x430] =	vst v13  }
0x16e: {  	v13 =	vld [tilespmem:s31+$0x430];
	_ =	sdelay $0x1  }
0x16f: {  	v8 =	vmul.f32 v8, v6;
	v11 =	vmul.f32 v11, v5  }
0x170: {  	v7 =	vmul.f32 v7, v6;
	v14 =	vmul.f32 v14, v5  }
0x171: {  	v9 =	vmul.f32 v9, v6;
	v8 =	vadd.f32 v8, v11;
	v11 =	vmul.f32 v12, v5  }
0x172: {  	v6 =	vmul.f32 v10, v6;
	v7 =	vadd.f32 v7, v14;
	v5 =	vmul.f32 v13, v5  }
0x173: {  	s18 =	simm.s32 $0x0;
	[tilespmem:s31+$0x400] =	vst v8;
	v8 =	vadd.f32 v9, v11  }
0x174: {  	s15 =	sand.u32 $0x1C00, s18;
	[tilespmem:s31+$0x410] =	vst v7;
	v5 =	vadd.f32 v6, v5  }
0x175: {  	s13 =	sand.u32 $0x40, s18;
	s15 =	sadd.s32 s1, s15;
	[tilespmem:s31+$0x420] =	vst v8  }
0x176: {  	s13 =	sor.u32 s13, s15;
	[tilespmem:s31+$0x430] =	vst v5  }
0x177: {  	v7 =	vld [tilespmem:s13+$0xC480]  }
0x178: {  	v9 =	vld [tilespmem:s13+$0xC490]  }
0x179: {  	v10 =	vld [tilespmem:s13+$0xC4A0]  }
0x17a: {  	v8 =	vld [tilespmem:s13+$0x480]  }
0x17b: {  	v11 =	vld [tilespmem:s13+$0xC4B0]  }
0x17c: {  	v12 =	vld [tilespmem:s13+$0x490]  }
0x17d: {  	s15 =	simm.s32 $0x200;
	v13 =	vld [tilespmem:s13+$0x4A0]  }
0x17e: {  	s17 =	simm.s32 $0x40;
	s18 =	sand.u32 $0x1C00, s15;
	v6 =	vbroadcast v4, $0x5;
	v5 =	vbroadcast v3, $0x5;
	v14 =	vld [tilespmem:s13+$0x4B0]  }
0x17f: {  	s17 =	sand.u32 $0x40, s17;
	s18 =	sadd.s32 s1, s18  }
0x180: {  	s31 =	sor.u32 s17, s18;
	v15 =	vmul.f32 v8, v5;
	v16 =	vmul.f32 v7, v6  }
0x181: {  	v8 =	vld [tilespmem:s31+$0xC480];
	v12 =	vmul.f32 v12, v5;
	v17 =	vmul.f32 v9, v6  }
0x182: {  	v7 =	vld [tilespmem:s31+$0xC490];
	v13 =	vmul.f32 v13, v5;
	v63 =	vmul.f32 v10, v6;
	v15 =	vadd.f32 v16, v15  }
0x183: {  	v9 =	vld [tilespmem:s31+$0xC4A0];
	v14 =	vmul.f32 v14, v5;
	v18 =	vmul.f32 v11, v6;
	v17 =	vadd.f32 v17, v12  }
0x184: {  	v10 =	vld [tilespmem:s31+$0xC4B0];
	v12 =	vadd.f32 v63, v13;
	[tilespmem:s13+$0x480] =	vst v15  }
0x185: {  	s17 =	simm.s32 $0x80;
	v13 =	vadd.f32 v18, v14;
	v11 =	vld [tilespmem:s31+$0x480];
	[tilespmem:s13+$0x490] =	vst v17  }
.LBB2_13:
0x186: {  	p0 =	seq.s32 s17, $0x2C0;
	v14 =	vld [tilespmem:s31+$0x490];
	[tilespmem:s13+$0x4A0] =	vst v12  }
0x187: {  	s15 =	sadd.s32 $0x200, s15;
	v12 =	vld [tilespmem:s31+$0x4A0];
	[tilespmem:s13+$0x4B0] =	vst v13;
	s13 =	smov.u32 s31  }
0x188: {  	s18 =	sand.u32 $0x1C00, s15;
	v13 =	vld [tilespmem:s13+$0x4B0]  }
0x189: {  	s31 =	sand.u32 $0x40, s17;
	s18 =	sadd.s32 s1, s18  }
0x18a: {  	v15 =	vmul.f32 v8, v6;
	s31 =	sor.u32 s31, s18;
	v11 =	vmul.f32 v11, v5  }
.Ltmp5:
0x18b: {  	v16 =	vmul.f32 v7, v6;
	v8 =	vld [tilespmem:s31+$0xC480];
	v14 =	vmul.f32 v14, v5;
	(pc) =	sbr.rel @!p0 .LBB2_13-.Ltmp5, $4  }
0x18c: {  	v7 =	vld [tilespmem:s31+$0xC490];
	v11 =	vadd.f32 v15, v11;
	v12 =	vmul.f32 v12, v5;
	v15 =	vmul.f32 v9, v6  }
0x18d: {  	v9 =	vld [tilespmem:s31+$0xC4A0];
	v14 =	vadd.f32 v16, v14;
	v13 =	vmul.f32 v13, v5;
	v16 =	vmul.f32 v10, v6  }
0x18e: {  	v10 =	vld [tilespmem:s31+$0xC4B0];
	[tilespmem:s13+$0x480] =	vst v11;
	v12 =	vadd.f32 v15, v12  }
0x18f: {  	s17 =	sadd.s32 $0x40, s17;
	v11 =	vld [tilespmem:s31+$0x480];
	[tilespmem:s13+$0x490] =	vst v14;
	v13 =	vadd.f32 v16, v13  }
0x190: {  	v14 =	vld [tilespmem:s31+$0x490];
	[tilespmem:s13+$0x4A0] =	vst v12  }
0x191: {  	v12 =	vld [tilespmem:s31+$0x4A0];
	[tilespmem:s13+$0x4B0] =	vst v13  }
0x192: {  	v13 =	vld [tilespmem:s31+$0x4B0];
	_ =	sdelay $0x1  }
0x193: {  	v8 =	vmul.f32 v8, v6;
	v11 =	vmul.f32 v11, v5  }
0x194: {  	v7 =	vmul.f32 v7, v6;
	v14 =	vmul.f32 v14, v5  }
0x195: {  	v9 =	vmul.f32 v9, v6;
	v8 =	vadd.f32 v8, v11;
	v11 =	vmul.f32 v12, v5  }
0x196: {  	v6 =	vmul.f32 v10, v6;
	v7 =	vadd.f32 v7, v14;
	v5 =	vmul.f32 v13, v5  }
0x197: {  	s18 =	simm.s32 $0x0;
	[tilespmem:s31+$0x480] =	vst v8;
	v8 =	vadd.f32 v9, v11  }
0x198: {  	s15 =	sand.u32 $0x1C00, s18;
	[tilespmem:s31+$0x490] =	vst v7;
	v5 =	vadd.f32 v6, v5  }
0x199: {  	s13 =	sand.u32 $0x40, s18;
	s15 =	sadd.s32 s1, s15;
	[tilespmem:s31+$0x4A0] =	vst v8  }
0x19a: {  	s13 =	sor.u32 s13, s15;
	[tilespmem:s31+$0x4B0] =	vst v5  }
0x19b: {  	v7 =	vld [tilespmem:s13+$0xC500]  }
0x19c: {  	v9 =	vld [tilespmem:s13+$0xC510]  }
0x19d: {  	v10 =	vld [tilespmem:s13+$0xC520]  }
0x19e: {  	v8 =	vld [tilespmem:s13+$0x500]  }
0x19f: {  	v11 =	vld [tilespmem:s13+$0xC530]  }
0x1a0: {  	v12 =	vld [tilespmem:s13+$0x510]  }
0x1a1: {  	s15 =	simm.s32 $0x200;
	v13 =	vld [tilespmem:s13+$0x520]  }
0x1a2: {  	s17 =	simm.s32 $0x40;
	s18 =	sand.u32 $0x1C00, s15;
	v6 =	vbroadcast v4, $0x6;
	v5 =	vbroadcast v3, $0x6;
	v14 =	vld [tilespmem:s13+$0x530]  }
0x1a3: {  	s17 =	sand.u32 $0x40, s17;
	s18 =	sadd.s32 s1, s18  }
0x1a4: {  	s31 =	sor.u32 s17, s18;
	v15 =	vmul.f32 v8, v5;
	v16 =	vmul.f32 v7, v6  }
0x1a5: {  	v8 =	vld [tilespmem:s31+$0xC500];
	v12 =	vmul.f32 v12, v5;
	v17 =	vmul.f32 v9, v6  }
0x1a6: {  	v7 =	vld [tilespmem:s31+$0xC510];
	v13 =	vmul.f32 v13, v5;
	v63 =	vmul.f32 v10, v6;
	v15 =	vadd.f32 v16, v15  }
0x1a7: {  	v9 =	vld [tilespmem:s31+$0xC520];
	v14 =	vmul.f32 v14, v5;
	v18 =	vmul.f32 v11, v6;
	v17 =	vadd.f32 v17, v12  }
0x1a8: {  	v10 =	vld [tilespmem:s31+$0xC530];
	v12 =	vadd.f32 v63, v13;
	[tilespmem:s13+$0x500] =	vst v15  }
0x1a9: {  	s17 =	simm.s32 $0x80;
	v13 =	vadd.f32 v18, v14;
	v11 =	vld [tilespmem:s31+$0x500];
	[tilespmem:s13+$0x510] =	vst v17  }
.LBB2_15:
0x1aa: {  	p0 =	seq.s32 s17, $0x2C0;
	v14 =	vld [tilespmem:s31+$0x510];
	[tilespmem:s13+$0x520] =	vst v12  }
0x1ab: {  	s15 =	sadd.s32 $0x200, s15;
	v12 =	vld [tilespmem:s31+$0x520];
	[tilespmem:s13+$0x530] =	vst v13;
	s13 =	smov.u32 s31  }
0x1ac: {  	s18 =	sand.u32 $0x1C00, s15;
	v13 =	vld [tilespmem:s13+$0x530]  }
0x1ad: {  	s31 =	sand.u32 $0x40, s17;
	s18 =	sadd.s32 s1, s18  }
0x1ae: {  	v15 =	vmul.f32 v8, v6;
	s31 =	sor.u32 s31, s18;
	v11 =	vmul.f32 v11, v5  }
.Ltmp6:
0x1af: {  	v16 =	vmul.f32 v7, v6;
	v8 =	vld [tilespmem:s31+$0xC500];
	v14 =	vmul.f32 v14, v5;
	(pc) =	sbr.rel @!p0 .LBB2_15-.Ltmp6, $4  }
0x1b0: {  	v7 =	vld [tilespmem:s31+$0xC510];
	v11 =	vadd.f32 v15, v11;
	v12 =	vmul.f32 v12, v5;
	v15 =	vmul.f32 v9, v6  }
0x1b1: {  	v9 =	vld [tilespmem:s31+$0xC520];
	v14 =	vadd.f32 v16, v14;
	v13 =	vmul.f32 v13, v5;
	v16 =	vmul.f32 v10, v6  }
0x1b2: {  	v10 =	vld [tilespmem:s31+$0xC530];
	[tilespmem:s13+$0x500] =	vst v11;
	v12 =	vadd.f32 v15, v12  }
0x1b3: {  	s17 =	sadd.s32 $0x40, s17;
	v11 =	vld [tilespmem:s31+$0x500];
	[tilespmem:s13+$0x510] =	vst v14;
	v13 =	vadd.f32 v16, v13  }
0x1b4: {  	v14 =	vld [tilespmem:s31+$0x510];
	[tilespmem:s13+$0x520] =	vst v12  }
0x1b5: {  	v12 =	vld [tilespmem:s31+$0x520];
	[tilespmem:s13+$0x530] =	vst v13  }
0x1b6: {  	v13 =	vld [tilespmem:s31+$0x530];
	_ =	sdelay $0x1  }
0x1b7: {  	v8 =	vmul.f32 v8, v6;
	v11 =	vmul.f32 v11, v5  }
0x1b8: {  	v7 =	vmul.f32 v7, v6;
	v14 =	vmul.f32 v14, v5  }
0x1b9: {  	v9 =	vmul.f32 v9, v6;
	v8 =	vadd.f32 v8, v11;
	v11 =	vmul.f32 v12, v5  }
0x1ba: {  	v6 =	vmul.f32 v10, v6;
	v7 =	vadd.f32 v7, v14;
	v5 =	vmul.f32 v13, v5  }
0x1bb: {  	s15 =	simm.s32 $0x0;
	[tilespmem:s31+$0x500] =	vst v8;
	v8 =	vadd.f32 v9, v11  }
0x1bc: {  	s13 =	sand.u32 $0xFFFFFC00, s15;
	[tilespmem:s31+$0x510] =	vst v7;
	v5 =	vadd.f32 v6, v5  }
0x1bd: {  	s13 =	sadd.s32 s13, s14;
	[tilespmem:s31+$0x520] =	vst v8  }
0x1be: {  	s15 =	sor.u32 $0x380, s13;
	[tilespmem:s31+$0x530] =	vst v5  }
0x1bf: {  	v7 =	vld [tilespmem:s15+$0x200]  }
0x1c0: {  	v8 =	vld [tilespmem:s15+$0xC200];
	_ =	sdelay $0x2  }
0x1c1: {  	v6 =	vbroadcast v3, $0x7;
	v5 =	vbroadcast v4, $0x7;
	_ =	sdelay $0x1  }
0x1c2: {  	v7 =	vmul.f32 v7, v6;
	v8 =	vmul.f32 v8, v5;
	_ =	sdelay $0x1  }
0x1c3: {  	v7 =	vadd.f32 v8, v7;
	_ =	sdelay $0x1  }
0x1c4: {  	s17 =	sor.u32 $0x390, s13;
	[tilespmem:s15+$0x200] =	vst v7  }
0x1c5: {  	v7 =	vld [tilespmem:s17+$0x200]  }
0x1c6: {  	v8 =	vld [tilespmem:s17+$0xC200];
	_ =	sdelay $0x4  }
0x1c7: {  	v7 =	vmul.f32 v7, v6;
	v8 =	vmul.f32 v8, v5;
	_ =	sdelay $0x1  }
0x1c8: {  	v7 =	vadd.f32 v8, v7;
	_ =	sdelay $0x1  }
0x1c9: {  	s18 =	sor.u32 $0x3A0, s13;
	[tilespmem:s17+$0x200] =	vst v7  }
0x1ca: {  	v7 =	vld [tilespmem:s18+$0x200]  }
0x1cb: {  	v8 =	vld [tilespmem:s18+$0xC200];
	_ =	sdelay $0x4  }
0x1cc: {  	v7 =	vmul.f32 v7, v6;
	v8 =	vmul.f32 v8, v5;
	_ =	sdelay $0x1  }
0x1cd: {  	v7 =	vadd.f32 v8, v7;
	_ =	sdelay $0x1  }
0x1ce: {  	s15 =	sor.u32 $0x3B0, s13;
	[tilespmem:s18+$0x200] =	vst v7  }
0x1cf: {  	v7 =	vld [tilespmem:s15+$0x200];
	_ =	sdelay $0x1  }
0x1d0: {  	v8 =	vld [tilespmem:s15+$0xC200];
	_ =	sdelay $0x2  }
0x1d1: {  	s31 =	smov.u32 s14;
	s13 =	simm.s32 $0x200;
	v7 =	vmul.f32 v7, v6  }
.LBB2_17:
0x1d2: {  	p0 =	seq.s32 s13, $0x1600  }
0x1d3: {  	v8 =	vmul.f32 v8, v5;
	s31 =	sadd.s32 $0x40, s31;
	s17 =	smov.u32 s13;
	s13 =	sadd.s32 $0x200, s13  }
0x1d4: {  	_ = 	snop  }
0x1d5: {  	s17 =	sand.u32 $0xFFFFFC00, s17;
	v7 =	vadd.f32 v8, v7  }
0x1d6: {  	s17 =	sadd.s32 s17, s31  }
0x1d7: {  	s18 =	sor.u32 $0x380, s17;
	[tilespmem:s15+$0x200] =	vst v7  }
0x1d8: {  	v7 =	vld [tilespmem:s18+$0x200]  }
0x1d9: {  	v8 =	vld [tilespmem:s18+$0xC200];
	_ =	sdelay $0x3  }
0x1da: {  	v7 =	vmul.f32 v7, v6  }
0x1db: {  	v8 =	vmul.f32 v8, v5;
	_ =	sdelay $0x1  }
0x1dc: {  	v7 =	vadd.f32 v8, v7;
	_ =	sdelay $0x1  }
0x1dd: {  	s15 =	sor.u32 $0x390, s17;
	[tilespmem:s18+$0x200] =	vst v7  }
0x1de: {  	v7 =	vld [tilespmem:s15+$0x200]  }
0x1df: {  	v8 =	vld [tilespmem:s15+$0xC200];
	_ =	sdelay $0x3  }
0x1e0: {  	v7 =	vmul.f32 v7, v6  }
0x1e1: {  	v8 =	vmul.f32 v8, v5;
	_ =	sdelay $0x1  }
0x1e2: {  	v7 =	vadd.f32 v8, v7;
	_ =	sdelay $0x1  }
0x1e3: {  	[tilespmem:s15+$0x200] =	vst v7;
	s15 =	sor.u32 $0x3A0, s17  }
0x1e4: {  	v7 =	vld [tilespmem:s15+$0x200]  }
0x1e5: {  	v8 =	vld [tilespmem:s15+$0xC200];
	_ =	sdelay $0x3  }
0x1e6: {  	v7 =	vmul.f32 v7, v6  }
0x1e7: {  	v8 =	vmul.f32 v8, v5;
	_ =	sdelay $0x1  }
0x1e8: {  	v7 =	vadd.f32 v8, v7;
	_ =	sdelay $0x1  }
0x1e9: {  	[tilespmem:s15+$0x200] =	vst v7;
	s15 =	sor.u32 $0x3B0, s17  }
0x1ea: {  	v7 =	vld [tilespmem:s15+$0x200]  }
.Ltmp7:
0x1eb: {  	v8 =	vld [tilespmem:s15+$0xC200];
	(pc) =	sbr.rel @!p0 .LBB2_17-.Ltmp7, $2  }
0x1ec: {  	_ =	sdelay $0x2  }
0x1ed: {  	v7 =	vmul.f32 v7, v6  }
0x1ee: {  	v5 =	vmul.f32 v8, v5;
	_ =	sdelay $0x1  }
0x1ef: {  	s13 =	simm.s32 $0x0;
	v5 =	vadd.f32 v5, v7  }
0x1f0: {  	s1 =	sadd.s32 $0x1800, s1;
	s18 =	sand.u32 $0x1C00, s13  }
0x1f1: {  	s13 =	sand.u32 $0x40, s13;
	[tilespmem:s15+$0x200] =	vst v5;
	s15 =	sadd.s32 s18, s1  }
0x1f2: {  	s13 =	sor.u32 s13, s15  }
0x1f3: {  	v7 =	vld [tilespmem:s13+$0xC200]  }
0x1f4: {  	v9 =	vld [tilespmem:s13+$0xC210]  }
0x1f5: {  	v10 =	vld [tilespmem:s13+$0xC220]  }
0x1f6: {  	v8 =	vld [tilespmem:s13+$0x200]  }
0x1f7: {  	v11 =	vld [tilespmem:s13+$0xC230]  }
0x1f8: {  	v12 =	vld [tilespmem:s13+$0x210]  }
0x1f9: {  	s15 =	simm.s32 $0x200;
	v13 =	vld [tilespmem:s13+$0x220]  }
0x1fa: {  	v6 =	vbroadcast v4, $0x8;
	s17 =	simm.s32 $0x40;
	v5 =	vbroadcast v3, $0x8;
	s18 =	sand.u32 $0x1C00, s15;
	v14 =	vld [tilespmem:s13+$0x230]  }
0x1fb: {  	s17 =	sand.u32 $0x40, s17;
	s18 =	sadd.s32 s18, s1  }
0x1fc: {  	s31 =	sor.u32 s17, s18;
	v15 =	vmul.f32 v8, v5;
	v16 =	vmul.f32 v7, v6  }
0x1fd: {  	v8 =	vld [tilespmem:s31+$0xC200];
	v12 =	vmul.f32 v12, v5;
	v17 =	vmul.f32 v9, v6  }
0x1fe: {  	v7 =	vld [tilespmem:s31+$0xC210];
	v13 =	vmul.f32 v13, v5;
	v63 =	vmul.f32 v10, v6;
	v15 =	vadd.f32 v16, v15  }
0x1ff: {  	v9 =	vld [tilespmem:s31+$0xC220];
	v14 =	vmul.f32 v14, v5;
	v18 =	vmul.f32 v11, v6;
	v17 =	vadd.f32 v17, v12  }
0x200: {  	v10 =	vld [tilespmem:s31+$0xC230];
	v12 =	vadd.f32 v63, v13;
	[tilespmem:s13+$0x200] =	vst v15  }
0x201: {  	s17 =	simm.s32 $0x80;
	v13 =	vadd.f32 v18, v14;
	v11 =	vld [tilespmem:s31+$0x200];
	[tilespmem:s13+$0x210] =	vst v17  }
.LBB2_19:
0x202: {  	p0 =	seq.s32 s17, $0x2C0;
	v14 =	vld [tilespmem:s31+$0x210];
	[tilespmem:s13+$0x220] =	vst v12  }
0x203: {  	s15 =	sadd.s32 $0x200, s15;
	v12 =	vld [tilespmem:s31+$0x220];
	[tilespmem:s13+$0x230] =	vst v13;
	s13 =	smov.u32 s31  }
0x204: {  	s18 =	sand.u32 $0x1C00, s15;
	v13 =	vld [tilespmem:s13+$0x230]  }
0x205: {  	s31 =	sand.u32 $0x40, s17;
	s18 =	sadd.s32 s18, s1  }
0x206: {  	v15 =	vmul.f32 v8, v6;
	s31 =	sor.u32 s31, s18;
	v11 =	vmul.f32 v11, v5  }
.Ltmp8:
0x207: {  	v16 =	vmul.f32 v7, v6;
	v8 =	vld [tilespmem:s31+$0xC200];
	v14 =	vmul.f32 v14, v5;
	(pc) =	sbr.rel @!p0 .LBB2_19-.Ltmp8, $4  }
0x208: {  	v7 =	vld [tilespmem:s31+$0xC210];
	v11 =	vadd.f32 v15, v11;
	v12 =	vmul.f32 v12, v5;
	v15 =	vmul.f32 v9, v6  }
0x209: {  	v9 =	vld [tilespmem:s31+$0xC220];
	v14 =	vadd.f32 v16, v14;
	v13 =	vmul.f32 v13, v5;
	v16 =	vmul.f32 v10, v6  }
0x20a: {  	v10 =	vld [tilespmem:s31+$0xC230];
	[tilespmem:s13+$0x200] =	vst v11;
	v12 =	vadd.f32 v15, v12  }
0x20b: {  	s17 =	sadd.s32 $0x40, s17;
	v11 =	vld [tilespmem:s31+$0x200];
	[tilespmem:s13+$0x210] =	vst v14;
	v13 =	vadd.f32 v16, v13  }
0x20c: {  	v14 =	vld [tilespmem:s31+$0x210];
	[tilespmem:s13+$0x220] =	vst v12  }
0x20d: {  	v12 =	vld [tilespmem:s31+$0x220];
	[tilespmem:s13+$0x230] =	vst v13  }
0x20e: {  	v13 =	vld [tilespmem:s31+$0x230];
	_ =	sdelay $0x1  }
0x20f: {  	v8 =	vmul.f32 v8, v6;
	v11 =	vmul.f32 v11, v5  }
0x210: {  	v7 =	vmul.f32 v7, v6;
	v14 =	vmul.f32 v14, v5  }
0x211: {  	v9 =	vmul.f32 v9, v6;
	v8 =	vadd.f32 v8, v11;
	v11 =	vmul.f32 v12, v5  }
0x212: {  	v6 =	vmul.f32 v10, v6;
	v7 =	vadd.f32 v7, v14;
	v5 =	vmul.f32 v13, v5  }
0x213: {  	s18 =	simm.s32 $0x0;
	[tilespmem:s31+$0x200] =	vst v8;
	v8 =	vadd.f32 v9, v11  }
0x214: {  	s15 =	sand.u32 $0x1C00, s18;
	[tilespmem:s31+$0x210] =	vst v7;
	v5 =	vadd.f32 v6, v5  }
0x215: {  	s13 =	sand.u32 $0x40, s18;
	s15 =	sadd.s32 s15, s1;
	[tilespmem:s31+$0x220] =	vst v8  }
0x216: {  	s13 =	sor.u32 s13, s15;
	[tilespmem:s31+$0x230] =	vst v5  }
0x217: {  	v7 =	vld [tilespmem:s13+$0xC280]  }
0x218: {  	v9 =	vld [tilespmem:s13+$0xC290]  }
0x219: {  	v10 =	vld [tilespmem:s13+$0xC2A0]  }
0x21a: {  	v8 =	vld [tilespmem:s13+$0x280]  }
0x21b: {  	v11 =	vld [tilespmem:s13+$0xC2B0]  }
0x21c: {  	v12 =	vld [tilespmem:s13+$0x290]  }
0x21d: {  	s15 =	simm.s32 $0x200;
	v13 =	vld [tilespmem:s13+$0x2A0]  }
0x21e: {  	s17 =	simm.s32 $0x40;
	s18 =	sand.u32 $0x1C00, s15;
	v6 =	vbroadcast v4, $0x9;
	v5 =	vbroadcast v3, $0x9;
	v14 =	vld [tilespmem:s13+$0x2B0]  }
0x21f: {  	s17 =	sand.u32 $0x40, s17;
	s18 =	sadd.s32 s18, s1  }
0x220: {  	s31 =	sor.u32 s17, s18;
	v15 =	vmul.f32 v8, v5;
	v16 =	vmul.f32 v7, v6  }
0x221: {  	v8 =	vld [tilespmem:s31+$0xC280];
	v12 =	vmul.f32 v12, v5;
	v17 =	vmul.f32 v9, v6  }
0x222: {  	v7 =	vld [tilespmem:s31+$0xC290];
	v13 =	vmul.f32 v13, v5;
	v63 =	vmul.f32 v10, v6;
	v15 =	vadd.f32 v16, v15  }
0x223: {  	v9 =	vld [tilespmem:s31+$0xC2A0];
	v14 =	vmul.f32 v14, v5;
	v18 =	vmul.f32 v11, v6;
	v17 =	vadd.f32 v17, v12  }
0x224: {  	v10 =	vld [tilespmem:s31+$0xC2B0];
	v12 =	vadd.f32 v63, v13;
	[tilespmem:s13+$0x280] =	vst v15  }
0x225: {  	s17 =	simm.s32 $0x80;
	v13 =	vadd.f32 v18, v14;
	v11 =	vld [tilespmem:s31+$0x280];
	[tilespmem:s13+$0x290] =	vst v17  }
.LBB2_21:
0x226: {  	p0 =	seq.s32 s17, $0x2C0;
	v14 =	vld [tilespmem:s31+$0x290];
	[tilespmem:s13+$0x2A0] =	vst v12  }
0x227: {  	s15 =	sadd.s32 $0x200, s15;
	v12 =	vld [tilespmem:s31+$0x2A0];
	[tilespmem:s13+$0x2B0] =	vst v13;
	s13 =	smov.u32 s31  }
0x228: {  	s18 =	sand.u32 $0x1C00, s15;
	v13 =	vld [tilespmem:s13+$0x2B0]  }
0x229: {  	s31 =	sand.u32 $0x40, s17;
	s18 =	sadd.s32 s18, s1  }
0x22a: {  	v15 =	vmul.f32 v8, v6;
	s31 =	sor.u32 s31, s18;
	v11 =	vmul.f32 v11, v5  }
.Ltmp9:
0x22b: {  	v16 =	vmul.f32 v7, v6;
	v8 =	vld [tilespmem:s31+$0xC280];
	v14 =	vmul.f32 v14, v5;
	(pc) =	sbr.rel @!p0 .LBB2_21-.Ltmp9, $4  }
0x22c: {  	v7 =	vld [tilespmem:s31+$0xC290];
	v11 =	vadd.f32 v15, v11;
	v12 =	vmul.f32 v12, v5;
	v15 =	vmul.f32 v9, v6  }
0x22d: {  	v9 =	vld [tilespmem:s31+$0xC2A0];
	v14 =	vadd.f32 v16, v14;
	v13 =	vmul.f32 v13, v5;
	v16 =	vmul.f32 v10, v6  }
0x22e: {  	v10 =	vld [tilespmem:s31+$0xC2B0];
	[tilespmem:s13+$0x280] =	vst v11;
	v12 =	vadd.f32 v15, v12  }
0x22f: {  	s17 =	sadd.s32 $0x40, s17;
	v11 =	vld [tilespmem:s31+$0x280];
	[tilespmem:s13+$0x290] =	vst v14;
	v13 =	vadd.f32 v16, v13  }
0x230: {  	v14 =	vld [tilespmem:s31+$0x290];
	[tilespmem:s13+$0x2A0] =	vst v12  }
0x231: {  	v12 =	vld [tilespmem:s31+$0x2A0];
	[tilespmem:s13+$0x2B0] =	vst v13  }
0x232: {  	v13 =	vld [tilespmem:s31+$0x2B0];
	_ =	sdelay $0x1  }
0x233: {  	v8 =	vmul.f32 v8, v6;
	v11 =	vmul.f32 v11, v5  }
0x234: {  	v7 =	vmul.f32 v7, v6;
	v14 =	vmul.f32 v14, v5  }
0x235: {  	v9 =	vmul.f32 v9, v6;
	v8 =	vadd.f32 v8, v11;
	v11 =	vmul.f32 v12, v5  }
0x236: {  	v6 =	vmul.f32 v10, v6;
	v7 =	vadd.f32 v7, v14;
	v5 =	vmul.f32 v13, v5  }
0x237: {  	s18 =	simm.s32 $0x0;
	[tilespmem:s31+$0x280] =	vst v8;
	v8 =	vadd.f32 v9, v11  }
0x238: {  	s15 =	sand.u32 $0x1C00, s18;
	[tilespmem:s31+$0x290] =	vst v7;
	v5 =	vadd.f32 v6, v5  }
0x239: {  	s13 =	sand.u32 $0x40, s18;
	s15 =	sadd.s32 s15, s1;
	[tilespmem:s31+$0x2A0] =	vst v8  }
0x23a: {  	s13 =	sor.u32 s13, s15;
	[tilespmem:s31+$0x2B0] =	vst v5  }
0x23b: {  	v7 =	vld [tilespmem:s13+$0xC300]  }
0x23c: {  	v9 =	vld [tilespmem:s13+$0xC310]  }
0x23d: {  	v10 =	vld [tilespmem:s13+$0xC320]  }
0x23e: {  	v8 =	vld [tilespmem:s13+$0x300]  }
0x23f: {  	v11 =	vld [tilespmem:s13+$0xC330]  }
0x240: {  	v12 =	vld [tilespmem:s13+$0x310]  }
0x241: {  	s15 =	simm.s32 $0x200;
	v13 =	vld [tilespmem:s13+$0x320]  }
0x242: {  	s17 =	simm.s32 $0x40;
	s18 =	sand.u32 $0x1C00, s15;
	v6 =	vbroadcast v4, $0xA;
	v5 =	vbroadcast v3, $0xA;
	v14 =	vld [tilespmem:s13+$0x330]  }
0x243: {  	s17 =	sand.u32 $0x40, s17;
	s18 =	sadd.s32 s18, s1  }
0x244: {  	s31 =	sor.u32 s17, s18;
	v15 =	vmul.f32 v8, v5;
	v16 =	vmul.f32 v7, v6  }
0x245: {  	v8 =	vld [tilespmem:s31+$0xC300];
	v12 =	vmul.f32 v12, v5;
	v17 =	vmul.f32 v9, v6  }
0x246: {  	v7 =	vld [tilespmem:s31+$0xC310];
	v13 =	vmul.f32 v13, v5;
	v63 =	vmul.f32 v10, v6;
	v15 =	vadd.f32 v16, v15  }
0x247: {  	v9 =	vld [tilespmem:s31+$0xC320];
	v14 =	vmul.f32 v14, v5;
	v18 =	vmul.f32 v11, v6;
	v17 =	vadd.f32 v17, v12  }
0x248: {  	v10 =	vld [tilespmem:s31+$0xC330];
	v12 =	vadd.f32 v63, v13;
	[tilespmem:s13+$0x300] =	vst v15  }
0x249: {  	s17 =	simm.s32 $0x80;
	v13 =	vadd.f32 v18, v14;
	v11 =	vld [tilespmem:s31+$0x300];
	[tilespmem:s13+$0x310] =	vst v17  }
.LBB2_23:
0x24a: {  	p0 =	seq.s32 s17, $0x2C0;
	v14 =	vld [tilespmem:s31+$0x310];
	[tilespmem:s13+$0x320] =	vst v12  }
0x24b: {  	s15 =	sadd.s32 $0x200, s15;
	v12 =	vld [tilespmem:s31+$0x320];
	[tilespmem:s13+$0x330] =	vst v13;
	s13 =	smov.u32 s31  }
0x24c: {  	s18 =	sand.u32 $0x1C00, s15;
	v13 =	vld [tilespmem:s13+$0x330]  }
0x24d: {  	s31 =	sand.u32 $0x40, s17;
	s18 =	sadd.s32 s18, s1  }
0x24e: {  	v15 =	vmul.f32 v8, v6;
	s31 =	sor.u32 s31, s18;
	v11 =	vmul.f32 v11, v5  }
.Ltmp10:
0x24f: {  	v16 =	vmul.f32 v7, v6;
	v8 =	vld [tilespmem:s31+$0xC300];
	v14 =	vmul.f32 v14, v5;
	(pc) =	sbr.rel @!p0 .LBB2_23-.Ltmp10, $4  }
0x250: {  	v7 =	vld [tilespmem:s31+$0xC310];
	v11 =	vadd.f32 v15, v11;
	v12 =	vmul.f32 v12, v5;
	v15 =	vmul.f32 v9, v6  }
0x251: {  	v9 =	vld [tilespmem:s31+$0xC320];
	v14 =	vadd.f32 v16, v14;
	v13 =	vmul.f32 v13, v5;
	v16 =	vmul.f32 v10, v6  }
0x252: {  	v10 =	vld [tilespmem:s31+$0xC330];
	[tilespmem:s13+$0x300] =	vst v11;
	v12 =	vadd.f32 v15, v12  }
0x253: {  	s17 =	sadd.s32 $0x40, s17;
	v11 =	vld [tilespmem:s31+$0x300];
	[tilespmem:s13+$0x310] =	vst v14;
	v13 =	vadd.f32 v16, v13  }
0x254: {  	v14 =	vld [tilespmem:s31+$0x310];
	[tilespmem:s13+$0x320] =	vst v12  }
0x255: {  	v12 =	vld [tilespmem:s31+$0x320];
	[tilespmem:s13+$0x330] =	vst v13  }
0x256: {  	v13 =	vld [tilespmem:s31+$0x330];
	_ =	sdelay $0x1  }
0x257: {  	v8 =	vmul.f32 v8, v6;
	v11 =	vmul.f32 v11, v5  }
0x258: {  	v7 =	vmul.f32 v7, v6;
	v14 =	vmul.f32 v14, v5  }
0x259: {  	v9 =	vmul.f32 v9, v6;
	v8 =	vadd.f32 v8, v11;
	v11 =	vmul.f32 v12, v5  }
0x25a: {  	v6 =	vmul.f32 v10, v6;
	v7 =	vadd.f32 v7, v14;
	v5 =	vmul.f32 v13, v5  }
0x25b: {  	s18 =	simm.s32 $0x0;
	[tilespmem:s31+$0x300] =	vst v8;
	v8 =	vadd.f32 v9, v11  }
0x25c: {  	s15 =	sand.u32 $0x1C00, s18;
	[tilespmem:s31+$0x310] =	vst v7;
	v5 =	vadd.f32 v6, v5  }
0x25d: {  	s13 =	sand.u32 $0x40, s18;
	s15 =	sadd.s32 s15, s1;
	[tilespmem:s31+$0x320] =	vst v8  }
0x25e: {  	s13 =	sor.u32 s13, s15;
	[tilespmem:s31+$0x330] =	vst v5  }
0x25f: {  	v7 =	vld [tilespmem:s13+$0xC380]  }
0x260: {  	v9 =	vld [tilespmem:s13+$0xC390]  }
0x261: {  	v10 =	vld [tilespmem:s13+$0xC3A0]  }
0x262: {  	v8 =	vld [tilespmem:s13+$0x380]  }
0x263: {  	v11 =	vld [tilespmem:s13+$0xC3B0]  }
0x264: {  	v12 =	vld [tilespmem:s13+$0x390]  }
0x265: {  	s15 =	simm.s32 $0x200;
	v13 =	vld [tilespmem:s13+$0x3A0]  }
0x266: {  	s17 =	simm.s32 $0x40;
	s18 =	sand.u32 $0x1C00, s15;
	v6 =	vbroadcast v4, $0xB;
	v5 =	vbroadcast v3, $0xB;
	v14 =	vld [tilespmem:s13+$0x3B0]  }
0x267: {  	s17 =	sand.u32 $0x40, s17;
	s18 =	sadd.s32 s18, s1  }
0x268: {  	s31 =	sor.u32 s17, s18;
	v15 =	vmul.f32 v8, v5;
	v16 =	vmul.f32 v7, v6  }
0x269: {  	v8 =	vld [tilespmem:s31+$0xC380];
	v12 =	vmul.f32 v12, v5;
	v17 =	vmul.f32 v9, v6  }
0x26a: {  	v7 =	vld [tilespmem:s31+$0xC390];
	v13 =	vmul.f32 v13, v5;
	v63 =	vmul.f32 v10, v6;
	v15 =	vadd.f32 v16, v15  }
0x26b: {  	v9 =	vld [tilespmem:s31+$0xC3A0];
	v14 =	vmul.f32 v14, v5;
	v18 =	vmul.f32 v11, v6;
	v17 =	vadd.f32 v17, v12  }
0x26c: {  	v10 =	vld [tilespmem:s31+$0xC3B0];
	v12 =	vadd.f32 v63, v13;
	[tilespmem:s13+$0x380] =	vst v15  }
0x26d: {  	s17 =	simm.s32 $0x80;
	v13 =	vadd.f32 v18, v14;
	v11 =	vld [tilespmem:s31+$0x380];
	[tilespmem:s13+$0x390] =	vst v17  }
.LBB2_25:
0x26e: {  	p0 =	seq.s32 s17, $0x2C0;
	v14 =	vld [tilespmem:s31+$0x390];
	[tilespmem:s13+$0x3A0] =	vst v12  }
0x26f: {  	s15 =	sadd.s32 $0x200, s15;
	v12 =	vld [tilespmem:s31+$0x3A0];
	[tilespmem:s13+$0x3B0] =	vst v13;
	s13 =	smov.u32 s31  }
0x270: {  	s18 =	sand.u32 $0x1C00, s15;
	v13 =	vld [tilespmem:s13+$0x3B0]  }
0x271: {  	s31 =	sand.u32 $0x40, s17;
	s18 =	sadd.s32 s18, s1  }
0x272: {  	v15 =	vmul.f32 v8, v6;
	s31 =	sor.u32 s31, s18;
	v11 =	vmul.f32 v11, v5  }
.Ltmp11:
0x273: {  	v16 =	vmul.f32 v7, v6;
	v8 =	vld [tilespmem:s31+$0xC380];
	v14 =	vmul.f32 v14, v5;
	(pc) =	sbr.rel @!p0 .LBB2_25-.Ltmp11, $4  }
0x274: {  	v7 =	vld [tilespmem:s31+$0xC390];
	v11 =	vadd.f32 v15, v11;
	v12 =	vmul.f32 v12, v5;
	v15 =	vmul.f32 v9, v6  }
0x275: {  	v9 =	vld [tilespmem:s31+$0xC3A0];
	v14 =	vadd.f32 v16, v14;
	v13 =	vmul.f32 v13, v5;
	v16 =	vmul.f32 v10, v6  }
0x276: {  	v10 =	vld [tilespmem:s31+$0xC3B0];
	[tilespmem:s13+$0x380] =	vst v11;
	v12 =	vadd.f32 v15, v12  }
0x277: {  	s17 =	sadd.s32 $0x40, s17;
	v11 =	vld [tilespmem:s31+$0x380];
	[tilespmem:s13+$0x390] =	vst v14;
	v13 =	vadd.f32 v16, v13  }
0x278: {  	v14 =	vld [tilespmem:s31+$0x390];
	[tilespmem:s13+$0x3A0] =	vst v12  }
0x279: {  	v12 =	vld [tilespmem:s31+$0x3A0];
	[tilespmem:s13+$0x3B0] =	vst v13  }
0x27a: {  	v13 =	vld [tilespmem:s31+$0x3B0];
	_ =	sdelay $0x1  }
0x27b: {  	v8 =	vmul.f32 v8, v6;
	v11 =	vmul.f32 v11, v5  }
0x27c: {  	v7 =	vmul.f32 v7, v6;
	v14 =	vmul.f32 v14, v5  }
0x27d: {  	v9 =	vmul.f32 v9, v6;
	v8 =	vadd.f32 v8, v11;
	v11 =	vmul.f32 v12, v5  }
0x27e: {  	v6 =	vmul.f32 v10, v6;
	v7 =	vadd.f32 v7, v14;
	v5 =	vmul.f32 v13, v5  }
0x27f: {  	s18 =	simm.s32 $0x0;
	[tilespmem:s31+$0x380] =	vst v8;
	v8 =	vadd.f32 v9, v11  }
0x280: {  	s15 =	sand.u32 $0x1C00, s18;
	[tilespmem:s31+$0x390] =	vst v7;
	v5 =	vadd.f32 v6, v5  }
0x281: {  	s13 =	sand.u32 $0x40, s18;
	s15 =	sadd.s32 s15, s1;
	[tilespmem:s31+$0x3A0] =	vst v8  }
0x282: {  	s13 =	sor.u32 s13, s15;
	[tilespmem:s31+$0x3B0] =	vst v5  }
0x283: {  	v7 =	vld [tilespmem:s13+$0xC400]  }
0x284: {  	v9 =	vld [tilespmem:s13+$0xC410]  }
0x285: {  	v10 =	vld [tilespmem:s13+$0xC420]  }
0x286: {  	v8 =	vld [tilespmem:s13+$0x400]  }
0x287: {  	v11 =	vld [tilespmem:s13+$0xC430]  }
0x288: {  	v12 =	vld [tilespmem:s13+$0x410]  }
0x289: {  	s15 =	simm.s32 $0x200;
	v13 =	vld [tilespmem:s13+$0x420]  }
0x28a: {  	s17 =	simm.s32 $0x40;
	s18 =	sand.u32 $0x1C00, s15;
	v6 =	vbroadcast v4, $0xC;
	v5 =	vbroadcast v3, $0xC;
	v14 =	vld [tilespmem:s13+$0x430]  }
0x28b: {  	s17 =	sand.u32 $0x40, s17;
	s18 =	sadd.s32 s18, s1  }
0x28c: {  	s31 =	sor.u32 s17, s18;
	v15 =	vmul.f32 v8, v5;
	v16 =	vmul.f32 v7, v6  }
0x28d: {  	v8 =	vld [tilespmem:s31+$0xC400];
	v12 =	vmul.f32 v12, v5;
	v17 =	vmul.f32 v9, v6  }
0x28e: {  	v7 =	vld [tilespmem:s31+$0xC410];
	v13 =	vmul.f32 v13, v5;
	v63 =	vmul.f32 v10, v6;
	v15 =	vadd.f32 v16, v15  }
0x28f: {  	v9 =	vld [tilespmem:s31+$0xC420];
	v14 =	vmul.f32 v14, v5;
	v18 =	vmul.f32 v11, v6;
	v17 =	vadd.f32 v17, v12  }
0x290: {  	v10 =	vld [tilespmem:s31+$0xC430];
	v12 =	vadd.f32 v63, v13;
	[tilespmem:s13+$0x400] =	vst v15  }
0x291: {  	s17 =	simm.s32 $0x80;
	v13 =	vadd.f32 v18, v14;
	v11 =	vld [tilespmem:s31+$0x400];
	[tilespmem:s13+$0x410] =	vst v17  }
.LBB2_27:
0x292: {  	p0 =	seq.s32 s17, $0x2C0;
	v14 =	vld [tilespmem:s31+$0x410];
	[tilespmem:s13+$0x420] =	vst v12  }
0x293: {  	s15 =	sadd.s32 $0x200, s15;
	v12 =	vld [tilespmem:s31+$0x420];
	[tilespmem:s13+$0x430] =	vst v13;
	s13 =	smov.u32 s31  }
0x294: {  	s18 =	sand.u32 $0x1C00, s15;
	v13 =	vld [tilespmem:s13+$0x430]  }
0x295: {  	s31 =	sand.u32 $0x40, s17;
	s18 =	sadd.s32 s18, s1  }
0x296: {  	v15 =	vmul.f32 v8, v6;
	s31 =	sor.u32 s31, s18;
	v11 =	vmul.f32 v11, v5  }
.Ltmp12:
0x297: {  	v16 =	vmul.f32 v7, v6;
	v8 =	vld [tilespmem:s31+$0xC400];
	v14 =	vmul.f32 v14, v5;
	(pc) =	sbr.rel @!p0 .LBB2_27-.Ltmp12, $4  }
0x298: {  	v7 =	vld [tilespmem:s31+$0xC410];
	v11 =	vadd.f32 v15, v11;
	v12 =	vmul.f32 v12, v5;
	v15 =	vmul.f32 v9, v6  }
0x299: {  	v9 =	vld [tilespmem:s31+$0xC420];
	v14 =	vadd.f32 v16, v14;
	v13 =	vmul.f32 v13, v5;
	v16 =	vmul.f32 v10, v6  }
0x29a: {  	v10 =	vld [tilespmem:s31+$0xC430];
	[tilespmem:s13+$0x400] =	vst v11;
	v12 =	vadd.f32 v15, v12  }
0x29b: {  	s17 =	sadd.s32 $0x40, s17;
	v11 =	vld [tilespmem:s31+$0x400];
	[tilespmem:s13+$0x410] =	vst v14;
	v13 =	vadd.f32 v16, v13  }
0x29c: {  	v14 =	vld [tilespmem:s31+$0x410];
	[tilespmem:s13+$0x420] =	vst v12  }
0x29d: {  	v12 =	vld [tilespmem:s31+$0x420];
	[tilespmem:s13+$0x430] =	vst v13  }
0x29e: {  	v13 =	vld [tilespmem:s31+$0x430];
	_ =	sdelay $0x1  }
0x29f: {  	v8 =	vmul.f32 v8, v6;
	v11 =	vmul.f32 v11, v5  }
0x2a0: {  	v7 =	vmul.f32 v7, v6;
	v14 =	vmul.f32 v14, v5  }
0x2a1: {  	v9 =	vmul.f32 v9, v6;
	v8 =	vadd.f32 v8, v11;
	v11 =	vmul.f32 v12, v5  }
0x2a2: {  	v6 =	vmul.f32 v10, v6;
	v7 =	vadd.f32 v7, v14;
	v5 =	vmul.f32 v13, v5  }
0x2a3: {  	s18 =	simm.s32 $0x0;
	[tilespmem:s31+$0x400] =	vst v8;
	v8 =	vadd.f32 v9, v11  }
0x2a4: {  	s15 =	sand.u32 $0x1C00, s18;
	[tilespmem:s31+$0x410] =	vst v7;
	v5 =	vadd.f32 v6, v5  }
0x2a5: {  	s13 =	sand.u32 $0x40, s18;
	s15 =	sadd.s32 s15, s1;
	[tilespmem:s31+$0x420] =	vst v8  }
0x2a6: {  	s13 =	sor.u32 s13, s15;
	[tilespmem:s31+$0x430] =	vst v5  }
0x2a7: {  	v7 =	vld [tilespmem:s13+$0xC480]  }
0x2a8: {  	v9 =	vld [tilespmem:s13+$0xC490]  }
0x2a9: {  	v10 =	vld [tilespmem:s13+$0xC4A0]  }
0x2aa: {  	v8 =	vld [tilespmem:s13+$0x480]  }
0x2ab: {  	v11 =	vld [tilespmem:s13+$0xC4B0]  }
0x2ac: {  	v12 =	vld [tilespmem:s13+$0x490]  }
0x2ad: {  	s15 =	simm.s32 $0x200;
	v13 =	vld [tilespmem:s13+$0x4A0]  }
0x2ae: {  	s17 =	simm.s32 $0x40;
	s18 =	sand.u32 $0x1C00, s15;
	v6 =	vbroadcast v4, $0xD;
	v5 =	vbroadcast v3, $0xD;
	v14 =	vld [tilespmem:s13+$0x4B0]  }
0x2af: {  	s17 =	sand.u32 $0x40, s17;
	s18 =	sadd.s32 s18, s1  }
0x2b0: {  	s31 =	sor.u32 s17, s18;
	v15 =	vmul.f32 v8, v5;
	v16 =	vmul.f32 v7, v6  }
0x2b1: {  	v8 =	vld [tilespmem:s31+$0xC480];
	v12 =	vmul.f32 v12, v5;
	v17 =	vmul.f32 v9, v6  }
0x2b2: {  	v7 =	vld [tilespmem:s31+$0xC490];
	v13 =	vmul.f32 v13, v5;
	v63 =	vmul.f32 v10, v6;
	v15 =	vadd.f32 v16, v15  }
0x2b3: {  	v9 =	vld [tilespmem:s31+$0xC4A0];
	v14 =	vmul.f32 v14, v5;
	v18 =	vmul.f32 v11, v6;
	v17 =	vadd.f32 v17, v12  }
0x2b4: {  	v10 =	vld [tilespmem:s31+$0xC4B0];
	v12 =	vadd.f32 v63, v13;
	[tilespmem:s13+$0x480] =	vst v15  }
0x2b5: {  	s17 =	simm.s32 $0x80;
	v13 =	vadd.f32 v18, v14;
	v11 =	vld [tilespmem:s31+$0x480];
	[tilespmem:s13+$0x490] =	vst v17  }
.LBB2_29:
0x2b6: {  	p0 =	seq.s32 s17, $0x2C0;
	v14 =	vld [tilespmem:s31+$0x490];
	[tilespmem:s13+$0x4A0] =	vst v12  }
0x2b7: {  	s15 =	sadd.s32 $0x200, s15;
	v12 =	vld [tilespmem:s31+$0x4A0];
	[tilespmem:s13+$0x4B0] =	vst v13;
	s13 =	smov.u32 s31  }
0x2b8: {  	s18 =	sand.u32 $0x1C00, s15;
	v13 =	vld [tilespmem:s13+$0x4B0]  }
0x2b9: {  	s31 =	sand.u32 $0x40, s17;
	s18 =	sadd.s32 s18, s1  }
0x2ba: {  	v15 =	vmul.f32 v8, v6;
	s31 =	sor.u32 s31, s18;
	v11 =	vmul.f32 v11, v5  }
.Ltmp13:
0x2bb: {  	v16 =	vmul.f32 v7, v6;
	v8 =	vld [tilespmem:s31+$0xC480];
	v14 =	vmul.f32 v14, v5;
	(pc) =	sbr.rel @!p0 .LBB2_29-.Ltmp13, $4  }
0x2bc: {  	v7 =	vld [tilespmem:s31+$0xC490];
	v11 =	vadd.f32 v15, v11;
	v12 =	vmul.f32 v12, v5;
	v15 =	vmul.f32 v9, v6  }
0x2bd: {  	v9 =	vld [tilespmem:s31+$0xC4A0];
	v14 =	vadd.f32 v16, v14;
	v13 =	vmul.f32 v13, v5;
	v16 =	vmul.f32 v10, v6  }
0x2be: {  	v10 =	vld [tilespmem:s31+$0xC4B0];
	[tilespmem:s13+$0x480] =	vst v11;
	v12 =	vadd.f32 v15, v12  }
0x2bf: {  	s17 =	sadd.s32 $0x40, s17;
	v11 =	vld [tilespmem:s31+$0x480];
	[tilespmem:s13+$0x490] =	vst v14;
	v13 =	vadd.f32 v16, v13  }
0x2c0: {  	v14 =	vld [tilespmem:s31+$0x490];
	[tilespmem:s13+$0x4A0] =	vst v12  }
0x2c1: {  	v12 =	vld [tilespmem:s31+$0x4A0];
	[tilespmem:s13+$0x4B0] =	vst v13  }
0x2c2: {  	v13 =	vld [tilespmem:s31+$0x4B0];
	_ =	sdelay $0x1  }
0x2c3: {  	v8 =	vmul.f32 v8, v6;
	v11 =	vmul.f32 v11, v5  }
0x2c4: {  	v7 =	vmul.f32 v7, v6;
	v14 =	vmul.f32 v14, v5  }
0x2c5: {  	v9 =	vmul.f32 v9, v6;
	v8 =	vadd.f32 v8, v11;
	v11 =	vmul.f32 v12, v5  }
0x2c6: {  	v6 =	vmul.f32 v10, v6;
	v7 =	vadd.f32 v7, v14;
	v5 =	vmul.f32 v13, v5  }
0x2c7: {  	s18 =	simm.s32 $0x0;
	[tilespmem:s31+$0x480] =	vst v8;
	v8 =	vadd.f32 v9, v11  }
0x2c8: {  	s15 =	sand.u32 $0x1C00, s18;
	[tilespmem:s31+$0x490] =	vst v7;
	v5 =	vadd.f32 v6, v5  }
0x2c9: {  	s13 =	sand.u32 $0x40, s18;
	s15 =	sadd.s32 s15, s1;
	[tilespmem:s31+$0x4A0] =	vst v8  }
0x2ca: {  	s13 =	sor.u32 s13, s15;
	[tilespmem:s31+$0x4B0] =	vst v5  }
0x2cb: {  	v7 =	vld [tilespmem:s13+$0xC500]  }
0x2cc: {  	v9 =	vld [tilespmem:s13+$0xC510]  }
0x2cd: {  	v10 =	vld [tilespmem:s13+$0xC520]  }
0x2ce: {  	v8 =	vld [tilespmem:s13+$0x500]  }
0x2cf: {  	v11 =	vld [tilespmem:s13+$0xC530]  }
0x2d0: {  	v12 =	vld [tilespmem:s13+$0x510]  }
0x2d1: {  	s15 =	simm.s32 $0x200;
	v13 =	vld [tilespmem:s13+$0x520]  }
0x2d2: {  	s17 =	simm.s32 $0x40;
	s18 =	sand.u32 $0x1C00, s15;
	v6 =	vbroadcast v4, $0xE;
	v5 =	vbroadcast v3, $0xE;
	v14 =	vld [tilespmem:s13+$0x530]  }
0x2d3: {  	s17 =	sand.u32 $0x40, s17;
	s18 =	sadd.s32 s18, s1  }
0x2d4: {  	s31 =	sor.u32 s17, s18;
	v15 =	vmul.f32 v8, v5;
	v16 =	vmul.f32 v7, v6  }
0x2d5: {  	v8 =	vld [tilespmem:s31+$0xC500];
	v12 =	vmul.f32 v12, v5;
	v17 =	vmul.f32 v9, v6  }
0x2d6: {  	v7 =	vld [tilespmem:s31+$0xC510];
	v13 =	vmul.f32 v13, v5;
	v63 =	vmul.f32 v10, v6;
	v15 =	vadd.f32 v16, v15  }
0x2d7: {  	v9 =	vld [tilespmem:s31+$0xC520];
	v14 =	vmul.f32 v14, v5;
	v18 =	vmul.f32 v11, v6;
	v17 =	vadd.f32 v17, v12  }
0x2d8: {  	v10 =	vld [tilespmem:s31+$0xC530];
	v12 =	vadd.f32 v63, v13;
	[tilespmem:s13+$0x500] =	vst v15  }
0x2d9: {  	s17 =	simm.s32 $0x80;
	v13 =	vadd.f32 v18, v14;
	v11 =	vld [tilespmem:s31+$0x500];
	[tilespmem:s13+$0x510] =	vst v17  }
.LBB2_31:
0x2da: {  	p0 =	seq.s32 s17, $0x2C0;
	v14 =	vld [tilespmem:s31+$0x510];
	[tilespmem:s13+$0x520] =	vst v12  }
0x2db: {  	s15 =	sadd.s32 $0x200, s15;
	v12 =	vld [tilespmem:s31+$0x520];
	[tilespmem:s13+$0x530] =	vst v13;
	s13 =	smov.u32 s31  }
0x2dc: {  	s18 =	sand.u32 $0x1C00, s15;
	v13 =	vld [tilespmem:s13+$0x530]  }
0x2dd: {  	s31 =	sand.u32 $0x40, s17;
	s18 =	sadd.s32 s18, s1  }
0x2de: {  	v15 =	vmul.f32 v8, v6;
	s31 =	sor.u32 s31, s18;
	v11 =	vmul.f32 v11, v5  }
.Ltmp14:
0x2df: {  	v16 =	vmul.f32 v7, v6;
	v8 =	vld [tilespmem:s31+$0xC500];
	v14 =	vmul.f32 v14, v5;
	(pc) =	sbr.rel @!p0 .LBB2_31-.Ltmp14, $4  }
0x2e0: {  	v7 =	vld [tilespmem:s31+$0xC510];
	v11 =	vadd.f32 v15, v11;
	v12 =	vmul.f32 v12, v5;
	v15 =	vmul.f32 v9, v6  }
0x2e1: {  	v9 =	vld [tilespmem:s31+$0xC520];
	v14 =	vadd.f32 v16, v14;
	v13 =	vmul.f32 v13, v5;
	v16 =	vmul.f32 v10, v6  }
0x2e2: {  	v10 =	vld [tilespmem:s31+$0xC530];
	[tilespmem:s13+$0x500] =	vst v11;
	v12 =	vadd.f32 v15, v12  }
0x2e3: {  	s17 =	sadd.s32 $0x40, s17;
	v11 =	vld [tilespmem:s31+$0x500];
	[tilespmem:s13+$0x510] =	vst v14;
	v13 =	vadd.f32 v16, v13  }
0x2e4: {  	v14 =	vld [tilespmem:s31+$0x510];
	[tilespmem:s13+$0x520] =	vst v12  }
0x2e5: {  	v12 =	vld [tilespmem:s31+$0x520];
	[tilespmem:s13+$0x530] =	vst v13  }
0x2e6: {  	v13 =	vld [tilespmem:s31+$0x530];
	_ =	sdelay $0x1  }
0x2e7: {  	v8 =	vmul.f32 v8, v6;
	v11 =	vmul.f32 v11, v5  }
0x2e8: {  	v7 =	vmul.f32 v7, v6;
	v14 =	vmul.f32 v14, v5  }
0x2e9: {  	v9 =	vmul.f32 v9, v6;
	v8 =	vadd.f32 v8, v11;
	v63 =	vmul.f32 v12, v5  }
0x2ea: {  	v6 =	vmul.f32 v10, v6;
	v7 =	vadd.f32 v7, v14;
	v5 =	vmul.f32 v13, v5  }
0x2eb: {  	s1 =	simm.s32 $0x0;
	[tilespmem:s31+$0x500] =	vst v8;
	v8 =	vadd.f32 v9, v63  }
0x2ec: {  	s1 =	sand.u32 $0xFFFFFC00, s1;
	[tilespmem:s31+$0x510] =	vst v7;
	v5 =	vadd.f32 v6, v5  }
0x2ed: {  	s1 =	sadd.s32 s1, s30;
	[tilespmem:s31+$0x520] =	vst v8  }
0x2ee: {  	s17 =	sor.u32 $0x380, s1;
	[tilespmem:s31+$0x530] =	vst v5  }
0x2ef: {  	v5 =	vbroadcast v3, $0xF;
	v3 =	vbroadcast v4, $0xF;
	v4 =	vld [tilespmem:s17+$0x200]  }
0x2f0: {  	v6 =	vld [tilespmem:s17+$0xC200];
	_ =	sdelay $0x4  }
0x2f1: {  	v4 =	vmul.f32 v4, v5;
	v6 =	vmul.f32 v6, v3;
	_ =	sdelay $0x1  }
0x2f2: {  	v4 =	vadd.f32 v6, v4;
	_ =	sdelay $0x1  }
0x2f3: {  	s18 =	sor.u32 $0x390, s1;
	[tilespmem:s17+$0x200] =	vst v4  }
0x2f4: {  	v4 =	vld [tilespmem:s18+$0x200]  }
0x2f5: {  	v6 =	vld [tilespmem:s18+$0xC200];
	_ =	sdelay $0x4  }
0x2f6: {  	v4 =	vmul.f32 v4, v5;
	v6 =	vmul.f32 v6, v3;
	_ =	sdelay $0x1  }
0x2f7: {  	v4 =	vadd.f32 v6, v4;
	_ =	sdelay $0x1  }
0x2f8: {  	s31 =	sor.u32 $0x3A0, s1;
	[tilespmem:s18+$0x200] =	vst v4  }
0x2f9: {  	v4 =	vld [tilespmem:s31+$0x200]  }
0x2fa: {  	v6 =	vld [tilespmem:s31+$0xC200];
	_ =	sdelay $0x4  }
0x2fb: {  	v4 =	vmul.f32 v4, v5;
	v6 =	vmul.f32 v6, v3;
	_ =	sdelay $0x1  }
0x2fc: {  	v4 =	vadd.f32 v6, v4;
	_ =	sdelay $0x1  }
0x2fd: {  	s15 =	sor.u32 $0x3B0, s1;
	[tilespmem:s31+$0x200] =	vst v4  }
0x2fe: {  	v4 =	vld [tilespmem:s15+$0x200];
	_ =	sdelay $0x1  }
0x2ff: {  	v6 =	vld [tilespmem:s15+$0xC200];
	_ =	sdelay $0x2  }
0x300: {  	s13 =	smov.u32 s30;
	s1 =	simm.s32 $0x200;
	v4 =	vmul.f32 v4, v5  }
.LBB2_33:
0x301: {  	p0 =	sne.s32 s1, $0x1600  }
0x302: {  	v6 =	vmul.f32 v6, v3;
	s13 =	sadd.s32 $0x40, s13;
	s17 =	smov.u32 s1;
	s1 =	sadd.s32 $0x200, s1  }
0x303: {  	_ = 	snop  }
0x304: {  	s17 =	sand.u32 $0xFFFFFC00, s17;
	v4 =	vadd.f32 v6, v4  }
0x305: {  	s17 =	sadd.s32 s17, s13  }
0x306: {  	s18 =	sor.u32 $0x380, s17;
	[tilespmem:s15+$0x200] =	vst v4  }
0x307: {  	v4 =	vld [tilespmem:s18+$0x200]  }
0x308: {  	v6 =	vld [tilespmem:s18+$0xC200];
	_ =	sdelay $0x3  }
0x309: {  	v4 =	vmul.f32 v4, v5  }
0x30a: {  	v6 =	vmul.f32 v6, v3;
	_ =	sdelay $0x1  }
0x30b: {  	v4 =	vadd.f32 v6, v4;
	_ =	sdelay $0x1  }
0x30c: {  	s15 =	sor.u32 $0x390, s17;
	[tilespmem:s18+$0x200] =	vst v4  }
0x30d: {  	v4 =	vld [tilespmem:s15+$0x200]  }
0x30e: {  	v6 =	vld [tilespmem:s15+$0xC200];
	_ =	sdelay $0x3  }
0x30f: {  	v4 =	vmul.f32 v4, v5  }
0x310: {  	v6 =	vmul.f32 v6, v3;
	_ =	sdelay $0x1  }
0x311: {  	v4 =	vadd.f32 v6, v4;
	_ =	sdelay $0x1  }
0x312: {  	[tilespmem:s15+$0x200] =	vst v4;
	s15 =	sor.u32 $0x3A0, s17  }
0x313: {  	v4 =	vld [tilespmem:s15+$0x200]  }
0x314: {  	v6 =	vld [tilespmem:s15+$0xC200];
	_ =	sdelay $0x3  }
0x315: {  	v4 =	vmul.f32 v4, v5  }
0x316: {  	v6 =	vmul.f32 v6, v3;
	_ =	sdelay $0x1  }
0x317: {  	v4 =	vadd.f32 v6, v4;
	_ =	sdelay $0x1  }
0x318: {  	[tilespmem:s15+$0x200] =	vst v4;
	s15 =	sor.u32 $0x3B0, s17  }
0x319: {  	v4 =	vld [tilespmem:s15+$0x200]  }
.Ltmp15:
0x31a: {  	v6 =	vld [tilespmem:s15+$0xC200];
	(pc) =	sbr.rel @p0 .LBB2_33-.Ltmp15, $2  }
0x31b: {  	_ =	sdelay $0x2  }
0x31c: {  	v4 =	vmul.f32 v4, v5  }
0x31d: {  	s0 =	sadd.s32 $0x1, s0  }
0x31e: {  	p0 =	sne.s32 s0, $0x4  }
.Ltmp16:
0x31f: {  	v3 =	vmul.f32 v6, v3;
	(pc) =	sbr.rel @p0 .LBB2_2-.Ltmp16, $3  }
0x320: {  	_ = 	snop  }
0x321: {  	v3 =	vadd.f32 v3, v4;
	_ =	sdelay $0x1  }
0x322: {  	s14 =	sadd.s32 $0x3000, s14;
	s30 =	sadd.s32 $0x3000, s30;
	[tilespmem:s15+$0x200] =	vst v3  }
0x323: {  	s29 =	sadd.s32 $0x1, s29  }
0x324: {  	p0 =	sne.s32 s29, s11  }
.Ltmp17:
0x325: {  	_ = 	snop;
	(pc) =	sbr.rel @p0 .LBB2_1-.Ltmp17, $4  }
0x326: {  	[hbm4b:s10+s2] =	stream.linear.scatter [tilespmem:s16], [sflag:$0x2], $0xC000, $0x38;
	[tilespmem:$0x18200] =	vst v63  }
0x327: {  	_ =	swait.ge [sflag:s12], $0xC000  }
0x328: {  	[sflag:s12] =	ssyncset.done $0x0  }
0x329: {  	[sflag:s12] =	ssyncadd.s32 $0xFFFF4000  }
0x32a: {  	_ =	sfence.sel $0x180000  }
0x32b: {  	[bflag:$0x0] =	sbarrier.arrive $0xFFFF  }
0x32c: {  	_ =	strace $0x9000004A  }
0x32d: {  	s0 =	stileid.u32;
	[bflag:$0x2] =	sbarrier.arrive $0xFFFF  }
0x32e: {  	p0 =	sne.s32 s0, $0x0;
	s0 =	rddreg [dreg:$0x2]  }
0x32f: {  	s0 =	sadd.s32 @!p0 $0x100000, s0  }
0x330: {  	[sflag:s0] =	ssyncadd.tile.s32 @!p0 $0x1;
	_ =	shalt  }
.Lfunc_end2:
_tile_overlayer_lowered:
.L_overlay_start_2:
0x331: {  	(tag) =	ssettag $0x2  }
0x332: {  	s0 =	rddreg [dreg:$0x0];
	s2 =	stileid.u32  }
0x333: {  	s1 =	rddreg [dreg:$0x1];
	p0 =	sne.s32 s2, $0x0  }
0x334: {  	s3 =	rddreg [dreg:$0x2];
	[bflag:$0x3] =	sbarrier.arrive $0xFFFF;
	s2 =	simm.s32 @!p0 $0x1C02  }
0x335: {  	[timem:s3], [sflag:s2] =	dma.local @!p0 [hbm:s0], s1  }
0x336: {  	s0 =	simm.s32 @!p0 $0x2  }
0x337: {  	_ =	swait.ge @!p0 [sflag:s0], s1  }
0x338: {  	s1 =	ssub.s32 @!p0 $0x0, s1;
	[sflag:s0] =	ssyncset.done @!p0 $0x0  }
0x339: {  	[sflag:s0] =	ssyncadd.s32 @!p0 s1  }
0x33a: {  	[bflag:$0x3] =	sbarrier.arrive $0xFFFF  }
0x33b: {  	_ =	shalt  }

</sc_bundles>
